<compile_context>
chip_gen: v7x
topology: tpu7x:2x2x1
jax: 0.10.2.dev20260603
libtpu: 0.0.44.dev20260713+nightly
codegen_flags: <defaults>
</compile_context>

<pallas_src>
import functools

import jax
import jax.numpy as jnp
from jax.experimental import pallas as pl
from jax.experimental.pallas import tpu as pltpu
from jax.experimental.pallas import tpu_sc as plsc

NUM_FIELDS = 26
VOCAB = 100000
EMBED_DIM = 32
BATCH = 4096
SEG = 128 // EMBED_DIM
WINDOW = 128

GROUP_SIZES = (9, 9, 8)
GROUP_STARTS = (0, 9, 18)
LAYER1 = 512

BB = 512
NUM_BB = BATCH // BB

Q_BLK = 12800
FIELD_Q = 25600
NQ = FIELD_Q // Q_BLK
V_NBLK = -(-VOCAB // Q_BLK)
HALF = Q_BLK // 2
PHY_F = FIELD_Q // 2

_VECTOR_MESH = plsc.VectorSubcoreMesh(
    core_axis_name="core", subcore_axis_name="subcore")


def _repack_body(x0_ref, x1_ref, x2_ref, x3_ref, out_ref):
  xs = jnp.concatenate(
      [x0_ref[0], x1_ref[0], x2_ref[0], x3_ref[0]], axis=0)
  t = xs.T
  bits = jax.lax.bitcast_convert_type(t, jnp.int32)
  rb = bits + 0x7FFF + (jax.lax.shift_right_logical(bits, 16) & 1)
  hi16 = jax.lax.shift_right_logical(rb, 16)
  half = Q_BLK // 2
  out_ref[...] = jax.lax.shift_left(hi16[:half], 16) | hi16[half:]


def _tc_repack(bt, f0, gf):
  def vspec(s):
    return pl.BlockSpec(
        (1, EMBED_DIM, Q_BLK),
        lambda f, j, s=s: (f0 + f, 0, jnp.minimum(s * NQ + j, V_NBLK - 1)))

  return pl.pallas_call(
      _repack_body,
      grid=(gf, NQ),
      in_specs=[vspec(0), vspec(1), vspec(2), vspec(3)],
      out_specs=pl.BlockSpec((Q_BLK // 2, 128), lambda f, j: (f * NQ + j, 0)),
      out_shape=jax.ShapeDtypeStruct((gf * PHY_F, 128), jnp.int32),
  )(bt, bt, bt, bt)


def _sc_gather(table128, super_idx, gf):
  nb = BATCH // WINDOW

  @functools.partial(
      pl.kernel,
      out_type=jax.ShapeDtypeStruct((gf, BATCH, 128), jnp.int32),
      mesh=_VECTOR_MESH,
      compiler_params=pltpu.CompilerParams(use_tc_tiling_on_sc=True),
  )
  def gather_kernel(table_hbm, idx_hbm, out_hbm):
    def body(i_vmem, o_vmem):
      pltpu.sync_copy(table_hbm.at[i_vmem.at[0]], o_vmem.at[0])

    pltpu.emit_pipeline(
        body,
        grid=(BATCH * gf // WINDOW,),
        in_specs=[pl.BlockSpec((1, WINDOW), lambda i: (0, i))],
        out_specs=[pl.BlockSpec(
            (1, WINDOW, 128), lambda i: (i // nb, i % nb, 0))],
        core_axis_name=("core", "subcore"),
        dimension_semantics=(pltpu.PARALLEL,),
    )(idx_hbm, out_hbm)

  return gather_kernel(table128, super_idx)


def _mlp_body(x0_ref, x1_ref, x2_ref, seg_ref, d_ref, w1_ref, b1_ref,
              w2_ref, b2_ref, w3_ref, b3_ref, wo_ref, ww_ref, bias_ref,
              o_ref):
  prec = jax.lax.Precision.DEFAULT
  seg = seg_ref[...]
  lane_seg = jax.lax.broadcasted_iota(jnp.int32, (BB, 256), 1) // EMBED_DIM
  h = jnp.zeros((BB, LAYER1), jnp.float32)
  for f0, x_ref in ((0, x0_ref), (9, x1_ref), (18, x2_ref)):
    for f in range(x_ref.shape[0]):
      fg = f0 + f
      xi = x_ref[f]
      hi = jax.lax.bitcast_convert_type(xi & jnp.int32(-65536), jnp.float32)
      lo = jax.lax.bitcast_convert_type(
          jax.lax.shift_left(xi, 16), jnp.float32)
      xf = jnp.concatenate([hi, lo], axis=1).astype(jnp.bfloat16)
      xf = jnp.where(seg[:, fg][:, None] == lane_seg, xf, jnp.bfloat16(0.0))
      h = h + jnp.dot(xf, w1_ref[pl.ds(fg * 256, 256), :],
                      preferred_element_type=jnp.float32, precision=prec)
  h = jnp.maximum(h + b1_ref[...], 0.0)
  h = jnp.dot(h, w2_ref[...], preferred_element_type=jnp.float32,
              precision=prec)
  h = jnp.maximum(h + b2_ref[...], 0.0)
  h = jnp.dot(h, w3_ref[...], preferred_element_type=jnp.float32,
              precision=prec)
  h = jnp.maximum(h + b3_ref[...], 0.0)
  deep = jnp.sum(h * wo_ref[...], axis=1)
  wide = jnp.sum(d_ref[...] * ww_ref[...], axis=1)
  z = 0.5 * (deep + wide + bias_ref[0, 0])
  o_ref[0, 0, :] = jax.nn.sigmoid(z)


def _tc_mlp(xs, seg, dense, w1e, b1, w2t, b2, w3t, b3, wout_row,
            wide_row, bias):
  wspec = lambda shape: pl.BlockSpec(shape, lambda i: tuple(0 for _ in shape))
  xspec = lambda gf: pl.BlockSpec((gf, BB, 128), lambda i: (0, i, 0))
  return pl.pallas_call(
      _mlp_body,
      grid=(NUM_BB,),
      in_specs=[
          xspec(GROUP_SIZES[0]), xspec(GROUP_SIZES[1]), xspec(GROUP_SIZES[2]),
          pl.BlockSpec((BB, NUM_FIELDS), lambda i: (i, 0)),
          pl.BlockSpec((BB, 13), lambda i: (i, 0)),
          wspec(w1e.shape), wspec(b1.shape),
          wspec(w2t.shape), wspec(b2.shape),
          wspec(w3t.shape), wspec(b3.shape),
          wspec(wout_row.shape), wspec(wide_row.shape), wspec(bias.shape),
      ],
      out_specs=pl.BlockSpec((1, 1, BB), lambda i: (i, 0, 0)),
      out_shape=jax.ShapeDtypeStruct((NUM_BB, 1, BB), jnp.float32),
  )(*xs, seg, dense, w1e, b1, w2t, b2, w3t, b3, wout_row, wide_row, bias)


def kernel(dense_input, sparse_input, embed_tables, wide_W, wide_b,
           W1, b1, W2, b2, W3, b3, Wout, bout):
  bt = jnp.transpose(embed_tables, (0, 2, 1))
  sp = sparse_input.astype(jnp.int32)
  spt = sp.T
  kk = sp % FIELD_Q
  seg = (kk % Q_BLK) // HALF * SEG + sp // FIELD_Q
  kt = spt % FIELD_Q
  row_t = (kt // Q_BLK) * HALF + (kt % Q_BLK) % HALF

  xs = []
  for f0, gf in zip(GROUP_STARTS, GROUP_SIZES):
    table_g = _tc_repack(bt, f0, gf)
    offs = (jnp.arange(gf, dtype=jnp.int32) * PHY_F)[:, None]
    idx_g = (row_t[f0:f0 + gf] + offs).reshape(1, BATCH * gf)
    xs.append(_sc_gather(table_g, idx_g, gf))

  w1t = W1.T.astype(jnp.bfloat16)
  w1e = jnp.broadcast_to(
      w1t.reshape(NUM_FIELDS, 1, EMBED_DIM, LAYER1),
      (NUM_FIELDS, 2 * SEG, EMBED_DIM, LAYER1)).reshape(
          NUM_FIELDS * 256, LAYER1)

  bias = (wide_b[0] + bout[0]).reshape(1, 1)
  out = _tc_mlp(
      xs, seg, dense_input,
      w1e, b1.reshape(1, -1),
      W2.T, b2.reshape(1, -1),
      W3.T, b3.reshape(1, -1),
      Wout, wide_W, bias,
  )
  return out.reshape(BATCH)

# --- scband reference (transcript-rebuilt; emitter-appended) ---
"""Pipeline reference for scband-wdl-16716012716322 (READ-ONLY COPY).

The authoritative reference and input builder live on the scoring server;
editing this copy changes nothing except your own understanding.
"""

import jax, jax.numpy as jnp
import numpy as np

NUM_FIELDS = 26
VOCAB = 100000
EMBED_DIM = 32
DENSE_SIZE = 13
LAYERS = [832, 512, 256, 128]
OUTPUT_DIM = 1
BATCH = 4096


def _xavier(key, shape):
    fan_in, fan_out = shape[1], shape[0]
    std = float(np.sqrt(2.0 / (fan_in + fan_out)))
    return jax.random.normal(key, shape, dtype=jnp.float32) * std


def setup_inputs(seed: int = 0) -> dict:
    key = jax.random.key(seed)
    ks = jax.random.split(key, 16)
    dense_input = jax.random.normal(ks[0], (BATCH, DENSE_SIZE), dtype=jnp.float32)
    sparse_input = jax.random.randint(ks[1], (BATCH, NUM_FIELDS), 0, VOCAB, dtype=jnp.int64)
    # embedding tables, all same vocab size -> stack into one tensor [F, V, D]
    embed_tables = jax.random.uniform(ks[2], (NUM_FIELDS, VOCAB, EMBED_DIM), dtype=jnp.float32, minval=-0.05, maxval=0.05)
    # wide layer
    wide_W = jax.random.normal(ks[3], (1, DENSE_SIZE), dtype=jnp.float32) * 0.01
    wide_b = jnp.zeros((1,), dtype=jnp.float32)
    # deep layers
    W1 = _xavier(ks[4], (LAYERS[1], LAYERS[0]))
    b1 = jnp.zeros((LAYERS[1],), dtype=jnp.float32)
    W2 = _xavier(ks[5], (LAYERS[2], LAYERS[1]))
    b2 = jnp.zeros((LAYERS[2],), dtype=jnp.float32)
    W3 = _xavier(ks[6], (LAYERS[3], LAYERS[2]))
    b3 = jnp.zeros((LAYERS[3],), dtype=jnp.float32)
    Wout = _xavier(ks[7], (OUTPUT_DIM, LAYERS[3]))
    bout = jnp.zeros((OUTPUT_DIM,), dtype=jnp.float32)
    return {
        'dense_input': dense_input,
        'sparse_input': sparse_input,
        'embed_tables': embed_tables,
        'wide_W': wide_W, 'wide_b': wide_b,
        'W1': W1, 'b1': b1, 'W2': W2, 'b2': b2, 'W3': W3, 'b3': b3,
        'Wout': Wout, 'bout': bout,
    }


def reference(dense_input, sparse_input, embed_tables, wide_W, wide_b,
              W1, b1, W2, b2, W3, b3, Wout, bout):
    # Wide part
    wide_output = dense_input @ wide_W.T + wide_b  # [B, 1]
    # Sparse embedding lookup: per-field gather then concat
    field_idx = jnp.arange(NUM_FIELDS)[None, :]  # [1, F]
    embeds = embed_tables[field_idx, sparse_input]  # [B, F, D]
    sparse_embed = embeds.reshape(embeds.shape[0], NUM_FIELDS * EMBED_DIM)  # [B, F*D]
    # Deep part
    h = jax.nn.relu(sparse_embed @ W1.T + b1)
    h = jax.nn.relu(h @ W2.T + b2)
    h = jax.nn.relu(h @ W3.T + b3)
    deep_output = h @ Wout.T + bout  # [B, 1]
    result = jax.nn.sigmoid(0.5 * (wide_output + deep_output)).squeeze()
    return result

if __name__ == "__main__":
    import jax
    _d = setup_inputs()
    print(jax.jit(kernel)(*tuple(_d.values())))

</pallas_src>

<mosaic_0001>
#map = affine_map<(d0, d1) -> (0, 0)>
#map1 = affine_map<(d0, d1) -> (0, 0, 0)>
module attributes {stable_mosaic.version = 14 : i64} {
  func.func @gather_kernel(%arg0: i32, %arg1: i32, %arg2: memref<115200x128xi32, #tpu.memory_space<hbm>>, %arg3: memref<1x36864xi32, #tpu.memory_space<hbm>>, %arg4: memref<9x4096x128xi32, #tpu.memory_space<hbm>>) attributes {dimension_semantics = [#tpu.dimension_semantics<core_parallel>, #tpu.dimension_semantics<subcore_parallel>], iteration_bounds = array<i64: 2, 16>, scalar_prefetch = 0 : i64, scratch_operands = 0 : i64, tpu.core_type = #tpu.core_type<sc_vector_subcore>, window_params = [{transform_indices = #map}, {transform_indices = #map}, {transform_indices = #map1}]} {
    %mul3A = arith.constant 1 : i32
    %mul3A_0 = arith.muli %arg1, %mul3A : i32
    %add3A = arith.constant 0 : i32
    %add3A_1 = arith.addi %add3A, %mul3A_0 : i32
    %mul3A_2 = arith.constant 16 : i32
    %mul3A_3 = arith.muli %arg0, %mul3A_2 : i32
    %add3A_4 = arith.addi %add3A_1, %mul3A_3 : i32
    %mul3A_5 = arith.constant 9 : i32
    %mul3A_6 = arith.muli %add3A_4, %mul3A_5 : i32
    "tpu.region"() ({
      %run_scoped3A = memref.alloca() : memref<2x1x128xi32, #tpu.memory_space<vmem>>
      %run_scoped3A_7 = tpu.sem_alloc : memref<2x!tpu.dma_semaphore, #tpu.memory_space<semaphore_mem>>
      %run_scoped3A_8 = memref.alloca() : memref<2x1x128x128xi32, #tpu.memory_space<vmem>>
      %run_scoped3A_9 = tpu.sem_alloc : memref<2x!tpu.dma_semaphore, #tpu.memory_space<semaphore_mem>>
      %add3A_10 = arith.constant 0 : i32
      %add3A_11 = arith.addi %add3A_10, %mul3A_6 : i32
      %select_n3A = arith.constant true
      %select_n3A_12 = arith.constant 0 : i32
      %select_n3A_13 = arith.constant -1 : i32
      %select_n3A_14 = arith.select %select_n3A, %select_n3A_13, %select_n3A_12 : i32
      %eq3A = arith.constant -1 : i32
      %eq3A_15 = arith.cmpi eq, %select_n3A_14, %eq3A : i32
      %select_n3A_16 = arith.constant 8 : i32
      %select_n3A_17 = arith.select %eq3A_15, %select_n3A_16, %select_n3A_14 : i32
      %add3A_18 = arith.addi %select_n3A_17, %mul3A_6 : i32
      %select_n3A_19 = arith.constant true
      %select_n3A_20 = arith.constant 0 : i32
      %select_n3A_21 = arith.constant 1 : i32
      %select_n3A_22 = arith.select %select_n3A_19, %select_n3A_21, %select_n3A_20 : i32
      %eq3A_23 = arith.constant 9 : i32
      %eq3A_24 = arith.cmpi eq, %select_n3A_22, %eq3A_23 : i32
      %select_n3A_25 = arith.constant 0 : i32
      %select_n3A_26 = arith.select %eq3A_24, %select_n3A_25, %select_n3A_22 : i32
      %add3A_27 = arith.addi %select_n3A_26, %mul3A_6 : i32
      %add3A_28 = arith.constant 1 : i32
      %add3A_29 = arith.addi %select_n3A_26, %add3A_28 : i32
      %select_n3A_30 = arith.constant true
      %select_n3A_31 = arith.select %select_n3A_30, %add3A_29, %select_n3A_26 : i32
      %eq3A_32 = arith.constant 9 : i32
      %eq3A_33 = arith.cmpi eq, %select_n3A_31, %eq3A_32 : i32
      %select_n3A_34 = arith.constant 0 : i32
      %select_n3A_35 = arith.select %eq3A_33, %select_n3A_34, %select_n3A_31 : i32
      %add3A_36 = arith.addi %select_n3A_35, %mul3A_6 : i32
      "tpu.trace_start"() <{level = 10 : i32, message = "ep_initialize_0"}> : () -> ()
      %rem3A = arith.constant 0 : i32
      %rem3A_37 = arith.constant 2 : i32
      %rem3A_38 = arith.remui %rem3A, %rem3A_37 : i32
      %mul3A_39 = arith.constant 128 : i32
      %mul3A_40 = arith.muli %mul3A_39, %add3A_11 : i32
      %dma_start3A = arith.constant 0 : i32
      %dma_start3A_41 = arith.constant 0 : i32
      %dma_start3A_42 = tpu.memref_slice %run_scoped3A[%rem3A_38, %dma_start3A, %dma_start3A_41] : memref<2x1x128xi32, #tpu.memory_space<vmem>> -> memref<1x1x128xi32, #tpu.memory_space<vmem>>
      %dma_start3A_43 = tpu.memref_squeeze %dma_start3A_42 : memref<1x1x128xi32, #tpu.memory_space<vmem>> -> memref<1x128xi32, #tpu.memory_space<vmem>>
      %dma_start3A_44 = arith.constant 0 : i32
      %dma_start3A_45 = tpu.memref_slice %arg3[%dma_start3A_44, %mul3A_40] : memref<1x36864xi32, #tpu.memory_space<hbm>> -> memref<1x128xi32, #tpu.memory_space<hbm>>
      %dma_start3A_46 = tpu.memref_slice %run_scoped3A_7[%rem3A_38] : memref<2x!tpu.dma_semaphore, #tpu.memory_space<semaphore_mem>> -> memref<1x!tpu.dma_semaphore, #tpu.memory_space<semaphore_mem>>
      %dma_start3A_47 = tpu.memref_squeeze %dma_start3A_46 : memref<1x!tpu.dma_semaphore, #tpu.memory_space<semaphore_mem>> -> memref<!tpu.dma_semaphore, #tpu.memory_space<semaphore_mem>>
      %dma_start3A_48 = arith.constant 0 : i32
      %dma_start3A_49 = arith.constant 0 : i32
      %dma_start3A_50 = tpu.memref_slice %run_scoped3A[%rem3A_38, %dma_start3A_48, %dma_start3A_49] : memref<2x1x128xi32, #tpu.memory_space<vmem>> -> memref<1x1x128xi32, #tpu.memory_space<vmem>>
      %dma_start3A_51 = tpu.memref_squeeze %dma_start3A_50 : memref<1x1x128xi32, #tpu.memory_space<vmem>> -> memref<1x128xi32, #tpu.memory_space<vmem>>
      %dma_start3A_52 = arith.constant 0 : i32
      %dma_start3A_53 = tpu.memref_slice %arg3[%dma_start3A_52, %mul3A_40] : memref<1x36864xi32, #tpu.memory_space<hbm>> -> memref<1x128xi32, #tpu.memory_space<hbm>>
      tpu.enqueue_dma source(%dma_start3A_53 : memref<1x128xi32, #tpu.memory_space<hbm>>) target(%dma_start3A_51 : memref<1x128xi32, #tpu.memory_space<vmem>>) target_semaphore(%dma_start3A_47 : memref<!tpu.dma_semaphore, #tpu.memory_space<semaphore_mem>>)
      %add3A_54 = arith.constant 0 : i32
      %add3A_55 = arith.constant 1 : i32
      %add3A_56 = arith.addi %add3A_54, %add3A_55 : i32
      %select_n3A_57 = arith.constant true
      %select_n3A_58 = arith.constant 0 : i32
      %select_n3A_59 = arith.select %select_n3A_57, %add3A_56, %select_n3A_58 : i32
      "tpu.trace_stop"() : () -> ()
      %scan3A = arith.constant 0 : i32
      %scan3A_60 = arith.constant 0 : i32
      %scan3A_61 = arith.constant 0 : i32
      %scan3A_62 = arith.constant 0 : i32
      %scan3A_63 = arith.constant 0 : i32
      %scan3A_64 = arith.constant 9 : i32
      %scan3A_65 = arith.addi %scan3A_63, %scan3A_64 : i32
      %scan3A_66 = arith.constant 1 : i32
      %scan3A_67:5 = scf.for %scan3A_159 = %scan3A_63 to %scan3A_65 step %scan3A_66 iter_args(%scan3A_160 = %select_n3A_59, %scan3A_161 = %scan3A, %scan3A_162 = %scan3A_60, %scan3A_163 = %scan3A_61, %scan3A_164 = %scan3A_62) -> (i32, i32, i32, i32, i32)  : i32 {
        %eq3A_165 = arith.constant 0 : i32
        %eq3A_166 = arith.cmpi eq, %scan3A_159, %eq3A_165 : i32
        %eq3A_167 = arith.constant 8 : i32
        %eq3A_168 = arith.cmpi eq, %scan3A_159, %eq3A_167 : i32
        %add3A_169 = arith.addi %scan3A_164, %mul3A_6 : i32
        %sub3A_170 = arith.constant 1 : i32
        %sub3A_171 = arith.subi %scan3A_164, %sub3A_170 : i32
        %select_n3A_172 = arith.constant true
        %select_n3A_173 = arith.select %select_n3A_172, %sub3A_171, %scan3A_164 : i32
        %eq3A_174 = arith.constant -1 : i32
        %eq3A_175 = arith.cmpi eq, %select_n3A_173, %eq3A_174 : i32
        %select_n3A_176 = arith.constant 8 : i32
        %select_n3A_177 = arith.select %eq3A_175, %select_n3A_176, %select_n3A_173 : i32
        %add3A_178 = arith.addi %select_n3A_177, %mul3A_6 : i32
        %add3A_179 = arith.constant 1 : i32
        %add3A_180 = arith.addi %scan3A_164, %add3A_179 : i32
        %select_n3A_181 = arith.constant true
        %select_n3A_182 = arith.select %select_n3A_181, %add3A_180, %scan3A_164 : i32
        %eq3A_183 = arith.constant 9 : i32
        %eq3A_184 = arith.cmpi eq, %select_n3A_182, %eq3A_183 : i32
        %select_n3A_185 = arith.constant 0 : i32
        %select_n3A_186 = arith.select %eq3A_184, %select_n3A_185, %select_n3A_182 : i32
        %add3A_187 = arith.addi %select_n3A_186, %mul3A_6 : i32
        %add3A_188 = arith.constant 1 : i32
        %add3A_189 = arith.addi %select_n3A_186, %add3A_188 : i32
        %select_n3A_190 = arith.constant true
        %select_n3A_191 = arith.select %select_n3A_190, %add3A_189, %select_n3A_186 : i32
        %eq3A_192 = arith.constant 9 : i32
        %eq3A_193 = arith.cmpi eq, %select_n3A_191, %eq3A_192 : i32
        %select_n3A_194 = arith.constant 0 : i32
        %select_n3A_195 = arith.select %eq3A_193, %select_n3A_194, %select_n3A_191 : i32
        %add3A_196 = arith.addi %select_n3A_195, %mul3A_6 : i32
        %ne3A_197 = arith.cmpi ne, %add3A_169, %add3A_187 : i32
        %or3A = arith.constant false
        %or3A_198 = arith.ori %or3A, %ne3A_197 : i1
        %ge3A = arith.constant 8 : i32
        %ge3A_199 = arith.cmpi sge, %scan3A_159, %ge3A : i32
        %not3A = arith.constant true
        %not3A_200 = arith.xori %ge3A_199, %not3A : i1
        %and3A_201 = arith.andi %or3A_198, %not3A_200 : i1
        %convert_element_type3A = arith.extui %and3A_201 : i1 to i32
        %cond3A = arith.constant 0 : i32
        %cond3A_202 = arith.cmpi ne, %convert_element_type3A, %cond3A : i32
        scf.if %cond3A_202 {
          "tpu.trace_start"() <{level = 10 : i32, message = "ep_copy_in"}> : () -> ()
          %rem3A_633 = arith.constant 2 : i32
          %rem3A_634 = arith.remui %scan3A_160, %rem3A_633 : i32
          %mul3A_635 = arith.constant 128 : i32
          %mul3A_636 = arith.muli %mul3A_635, %add3A_187 : i32
          %dma_start3A_637 = arith.constant 0 : i32
          %dma_start3A_638 = arith.constant 0 : i32
          %dma_start3A_639 = tpu.memref_slice %run_scoped3A[%rem3A_634, %dma_start3A_637, %dma_start3A_638] : memref<2x1x128xi32, #tpu.memory_space<vmem>> -> memref<1x1x128xi32, #tpu.memory_space<vmem>>
          %dma_start3A_640 = tpu.memref_squeeze %dma_start3A_639 : memref<1x1x128xi32, #tpu.memory_space<vmem>> -> memref<1x128xi32, #tpu.memory_space<vmem>>
          %dma_start3A_641 = arith.constant 0 : i32
          %dma_start3A_642 = tpu.memref_slice %arg3[%dma_start3A_641, %mul3A_636] : memref<1x36864xi32, #tpu.memory_space<hbm>> -> memref<1x128xi32, #tpu.memory_space<hbm>>
          %dma_start3A_643 = tpu.memref_slice %run_scoped3A_7[%rem3A_634] : memref<2x!tpu.dma_semaphore, #tpu.memory_space<semaphore_mem>> -> memref<1x!tpu.dma_semaphore, #tpu.memory_space<semaphore_mem>>
          %dma_start3A_644 = tpu.memref_squeeze %dma_start3A_643 : memref<1x!tpu.dma_semaphore, #tpu.memory_space<semaphore_mem>> -> memref<!tpu.dma_semaphore, #tpu.memory_space<semaphore_mem>>
          %dma_start3A_645 = arith.constant 0 : i32
          %dma_start3A_646 = arith.constant 0 : i32
          %dma_start3A_647 = tpu.memref_slice %run_scoped3A[%rem3A_634, %dma_start3A_645, %dma_start3A_646] : memref<2x1x128xi32, #tpu.memory_space<vmem>> -> memref<1x1x128xi32, #tpu.memory_space<vmem>>
          %dma_start3A_648 = tpu.memref_squeeze %dma_start3A_647 : memref<1x1x128xi32, #tpu.memory_space<vmem>> -> memref<1x128xi32, #tpu.memory_space<vmem>>
          %dma_start3A_649 = arith.constant 0 : i32
          %dma_start3A_650 = tpu.memref_slice %arg3[%dma_start3A_649, %mul3A_636] : memref<1x36864xi32, #tpu.memory_space<hbm>> -> memref<1x128xi32, #tpu.memory_space<hbm>>
          tpu.enqueue_dma source(%dma_start3A_650 : memref<1x128xi32, #tpu.memory_space<hbm>>) target(%dma_start3A_648 : memref<1x128xi32, #tpu.memory_space<vmem>>) target_semaphore(%dma_start3A_644 : memref<!tpu.dma_semaphore, #tpu.memory_space<semaphore_mem>>)
          "tpu.trace_stop"() : () -> ()
        } else {
        }
        %and3A_203 = arith.constant true
        %and3A_204 = arith.andi %and3A_201, %and3A_203 : i1
        %add3A_205 = arith.constant 1 : i32
        %add3A_206 = arith.addi %scan3A_160, %add3A_205 : i32
        %select_n3A_207 = arith.select %and3A_204, %add3A_206, %scan3A_160 : i32
        %jit3A_208 = arith.constant 32 : i32
        %div3A_209 = arith.divsi %add3A_169, %jit3A_208 : i32
        %sign3A_210 = arith.constant 0 : i32
        %sign3A_211 = arith.cmpi sgt, %add3A_169, %sign3A_210 : i32
        %sign3A_212 = arith.extui %sign3A_211 : i1 to i32
        %sign3A_213 = arith.constant 0 : i32
        %sign3A_214 = arith.cmpi slt, %add3A_169, %sign3A_213 : i32
        %sign3A_215 = arith.extui %sign3A_214 : i1 to i32
        %sign3A_216 = arith.subi %sign3A_212, %sign3A_215 : i32
        %sign3A_217 = arith.constant 0 : i32
        %sign3A_218 = arith.cmpi sgt, %jit3A_208, %sign3A_217 : i32
        %sign3A_219 = arith.extui %sign3A_218 : i1 to i32
        %sign3A_220 = arith.constant 0 : i32
        %sign3A_221 = arith.cmpi slt, %jit3A_208, %sign3A_220 : i32
        %sign3A_222 = arith.extui %sign3A_221 : i1 to i32
        %sign3A_223 = arith.subi %sign3A_219, %sign3A_222 : i32
        %ne3A_224 = arith.cmpi ne, %sign3A_216, %sign3A_223 : i32
        %rem3A_225 = arith.remsi %add3A_169, %jit3A_208 : i32
        %ne3A_226 = arith.constant 0 : i32
        %ne3A_227 = arith.cmpi ne, %rem3A_225, %ne3A_226 : i32
        %and3A_228 = arith.andi %ne3A_224, %ne3A_227 : i1
        %sub3A_229 = arith.constant 1 : i32
        %sub3A_230 = arith.subi %div3A_209, %sub3A_229 : i32
        %select_n3A_231 = arith.select %and3A_228, %sub3A_230, %div3A_209 : i32
        %jit3A_232 = arith.constant 32 : i32
        %eq3A_233 = arith.constant 0 : i32
        %eq3A_234 = arith.cmpi eq, %jit3A_232, %eq3A_233 : i32
        %jit3A_235 = arith.constant 1 : i32
        %select_n3A_236 = arith.select %eq3A_234, %jit3A_235, %jit3A_232 : i32
        %rem3A_237 = arith.remsi %add3A_169, %select_n3A_236 : i32
        %ne3A_238 = arith.constant 0 : i32
        %ne3A_239 = arith.cmpi ne, %rem3A_237, %ne3A_238 : i32
        %lt3A_240 = arith.constant 0 : i32
        %lt3A_241 = arith.cmpi slt, %rem3A_237, %lt3A_240 : i32
        %lt3A_242 = arith.constant 0 : i32
        %lt3A_243 = arith.cmpi slt, %select_n3A_236, %lt3A_242 : i32
        %ne3A_244 = arith.xori %lt3A_241, %lt3A_243 : i1
        %and3A_245 = arith.andi %ne3A_244, %ne3A_239 : i1
        %add3A_246 = arith.addi %rem3A_237, %select_n3A_236 : i32
        %select_n3A_247 = arith.select %and3A_245, %add3A_246, %rem3A_237 : i32
        %jit3A_248 = arith.constant 32 : i32
        %div3A_249 = arith.divsi %add3A_187, %jit3A_248 : i32
        %sign3A_250 = arith.constant 0 : i32
        %sign3A_251 = arith.cmpi sgt, %add3A_187, %sign3A_250 : i32
        %sign3A_252 = arith.extui %sign3A_251 : i1 to i32
        %sign3A_253 = arith.constant 0 : i32
        %sign3A_254 = arith.cmpi slt, %add3A_187, %sign3A_253 : i32
        %sign3A_255 = arith.extui %sign3A_254 : i1 to i32
        %sign3A_256 = arith.subi %sign3A_252, %sign3A_255 : i32
        %sign3A_257 = arith.constant 0 : i32
        %sign3A_258 = arith.cmpi sgt, %jit3A_248, %sign3A_257 : i32
        %sign3A_259 = arith.extui %sign3A_258 : i1 to i32
        %sign3A_260 = arith.constant 0 : i32
        %sign3A_261 = arith.cmpi slt, %jit3A_248, %sign3A_260 : i32
        %sign3A_262 = arith.extui %sign3A_261 : i1 to i32
        %sign3A_263 = arith.subi %sign3A_259, %sign3A_262 : i32
        %ne3A_264 = arith.cmpi ne, %sign3A_256, %sign3A_263 : i32
        %rem3A_265 = arith.remsi %add3A_187, %jit3A_248 : i32
        %ne3A_266 = arith.constant 0 : i32
        %ne3A_267 = arith.cmpi ne, %rem3A_265, %ne3A_266 : i32
        %and3A_268 = arith.andi %ne3A_264, %ne3A_267 : i1
        %sub3A_269 = arith.constant 1 : i32
        %sub3A_270 = arith.subi %div3A_249, %sub3A_269 : i32
        %select_n3A_271 = arith.select %and3A_268, %sub3A_270, %div3A_249 : i32
        %jit3A_272 = arith.constant 32 : i32
        %eq3A_273 = arith.constant 0 : i32
        %eq3A_274 = arith.cmpi eq, %jit3A_272, %eq3A_273 : i32
        %jit3A_275 = arith.constant 1 : i32
        %select_n3A_276 = arith.select %eq3A_274, %jit3A_275, %jit3A_272 : i32
        %rem3A_277 = arith.remsi %add3A_187, %select_n3A_276 : i32
        %ne3A_278 = arith.constant 0 : i32
        %ne3A_279 = arith.cmpi ne, %rem3A_277, %ne3A_278 : i32
        %lt3A_280 = arith.constant 0 : i32
        %lt3A_281 = arith.cmpi slt, %rem3A_277, %lt3A_280 : i32
        %lt3A_282 = arith.constant 0 : i32
        %lt3A_283 = arith.cmpi slt, %select_n3A_276, %lt3A_282 : i32
        %ne3A_284 = arith.xori %lt3A_281, %lt3A_283 : i1
        %and3A_285 = arith.andi %ne3A_284, %ne3A_279 : i1
        %add3A_286 = arith.addi %rem3A_277, %select_n3A_276 : i32
        %select_n3A_287 = arith.select %and3A_285, %add3A_286, %rem3A_277 : i32
        %ne3A_288 = arith.cmpi ne, %select_n3A_231, %select_n3A_271 : i32
        %ne3A_289 = arith.cmpi ne, %select_n3A_247, %select_n3A_287 : i32
        %or3A_290 = arith.constant false
        %or3A_291 = arith.ori %or3A_290, %ne3A_288 : i1
        %or3A_292 = arith.ori %or3A_291, %ne3A_289 : i1
        %or3A_293 = arith.constant false
        %or3A_294 = arith.ori %or3A_292, %or3A_293 : i1
        %ge3A_295 = arith.constant 8 : i32
        %ge3A_296 = arith.cmpi sge, %scan3A_159, %ge3A_295 : i32
        %not3A_297 = arith.constant true
        %not3A_298 = arith.xori %ge3A_296, %not3A_297 : i1
        %and3A_299 = arith.andi %or3A_294, %not3A_298 : i1
        %ne3A_300 = arith.cmpi ne, %add3A_169, %add3A_178 : i32
        %or3A_301 = arith.constant false
        %or3A_302 = arith.ori %or3A_301, %ne3A_300 : i1
        %or3A_303 = arith.ori %or3A_302, %eq3A_166 : i1
        %convert_element_type3A_304 = arith.extui %or3A_303 : i1 to i32
        %cond3A_305 = arith.constant 0 : i32
        %cond3A_306 = arith.cmpi ne, %convert_element_type3A_304, %cond3A_305 : i32
        scf.if %cond3A_306 {
          "tpu.trace_start"() <{level = 10 : i32, message = "ep_wait_in"}> : () -> ()
          %mul3A_633 = arith.constant 128 : i32
          %mul3A_634 = arith.muli %mul3A_633, %add3A_169 : i32
          %rem3A_635 = arith.constant 2 : i32
          %rem3A_636 = arith.remui %scan3A_161, %rem3A_635 : i32
          %dma_wait3A_637 = arith.constant 0 : i32
          %dma_wait3A_638 = arith.constant 0 : i32
          %dma_wait3A_639 = tpu.memref_slice %run_scoped3A[%rem3A_636, %dma_wait3A_637, %dma_wait3A_638] : memref<2x1x128xi32, #tpu.memory_space<vmem>> -> memref<1x1x128xi32, #tpu.memory_space<vmem>>
          %dma_wait3A_640 = tpu.memref_squeeze %dma_wait3A_639 : memref<1x1x128xi32, #tpu.memory_space<vmem>> -> memref<1x128xi32, #tpu.memory_space<vmem>>
          %dma_wait3A_641 = arith.constant 0 : i32
          %dma_wait3A_642 = tpu.memref_slice %arg3[%dma_wait3A_641, %mul3A_634] : memref<1x36864xi32, #tpu.memory_space<hbm>> -> memref<1x128xi32, #tpu.memory_space<hbm>>
          %dma_wait3A_643 = tpu.memref_slice %run_scoped3A_7[%rem3A_636] : memref<2x!tpu.dma_semaphore, #tpu.memory_space<semaphore_mem>> -> memref<1x!tpu.dma_semaphore, #tpu.memory_space<semaphore_mem>>
          %dma_wait3A_644 = tpu.memref_squeeze %dma_wait3A_643 : memref<1x!tpu.dma_semaphore, #tpu.memory_space<semaphore_mem>> -> memref<!tpu.dma_semaphore, #tpu.memory_space<semaphore_mem>>
          %dma_wait3A_645 = arith.constant 0 : i32
          %dma_wait3A_646 = arith.constant 0 : i32
          %dma_wait3A_647 = tpu.memref_slice %run_scoped3A[%rem3A_636, %dma_wait3A_645, %dma_wait3A_646] : memref<2x1x128xi32, #tpu.memory_space<vmem>> -> memref<1x1x128xi32, #tpu.memory_space<vmem>>
          %dma_wait3A_648 = tpu.memref_squeeze %dma_wait3A_647 : memref<1x1x128xi32, #tpu.memory_space<vmem>> -> memref<1x128xi32, #tpu.memory_space<vmem>>
          %dma_wait3A_649 = arith.constant 0 : i32
          %dma_wait3A_650 = tpu.memref_slice %arg3[%dma_wait3A_649, %mul3A_634] : memref<1x36864xi32, #tpu.memory_space<hbm>> -> memref<1x128xi32, #tpu.memory_space<hbm>>
          tpu.wait_dma2 semaphore(%dma_wait3A_644 : memref<!tpu.dma_semaphore, #tpu.memory_space<semaphore_mem>>) src(%dma_wait3A_650 : memref<1x128xi32, #tpu.memory_space<hbm>>) dst(%dma_wait3A_648 : memref<1x128xi32, #tpu.memory_space<vmem>>)
          "tpu.trace_stop"() : () -> ()
        } else {
        }
        %jit3A_307 = arith.constant 32 : i32
        %div3A_308 = arith.divsi %add3A_169, %jit3A_307 : i32
        %sign3A_309 = arith.constant 0 : i32
        %sign3A_310 = arith.cmpi sgt, %add3A_169, %sign3A_309 : i32
        %sign3A_311 = arith.extui %sign3A_310 : i1 to i32
        %sign3A_312 = arith.constant 0 : i32
        %sign3A_313 = arith.cmpi slt, %add3A_169, %sign3A_312 : i32
        %sign3A_314 = arith.extui %sign3A_313 : i1 to i32
        %sign3A_315 = arith.subi %sign3A_311, %sign3A_314 : i32
        %sign3A_316 = arith.constant 0 : i32
        %sign3A_317 = arith.cmpi sgt, %jit3A_307, %sign3A_316 : i32
        %sign3A_318 = arith.extui %sign3A_317 : i1 to i32
        %sign3A_319 = arith.constant 0 : i32
        %sign3A_320 = arith.cmpi slt, %jit3A_307, %sign3A_319 : i32
        %sign3A_321 = arith.extui %sign3A_320 : i1 to i32
        %sign3A_322 = arith.subi %sign3A_318, %sign3A_321 : i32
        %ne3A_323 = arith.cmpi ne, %sign3A_315, %sign3A_322 : i32
        %rem3A_324 = arith.remsi %add3A_169, %jit3A_307 : i32
        %ne3A_325 = arith.constant 0 : i32
        %ne3A_326 = arith.cmpi ne, %rem3A_324, %ne3A_325 : i32
        %and3A_327 = arith.andi %ne3A_323, %ne3A_326 : i1
        %sub3A_328 = arith.constant 1 : i32
        %sub3A_329 = arith.subi %div3A_308, %sub3A_328 : i32
        %select_n3A_330 = arith.select %and3A_327, %sub3A_329, %div3A_308 : i32
        %jit3A_331 = arith.constant 32 : i32
        %eq3A_332 = arith.constant 0 : i32
        %eq3A_333 = arith.cmpi eq, %jit3A_331, %eq3A_332 : i32
        %jit3A_334 = arith.constant 1 : i32
        %select_n3A_335 = arith.select %eq3A_333, %jit3A_334, %jit3A_331 : i32
        %rem3A_336 = arith.remsi %add3A_169, %select_n3A_335 : i32
        %ne3A_337 = arith.constant 0 : i32
        %ne3A_338 = arith.cmpi ne, %rem3A_336, %ne3A_337 : i32
        %lt3A_339 = arith.constant 0 : i32
        %lt3A_340 = arith.cmpi slt, %rem3A_336, %lt3A_339 : i32
        %lt3A_341 = arith.constant 0 : i32
        %lt3A_342 = arith.cmpi slt, %select_n3A_335, %lt3A_341 : i32
        %ne3A_343 = arith.xori %lt3A_340, %lt3A_342 : i1
        %and3A_344 = arith.andi %ne3A_343, %ne3A_338 : i1
        %add3A_345 = arith.addi %rem3A_336, %select_n3A_335 : i32
        %select_n3A_346 = arith.select %and3A_344, %add3A_345, %rem3A_336 : i32
        %jit3A_347 = arith.constant 32 : i32
        %div3A_348 = arith.divsi %add3A_178, %jit3A_347 : i32
        %sign3A_349 = arith.constant 0 : i32
        %sign3A_350 = arith.cmpi sgt, %add3A_178, %sign3A_349 : i32
        %sign3A_351 = arith.extui %sign3A_350 : i1 to i32
        %sign3A_352 = arith.constant 0 : i32
        %sign3A_353 = arith.cmpi slt, %add3A_178, %sign3A_352 : i32
        %sign3A_354 = arith.extui %sign3A_353 : i1 to i32
        %sign3A_355 = arith.subi %sign3A_351, %sign3A_354 : i32
        %sign3A_356 = arith.constant 0 : i32
        %sign3A_357 = arith.cmpi sgt, %jit3A_347, %sign3A_356 : i32
        %sign3A_358 = arith.extui %sign3A_357 : i1 to i32
        %sign3A_359 = arith.constant 0 : i32
        %sign3A_360 = arith.cmpi slt, %jit3A_347, %sign3A_359 : i32
        %sign3A_361 = arith.extui %sign3A_360 : i1 to i32
        %sign3A_362 = arith.subi %sign3A_358, %sign3A_361 : i32
        %ne3A_363 = arith.cmpi ne, %sign3A_355, %sign3A_362 : i32
        %rem3A_364 = arith.remsi %add3A_178, %jit3A_347 : i32
        %ne3A_365 = arith.constant 0 : i32
        %ne3A_366 = arith.cmpi ne, %rem3A_364, %ne3A_365 : i32
        %and3A_367 = arith.andi %ne3A_363, %ne3A_366 : i1
        %sub3A_368 = arith.constant 1 : i32
        %sub3A_369 = arith.subi %div3A_348, %sub3A_368 : i32
        %select_n3A_370 = arith.select %and3A_367, %sub3A_369, %div3A_348 : i32
        %jit3A_371 = arith.constant 32 : i32
        %eq3A_372 = arith.constant 0 : i32
        %eq3A_373 = arith.cmpi eq, %jit3A_371, %eq3A_372 : i32
        %jit3A_374 = arith.constant 1 : i32
        %select_n3A_375 = arith.select %eq3A_373, %jit3A_374, %jit3A_371 : i32
        %rem3A_376 = arith.remsi %add3A_178, %select_n3A_375 : i32
        %ne3A_377 = arith.constant 0 : i32
        %ne3A_378 = arith.cmpi ne, %rem3A_376, %ne3A_377 : i32
        %lt3A_379 = arith.constant 0 : i32
        %lt3A_380 = arith.cmpi slt, %rem3A_376, %lt3A_379 : i32
        %lt3A_381 = arith.constant 0 : i32
        %lt3A_382 = arith.cmpi slt, %select_n3A_375, %lt3A_381 : i32
        %ne3A_383 = arith.xori %lt3A_380, %lt3A_382 : i1
        %and3A_384 = arith.andi %ne3A_383, %ne3A_378 : i1
        %add3A_385 = arith.addi %rem3A_376, %select_n3A_375 : i32
        %select_n3A_386 = arith.select %and3A_384, %add3A_385, %rem3A_376 : i32
        %ne3A_387 = arith.cmpi ne, %select_n3A_330, %select_n3A_370 : i32
        %ne3A_388 = arith.cmpi ne, %select_n3A_346, %select_n3A_386 : i32
        %or3A_389 = arith.constant false
        %or3A_390 = arith.ori %or3A_389, %ne3A_387 : i1
        %or3A_391 = arith.ori %or3A_390, %ne3A_388 : i1
        %or3A_392 = arith.constant false
        %or3A_393 = arith.ori %or3A_391, %or3A_392 : i1
        %or3A_394 = arith.ori %or3A_393, %eq3A_166 : i1
        %convert_element_type3A_395 = arith.extui %or3A_394 : i1 to i32
        %cond3A_396 = arith.constant 0 : i32
        %cond3A_397 = arith.cmpi ne, %convert_element_type3A_395, %cond3A_396 : i32
        scf.if %cond3A_397 {
        } else {
        }
        %rem3A_398 = arith.constant 2 : i32
        %rem3A_399 = arith.remui %scan3A_161, %rem3A_398 : i32
        %rem3A_400 = arith.constant 2 : i32
        %rem3A_401 = arith.remui %scan3A_162, %rem3A_400 : i32
        %run_scoped3A_402 = arith.constant 0 : i32
        %run_scoped3A_403 = arith.constant 0 : i32
        "tpu.trace_start"() <{level = 10 : i32, message = "ep_run_kernel"}> : () -> ()
        "tpu.region"() ({
          %run_scoped3A_633 = tpu.sem_alloc : memref<!tpu.dma_semaphore, #tpu.memory_space<semaphore_mem>>
          %dma_start3A_634 = arith.constant 0 : i32
          %dma_start3A_635 = arith.constant 0 : i32
          %dma_start3A_636 = arith.constant 0 : i32
          %dma_start3A_637 = tpu.memref_slice %run_scoped3A_8[%rem3A_401, %dma_start3A_634, %dma_start3A_635, %dma_start3A_636] : memref<2x1x128x128xi32, #tpu.memory_space<vmem>> -> memref<1x1x128x128xi32, #tpu.memory_space<vmem>>
          %dma_start3A_638 = tpu.memref_squeeze %dma_start3A_637 : memref<1x1x128x128xi32, #tpu.memory_space<vmem>> -> memref<1x128x128xi32, #tpu.memory_space<vmem>>
          %dma_start3A_639 = arith.constant 0 : i32
          %dma_start3A_640 = arith.constant 0 : i32
          %dma_start3A_641 = tpu.memref_slice %dma_start3A_638[%run_scoped3A_403, %dma_start3A_639, %dma_start3A_640] : memref<1x128x128xi32, #tpu.memory_space<vmem>> -> memref<1x128x128xi32, #tpu.memory_space<vmem>>
          %dma_start3A_642 = tpu.memref_squeeze %dma_start3A_641 : memref<1x128x128xi32, #tpu.memory_space<vmem>> -> memref<128x128xi32, #tpu.memory_space<vmem>>
          %dma_start3A_643 = arith.constant 0 : i32
          %dma_start3A_644 = arith.constant 0 : i32
          %dma_start3A_645 = tpu.memref_slice %run_scoped3A[%rem3A_399, %dma_start3A_643, %dma_start3A_644] : memref<2x1x128xi32, #tpu.memory_space<vmem>> -> memref<1x1x128xi32, #tpu.memory_space<vmem>>
          %dma_start3A_646 = tpu.memref_squeeze %dma_start3A_645 : memref<1x1x128xi32, #tpu.memory_space<vmem>> -> memref<1x128xi32, #tpu.memory_space<vmem>>
          %dma_start3A_647 = arith.constant 0 : i32
          %dma_start3A_648 = tpu.memref_slice %dma_start3A_646[%run_scoped3A_402, %dma_start3A_647] : memref<1x128xi32, #tpu.memory_space<vmem>> -> memref<1x128xi32, #tpu.memory_space<vmem>>
          %dma_start3A_649 = tpu.memref_squeeze %dma_start3A_648 : memref<1x128xi32, #tpu.memory_space<vmem>> -> memref<128xi32, #tpu.memory_space<vmem>>
          %dma_start3A_650 = arith.constant 0 : i32
          %dma_start3A_651 = arith.constant 0 : i32
          %dma_start3A_652 = tpu.memref_slice %arg2[%dma_start3A_650, %dma_start3A_651] : memref<115200x128xi32, #tpu.memory_space<hbm>> -> memref<115200x128xi32, #tpu.memory_space<hbm>>
          tpu.enqueue_indirect_dma source(%dma_start3A_652 : memref<115200x128xi32, #tpu.memory_space<hbm>>) target(%dma_start3A_642 : memref<128x128xi32, #tpu.memory_space<vmem>>) offsets(%dma_start3A_649 : memref<128xi32, #tpu.memory_space<vmem>>) semaphore(%run_scoped3A_633 : memref<!tpu.dma_semaphore, #tpu.memory_space<semaphore_mem>>)
          %dma_wait3A_653 = arith.constant 0 : i32
          %dma_wait3A_654 = arith.constant 0 : i32
          %dma_wait3A_655 = arith.constant 0 : i32
          %dma_wait3A_656 = tpu.memref_slice %run_scoped3A_8[%rem3A_401, %dma_wait3A_653, %dma_wait3A_654, %dma_wait3A_655] : memref<2x1x128x128xi32, #tpu.memory_space<vmem>> -> memref<1x1x128x128xi32, #tpu.memory_space<vmem>>
          %dma_wait3A_657 = tpu.memref_squeeze %dma_wait3A_656 : memref<1x1x128x128xi32, #tpu.memory_space<vmem>> -> memref<1x128x128xi32, #tpu.memory_space<vmem>>
          %dma_wait3A_658 = arith.constant 0 : i32
          %dma_wait3A_659 = arith.constant 0 : i32
          %dma_wait3A_660 = tpu.memref_slice %dma_wait3A_657[%run_scoped3A_403, %dma_wait3A_658, %dma_wait3A_659] : memref<1x128x128xi32, #tpu.memory_space<vmem>> -> memref<1x128x128xi32, #tpu.memory_space<vmem>>
          %dma_wait3A_661 = tpu.memref_squeeze %dma_wait3A_660 : memref<1x128x128xi32, #tpu.memory_space<vmem>> -> memref<128x128xi32, #tpu.memory_space<vmem>>
          %dma_wait3A_662 = arith.constant 0 : i32
          %dma_wait3A_663 = arith.constant 0 : i32
          %dma_wait3A_664 = tpu.memref_slice %run_scoped3A[%rem3A_399, %dma_wait3A_662, %dma_wait3A_663] : memref<2x1x128xi32, #tpu.memory_space<vmem>> -> memref<1x1x128xi32, #tpu.memory_space<vmem>>
          %dma_wait3A_665 = tpu.memref_squeeze %dma_wait3A_664 : memref<1x1x128xi32, #tpu.memory_space<vmem>> -> memref<1x128xi32, #tpu.memory_space<vmem>>
          %dma_wait3A_666 = arith.constant 0 : i32
          %dma_wait3A_667 = tpu.memref_slice %dma_wait3A_665[%run_scoped3A_402, %dma_wait3A_666] : memref<1x128xi32, #tpu.memory_space<vmem>> -> memref<1x128xi32, #tpu.memory_space<vmem>>
          %dma_wait3A_668 = tpu.memref_squeeze %dma_wait3A_667 : memref<1x128xi32, #tpu.memory_space<vmem>> -> memref<128xi32, #tpu.memory_space<vmem>>
          %dma_wait3A_669 = arith.constant 0 : i32
          %dma_wait3A_670 = arith.constant 0 : i32
          %dma_wait3A_671 = tpu.memref_slice %arg2[%dma_wait3A_669, %dma_wait3A_670] : memref<115200x128xi32, #tpu.memory_space<hbm>> -> memref<115200x128xi32, #tpu.memory_space<hbm>>
          tpu.wait_indirect_dma semaphore(%run_scoped3A_633 : memref<!tpu.dma_semaphore, #tpu.memory_space<semaphore_mem>>) src(%dma_wait3A_671 : memref<115200x128xi32, #tpu.memory_space<hbm>>) dst(%dma_wait3A_661 : memref<128x128xi32, #tpu.memory_space<vmem>>)
          tpu.yield
        }) : () -> ()
        "tpu.trace_stop"() : () -> ()
        %ne3A_404 = arith.cmpi ne, %add3A_169, %add3A_187 : i32
        %or3A_405 = arith.constant false
        %or3A_406 = arith.ori %or3A_405, %ne3A_404 : i1
        %or3A_407 = arith.ori %or3A_406, %eq3A_168 : i1
        %convert_element_type3A_408 = arith.extui %or3A_407 : i1 to i32
        %cond3A_409 = arith.constant 0 : i32
        %cond3A_410 = arith.cmpi ne, %convert_element_type3A_408, %cond3A_409 : i32
        scf.if %cond3A_410 {
        } else {
        }
        %and3A_411 = arith.constant false
        %and3A_412 = arith.andi %or3A_407, %and3A_411 : i1
        %jit3A_413 = arith.constant 32 : i32
        %div3A_414 = arith.divsi %add3A_169, %jit3A_413 : i32
        %sign3A_415 = arith.constant 0 : i32
        %sign3A_416 = arith.cmpi sgt, %add3A_169, %sign3A_415 : i32
        %sign3A_417 = arith.extui %sign3A_416 : i1 to i32
        %sign3A_418 = arith.constant 0 : i32
        %sign3A_419 = arith.cmpi slt, %add3A_169, %sign3A_418 : i32
        %sign3A_420 = arith.extui %sign3A_419 : i1 to i32
        %sign3A_421 = arith.subi %sign3A_417, %sign3A_420 : i32
        %sign3A_422 = arith.constant 0 : i32
        %sign3A_423 = arith.cmpi sgt, %jit3A_413, %sign3A_422 : i32
        %sign3A_424 = arith.extui %sign3A_423 : i1 to i32
        %sign3A_425 = arith.constant 0 : i32
        %sign3A_426 = arith.cmpi slt, %jit3A_413, %sign3A_425 : i32
        %sign3A_427 = arith.extui %sign3A_426 : i1 to i32
        %sign3A_428 = arith.subi %sign3A_424, %sign3A_427 : i32
        %ne3A_429 = arith.cmpi ne, %sign3A_421, %sign3A_428 : i32
        %rem3A_430 = arith.remsi %add3A_169, %jit3A_413 : i32
        %ne3A_431 = arith.constant 0 : i32
        %ne3A_432 = arith.cmpi ne, %rem3A_430, %ne3A_431 : i32
        %and3A_433 = arith.andi %ne3A_429, %ne3A_432 : i1
        %sub3A_434 = arith.constant 1 : i32
        %sub3A_435 = arith.subi %div3A_414, %sub3A_434 : i32
        %select_n3A_436 = arith.select %and3A_433, %sub3A_435, %div3A_414 : i32
        %jit3A_437 = arith.constant 32 : i32
        %eq3A_438 = arith.constant 0 : i32
        %eq3A_439 = arith.cmpi eq, %jit3A_437, %eq3A_438 : i32
        %jit3A_440 = arith.constant 1 : i32
        %select_n3A_441 = arith.select %eq3A_439, %jit3A_440, %jit3A_437 : i32
        %rem3A_442 = arith.remsi %add3A_169, %select_n3A_441 : i32
        %ne3A_443 = arith.constant 0 : i32
        %ne3A_444 = arith.cmpi ne, %rem3A_442, %ne3A_443 : i32
        %lt3A_445 = arith.constant 0 : i32
        %lt3A_446 = arith.cmpi slt, %rem3A_442, %lt3A_445 : i32
        %lt3A_447 = arith.constant 0 : i32
        %lt3A_448 = arith.cmpi slt, %select_n3A_441, %lt3A_447 : i32
        %ne3A_449 = arith.xori %lt3A_446, %lt3A_448 : i1
        %and3A_450 = arith.andi %ne3A_449, %ne3A_444 : i1
        %add3A_451 = arith.addi %rem3A_442, %select_n3A_441 : i32
        %select_n3A_452 = arith.select %and3A_450, %add3A_451, %rem3A_442 : i32
        %jit3A_453 = arith.constant 32 : i32
        %div3A_454 = arith.divsi %add3A_187, %jit3A_453 : i32
        %sign3A_455 = arith.constant 0 : i32
        %sign3A_456 = arith.cmpi sgt, %add3A_187, %sign3A_455 : i32
        %sign3A_457 = arith.extui %sign3A_456 : i1 to i32
        %sign3A_458 = arith.constant 0 : i32
        %sign3A_459 = arith.cmpi slt, %add3A_187, %sign3A_458 : i32
        %sign3A_460 = arith.extui %sign3A_459 : i1 to i32
        %sign3A_461 = arith.subi %sign3A_457, %sign3A_460 : i32
        %sign3A_462 = arith.constant 0 : i32
        %sign3A_463 = arith.cmpi sgt, %jit3A_453, %sign3A_462 : i32
        %sign3A_464 = arith.extui %sign3A_463 : i1 to i32
        %sign3A_465 = arith.constant 0 : i32
        %sign3A_466 = arith.cmpi slt, %jit3A_453, %sign3A_465 : i32
        %sign3A_467 = arith.extui %sign3A_466 : i1 to i32
        %sign3A_468 = arith.subi %sign3A_464, %sign3A_467 : i32
        %ne3A_469 = arith.cmpi ne, %sign3A_461, %sign3A_468 : i32
        %rem3A_470 = arith.remsi %add3A_187, %jit3A_453 : i32
        %ne3A_471 = arith.constant 0 : i32
        %ne3A_472 = arith.cmpi ne, %rem3A_470, %ne3A_471 : i32
        %and3A_473 = arith.andi %ne3A_469, %ne3A_472 : i1
        %sub3A_474 = arith.constant 1 : i32
        %sub3A_475 = arith.subi %div3A_454, %sub3A_474 : i32
        %select_n3A_476 = arith.select %and3A_473, %sub3A_475, %div3A_454 : i32
        %jit3A_477 = arith.constant 32 : i32
        %eq3A_478 = arith.constant 0 : i32
        %eq3A_479 = arith.cmpi eq, %jit3A_477, %eq3A_478 : i32
        %jit3A_480 = arith.constant 1 : i32
        %select_n3A_481 = arith.select %eq3A_479, %jit3A_480, %jit3A_477 : i32
        %rem3A_482 = arith.remsi %add3A_187, %select_n3A_481 : i32
        %ne3A_483 = arith.constant 0 : i32
        %ne3A_484 = arith.cmpi ne, %rem3A_482, %ne3A_483 : i32
        %lt3A_485 = arith.constant 0 : i32
        %lt3A_486 = arith.cmpi slt, %rem3A_482, %lt3A_485 : i32
        %lt3A_487 = arith.constant 0 : i32
        %lt3A_488 = arith.cmpi slt, %select_n3A_481, %lt3A_487 : i32
        %ne3A_489 = arith.xori %lt3A_486, %lt3A_488 : i1
        %and3A_490 = arith.andi %ne3A_489, %ne3A_484 : i1
        %add3A_491 = arith.addi %rem3A_482, %select_n3A_481 : i32
        %select_n3A_492 = arith.select %and3A_490, %add3A_491, %rem3A_482 : i32
        %ne3A_493 = arith.cmpi ne, %select_n3A_436, %select_n3A_476 : i32
        %ne3A_494 = arith.cmpi ne, %select_n3A_452, %select_n3A_492 : i32
        %or3A_495 = arith.constant false
        %or3A_496 = arith.ori %or3A_495, %ne3A_493 : i1
        %or3A_497 = arith.ori %or3A_496, %ne3A_494 : i1
        %or3A_498 = arith.constant false
        %or3A_499 = arith.ori %or3A_497, %or3A_498 : i1
        %or3A_500 = arith.ori %or3A_499, %eq3A_168 : i1
        %convert_element_type3A_501 = arith.extui %or3A_500 : i1 to i32
        %cond3A_502 = arith.constant 0 : i32
        %cond3A_503 = arith.cmpi ne, %convert_element_type3A_501, %cond3A_502 : i32
        scf.if %cond3A_503 {
          "tpu.trace_start"() <{level = 10 : i32, message = "ep_copy_out"}> : () -> ()
          %rem3A_633 = arith.constant 2 : i32
          %rem3A_634 = arith.remui %scan3A_162, %rem3A_633 : i32
          %jit3A_635 = arith.constant 32 : i32
          %div3A_636 = arith.divsi %add3A_169, %jit3A_635 : i32
          %sign3A_637 = arith.constant 0 : i32
          %sign3A_638 = arith.cmpi sgt, %add3A_169, %sign3A_637 : i32
          %sign3A_639 = arith.extui %sign3A_638 : i1 to i32
          %sign3A_640 = arith.constant 0 : i32
          %sign3A_641 = arith.cmpi slt, %add3A_169, %sign3A_640 : i32
          %sign3A_642 = arith.extui %sign3A_641 : i1 to i32
          %sign3A_643 = arith.subi %sign3A_639, %sign3A_642 : i32
          %sign3A_644 = arith.constant 0 : i32
          %sign3A_645 = arith.cmpi sgt, %jit3A_635, %sign3A_644 : i32
          %sign3A_646 = arith.extui %sign3A_645 : i1 to i32
          %sign3A_647 = arith.constant 0 : i32
          %sign3A_648 = arith.cmpi slt, %jit3A_635, %sign3A_647 : i32
          %sign3A_649 = arith.extui %sign3A_648 : i1 to i32
          %sign3A_650 = arith.subi %sign3A_646, %sign3A_649 : i32
          %ne3A_651 = arith.cmpi ne, %sign3A_643, %sign3A_650 : i32
          %rem3A_652 = arith.remsi %add3A_169, %jit3A_635 : i32
          %ne3A_653 = arith.constant 0 : i32
          %ne3A_654 = arith.cmpi ne, %rem3A_652, %ne3A_653 : i32
          %and3A_655 = arith.andi %ne3A_651, %ne3A_654 : i1
          %sub3A_656 = arith.constant 1 : i32
          %sub3A_657 = arith.subi %div3A_636, %sub3A_656 : i32
          %select_n3A_658 = arith.select %and3A_655, %sub3A_657, %div3A_636 : i32
          %jit3A_659 = arith.constant 32 : i32
          %eq3A_660 = arith.constant 0 : i32
          %eq3A_661 = arith.cmpi eq, %jit3A_659, %eq3A_660 : i32
          %jit3A_662 = arith.constant 1 : i32
          %select_n3A_663 = arith.select %eq3A_661, %jit3A_662, %jit3A_659 : i32
          %rem3A_664 = arith.remsi %add3A_169, %select_n3A_663 : i32
          %ne3A_665 = arith.constant 0 : i32
          %ne3A_666 = arith.cmpi ne, %rem3A_664, %ne3A_665 : i32
          %lt3A_667 = arith.constant 0 : i32
          %lt3A_668 = arith.cmpi slt, %rem3A_664, %lt3A_667 : i32
          %lt3A_669 = arith.constant 0 : i32
          %lt3A_670 = arith.cmpi slt, %select_n3A_663, %lt3A_669 : i32
          %ne3A_671 = arith.xori %lt3A_668, %lt3A_670 : i1
          %and3A_672 = arith.andi %ne3A_671, %ne3A_666 : i1
          %add3A_673 = arith.addi %rem3A_664, %select_n3A_663 : i32
          %select_n3A_674 = arith.select %and3A_672, %add3A_673, %rem3A_664 : i32
          %mul3A_675 = arith.constant 1 : i32
          %mul3A_676 = arith.muli %mul3A_675, %select_n3A_658 : i32
          %mul3A_677 = arith.constant 128 : i32
          %mul3A_678 = arith.muli %mul3A_677, %select_n3A_674 : i32
          %dma_start3A_679 = arith.constant 0 : i32
          %dma_start3A_680 = arith.constant 0 : i32
          %dma_start3A_681 = arith.constant 0 : i32
          %dma_start3A_682 = tpu.memref_slice %run_scoped3A_8[%rem3A_634, %dma_start3A_679, %dma_start3A_680, %dma_start3A_681] : memref<2x1x128x128xi32, #tpu.memory_space<vmem>> -> memref<1x1x128x128xi32, #tpu.memory_space<vmem>>
          %dma_start3A_683 = tpu.memref_squeeze %dma_start3A_682 : memref<1x1x128x128xi32, #tpu.memory_space<vmem>> -> memref<1x128x128xi32, #tpu.memory_space<vmem>>
          %dma_start3A_684 = arith.constant 0 : i32
          %dma_start3A_685 = tpu.memref_slice %arg4[%mul3A_676, %mul3A_678, %dma_start3A_684] : memref<9x4096x128xi32, #tpu.memory_space<hbm>> -> memref<1x128x128xi32, #tpu.memory_space<hbm>>
          %dma_start3A_686 = tpu.memref_slice %run_scoped3A_9[%rem3A_634] : memref<2x!tpu.dma_semaphore, #tpu.memory_space<semaphore_mem>> -> memref<1x!tpu.dma_semaphore, #tpu.memory_space<semaphore_mem>>
          %dma_start3A_687 = tpu.memref_squeeze %dma_start3A_686 : memref<1x!tpu.dma_semaphore, #tpu.memory_space<semaphore_mem>> -> memref<!tpu.dma_semaphore, #tpu.memory_space<semaphore_mem>>
          %dma_start3A_688 = arith.constant 0 : i32
          %dma_start3A_689 = tpu.memref_slice %arg4[%mul3A_676, %mul3A_678, %dma_start3A_688] : memref<9x4096x128xi32, #tpu.memory_space<hbm>> -> memref<1x128x128xi32, #tpu.memory_space<hbm>>
          %dma_start3A_690 = arith.constant 0 : i32
          %dma_start3A_691 = arith.constant 0 : i32
          %dma_start3A_692 = arith.constant 0 : i32
          %dma_start3A_693 = tpu.memref_slice %run_scoped3A_8[%rem3A_634, %dma_start3A_690, %dma_start3A_691, %dma_start3A_692] : memref<2x1x128x128xi32, #tpu.memory_space<vmem>> -> memref<1x1x128x128xi32, #tpu.memory_space<vmem>>
          %dma_start3A_694 = tpu.memref_squeeze %dma_start3A_693 : memref<1x1x128x128xi32, #tpu.memory_space<vmem>> -> memref<1x128x128xi32, #tpu.memory_space<vmem>>
          tpu.enqueue_dma source(%dma_start3A_694 : memref<1x128x128xi32, #tpu.memory_space<vmem>>) target(%dma_start3A_689 : memref<1x128x128xi32, #tpu.memory_space<hbm>>) target_semaphore(%dma_start3A_687 : memref<!tpu.dma_semaphore, #tpu.memory_space<semaphore_mem>>)
          "tpu.trace_stop"() : () -> ()
        } else {
        }
        %and3A_504 = arith.constant true
        %and3A_505 = arith.andi %or3A_500, %and3A_504 : i1
        %add3A_506 = arith.constant 1 : i32
        %add3A_507 = arith.addi %scan3A_162, %add3A_506 : i32
        %select_n3A_508 = arith.select %and3A_505, %add3A_507, %scan3A_162 : i32
        %ne3A_509 = arith.cmpi ne, %add3A_169, %add3A_178 : i32
        %or3A_510 = arith.constant false
        %or3A_511 = arith.ori %or3A_510, %ne3A_509 : i1
        %not3A_512 = arith.constant true
        %not3A_513 = arith.xori %eq3A_166, %not3A_512 : i1
        %and3A_514 = arith.andi %or3A_511, %not3A_513 : i1
        %convert_element_type3A_515 = arith.extui %and3A_514 : i1 to i32
        %cond3A_516 = arith.constant 0 : i32
        %cond3A_517 = arith.cmpi ne, %convert_element_type3A_515, %cond3A_516 : i32
        scf.if %cond3A_517 {
        } else {
        }
        %and3A_518 = arith.constant false
        %and3A_519 = arith.andi %and3A_514, %and3A_518 : i1
        %jit3A_520 = arith.constant 32 : i32
        %div3A_521 = arith.divsi %add3A_169, %jit3A_520 : i32
        %sign3A_522 = arith.constant 0 : i32
        %sign3A_523 = arith.cmpi sgt, %add3A_169, %sign3A_522 : i32
        %sign3A_524 = arith.extui %sign3A_523 : i1 to i32
        %sign3A_525 = arith.constant 0 : i32
        %sign3A_526 = arith.cmpi slt, %add3A_169, %sign3A_525 : i32
        %sign3A_527 = arith.extui %sign3A_526 : i1 to i32
        %sign3A_528 = arith.subi %sign3A_524, %sign3A_527 : i32
        %sign3A_529 = arith.constant 0 : i32
        %sign3A_530 = arith.cmpi sgt, %jit3A_520, %sign3A_529 : i32
        %sign3A_531 = arith.extui %sign3A_530 : i1 to i32
        %sign3A_532 = arith.constant 0 : i32
        %sign3A_533 = arith.cmpi slt, %jit3A_520, %sign3A_532 : i32
        %sign3A_534 = arith.extui %sign3A_533 : i1 to i32
        %sign3A_535 = arith.subi %sign3A_531, %sign3A_534 : i32
        %ne3A_536 = arith.cmpi ne, %sign3A_528, %sign3A_535 : i32
        %rem3A_537 = arith.remsi %add3A_169, %jit3A_520 : i32
        %ne3A_538 = arith.constant 0 : i32
        %ne3A_539 = arith.cmpi ne, %rem3A_537, %ne3A_538 : i32
        %and3A_540 = arith.andi %ne3A_536, %ne3A_539 : i1
        %sub3A_541 = arith.constant 1 : i32
        %sub3A_542 = arith.subi %div3A_521, %sub3A_541 : i32
        %select_n3A_543 = arith.select %and3A_540, %sub3A_542, %div3A_521 : i32
        %jit3A_544 = arith.constant 32 : i32
        %eq3A_545 = arith.constant 0 : i32
        %eq3A_546 = arith.cmpi eq, %jit3A_544, %eq3A_545 : i32
        %jit3A_547 = arith.constant 1 : i32
        %select_n3A_548 = arith.select %eq3A_546, %jit3A_547, %jit3A_544 : i32
        %rem3A_549 = arith.remsi %add3A_169, %select_n3A_548 : i32
        %ne3A_550 = arith.constant 0 : i32
        %ne3A_551 = arith.cmpi ne, %rem3A_549, %ne3A_550 : i32
        %lt3A_552 = arith.constant 0 : i32
        %lt3A_553 = arith.cmpi slt, %rem3A_549, %lt3A_552 : i32
        %lt3A_554 = arith.constant 0 : i32
        %lt3A_555 = arith.cmpi slt, %select_n3A_548, %lt3A_554 : i32
        %ne3A_556 = arith.xori %lt3A_553, %lt3A_555 : i1
        %and3A_557 = arith.andi %ne3A_556, %ne3A_551 : i1
        %add3A_558 = arith.addi %rem3A_549, %select_n3A_548 : i32
        %select_n3A_559 = arith.select %and3A_557, %add3A_558, %rem3A_549 : i32
        %jit3A_560 = arith.constant 32 : i32
        %div3A_561 = arith.divsi %add3A_178, %jit3A_560 : i32
        %sign3A_562 = arith.constant 0 : i32
        %sign3A_563 = arith.cmpi sgt, %add3A_178, %sign3A_562 : i32
        %sign3A_564 = arith.extui %sign3A_563 : i1 to i32
        %sign3A_565 = arith.constant 0 : i32
        %sign3A_566 = arith.cmpi slt, %add3A_178, %sign3A_565 : i32
        %sign3A_567 = arith.extui %sign3A_566 : i1 to i32
        %sign3A_568 = arith.subi %sign3A_564, %sign3A_567 : i32
        %sign3A_569 = arith.constant 0 : i32
        %sign3A_570 = arith.cmpi sgt, %jit3A_560, %sign3A_569 : i32
        %sign3A_571 = arith.extui %sign3A_570 : i1 to i32
        %sign3A_572 = arith.constant 0 : i32
        %sign3A_573 = arith.cmpi slt, %jit3A_560, %sign3A_572 : i32
        %sign3A_574 = arith.extui %sign3A_573 : i1 to i32
        %sign3A_575 = arith.subi %sign3A_571, %sign3A_574 : i32
        %ne3A_576 = arith.cmpi ne, %sign3A_568, %sign3A_575 : i32
        %rem3A_577 = arith.remsi %add3A_178, %jit3A_560 : i32
        %ne3A_578 = arith.constant 0 : i32
        %ne3A_579 = arith.cmpi ne, %rem3A_577, %ne3A_578 : i32
        %and3A_580 = arith.andi %ne3A_576, %ne3A_579 : i1
        %sub3A_581 = arith.constant 1 : i32
        %sub3A_582 = arith.subi %div3A_561, %sub3A_581 : i32
        %select_n3A_583 = arith.select %and3A_580, %sub3A_582, %div3A_561 : i32
        %jit3A_584 = arith.constant 32 : i32
        %eq3A_585 = arith.constant 0 : i32
        %eq3A_586 = arith.cmpi eq, %jit3A_584, %eq3A_585 : i32
        %jit3A_587 = arith.constant 1 : i32
        %select_n3A_588 = arith.select %eq3A_586, %jit3A_587, %jit3A_584 : i32
        %rem3A_589 = arith.remsi %add3A_178, %select_n3A_588 : i32
        %ne3A_590 = arith.constant 0 : i32
        %ne3A_591 = arith.cmpi ne, %rem3A_589, %ne3A_590 : i32
        %lt3A_592 = arith.constant 0 : i32
        %lt3A_593 = arith.cmpi slt, %rem3A_589, %lt3A_592 : i32
        %lt3A_594 = arith.constant 0 : i32
        %lt3A_595 = arith.cmpi slt, %select_n3A_588, %lt3A_594 : i32
        %ne3A_596 = arith.xori %lt3A_593, %lt3A_595 : i1
        %and3A_597 = arith.andi %ne3A_596, %ne3A_591 : i1
        %add3A_598 = arith.addi %rem3A_589, %select_n3A_588 : i32
        %select_n3A_599 = arith.select %and3A_597, %add3A_598, %rem3A_589 : i32
        %ne3A_600 = arith.cmpi ne, %select_n3A_543, %select_n3A_583 : i32
        %ne3A_601 = arith.cmpi ne, %select_n3A_559, %select_n3A_599 : i32
        %or3A_602 = arith.constant false
        %or3A_603 = arith.ori %or3A_602, %ne3A_600 : i1
        %or3A_604 = arith.ori %or3A_603, %ne3A_601 : i1
        %or3A_605 = arith.constant false
        %or3A_606 = arith.ori %or3A_604, %or3A_605 : i1
        %not3A_607 = arith.constant true
        %not3A_608 = arith.xori %eq3A_166, %not3A_607 : i1
        %and3A_609 = arith.andi %or3A_606, %not3A_608 : i1
        %convert_element_type3A_610 = arith.extui %and3A_609 : i1 to i32
        %cond3A_611 = arith.constant 0 : i32
        %cond3A_612 = arith.cmpi ne, %convert_element_type3A_610, %cond3A_611 : i32
        scf.if %cond3A_612 {
          "tpu.trace_start"() <{level = 10 : i32, message = "ep_wait_out"}> : () -> ()
          %rem3A_633 = arith.constant 2 : i32
          %rem3A_634 = arith.remui %scan3A_163, %rem3A_633 : i32
          %jit3A_635 = arith.constant 32 : i32
          %div3A_636 = arith.divsi %add3A_178, %jit3A_635 : i32
          %sign3A_637 = arith.constant 0 : i32
          %sign3A_638 = arith.cmpi sgt, %add3A_178, %sign3A_637 : i32
          %sign3A_639 = arith.extui %sign3A_638 : i1 to i32
          %sign3A_640 = arith.constant 0 : i32
          %sign3A_641 = arith.cmpi slt, %add3A_178, %sign3A_640 : i32
          %sign3A_642 = arith.extui %sign3A_641 : i1 to i32
          %sign3A_643 = arith.subi %sign3A_639, %sign3A_642 : i32
          %sign3A_644 = arith.constant 0 : i32
          %sign3A_645 = arith.cmpi sgt, %jit3A_635, %sign3A_644 : i32
          %sign3A_646 = arith.extui %sign3A_645 : i1 to i32
          %sign3A_647 = arith.constant 0 : i32
          %sign3A_648 = arith.cmpi slt, %jit3A_635, %sign3A_647 : i32
          %sign3A_649 = arith.extui %sign3A_648 : i1 to i32
          %sign3A_650 = arith.subi %sign3A_646, %sign3A_649 : i32
          %ne3A_651 = arith.cmpi ne, %sign3A_643, %sign3A_650 : i32
          %rem3A_652 = arith.remsi %add3A_178, %jit3A_635 : i32
          %ne3A_653 = arith.constant 0 : i32
          %ne3A_654 = arith.cmpi ne, %rem3A_652, %ne3A_653 : i32
          %and3A_655 = arith.andi %ne3A_651, %ne3A_654 : i1
          %sub3A_656 = arith.constant 1 : i32
          %sub3A_657 = arith.subi %div3A_636, %sub3A_656 : i32
          %select_n3A_658 = arith.select %and3A_655, %sub3A_657, %div3A_636 : i32
          %jit3A_659 = arith.constant 32 : i32
          %eq3A_660 = arith.constant 0 : i32
          %eq3A_661 = arith.cmpi eq, %jit3A_659, %eq3A_660 : i32
          %jit3A_662 = arith.constant 1 : i32
          %select_n3A_663 = arith.select %eq3A_661, %jit3A_662, %jit3A_659 : i32
          %rem3A_664 = arith.remsi %add3A_178, %select_n3A_663 : i32
          %ne3A_665 = arith.constant 0 : i32
          %ne3A_666 = arith.cmpi ne, %rem3A_664, %ne3A_665 : i32
          %lt3A_667 = arith.constant 0 : i32
          %lt3A_668 = arith.cmpi slt, %rem3A_664, %lt3A_667 : i32
          %lt3A_669 = arith.constant 0 : i32
          %lt3A_670 = arith.cmpi slt, %select_n3A_663, %lt3A_669 : i32
          %ne3A_671 = arith.xori %lt3A_668, %lt3A_670 : i1
          %and3A_672 = arith.andi %ne3A_671, %ne3A_666 : i1
          %add3A_673 = arith.addi %rem3A_664, %select_n3A_663 : i32
          %select_n3A_674 = arith.select %and3A_672, %add3A_673, %rem3A_664 : i32
          %mul3A_675 = arith.constant 1 : i32
          %mul3A_676 = arith.muli %mul3A_675, %select_n3A_658 : i32
          %mul3A_677 = arith.constant 128 : i32
          %mul3A_678 = arith.muli %mul3A_677, %select_n3A_674 : i32
          %dma_wait3A_679 = arith.constant 0 : i32
          %dma_wait3A_680 = arith.constant 0 : i32
          %dma_wait3A_681 = arith.constant 0 : i32
          %dma_wait3A_682 = tpu.memref_slice %run_scoped3A_8[%rem3A_634, %dma_wait3A_679, %dma_wait3A_680, %dma_wait3A_681] : memref<2x1x128x128xi32, #tpu.memory_space<vmem>> -> memref<1x1x128x128xi32, #tpu.memory_space<vmem>>
          %dma_wait3A_683 = tpu.memref_squeeze %dma_wait3A_682 : memref<1x1x128x128xi32, #tpu.memory_space<vmem>> -> memref<1x128x128xi32, #tpu.memory_space<vmem>>
          %dma_wait3A_684 = arith.constant 0 : i32
          %dma_wait3A_685 = tpu.memref_slice %arg4[%mul3A_676, %mul3A_678, %dma_wait3A_684] : memref<9x4096x128xi32, #tpu.memory_space<hbm>> -> memref<1x128x128xi32, #tpu.memory_space<hbm>>
          %dma_wait3A_686 = tpu.memref_slice %run_scoped3A_9[%rem3A_634] : memref<2x!tpu.dma_semaphore, #tpu.memory_space<semaphore_mem>> -> memref<1x!tpu.dma_semaphore, #tpu.memory_space<semaphore_mem>>
          %dma_wait3A_687 = tpu.memref_squeeze %dma_wait3A_686 : memref<1x!tpu.dma_semaphore, #tpu.memory_space<semaphore_mem>> -> memref<!tpu.dma_semaphore, #tpu.memory_space<semaphore_mem>>
          %dma_wait3A_688 = arith.constant 0 : i32
          %dma_wait3A_689 = tpu.memref_slice %arg4[%mul3A_676, %mul3A_678, %dma_wait3A_688] : memref<9x4096x128xi32, #tpu.memory_space<hbm>> -> memref<1x128x128xi32, #tpu.memory_space<hbm>>
          %dma_wait3A_690 = arith.constant 0 : i32
          %dma_wait3A_691 = arith.constant 0 : i32
          %dma_wait3A_692 = arith.constant 0 : i32
          %dma_wait3A_693 = tpu.memref_slice %run_scoped3A_8[%rem3A_634, %dma_wait3A_690, %dma_wait3A_691, %dma_wait3A_692] : memref<2x1x128x128xi32, #tpu.memory_space<vmem>> -> memref<1x1x128x128xi32, #tpu.memory_space<vmem>>
          %dma_wait3A_694 = tpu.memref_squeeze %dma_wait3A_693 : memref<1x1x128x128xi32, #tpu.memory_space<vmem>> -> memref<1x128x128xi32, #tpu.memory_space<vmem>>
          tpu.wait_dma2 semaphore(%dma_wait3A_687 : memref<!tpu.dma_semaphore, #tpu.memory_space<semaphore_mem>>) src(%dma_wait3A_694 : memref<1x128x128xi32, #tpu.memory_space<vmem>>) dst(%dma_wait3A_689 : memref<1x128x128xi32, #tpu.memory_space<hbm>>)
          "tpu.trace_stop"() : () -> ()
        } else {
        }
        %and3A_613 = arith.constant true
        %and3A_614 = arith.andi %and3A_609, %and3A_613 : i1
        %add3A_615 = arith.constant 1 : i32
        %add3A_616 = arith.addi %scan3A_163, %add3A_615 : i32
        %select_n3A_617 = arith.select %and3A_614, %add3A_616, %scan3A_163 : i32
        %ne3A_618 = arith.cmpi ne, %add3A_169, %add3A_187 : i32
        %or3A_619 = arith.constant false
        %or3A_620 = arith.ori %or3A_619, %ne3A_618 : i1
        %or3A_621 = arith.ori %or3A_620, %eq3A_168 : i1
        %add3A_622 = arith.constant 1 : i32
        %add3A_623 = arith.addi %scan3A_161, %add3A_622 : i32
        %select_n3A_624 = arith.select %or3A_621, %add3A_623, %scan3A_161 : i32
        %add3A_625 = arith.constant 1 : i32
        %add3A_626 = arith.addi %scan3A_164, %add3A_625 : i32
        %select_n3A_627 = arith.constant true
        %select_n3A_628 = arith.select %select_n3A_627, %add3A_626, %scan3A_164 : i32
        %eq3A_629 = arith.constant 9 : i32
        %eq3A_630 = arith.cmpi eq, %select_n3A_628, %eq3A_629 : i32
        %select_n3A_631 = arith.constant 0 : i32
        %select_n3A_632 = arith.select %eq3A_630, %select_n3A_631, %select_n3A_628 : i32
        scf.yield %select_n3A_207, %select_n3A_624, %select_n3A_508, %select_n3A_617, %select_n3A_632 : i32, i32, i32, i32, i32
      }
      %scan3A_68 = arith.constant 9 : i32
      %sub3A = arith.constant 1 : i32
      %sub3A_69 = arith.subi %scan3A_67#4, %sub3A : i32
      %select_n3A_70 = arith.constant true
      %select_n3A_71 = arith.select %select_n3A_70, %sub3A_69, %scan3A_67#4 : i32
      %eq3A_72 = arith.constant -1 : i32
      %eq3A_73 = arith.cmpi eq, %select_n3A_71, %eq3A_72 : i32
      %select_n3A_74 = arith.constant 8 : i32
      %select_n3A_75 = arith.select %eq3A_73, %select_n3A_74, %select_n3A_71 : i32
      %add3A_76 = arith.addi %select_n3A_75, %mul3A_6 : i32
      %sub3A_77 = arith.constant 1 : i32
      %sub3A_78 = arith.subi %select_n3A_75, %sub3A_77 : i32
      %select_n3A_79 = arith.constant true
      %select_n3A_80 = arith.select %select_n3A_79, %sub3A_78, %select_n3A_75 : i32
      %eq3A_81 = arith.constant -1 : i32
      %eq3A_82 = arith.cmpi eq, %select_n3A_80, %eq3A_81 : i32
      %select_n3A_83 = arith.constant 8 : i32
      %select_n3A_84 = arith.select %eq3A_82, %select_n3A_83, %select_n3A_80 : i32
      %add3A_85 = arith.addi %select_n3A_84, %mul3A_6 : i32
      %add3A_86 = arith.constant 1 : i32
      %add3A_87 = arith.addi %select_n3A_75, %add3A_86 : i32
      %select_n3A_88 = arith.constant true
      %select_n3A_89 = arith.select %select_n3A_88, %add3A_87, %select_n3A_75 : i32
      %eq3A_90 = arith.constant 9 : i32
      %eq3A_91 = arith.cmpi eq, %select_n3A_89, %eq3A_90 : i32
      %select_n3A_92 = arith.constant 0 : i32
      %select_n3A_93 = arith.select %eq3A_91, %select_n3A_92, %select_n3A_89 : i32
      %add3A_94 = arith.addi %select_n3A_93, %mul3A_6 : i32
      %add3A_95 = arith.constant 1 : i32
      %add3A_96 = arith.addi %select_n3A_93, %add3A_95 : i32
      %select_n3A_97 = arith.constant true
      %select_n3A_98 = arith.select %select_n3A_97, %add3A_96, %select_n3A_93 : i32
      %eq3A_99 = arith.constant 9 : i32
      %eq3A_100 = arith.cmpi eq, %select_n3A_98, %eq3A_99 : i32
      %select_n3A_101 = arith.constant 0 : i32
      %select_n3A_102 = arith.select %eq3A_100, %select_n3A_101, %select_n3A_98 : i32
      %add3A_103 = arith.addi %select_n3A_102, %mul3A_6 : i32
      "tpu.trace_start"() <{level = 10 : i32, message = "ep_finalize"}> : () -> ()
      %rem3A_104 = arith.constant 2 : i32
      %rem3A_105 = arith.remui %scan3A_67#3, %rem3A_104 : i32
      %jit3A = arith.constant 32 : i32
      %div3A = arith.divsi %add3A_76, %jit3A : i32
      %sign3A = arith.constant 0 : i32
      %sign3A_106 = arith.cmpi sgt, %add3A_76, %sign3A : i32
      %sign3A_107 = arith.extui %sign3A_106 : i1 to i32
      %sign3A_108 = arith.constant 0 : i32
      %sign3A_109 = arith.cmpi slt, %add3A_76, %sign3A_108 : i32
      %sign3A_110 = arith.extui %sign3A_109 : i1 to i32
      %sign3A_111 = arith.subi %sign3A_107, %sign3A_110 : i32
      %sign3A_112 = arith.constant 0 : i32
      %sign3A_113 = arith.cmpi sgt, %jit3A, %sign3A_112 : i32
      %sign3A_114 = arith.extui %sign3A_113 : i1 to i32
      %sign3A_115 = arith.constant 0 : i32
      %sign3A_116 = arith.cmpi slt, %jit3A, %sign3A_115 : i32
      %sign3A_117 = arith.extui %sign3A_116 : i1 to i32
      %sign3A_118 = arith.subi %sign3A_114, %sign3A_117 : i32
      %ne3A = arith.cmpi ne, %sign3A_111, %sign3A_118 : i32
      %rem3A_119 = arith.remsi %add3A_76, %jit3A : i32
      %ne3A_120 = arith.constant 0 : i32
      %ne3A_121 = arith.cmpi ne, %rem3A_119, %ne3A_120 : i32
      %and3A = arith.andi %ne3A, %ne3A_121 : i1
      %sub3A_122 = arith.constant 1 : i32
      %sub3A_123 = arith.subi %div3A, %sub3A_122 : i32
      %select_n3A_124 = arith.select %and3A, %sub3A_123, %div3A : i32
      %jit3A_125 = arith.constant 32 : i32
      %eq3A_126 = arith.constant 0 : i32
      %eq3A_127 = arith.cmpi eq, %jit3A_125, %eq3A_126 : i32
      %jit3A_128 = arith.constant 1 : i32
      %select_n3A_129 = arith.select %eq3A_127, %jit3A_128, %jit3A_125 : i32
      %rem3A_130 = arith.remsi %add3A_76, %select_n3A_129 : i32
      %ne3A_131 = arith.constant 0 : i32
      %ne3A_132 = arith.cmpi ne, %rem3A_130, %ne3A_131 : i32
      %lt3A = arith.constant 0 : i32
      %lt3A_133 = arith.cmpi slt, %rem3A_130, %lt3A : i32
      %lt3A_134 = arith.constant 0 : i32
      %lt3A_135 = arith.cmpi slt, %select_n3A_129, %lt3A_134 : i32
      %ne3A_136 = arith.xori %lt3A_133, %lt3A_135 : i1
      %and3A_137 = arith.andi %ne3A_136, %ne3A_132 : i1
      %add3A_138 = arith.addi %rem3A_130, %select_n3A_129 : i32
      %select_n3A_139 = arith.select %and3A_137, %add3A_138, %rem3A_130 : i32
      %mul3A_140 = arith.constant 1 : i32
      %mul3A_141 = arith.muli %mul3A_140, %select_n3A_124 : i32
      %mul3A_142 = arith.constant 128 : i32
      %mul3A_143 = arith.muli %mul3A_142, %select_n3A_139 : i32
      %dma_wait3A = arith.constant 0 : i32
      %dma_wait3A_144 = arith.constant 0 : i32
      %dma_wait3A_145 = arith.constant 0 : i32
      %dma_wait3A_146 = tpu.memref_slice %run_scoped3A_8[%rem3A_105, %dma_wait3A, %dma_wait3A_144, %dma_wait3A_145] : memref<2x1x128x128xi32, #tpu.memory_space<vmem>> -> memref<1x1x128x128xi32, #tpu.memory_space<vmem>>
      %dma_wait3A_147 = tpu.memref_squeeze %dma_wait3A_146 : memref<1x1x128x128xi32, #tpu.memory_space<vmem>> -> memref<1x128x128xi32, #tpu.memory_space<vmem>>
      %dma_wait3A_148 = arith.constant 0 : i32
      %dma_wait3A_149 = tpu.memref_slice %arg4[%mul3A_141, %mul3A_143, %dma_wait3A_148] : memref<9x4096x128xi32, #tpu.memory_space<hbm>> -> memref<1x128x128xi32, #tpu.memory_space<hbm>>
      %dma_wait3A_150 = tpu.memref_slice %run_scoped3A_9[%rem3A_105] : memref<2x!tpu.dma_semaphore, #tpu.memory_space<semaphore_mem>> -> memref<1x!tpu.dma_semaphore, #tpu.memory_space<semaphore_mem>>
      %dma_wait3A_151 = tpu.memref_squeeze %dma_wait3A_150 : memref<1x!tpu.dma_semaphore, #tpu.memory_space<semaphore_mem>> -> memref<!tpu.dma_semaphore, #tpu.memory_space<semaphore_mem>>
      %dma_wait3A_152 = arith.constant 0 : i32
      %dma_wait3A_153 = tpu.memref_slice %arg4[%mul3A_141, %mul3A_143, %dma_wait3A_152] : memref<9x4096x128xi32, #tpu.memory_space<hbm>> -> memref<1x128x128xi32, #tpu.memory_space<hbm>>
      %dma_wait3A_154 = arith.constant 0 : i32
      %dma_wait3A_155 = arith.constant 0 : i32
      %dma_wait3A_156 = arith.constant 0 : i32
      %dma_wait3A_157 = tpu.memref_slice %run_scoped3A_8[%rem3A_105, %dma_wait3A_154, %dma_wait3A_155, %dma_wait3A_156] : memref<2x1x128x128xi32, #tpu.memory_space<vmem>> -> memref<1x1x128x128xi32, #tpu.memory_space<vmem>>
      %dma_wait3A_158 = tpu.memref_squeeze %dma_wait3A_157 : memref<1x1x128x128xi32, #tpu.memory_space<vmem>> -> memref<1x128x128xi32, #tpu.memory_space<vmem>>
      tpu.wait_dma2 semaphore(%dma_wait3A_151 : memref<!tpu.dma_semaphore, #tpu.memory_space<semaphore_mem>>) src(%dma_wait3A_158 : memref<1x128x128xi32, #tpu.memory_space<vmem>>) dst(%dma_wait3A_153 : memref<1x128x128xi32, #tpu.memory_space<hbm>>)
      "tpu.trace_stop"() : () -> ()
      tpu.yield
    }) : () -> ()
    return
  }
}

#map = affine_map<(d0, d1) -> (0, 0)>
#map1 = affine_map<(d0, d1) -> (0, 0, 0)>
module attributes {stable_mosaic.version = 14 : i64} {
  func.func @gather_kernel(%arg0: i32, %arg1: i32, %arg2: memref<115200x128xi32, #tpu.memory_space<hbm>>, %arg3: memref<1x36864xi32, #tpu.memory_space<hbm>>, %arg4: memref<9x4096x128xi32, #tpu.memory_space<hbm>>) attributes {dimension_semantics = [#tpu.dimension_semantics<core_parallel>, #tpu.dimension_semantics<subcore_parallel>], iteration_bounds = array<i64: 2, 16>, scalar_prefetch = 0 : i64, scratch_operands = 0 : i64, tpu.core_type = #tpu.core_type<sc_vector_subcore>, window_params = [{transform_indices = #map}, {transform_indices = #map}, {transform_indices = #map1}]} {
    %mul3A = arith.constant 1 : i32
    %mul3A_0 = arith.muli %arg1, %mul3A : i32
    %add3A = arith.constant 0 : i32
    %add3A_1 = arith.addi %add3A, %mul3A_0 : i32
    %mul3A_2 = arith.constant 16 : i32
    %mul3A_3 = arith.muli %arg0, %mul3A_2 : i32
    %add3A_4 = arith.addi %add3A_1, %mul3A_3 : i32
    %mul3A_5 = arith.constant 9 : i32
    %mul3A_6 = arith.muli %add3A_4, %mul3A_5 : i32
    "tpu.region"() ({
      %run_scoped3A = memref.alloca() : memref<2x1x128xi32, #tpu.memory_space<vmem>>
      %run_scoped3A_7 = tpu.sem_alloc : memref<2x!tpu.dma_semaphore, #tpu.memory_space<semaphore_mem>>
      %run_scoped3A_8 = memref.alloca() : memref<2x1x128x128xi32, #tpu.memory_space<vmem>>
      %run_scoped3A_9 = tpu.sem_alloc : memref<2x!tpu.dma_semaphore, #tpu.memory_space<semaphore_mem>>
      %add3A_10 = arith.constant 0 : i32
      %add3A_11 = arith.addi %add3A_10, %mul3A_6 : i32
      %select_n3A = arith.constant true
      %select_n3A_12 = arith.constant 0 : i32
      %select_n3A_13 = arith.constant -1 : i32
      %select_n3A_14 = arith.select %select_n3A, %select_n3A_13, %select_n3A_12 : i32
      %eq3A = arith.constant -1 : i32
      %eq3A_15 = arith.cmpi eq, %select_n3A_14, %eq3A : i32
      %select_n3A_16 = arith.constant 8 : i32
      %select_n3A_17 = arith.select %eq3A_15, %select_n3A_16, %select_n3A_14 : i32
      %add3A_18 = arith.addi %select_n3A_17, %mul3A_6 : i32
      %select_n3A_19 = arith.constant true
      %select_n3A_20 = arith.constant 0 : i32
      %select_n3A_21 = arith.constant 1 : i32
      %select_n3A_22 = arith.select %select_n3A_19, %select_n3A_21, %select_n3A_20 : i32
      %eq3A_23 = arith.constant 9 : i32
      %eq3A_24 = arith.cmpi eq, %select_n3A_22, %eq3A_23 : i32
      %select_n3A_25 = arith.constant 0 : i32
      %select_n3A_26 = arith.select %eq3A_24, %select_n3A_25, %select_n3A_22 : i32
      %add3A_27 = arith.addi %select_n3A_26, %mul3A_6 : i32
      %add3A_28 = arith.constant 1 : i32
      %add3A_29 = arith.addi %select_n3A_26, %add3A_28 : i32
      %select_n3A_30 = arith.constant true
      %select_n3A_31 = arith.select %select_n3A_30, %add3A_29, %select_n3A_26 : i32
      %eq3A_32 = arith.constant 9 : i32
      %eq3A_33 = arith.cmpi eq, %select_n3A_31, %eq3A_32 : i32
      %select_n3A_34 = arith.constant 0 : i32
      %select_n3A_35 = arith.select %eq3A_33, %select_n3A_34, %select_n3A_31 : i32
      %add3A_36 = arith.addi %select_n3A_35, %mul3A_6 : i32
      "tpu.trace_start"() <{level = 10 : i32, message = "ep_initialize_0"}> : () -> ()
      %rem3A = arith.constant 0 : i32
      %rem3A_37 = arith.constant 2 : i32
      %rem3A_38 = arith.remui %rem3A, %rem3A_37 : i32
      %mul3A_39 = arith.constant 128 : i32
      %mul3A_40 = arith.muli %mul3A_39, %add3A_11 : i32
      %dma_start3A = arith.constant 0 : i32
      %dma_start3A_41 = arith.constant 0 : i32
      %dma_start3A_42 = tpu.memref_slice %run_scoped3A[%rem3A_38, %dma_start3A, %dma_start3A_41] : memref<2x1x128xi32, #tpu.memory_space<vmem>> -> memref<1x1x128xi32, #tpu.memory_space<vmem>>
      %dma_start3A_43 = tpu.memref_squeeze %dma_start3A_42 : memref<1x1x128xi32, #tpu.memory_space<vmem>> -> memref<1x128xi32, #tpu.memory_space<vmem>>
      %dma_start3A_44 = arith.constant 0 : i32
      %dma_start3A_45 = tpu.memref_slice %arg3[%dma_start3A_44, %mul3A_40] : memref<1x36864xi32, #tpu.memory_space<hbm>> -> memref<1x128xi32, #tpu.memory_space<hbm>>
      %dma_start3A_46 = tpu.memref_slice %run_scoped3A_7[%rem3A_38] : memref<2x!tpu.dma_semaphore, #tpu.memory_space<semaphore_mem>> -> memref<1x!tpu.dma_semaphore, #tpu.memory_space<semaphore_mem>>
      %dma_start3A_47 = tpu.memref_squeeze %dma_start3A_46 : memref<1x!tpu.dma_semaphore, #tpu.memory_space<semaphore_mem>> -> memref<!tpu.dma_semaphore, #tpu.memory_space<semaphore_mem>>
      %dma_start3A_48 = arith.constant 0 : i32
      %dma_start3A_49 = arith.constant 0 : i32
      %dma_start3A_50 = tpu.memref_slice %run_scoped3A[%rem3A_38, %dma_start3A_48, %dma_start3A_49] : memref<2x1x128xi32, #tpu.memory_space<vmem>> -> memref<1x1x128xi32, #tpu.memory_space<vmem>>
      %dma_start3A_51 = tpu.memref_squeeze %dma_start3A_50 : memref<1x1x128xi32, #tpu.memory_space<vmem>> -> memref<1x128xi32, #tpu.memory_space<vmem>>
      %dma_start3A_52 = arith.constant 0 : i32
      %dma_start3A_53 = tpu.memref_slice %arg3[%dma_start3A_52, %mul3A_40] : memref<1x36864xi32, #tpu.memory_space<hbm>> -> memref<1x128xi32, #tpu.memory_space<hbm>>
      tpu.enqueue_dma source(%dma_start3A_53 : memref<1x128xi32, #tpu.memory_space<hbm>>) target(%dma_start3A_51 : memref<1x128xi32, #tpu.memory_space<vmem>>) target_semaphore(%dma_start3A_47 : memref<!tpu.dma_semaphore, #tpu.memory_space<semaphore_mem>>)
      %add3A_54 = arith.constant 0 : i32
      %add3A_55 = arith.constant 1 : i32
      %add3A_56 = arith.addi %add3A_54, %add3A_55 : i32
      %select_n3A_57 = arith.constant true
      %select_n3A_58 = arith.constant 0 : i32
      %select_n3A_59 = arith.select %select_n3A_57, %add3A_56, %select_n3A_58 : i32
      "tpu.trace_stop"() : () -> ()
      %scan3A = arith.constant 0 : i32
      %scan3A_60 = arith.constant 0 : i32
      %scan3A_61 = arith.constant 0 : i32
      %scan3A_62 = arith.constant 0 : i32
      %scan3A_63 = arith.constant 0 : i32
      %scan3A_64 = arith.constant 9 : i32
      %scan3A_65 = arith.addi %scan3A_63, %scan3A_64 : i32
      %scan3A_66 = arith.constant 1 : i32
      %scan3A_67:5 = scf.for %scan3A_159 = %scan3A_63 to %scan3A_65 step %scan3A_66 iter_args(%scan3A_160 = %select_n3A_59, %scan3A_161 = %scan3A, %scan3A_162 = %scan3A_60, %scan3A_163 = %scan3A_61, %scan3A_164 = %scan3A_62) -> (i32, i32, i32, i32, i32)  : i32 {
        %eq3A_165 = arith.constant 0 : i32
        %eq3A_166 = arith.cmpi eq, %scan3A_159, %eq3A_165 : i32
        %eq3A_167 = arith.constant 8 : i32
        %eq3A_168 = arith.cmpi eq, %scan3A_159, %eq3A_167 : i32
        %add3A_169 = arith.addi %scan3A_164, %mul3A_6 : i32
        %sub3A_170 = arith.constant 1 : i32
        %sub3A_171 = arith.subi %scan3A_164, %sub3A_170 : i32
        %select_n3A_172 = arith.constant true
        %select_n3A_173 = arith.select %select_n3A_172, %sub3A_171, %scan3A_164 : i32
        %eq3A_174 = arith.constant -1 : i32
        %eq3A_175 = arith.cmpi eq, %select_n3A_173, %eq3A_174 : i32
        %select_n3A_176 = arith.constant 8 : i32
        %select_n3A_177 = arith.select %eq3A_175, %select_n3A_176, %select_n3A_173 : i32
        %add3A_178 = arith.addi %select_n3A_177, %mul3A_6 : i32
        %add3A_179 = arith.constant 1 : i32
        %add3A_180 = arith.addi %scan3A_164, %add3A_179 : i32
        %select_n3A_181 = arith.constant true
        %select_n3A_182 = arith.select %select_n3A_181, %add3A_180, %scan3A_164 : i32
        %eq3A_183 = arith.constant 9 : i32
        %eq3A_184 = arith.cmpi eq, %select_n3A_182, %eq3A_183 : i32
        %select_n3A_185 = arith.constant 0 : i32
        %select_n3A_186 = arith.select %eq3A_184, %select_n3A_185, %select_n3A_182 : i32
        %add3A_187 = arith.addi %select_n3A_186, %mul3A_6 : i32
        %add3A_188 = arith.constant 1 : i32
        %add3A_189 = arith.addi %select_n3A_186, %add3A_188 : i32
        %select_n3A_190 = arith.constant true
        %select_n3A_191 = arith.select %select_n3A_190, %add3A_189, %select_n3A_186 : i32
        %eq3A_192 = arith.constant 9 : i32
        %eq3A_193 = arith.cmpi eq, %select_n3A_191, %eq3A_192 : i32
        %select_n3A_194 = arith.constant 0 : i32
        %select_n3A_195 = arith.select %eq3A_193, %select_n3A_194, %select_n3A_191 : i32
        %add3A_196 = arith.addi %select_n3A_195, %mul3A_6 : i32
        %ne3A_197 = arith.cmpi ne, %add3A_169, %add3A_187 : i32
        %or3A = arith.constant false
        %or3A_198 = arith.ori %or3A, %ne3A_197 : i1
        %ge3A = arith.constant 8 : i32
        %ge3A_199 = arith.cmpi sge, %scan3A_159, %ge3A : i32
        %not3A = arith.constant true
        %not3A_200 = arith.xori %ge3A_199, %not3A : i1
        %and3A_201 = arith.andi %or3A_198, %not3A_200 : i1
        %convert_element_type3A = arith.extui %and3A_201 : i1 to i32
        %cond3A = arith.constant 0 : i32
        %cond3A_202 = arith.cmpi ne, %convert_element_type3A, %cond3A : i32
        scf.if %cond3A_202 {
          "tpu.trace_start"() <{level = 10 : i32, message = "ep_copy_in"}> : () -> ()
          %rem3A_633 = arith.constant 2 : i32
          %rem3A_634 = arith.remui %scan3A_160, %rem3A_633 : i32
          %mul3A_635 = arith.constant 128 : i32
          %mul3A_636 = arith.muli %mul3A_635, %add3A_187 : i32
          %dma_start3A_637 = arith.constant 0 : i32
          %dma_start3A_638 = arith.constant 0 : i32
          %dma_start3A_639 = tpu.memref_slice %run_scoped3A[%rem3A_634, %dma_start3A_637, %dma_start3A_638] : memref<2x1x128xi32, #tpu.memory_space<vmem>> -> memref<1x1x128xi32, #tpu.memory_space<vmem>>
          %dma_start3A_640 = tpu.memref_squeeze %dma_start3A_639 : memref<1x1x128xi32, #tpu.memory_space<vmem>> -> memref<1x128xi32, #tpu.memory_space<vmem>>
          %dma_start3A_641 = arith.constant 0 : i32
          %dma_start3A_642 = tpu.memref_slice %arg3[%dma_start3A_641, %mul3A_636] : memref<1x36864xi32, #tpu.memory_space<hbm>> -> memref<1x128xi32, #tpu.memory_space<hbm>>
          %dma_start3A_643 = tpu.memref_slice %run_scoped3A_7[%rem3A_634] : memref<2x!tpu.dma_semaphore, #tpu.memory_space<semaphore_mem>> -> memref<1x!tpu.dma_semaphore, #tpu.memory_space<semaphore_mem>>
          %dma_start3A_644 = tpu.memref_squeeze %dma_start3A_643 : memref<1x!tpu.dma_semaphore, #tpu.memory_space<semaphore_mem>> -> memref<!tpu.dma_semaphore, #tpu.memory_space<semaphore_mem>>
          %dma_start3A_645 = arith.constant 0 : i32
          %dma_start3A_646 = arith.constant 0 : i32
          %dma_start3A_647 = tpu.memref_slice %run_scoped3A[%rem3A_634, %dma_start3A_645, %dma_start3A_646] : memref<2x1x128xi32, #tpu.memory_space<vmem>> -> memref<1x1x128xi32, #tpu.memory_space<vmem>>
          %dma_start3A_648 = tpu.memref_squeeze %dma_start3A_647 : memref<1x1x128xi32, #tpu.memory_space<vmem>> -> memref<1x128xi32, #tpu.memory_space<vmem>>
          %dma_start3A_649 = arith.constant 0 : i32
          %dma_start3A_650 = tpu.memref_slice %arg3[%dma_start3A_649, %mul3A_636] : memref<1x36864xi32, #tpu.memory_space<hbm>> -> memref<1x128xi32, #tpu.memory_space<hbm>>
          tpu.enqueue_dma source(%dma_start3A_650 : memref<1x128xi32, #tpu.memory_space<hbm>>) target(%dma_start3A_648 : memref<1x128xi32, #tpu.memory_space<vmem>>) target_semaphore(%dma_start3A_644 : memref<!tpu.dma_semaphore, #tpu.memory_space<semaphore_mem>>)
          "tpu.trace_stop"() : () -> ()
        } else {
        }
        %and3A_203 = arith.constant true
        %and3A_204 = arith.andi %and3A_201, %and3A_203 : i1
        %add3A_205 = arith.constant 1 : i32
        %add3A_206 = arith.addi %scan3A_160, %add3A_205 : i32
        %select_n3A_207 = arith.select %and3A_204, %add3A_206, %scan3A_160 : i32
        %jit3A_208 = arith.constant 32 : i32
        %div3A_209 = arith.divsi %add3A_169, %jit3A_208 : i32
        %sign3A_210 = arith.constant 0 : i32
        %sign3A_211 = arith.cmpi sgt, %add3A_169, %sign3A_210 : i32
        %sign3A_212 = arith.extui %sign3A_211 : i1 to i32
        %sign3A_213 = arith.constant 0 : i32
        %sign3A_214 = arith.cmpi slt, %add3A_169, %sign3A_213 : i32
        %sign3A_215 = arith.extui %sign3A_214 : i1 to i32
        %sign3A_216 = arith.subi %sign3A_212, %sign3A_215 : i32
        %sign3A_217 = arith.constant 0 : i32
        %sign3A_218 = arith.cmpi sgt, %jit3A_208, %sign3A_217 : i32
        %sign3A_219 = arith.extui %sign3A_218 : i1 to i32
        %sign3A_220 = arith.constant 0 : i32
        %sign3A_221 = arith.cmpi slt, %jit3A_208, %sign3A_220 : i32
        %sign3A_222 = arith.extui %sign3A_221 : i1 to i32
        %sign3A_223 = arith.subi %sign3A_219, %sign3A_222 : i32
        %ne3A_224 = arith.cmpi ne, %sign3A_216, %sign3A_223 : i32
        %rem3A_225 = arith.remsi %add3A_169, %jit3A_208 : i32
        %ne3A_226 = arith.constant 0 : i32
        %ne3A_227 = arith.cmpi ne, %rem3A_225, %ne3A_226 : i32
        %and3A_228 = arith.andi %ne3A_224, %ne3A_227 : i1
        %sub3A_229 = arith.constant 1 : i32
        %sub3A_230 = arith.subi %div3A_209, %sub3A_229 : i32
        %select_n3A_231 = arith.select %and3A_228, %sub3A_230, %div3A_209 : i32
        %jit3A_232 = arith.constant 32 : i32
        %eq3A_233 = arith.constant 0 : i32
        %eq3A_234 = arith.cmpi eq, %jit3A_232, %eq3A_233 : i32
        %jit3A_235 = arith.constant 1 : i32
        %select_n3A_236 = arith.select %eq3A_234, %jit3A_235, %jit3A_232 : i32
        %rem3A_237 = arith.remsi %add3A_169, %select_n3A_236 : i32
        %ne3A_238 = arith.constant 0 : i32
        %ne3A_239 = arith.cmpi ne, %rem3A_237, %ne3A_238 : i32
        %lt3A_240 = arith.constant 0 : i32
        %lt3A_241 = arith.cmpi slt, %rem3A_237, %lt3A_240 : i32
        %lt3A_242 = arith.constant 0 : i32
        %lt3A_243 = arith.cmpi slt, %select_n3A_236, %lt3A_242 : i32
        %ne3A_244 = arith.xori %lt3A_241, %lt3A_243 : i1
        %and3A_245 = arith.andi %ne3A_244, %ne3A_239 : i1
        %add3A_246 = arith.addi %rem3A_237, %select_n3A_236 : i32
        %select_n3A_247 = arith.select %and3A_245, %add3A_246, %rem3A_237 : i32
        %jit3A_248 = arith.constant 32 : i32
        %div3A_249 = arith.divsi %add3A_187, %jit3A_248 : i32
        %sign3A_250 = arith.constant 0 : i32
        %sign3A_251 = arith.cmpi sgt, %add3A_187, %sign3A_250 : i32
        %sign3A_252 = arith.extui %sign3A_251 : i1 to i32
        %sign3A_253 = arith.constant 0 : i32
        %sign3A_254 = arith.cmpi slt, %add3A_187, %sign3A_253 : i32
        %sign3A_255 = arith.extui %sign3A_254 : i1 to i32
        %sign3A_256 = arith.subi %sign3A_252, %sign3A_255 : i32
        %sign3A_257 = arith.constant 0 : i32
        %sign3A_258 = arith.cmpi sgt, %jit3A_248, %sign3A_257 : i32
        %sign3A_259 = arith.extui %sign3A_258 : i1 to i32
        %sign3A_260 = arith.constant 0 : i32
        %sign3A_261 = arith.cmpi slt, %jit3A_248, %sign3A_260 : i32
        %sign3A_262 = arith.extui %sign3A_261 : i1 to i32
        %sign3A_263 = arith.subi %sign3A_259, %sign3A_262 : i32
        %ne3A_264 = arith.cmpi ne, %sign3A_256, %sign3A_263 : i32
        %rem3A_265 = arith.remsi %add3A_187, %jit3A_248 : i32
        %ne3A_266 = arith.constant 0 : i32
        %ne3A_267 = arith.cmpi ne, %rem3A_265, %ne3A_266 : i32
        %and3A_268 = arith.andi %ne3A_264, %ne3A_267 : i1
        %sub3A_269 = arith.constant 1 : i32
        %sub3A_270 = arith.subi %div3A_249, %sub3A_269 : i32
        %select_n3A_271 = arith.select %and3A_268, %sub3A_270, %div3A_249 : i32
        %jit3A_272 = arith.constant 32 : i32
        %eq3A_273 = arith.constant 0 : i32
        %eq3A_274 = arith.cmpi eq, %jit3A_272, %eq3A_273 : i32
        %jit3A_275 = arith.constant 1 : i32
        %select_n3A_276 = arith.select %eq3A_274, %jit3A_275, %jit3A_272 : i32
        %rem3A_277 = arith.remsi %add3A_187, %select_n3A_276 : i32
        %ne3A_278 = arith.constant 0 : i32
        %ne3A_279 = arith.cmpi ne, %rem3A_277, %ne3A_278 : i32
        %lt3A_280 = arith.constant 0 : i32
        %lt3A_281 = arith.cmpi slt, %rem3A_277, %lt3A_280 : i32
        %lt3A_282 = arith.constant 0 : i32
        %lt3A_283 = arith.cmpi slt, %select_n3A_276, %lt3A_282 : i32
        %ne3A_284 = arith.xori %lt3A_281, %lt3A_283 : i1
        %and3A_285 = arith.andi %ne3A_284, %ne3A_279 : i1
        %add3A_286 = arith.addi %rem3A_277, %select_n3A_276 : i32
        %select_n3A_287 = arith.select %and3A_285, %add3A_286, %rem3A_277 : i32
        %ne3A_288 = arith.cmpi ne, %select_n3A_231, %select_n3A_271 : i32
        %ne3A_289 = arith.cmpi ne, %select_n3A_247, %select_n3A_287 : i32
        %or3A_290 = arith.constant false
        %or3A_291 = arith.ori %or3A_290, %ne3A_288 : i1
        %or3A_292 = arith.ori %or3A_291, %ne3A_289 : i1
        %or3A_293 = arith.constant false
        %or3A_294 = arith.ori %or3A_292, %or3A_293 : i1
        %ge3A_295 = arith.constant 8 : i32
        %ge3A_296 = arith.cmpi sge, %scan3A_159, %ge3A_295 : i32
        %not3A_297 = arith.constant true
        %not3A_298 = arith.xori %ge3A_296, %not3A_297 : i1
        %and3A_299 = arith.andi %or3A_294, %not3A_298 : i1
        %ne3A_300 = arith.cmpi ne, %add3A_169, %add3A_178 : i32
        %or3A_301 = arith.constant false
        %or3A_302 = arith.ori %or3A_301, %ne3A_300 : i1
        %or3A_303 = arith.ori %or3A_302, %eq3A_166 : i1
        %convert_element_type3A_304 = arith.extui %or3A_303 : i1 to i32
        %cond3A_305 = arith.constant 0 : i32
        %cond3A_306 = arith.cmpi ne, %convert_element_type3A_304, %cond3A_305 : i32
        scf.if %cond3A_306 {
          "tpu.trace_start"() <{level = 10 : i32, message = "ep_wait_in"}> : () -> ()
          %mul3A_633 = arith.constant 128 : i32
          %mul3A_634 = arith.muli %mul3A_633, %add3A_169 : i32
          %rem3A_635 = arith.constant 2 : i32
          %rem3A_636 = arith.remui %scan3A_161, %rem3A_635 : i32
          %dma_wait3A_637 = arith.constant 0 : i32
          %dma_wait3A_638 = arith.constant 0 : i32
          %dma_wait3A_639 = tpu.memref_slice %run_scoped3A[%rem3A_636, %dma_wait3A_637, %dma_wait3A_638] : memref<2x1x128xi32, #tpu.memory_space<vmem>> -> memref<1x1x128xi32, #tpu.memory_space<vmem>>
          %dma_wait3A_640 = tpu.memref_squeeze %dma_wait3A_639 : memref<1x1x128xi32, #tpu.memory_space<vmem>> -> memref<1x128xi32, #tpu.memory_space<vmem>>
          %dma_wait3A_641 = arith.constant 0 : i32
          %dma_wait3A_642 = tpu.memref_slice %arg3[%dma_wait3A_641, %mul3A_634] : memref<1x36864xi32, #tpu.memory_space<hbm>> -> memref<1x128xi32, #tpu.memory_space<hbm>>
          %dma_wait3A_643 = tpu.memref_slice %run_scoped3A_7[%rem3A_636] : memref<2x!tpu.dma_semaphore, #tpu.memory_space<semaphore_mem>> -> memref<1x!tpu.dma_semaphore, #tpu.memory_space<semaphore_mem>>
          %dma_wait3A_644 = tpu.memref_squeeze %dma_wait3A_643 : memref<1x!tpu.dma_semaphore, #tpu.memory_space<semaphore_mem>> -> memref<!tpu.dma_semaphore, #tpu.memory_space<semaphore_mem>>
          %dma_wait3A_645 = arith.constant 0 : i32
          %dma_wait3A_646 = arith.constant 0 : i32
          %dma_wait3A_647 = tpu.memref_slice %run_scoped3A[%rem3A_636, %dma_wait3A_645, %dma_wait3A_646] : memref<2x1x128xi32, #tpu.memory_space<vmem>> -> memref<1x1x128xi32, #tpu.memory_space<vmem>>
          %dma_wait3A_648 = tpu.memref_squeeze %dma_wait3A_647 : memref<1x1x128xi32, #tpu.memory_space<vmem>> -> memref<1x128xi32, #tpu.memory_space<vmem>>
          %dma_wait3A_649 = arith.constant 0 : i32
          %dma_wait3A_650 = tpu.memref_slice %arg3[%dma_wait3A_649, %mul3A_634] : memref<1x36864xi32, #tpu.memory_space<hbm>> -> memref<1x128xi32, #tpu.memory_space<hbm>>
          tpu.wait_dma2 semaphore(%dma_wait3A_644 : memref<!tpu.dma_semaphore, #tpu.memory_space<semaphore_mem>>) src(%dma_wait3A_650 : memref<1x128xi32, #tpu.memory_space<hbm>>) dst(%dma_wait3A_648 : memref<1x128xi32, #tpu.memory_space<vmem>>)
          "tpu.trace_stop"() : () -> ()
        } else {
        }
        %jit3A_307 = arith.constant 32 : i32
        %div3A_308 = arith.divsi %add3A_169, %jit3A_307 : i32
        %sign3A_309 = arith.constant 0 : i32
        %sign3A_310 = arith.cmpi sgt, %add3A_169, %sign3A_309 : i32
        %sign3A_311 = arith.extui %sign3A_310 : i1 to i32
        %sign3A_312 = arith.constant 0 : i32
        %sign3A_313 = arith.cmpi slt, %add3A_169, %sign3A_312 : i32
        %sign3A_314 = arith.extui %sign3A_313 : i1 to i32
        %sign3A_315 = arith.subi %sign3A_311, %sign3A_314 : i32
        %sign3A_316 = arith.constant 0 : i32
        %sign3A_317 = arith.cmpi sgt, %jit3A_307, %sign3A_316 : i32
        %sign3A_318 = arith.extui %sign3A_317 : i1 to i32
        %sign3A_319 = arith.constant 0 : i32
        %sign3A_320 = arith.cmpi slt, %jit3A_307, %sign3A_319 : i32
        %sign3A_321 = arith.extui %sign3A_320 : i1 to i32
        %sign3A_322 = arith.subi %sign3A_318, %sign3A_321 : i32
        %ne3A_323 = arith.cmpi ne, %sign3A_315, %sign3A_322 : i32
        %rem3A_324 = arith.remsi %add3A_169, %jit3A_307 : i32
        %ne3A_325 = arith.constant 0 : i32
        %ne3A_326 = arith.cmpi ne, %rem3A_324, %ne3A_325 : i32
        %and3A_327 = arith.andi %ne3A_323, %ne3A_326 : i1
        %sub3A_328 = arith.constant 1 : i32
        %sub3A_329 = arith.subi %div3A_308, %sub3A_328 : i32
        %select_n3A_330 = arith.select %and3A_327, %sub3A_329, %div3A_308 : i32
        %jit3A_331 = arith.constant 32 : i32
        %eq3A_332 = arith.constant 0 : i32
        %eq3A_333 = arith.cmpi eq, %jit3A_331, %eq3A_332 : i32
        %jit3A_334 = arith.constant 1 : i32
        %select_n3A_335 = arith.select %eq3A_333, %jit3A_334, %jit3A_331 : i32
        %rem3A_336 = arith.remsi %add3A_169, %select_n3A_335 : i32
        %ne3A_337 = arith.constant 0 : i32
        %ne3A_338 = arith.cmpi ne, %rem3A_336, %ne3A_337 : i32
        %lt3A_339 = arith.constant 0 : i32
        %lt3A_340 = arith.cmpi slt, %rem3A_336, %lt3A_339 : i32
        %lt3A_341 = arith.constant 0 : i32
        %lt3A_342 = arith.cmpi slt, %select_n3A_335, %lt3A_341 : i32
        %ne3A_343 = arith.xori %lt3A_340, %lt3A_342 : i1
        %and3A_344 = arith.andi %ne3A_343, %ne3A_338 : i1
        %add3A_345 = arith.addi %rem3A_336, %select_n3A_335 : i32
        %select_n3A_346 = arith.select %and3A_344, %add3A_345, %rem3A_336 : i32
        %jit3A_347 = arith.constant 32 : i32
        %div3A_348 = arith.divsi %add3A_178, %jit3A_347 : i32
        %sign3A_349 = arith.constant 0 : i32
        %sign3A_350 = arith.cmpi sgt, %add3A_178, %sign3A_349 : i32
        %sign3A_351 = arith.extui %sign3A_350 : i1 to i32
        %sign3A_352 = arith.constant 0 : i32
        %sign3A_353 = arith.cmpi slt, %add3A_178, %sign3A_352 : i32
        %sign3A_354 = arith.extui %sign3A_353 : i1 to i32
        %sign3A_355 = arith.subi %sign3A_351, %sign3A_354 : i32
        %sign3A_356 = arith.constant 0 : i32
        %sign3A_357 = arith.cmpi sgt, %jit3A_347, %sign3A_356 : i32
        %sign3A_358 = arith.extui %sign3A_357 : i1 to i32
        %sign3A_359 = arith.constant 0 : i32
        %sign3A_360 = arith.cmpi slt, %jit3A_347, %sign3A_359 : i32
        %sign3A_361 = arith.extui %sign3A_360 : i1 to i32
        %sign3A_362 = arith.subi %sign3A_358, %sign3A_361 : i32
        %ne3A_363 = arith.cmpi ne, %sign3A_355, %sign3A_362 : i32
        %rem3A_364 = arith.remsi %add3A_178, %jit3A_347 : i32
        %ne3A_365 = arith.constant 0 : i32
        %ne3A_366 = arith.cmpi ne, %rem3A_364, %ne3A_365 : i32
        %and3A_367 = arith.andi %ne3A_363, %ne3A_366 : i1
        %sub3A_368 = arith.constant 1 : i32
        %sub3A_369 = arith.subi %div3A_348, %sub3A_368 : i32
        %select_n3A_370 = arith.select %and3A_367, %sub3A_369, %div3A_348 : i32
        %jit3A_371 = arith.constant 32 : i32
        %eq3A_372 = arith.constant 0 : i32
        %eq3A_373 = arith.cmpi eq, %jit3A_371, %eq3A_372 : i32
        %jit3A_374 = arith.constant 1 : i32
        %select_n3A_375 = arith.select %eq3A_373, %jit3A_374, %jit3A_371 : i32
        %rem3A_376 = arith.remsi %add3A_178, %select_n3A_375 : i32
        %ne3A_377 = arith.constant 0 : i32
        %ne3A_378 = arith.cmpi ne, %rem3A_376, %ne3A_377 : i32
        %lt3A_379 = arith.constant 0 : i32
        %lt3A_380 = arith.cmpi slt, %rem3A_376, %lt3A_379 : i32
        %lt3A_381 = arith.constant 0 : i32
        %lt3A_382 = arith.cmpi slt, %select_n3A_375, %lt3A_381 : i32
        %ne3A_383 = arith.xori %lt3A_380, %lt3A_382 : i1
        %and3A_384 = arith.andi %ne3A_383, %ne3A_378 : i1
        %add3A_385 = arith.addi %rem3A_376, %select_n3A_375 : i32
        %select_n3A_386 = arith.select %and3A_384, %add3A_385, %rem3A_376 : i32
        %ne3A_387 = arith.cmpi ne, %select_n3A_330, %select_n3A_370 : i32
        %ne3A_388 = arith.cmpi ne, %select_n3A_346, %select_n3A_386 : i32
        %or3A_389 = arith.constant false
        %or3A_390 = arith.ori %or3A_389, %ne3A_387 : i1
        %or3A_391 = arith.ori %or3A_390, %ne3A_388 : i1
        %or3A_392 = arith.constant false
        %or3A_393 = arith.ori %or3A_391, %or3A_392 : i1
        %or3A_394 = arith.ori %or3A_393, %eq3A_166 : i1
        %convert_element_type3A_395 = arith.extui %or3A_394 : i1 to i32
        %cond3A_396 = arith.constant 0 : i32
        %cond3A_397 = arith.cmpi ne, %convert_element_type3A_395, %cond3A_396 : i32
        scf.if %cond3A_397 {
        } else {
        }
        %rem3A_398 = arith.constant 2 : i32
        %rem3A_399 = arith.remui %scan3A_161, %rem3A_398 : i32
        %rem3A_400 = arith.constant 2 : i32
        %rem3A_401 = arith.remui %scan3A_162, %rem3A_400 : i32
        %run_scoped3A_402 = arith.constant 0 : i32
        %run_scoped3A_403 = arith.constant 0 : i32
        "tpu.trace_start"() <{level = 10 : i32, message = "ep_run_kernel"}> : () -> ()
        "tpu.region"() ({
          %run_scoped3A_633 = tpu.sem_alloc : memref<!tpu.dma_semaphore, #tpu.memory_space<semaphore_mem>>
          %dma_start3A_634 = arith.constant 0 : i32
          %dma_start3A_635 = arith.constant 0 : i32
          %dma_start3A_636 = arith.constant 0 : i32
          %dma_start3A_637 = tpu.memref_slice %run_scoped3A_8[%rem3A_401, %dma_start3A_634, %dma_start3A_635, %dma_start3A_636] : memref<2x1x128x128xi32, #tpu.memory_space<vmem>> -> memref<1x1x128x128xi32, #tpu.memory_space<vmem>>
          %dma_start3A_638 = tpu.memref_squeeze %dma_start3A_637 : memref<1x1x128x128xi32, #tpu.memory_space<vmem>> -> memref<1x128x128xi32, #tpu.memory_space<vmem>>
          %dma_start3A_639 = arith.constant 0 : i32
          %dma_start3A_640 = arith.constant 0 : i32
          %dma_start3A_641 = tpu.memref_slice %dma_start3A_638[%run_scoped3A_403, %dma_start3A_639, %dma_start3A_640] : memref<1x128x128xi32, #tpu.memory_space<vmem>> -> memref<1x128x128xi32, #tpu.memory_space<vmem>>
          %dma_start3A_642 = tpu.memref_squeeze %dma_start3A_641 : memref<1x128x128xi32, #tpu.memory_space<vmem>> -> memref<128x128xi32, #tpu.memory_space<vmem>>
          %dma_start3A_643 = arith.constant 0 : i32
          %dma_start3A_644 = arith.constant 0 : i32
          %dma_start3A_645 = tpu.memref_slice %run_scoped3A[%rem3A_399, %dma_start3A_643, %dma_start3A_644] : memref<2x1x128xi32, #tpu.memory_space<vmem>> -> memref<1x1x128xi32, #tpu.memory_space<vmem>>
          %dma_start3A_646 = tpu.memref_squeeze %dma_start3A_645 : memref<1x1x128xi32, #tpu.memory_space<vmem>> -> memref<1x128xi32, #tpu.memory_space<vmem>>
          %dma_start3A_647 = arith.constant 0 : i32
          %dma_start3A_648 = tpu.memref_slice %dma_start3A_646[%run_scoped3A_402, %dma_start3A_647] : memref<1x128xi32, #tpu.memory_space<vmem>> -> memref<1x128xi32, #tpu.memory_space<vmem>>
          %dma_start3A_649 = tpu.memref_squeeze %dma_start3A_648 : memref<1x128xi32, #tpu.memory_space<vmem>> -> memref<128xi32, #tpu.memory_space<vmem>>
          %dma_start3A_650 = arith.constant 0 : i32
          %dma_start3A_651 = arith.constant 0 : i32
          %dma_start3A_652 = tpu.memref_slice %arg2[%dma_start3A_650, %dma_start3A_651] : memref<115200x128xi32, #tpu.memory_space<hbm>> -> memref<115200x128xi32, #tpu.memory_space<hbm>>
          tpu.enqueue_indirect_dma source(%dma_start3A_652 : memref<115200x128xi32, #tpu.memory_space<hbm>>) target(%dma_start3A_642 : memref<128x128xi32, #tpu.memory_space<vmem>>) offsets(%dma_start3A_649 : memref<128xi32, #tpu.memory_space<vmem>>) semaphore(%run_scoped3A_633 : memref<!tpu.dma_semaphore, #tpu.memory_space<semaphore_mem>>)
          %dma_wait3A_653 = arith.constant 0 : i32
          %dma_wait3A_654 = arith.constant 0 : i32
          %dma_wait3A_655 = arith.constant 0 : i32
          %dma_wait3A_656 = tpu.memref_slice %run_scoped3A_8[%rem3A_401, %dma_wait3A_653, %dma_wait3A_654, %dma_wait3A_655] : memref<2x1x128x128xi32, #tpu.memory_space<vmem>> -> memref<1x1x128x128xi32, #tpu.memory_space<vmem>>
          %dma_wait3A_657 = tpu.memref_squeeze %dma_wait3A_656 : memref<1x1x128x128xi32, #tpu.memory_space<vmem>> -> memref<1x128x128xi32, #tpu.memory_space<vmem>>
          %dma_wait3A_658 = arith.constant 0 : i32
          %dma_wait3A_659 = arith.constant 0 : i32
          %dma_wait3A_660 = tpu.memref_slice %dma_wait3A_657[%run_scoped3A_403, %dma_wait3A_658, %dma_wait3A_659] : memref<1x128x128xi32, #tpu.memory_space<vmem>> -> memref<1x128x128xi32, #tpu.memory_space<vmem>>
          %dma_wait3A_661 = tpu.memref_squeeze %dma_wait3A_660 : memref<1x128x128xi32, #tpu.memory_space<vmem>> -> memref<128x128xi32, #tpu.memory_space<vmem>>
          %dma_wait3A_662 = arith.constant 0 : i32
          %dma_wait3A_663 = arith.constant 0 : i32
          %dma_wait3A_664 = tpu.memref_slice %run_scoped3A[%rem3A_399, %dma_wait3A_662, %dma_wait3A_663] : memref<2x1x128xi32, #tpu.memory_space<vmem>> -> memref<1x1x128xi32, #tpu.memory_space<vmem>>
          %dma_wait3A_665 = tpu.memref_squeeze %dma_wait3A_664 : memref<1x1x128xi32, #tpu.memory_space<vmem>> -> memref<1x128xi32, #tpu.memory_space<vmem>>
          %dma_wait3A_666 = arith.constant 0 : i32
          %dma_wait3A_667 = tpu.memref_slice %dma_wait3A_665[%run_scoped3A_402, %dma_wait3A_666] : memref<1x128xi32, #tpu.memory_space<vmem>> -> memref<1x128xi32, #tpu.memory_space<vmem>>
          %dma_wait3A_668 = tpu.memref_squeeze %dma_wait3A_667 : memref<1x128xi32, #tpu.memory_space<vmem>> -> memref<128xi32, #tpu.memory_space<vmem>>
          %dma_wait3A_669 = arith.constant 0 : i32
          %dma_wait3A_670 = arith.constant 0 : i32
          %dma_wait3A_671 = tpu.memref_slice %arg2[%dma_wait3A_669, %dma_wait3A_670] : memref<115200x128xi32, #tpu.memory_space<hbm>> -> memref<115200x128xi32, #tpu.memory_space<hbm>>
          tpu.wait_indirect_dma semaphore(%run_scoped3A_633 : memref<!tpu.dma_semaphore, #tpu.memory_space<semaphore_mem>>) src(%dma_wait3A_671 : memref<115200x128xi32, #tpu.memory_space<hbm>>) dst(%dma_wait3A_661 : memref<128x128xi32, #tpu.memory_space<vmem>>)
          tpu.yield
        }) : () -> ()
        "tpu.trace_stop"() : () -> ()
        %ne3A_404 = arith.cmpi ne, %add3A_169, %add3A_187 : i32
        %or3A_405 = arith.constant false
        %or3A_406 = arith.ori %or3A_405, %ne3A_404 : i1
        %or3A_407 = arith.ori %or3A_406, %eq3A_168 : i1
        %convert_element_type3A_408 = arith.extui %or3A_407 : i1 to i32
        %cond3A_409 = arith.constant 0 : i32
        %cond3A_410 = arith.cmpi ne, %convert_element_type3A_408, %cond3A_409 : i32
        scf.if %cond3A_410 {
        } else {
        }
        %and3A_411 = arith.constant false
        %and3A_412 = arith.andi %or3A_407, %and3A_411 : i1
        %jit3A_413 = arith.constant 32 : i32
        %div3A_414 = arith.divsi %add3A_169, %jit3A_413 : i32
        %sign3A_415 = arith.constant 0 : i32
        %sign3A_416 = arith.cmpi sgt, %add3A_169, %sign3A_415 : i32
        %sign3A_417 = arith.extui %sign3A_416 : i1 to i32
        %sign3A_418 = arith.constant 0 : i32
        %sign3A_419 = arith.cmpi slt, %add3A_169, %sign3A_418 : i32
        %sign3A_420 = arith.extui %sign3A_419 : i1 to i32
        %sign3A_421 = arith.subi %sign3A_417, %sign3A_420 : i32
        %sign3A_422 = arith.constant 0 : i32
        %sign3A_423 = arith.cmpi sgt, %jit3A_413, %sign3A_422 : i32
        %sign3A_424 = arith.extui %sign3A_423 : i1 to i32
        %sign3A_425 = arith.constant 0 : i32
        %sign3A_426 = arith.cmpi slt, %jit3A_413, %sign3A_425 : i32
        %sign3A_427 = arith.extui %sign3A_426 : i1 to i32
        %sign3A_428 = arith.subi %sign3A_424, %sign3A_427 : i32
        %ne3A_429 = arith.cmpi ne, %sign3A_421, %sign3A_428 : i32
        %rem3A_430 = arith.remsi %add3A_169, %jit3A_413 : i32
        %ne3A_431 = arith.constant 0 : i32
        %ne3A_432 = arith.cmpi ne, %rem3A_430, %ne3A_431 : i32
        %and3A_433 = arith.andi %ne3A_429, %ne3A_432 : i1
        %sub3A_434 = arith.constant 1 : i32
        %sub3A_435 = arith.subi %div3A_414, %sub3A_434 : i32
        %select_n3A_436 = arith.select %and3A_433, %sub3A_435, %div3A_414 : i32
        %jit3A_437 = arith.constant 32 : i32
        %eq3A_438 = arith.constant 0 : i32
        %eq3A_439 = arith.cmpi eq, %jit3A_437, %eq3A_438 : i32
        %jit3A_440 = arith.constant 1 : i32
        %select_n3A_441 = arith.select %eq3A_439, %jit3A_440, %jit3A_437 : i32
        %rem3A_442 = arith.remsi %add3A_169, %select_n3A_441 : i32
        %ne3A_443 = arith.constant 0 : i32
        %ne3A_444 = arith.cmpi ne, %rem3A_442, %ne3A_443 : i32
        %lt3A_445 = arith.constant 0 : i32
        %lt3A_446 = arith.cmpi slt, %rem3A_442, %lt3A_445 : i32
        %lt3A_447 = arith.constant 0 : i32
        %lt3A_448 = arith.cmpi slt, %select_n3A_441, %lt3A_447 : i32
        %ne3A_449 = arith.xori %lt3A_446, %lt3A_448 : i1
        %and3A_450 = arith.andi %ne3A_449, %ne3A_444 : i1
        %add3A_451 = arith.addi %rem3A_442, %select_n3A_441 : i32
        %select_n3A_452 = arith.select %and3A_450, %add3A_451, %rem3A_442 : i32
        %jit3A_453 = arith.constant 32 : i32
        %div3A_454 = arith.divsi %add3A_187, %jit3A_453 : i32
        %sign3A_455 = arith.constant 0 : i32
        %sign3A_456 = arith.cmpi sgt, %add3A_187, %sign3A_455 : i32
        %sign3A_457 = arith.extui %sign3A_456 : i1 to i32
        %sign3A_458 = arith.constant 0 : i32
        %sign3A_459 = arith.cmpi slt, %add3A_187, %sign3A_458 : i32
        %sign3A_460 = arith.extui %sign3A_459 : i1 to i32
        %sign3A_461 = arith.subi %sign3A_457, %sign3A_460 : i32
        %sign3A_462 = arith.constant 0 : i32
        %sign3A_463 = arith.cmpi sgt, %jit3A_453, %sign3A_462 : i32
        %sign3A_464 = arith.extui %sign3A_463 : i1 to i32
        %sign3A_465 = arith.constant 0 : i32
        %sign3A_466 = arith.cmpi slt, %jit3A_453, %sign3A_465 : i32
        %sign3A_467 = arith.extui %sign3A_466 : i1 to i32
        %sign3A_468 = arith.subi %sign3A_464, %sign3A_467 : i32
        %ne3A_469 = arith.cmpi ne, %sign3A_461, %sign3A_468 : i32
        %rem3A_470 = arith.remsi %add3A_187, %jit3A_453 : i32
        %ne3A_471 = arith.constant 0 : i32
        %ne3A_472 = arith.cmpi ne, %rem3A_470, %ne3A_471 : i32
        %and3A_473 = arith.andi %ne3A_469, %ne3A_472 : i1
        %sub3A_474 = arith.constant 1 : i32
        %sub3A_475 = arith.subi %div3A_454, %sub3A_474 : i32
        %select_n3A_476 = arith.select %and3A_473, %sub3A_475, %div3A_454 : i32
        %jit3A_477 = arith.constant 32 : i32
        %eq3A_478 = arith.constant 0 : i32
        %eq3A_479 = arith.cmpi eq, %jit3A_477, %eq3A_478 : i32
        %jit3A_480 = arith.constant 1 : i32
        %select_n3A_481 = arith.select %eq3A_479, %jit3A_480, %jit3A_477 : i32
        %rem3A_482 = arith.remsi %add3A_187, %select_n3A_481 : i32
        %ne3A_483 = arith.constant 0 : i32
        %ne3A_484 = arith.cmpi ne, %rem3A_482, %ne3A_483 : i32
        %lt3A_485 = arith.constant 0 : i32
        %lt3A_486 = arith.cmpi slt, %rem3A_482, %lt3A_485 : i32
        %lt3A_487 = arith.constant 0 : i32
        %lt3A_488 = arith.cmpi slt, %select_n3A_481, %lt3A_487 : i32
        %ne3A_489 = arith.xori %lt3A_486, %lt3A_488 : i1
        %and3A_490 = arith.andi %ne3A_489, %ne3A_484 : i1
        %add3A_491 = arith.addi %rem3A_482, %select_n3A_481 : i32
        %select_n3A_492 = arith.select %and3A_490, %add3A_491, %rem3A_482 : i32
        %ne3A_493 = arith.cmpi ne, %select_n3A_436, %select_n3A_476 : i32
        %ne3A_494 = arith.cmpi ne, %select_n3A_452, %select_n3A_492 : i32
        %or3A_495 = arith.constant false
        %or3A_496 = arith.ori %or3A_495, %ne3A_493 : i1
        %or3A_497 = arith.ori %or3A_496, %ne3A_494 : i1
        %or3A_498 = arith.constant false
        %or3A_499 = arith.ori %or3A_497, %or3A_498 : i1
        %or3A_500 = arith.ori %or3A_499, %eq3A_168 : i1
        %convert_element_type3A_501 = arith.extui %or3A_500 : i1 to i32
        %cond3A_502 = arith.constant 0 : i32
        %cond3A_503 = arith.cmpi ne, %convert_element_type3A_501, %cond3A_502 : i32
        scf.if %cond3A_503 {
          "tpu.trace_start"() <{level = 10 : i32, message = "ep_copy_out"}> : () -> ()
          %rem3A_633 = arith.constant 2 : i32
          %rem3A_634 = arith.remui %scan3A_162, %rem3A_633 : i32
          %jit3A_635 = arith.constant 32 : i32
          %div3A_636 = arith.divsi %add3A_169, %jit3A_635 : i32
          %sign3A_637 = arith.constant 0 : i32
          %sign3A_638 = arith.cmpi sgt, %add3A_169, %sign3A_637 : i32
          %sign3A_639 = arith.extui %sign3A_638 : i1 to i32
          %sign3A_640 = arith.constant 0 : i32
          %sign3A_641 = arith.cmpi slt, %add3A_169, %sign3A_640 : i32
          %sign3A_642 = arith.extui %sign3A_641 : i1 to i32
          %sign3A_643 = arith.subi %sign3A_639, %sign3A_642 : i32
          %sign3A_644 = arith.constant 0 : i32
          %sign3A_645 = arith.cmpi sgt, %jit3A_635, %sign3A_644 : i32
          %sign3A_646 = arith.extui %sign3A_645 : i1 to i32
          %sign3A_647 = arith.constant 0 : i32
          %sign3A_648 = arith.cmpi slt, %jit3A_635, %sign3A_647 : i32
          %sign3A_649 = arith.extui %sign3A_648 : i1 to i32
          %sign3A_650 = arith.subi %sign3A_646, %sign3A_649 : i32
          %ne3A_651 = arith.cmpi ne, %sign3A_643, %sign3A_650 : i32
          %rem3A_652 = arith.remsi %add3A_169, %jit3A_635 : i32
          %ne3A_653 = arith.constant 0 : i32
          %ne3A_654 = arith.cmpi ne, %rem3A_652, %ne3A_653 : i32
          %and3A_655 = arith.andi %ne3A_651, %ne3A_654 : i1
          %sub3A_656 = arith.constant 1 : i32
          %sub3A_657 = arith.subi %div3A_636, %sub3A_656 : i32
          %select_n3A_658 = arith.select %and3A_655, %sub3A_657, %div3A_636 : i32
          %jit3A_659 = arith.constant 32 : i32
          %eq3A_660 = arith.constant 0 : i32
          %eq3A_661 = arith.cmpi eq, %jit3A_659, %eq3A_660 : i32
          %jit3A_662 = arith.constant 1 : i32
          %select_n3A_663 = arith.select %eq3A_661, %jit3A_662, %jit3A_659 : i32
          %rem3A_664 = arith.remsi %add3A_169, %select_n3A_663 : i32
          %ne3A_665 = arith.constant 0 : i32
          %ne3A_666 = arith.cmpi ne, %rem3A_664, %ne3A_665 : i32
          %lt3A_667 = arith.constant 0 : i32
          %lt3A_668 = arith.cmpi slt, %rem3A_664, %lt3A_667 : i32
          %lt3A_669 = arith.constant 0 : i32
          %lt3A_670 = arith.cmpi slt, %select_n3A_663, %lt3A_669 : i32
          %ne3A_671 = arith.xori %lt3A_668, %lt3A_670 : i1
          %and3A_672 = arith.andi %ne3A_671, %ne3A_666 : i1
          %add3A_673 = arith.addi %rem3A_664, %select_n3A_663 : i32
          %select_n3A_674 = arith.select %and3A_672, %add3A_673, %rem3A_664 : i32
          %mul3A_675 = arith.constant 1 : i32
          %mul3A_676 = arith.muli %mul3A_675, %select_n3A_658 : i32
          %mul3A_677 = arith.constant 128 : i32
          %mul3A_678 = arith.muli %mul3A_677, %select_n3A_674 : i32
          %dma_start3A_679 = arith.constant 0 : i32
          %dma_start3A_680 = arith.constant 0 : i32
          %dma_start3A_681 = arith.constant 0 : i32
          %dma_start3A_682 = tpu.memref_slice %run_scoped3A_8[%rem3A_634, %dma_start3A_679, %dma_start3A_680, %dma_start3A_681] : memref<2x1x128x128xi32, #tpu.memory_space<vmem>> -> memref<1x1x128x128xi32, #tpu.memory_space<vmem>>
          %dma_start3A_683 = tpu.memref_squeeze %dma_start3A_682 : memref<1x1x128x128xi32, #tpu.memory_space<vmem>> -> memref<1x128x128xi32, #tpu.memory_space<vmem>>
          %dma_start3A_684 = arith.constant 0 : i32
          %dma_start3A_685 = tpu.memref_slice %arg4[%mul3A_676, %mul3A_678, %dma_start3A_684] : memref<9x4096x128xi32, #tpu.memory_space<hbm>> -> memref<1x128x128xi32, #tpu.memory_space<hbm>>
          %dma_start3A_686 = tpu.memref_slice %run_scoped3A_9[%rem3A_634] : memref<2x!tpu.dma_semaphore, #tpu.memory_space<semaphore_mem>> -> memref<1x!tpu.dma_semaphore, #tpu.memory_space<semaphore_mem>>
          %dma_start3A_687 = tpu.memref_squeeze %dma_start3A_686 : memref<1x!tpu.dma_semaphore, #tpu.memory_space<semaphore_mem>> -> memref<!tpu.dma_semaphore, #tpu.memory_space<semaphore_mem>>
          %dma_start3A_688 = arith.constant 0 : i32
          %dma_start3A_689 = tpu.memref_slice %arg4[%mul3A_676, %mul3A_678, %dma_start3A_688] : memref<9x4096x128xi32, #tpu.memory_space<hbm>> -> memref<1x128x128xi32, #tpu.memory_space<hbm>>
          %dma_start3A_690 = arith.constant 0 : i32
          %dma_start3A_691 = arith.constant 0 : i32
          %dma_start3A_692 = arith.constant 0 : i32
          %dma_start3A_693 = tpu.memref_slice %run_scoped3A_8[%rem3A_634, %dma_start3A_690, %dma_start3A_691, %dma_start3A_692] : memref<2x1x128x128xi32, #tpu.memory_space<vmem>> -> memref<1x1x128x128xi32, #tpu.memory_space<vmem>>
          %dma_start3A_694 = tpu.memref_squeeze %dma_start3A_693 : memref<1x1x128x128xi32, #tpu.memory_space<vmem>> -> memref<1x128x128xi32, #tpu.memory_space<vmem>>
          tpu.enqueue_dma source(%dma_start3A_694 : memref<1x128x128xi32, #tpu.memory_space<vmem>>) target(%dma_start3A_689 : memref<1x128x128xi32, #tpu.memory_space<hbm>>) target_semaphore(%dma_start3A_687 : memref<!tpu.dma_semaphore, #tpu.memory_space<semaphore_mem>>)
          "tpu.trace_stop"() : () -> ()
        } else {
        }
        %and3A_504 = arith.constant true
        %and3A_505 = arith.andi %or3A_500, %and3A_504 : i1
        %add3A_506 = arith.constant 1 : i32
        %add3A_507 = arith.addi %scan3A_162, %add3A_506 : i32
        %select_n3A_508 = arith.select %and3A_505, %add3A_507, %scan3A_162 : i32
        %ne3A_509 = arith.cmpi ne, %add3A_169, %add3A_178 : i32
        %or3A_510 = arith.constant false
        %or3A_511 = arith.ori %or3A_510, %ne3A_509 : i1
        %not3A_512 = arith.constant true
        %not3A_513 = arith.xori %eq3A_166, %not3A_512 : i1
        %and3A_514 = arith.andi %or3A_511, %not3A_513 : i1
        %convert_element_type3A_515 = arith.extui %and3A_514 : i1 to i32
        %cond3A_516 = arith.constant 0 : i32
        %cond3A_517 = arith.cmpi ne, %convert_element_type3A_515, %cond3A_516 : i32
        scf.if %cond3A_517 {
        } else {
        }
        %and3A_518 = arith.constant false
        %and3A_519 = arith.andi %and3A_514, %and3A_518 : i1
        %jit3A_520 = arith.constant 32 : i32
        %div3A_521 = arith.divsi %add3A_169, %jit3A_520 : i32
        %sign3A_522 = arith.constant 0 : i32
        %sign3A_523 = arith.cmpi sgt, %add3A_169, %sign3A_522 : i32
        %sign3A_524 = arith.extui %sign3A_523 : i1 to i32
        %sign3A_525 = arith.constant 0 : i32
        %sign3A_526 = arith.cmpi slt, %add3A_169, %sign3A_525 : i32
        %sign3A_527 = arith.extui %sign3A_526 : i1 to i32
        %sign3A_528 = arith.subi %sign3A_524, %sign3A_527 : i32
        %sign3A_529 = arith.constant 0 : i32
        %sign3A_530 = arith.cmpi sgt, %jit3A_520, %sign3A_529 : i32
        %sign3A_531 = arith.extui %sign3A_530 : i1 to i32
        %sign3A_532 = arith.constant 0 : i32
        %sign3A_533 = arith.cmpi slt, %jit3A_520, %sign3A_532 : i32
        %sign3A_534 = arith.extui %sign3A_533 : i1 to i32
        %sign3A_535 = arith.subi %sign3A_531, %sign3A_534 : i32
        %ne3A_536 = arith.cmpi ne, %sign3A_528, %sign3A_535 : i32
        %rem3A_537 = arith.remsi %add3A_169, %jit3A_520 : i32
        %ne3A_538 = arith.constant 0 : i32
        %ne3A_539 = arith.cmpi ne, %rem3A_537, %ne3A_538 : i32
        %and3A_540 = arith.andi %ne3A_536, %ne3A_539 : i1
        %sub3A_541 = arith.constant 1 : i32
        %sub3A_542 = arith.subi %div3A_521, %sub3A_541 : i32
        %select_n3A_543 = arith.select %and3A_540, %sub3A_542, %div3A_521 : i32
        %jit3A_544 = arith.constant 32 : i32
        %eq3A_545 = arith.constant 0 : i32
        %eq3A_546 = arith.cmpi eq, %jit3A_544, %eq3A_545 : i32
        %jit3A_547 = arith.constant 1 : i32
        %select_n3A_548 = arith.select %eq3A_546, %jit3A_547, %jit3A_544 : i32
        %rem3A_549 = arith.remsi %add3A_169, %select_n3A_548 : i32
        %ne3A_550 = arith.constant 0 : i32
        %ne3A_551 = arith.cmpi ne, %rem3A_549, %ne3A_550 : i32
        %lt3A_552 = arith.constant 0 : i32
        %lt3A_553 = arith.cmpi slt, %rem3A_549, %lt3A_552 : i32
        %lt3A_554 = arith.constant 0 : i32
        %lt3A_555 = arith.cmpi slt, %select_n3A_548, %lt3A_554 : i32
        %ne3A_556 = arith.xori %lt3A_553, %lt3A_555 : i1
        %and3A_557 = arith.andi %ne3A_556, %ne3A_551 : i1
        %add3A_558 = arith.addi %rem3A_549, %select_n3A_548 : i32
        %select_n3A_559 = arith.select %and3A_557, %add3A_558, %rem3A_549 : i32
        %jit3A_560 = arith.constant 32 : i32
        %div3A_561 = arith.divsi %add3A_178, %jit3A_560 : i32
        %sign3A_562 = arith.constant 0 : i32
        %sign3A_563 = arith.cmpi sgt, %add3A_178, %sign3A_562 : i32
        %sign3A_564 = arith.extui %sign3A_563 : i1 to i32
        %sign3A_565 = arith.constant 0 : i32
        %sign3A_566 = arith.cmpi slt, %add3A_178, %sign3A_565 : i32
        %sign3A_567 = arith.extui %sign3A_566 : i1 to i32
        %sign3A_568 = arith.subi %sign3A_564, %sign3A_567 : i32
        %sign3A_569 = arith.constant 0 : i32
        %sign3A_570 = arith.cmpi sgt, %jit3A_560, %sign3A_569 : i32
        %sign3A_571 = arith.extui %sign3A_570 : i1 to i32
        %sign3A_572 = arith.constant 0 : i32
        %sign3A_573 = arith.cmpi slt, %jit3A_560, %sign3A_572 : i32
        %sign3A_574 = arith.extui %sign3A_573 : i1 to i32
        %sign3A_575 = arith.subi %sign3A_571, %sign3A_574 : i32
        %ne3A_576 = arith.cmpi ne, %sign3A_568, %sign3A_575 : i32
        %rem3A_577 = arith.remsi %add3A_178, %jit3A_560 : i32
        %ne3A_578 = arith.constant 0 : i32
        %ne3A_579 = arith.cmpi ne, %rem3A_577, %ne3A_578 : i32
        %and3A_580 = arith.andi %ne3A_576, %ne3A_579 : i1
        %sub3A_581 = arith.constant 1 : i32
        %sub3A_582 = arith.subi %div3A_561, %sub3A_581 : i32
        %select_n3A_583 = arith.select %and3A_580, %sub3A_582, %div3A_561 : i32
        %jit3A_584 = arith.constant 32 : i32
        %eq3A_585 = arith.constant 0 : i32
        %eq3A_586 = arith.cmpi eq, %jit3A_584, %eq3A_585 : i32
        %jit3A_587 = arith.constant 1 : i32
        %select_n3A_588 = arith.select %eq3A_586, %jit3A_587, %jit3A_584 : i32
        %rem3A_589 = arith.remsi %add3A_178, %select_n3A_588 : i32
        %ne3A_590 = arith.constant 0 : i32
        %ne3A_591 = arith.cmpi ne, %rem3A_589, %ne3A_590 : i32
        %lt3A_592 = arith.constant 0 : i32
        %lt3A_593 = arith.cmpi slt, %rem3A_589, %lt3A_592 : i32
        %lt3A_594 = arith.constant 0 : i32
        %lt3A_595 = arith.cmpi slt, %select_n3A_588, %lt3A_594 : i32
        %ne3A_596 = arith.xori %lt3A_593, %lt3A_595 : i1
        %and3A_597 = arith.andi %ne3A_596, %ne3A_591 : i1
        %add3A_598 = arith.addi %rem3A_589, %select_n3A_588 : i32
        %select_n3A_599 = arith.select %and3A_597, %add3A_598, %rem3A_589 : i32
        %ne3A_600 = arith.cmpi ne, %select_n3A_543, %select_n3A_583 : i32
        %ne3A_601 = arith.cmpi ne, %select_n3A_559, %select_n3A_599 : i32
        %or3A_602 = arith.constant false
        %or3A_603 = arith.ori %or3A_602, %ne3A_600 : i1
        %or3A_604 = arith.ori %or3A_603, %ne3A_601 : i1
        %or3A_605 = arith.constant false
        %or3A_606 = arith.ori %or3A_604, %or3A_605 : i1
        %not3A_607 = arith.constant true
        %not3A_608 = arith.xori %eq3A_166, %not3A_607 : i1
        %and3A_609 = arith.andi %or3A_606, %not3A_608 : i1
        %convert_element_type3A_610 = arith.extui %and3A_609 : i1 to i32
        %cond3A_611 = arith.constant 0 : i32
        %cond3A_612 = arith.cmpi ne, %convert_element_type3A_610, %cond3A_611 : i32
        scf.if %cond3A_612 {
          "tpu.trace_start"() <{level = 10 : i32, message = "ep_wait_out"}> : () -> ()
          %rem3A_633 = arith.constant 2 : i32
          %rem3A_634 = arith.remui %scan3A_163, %rem3A_633 : i32
          %jit3A_635 = arith.constant 32 : i32
          %div3A_636 = arith.divsi %add3A_178, %jit3A_635 : i32
          %sign3A_637 = arith.constant 0 : i32
          %sign3A_638 = arith.cmpi sgt, %add3A_178, %sign3A_637 : i32
          %sign3A_639 = arith.extui %sign3A_638 : i1 to i32
          %sign3A_640 = arith.constant 0 : i32
          %sign3A_641 = arith.cmpi slt, %add3A_178, %sign3A_640 : i32
          %sign3A_642 = arith.extui %sign3A_641 : i1 to i32
          %sign3A_643 = arith.subi %sign3A_639, %sign3A_642 : i32
          %sign3A_644 = arith.constant 0 : i32
          %sign3A_645 = arith.cmpi sgt, %jit3A_635, %sign3A_644 : i32
          %sign3A_646 = arith.extui %sign3A_645 : i1 to i32
          %sign3A_647 = arith.constant 0 : i32
          %sign3A_648 = arith.cmpi slt, %jit3A_635, %sign3A_647 : i32
          %sign3A_649 = arith.extui %sign3A_648 : i1 to i32
          %sign3A_650 = arith.subi %sign3A_646, %sign3A_649 : i32
          %ne3A_651 = arith.cmpi ne, %sign3A_643, %sign3A_650 : i32
          %rem3A_652 = arith.remsi %add3A_178, %jit3A_635 : i32
          %ne3A_653 = arith.constant 0 : i32
          %ne3A_654 = arith.cmpi ne, %rem3A_652, %ne3A_653 : i32
          %and3A_655 = arith.andi %ne3A_651, %ne3A_654 : i1
          %sub3A_656 = arith.constant 1 : i32
          %sub3A_657 = arith.subi %div3A_636, %sub3A_656 : i32
          %select_n3A_658 = arith.select %and3A_655, %sub3A_657, %div3A_636 : i32
          %jit3A_659 = arith.constant 32 : i32
          %eq3A_660 = arith.constant 0 : i32
          %eq3A_661 = arith.cmpi eq, %jit3A_659, %eq3A_660 : i32
          %jit3A_662 = arith.constant 1 : i32
          %select_n3A_663 = arith.select %eq3A_661, %jit3A_662, %jit3A_659 : i32
          %rem3A_664 = arith.remsi %add3A_178, %select_n3A_663 : i32
          %ne3A_665 = arith.constant 0 : i32
          %ne3A_666 = arith.cmpi ne, %rem3A_664, %ne3A_665 : i32
          %lt3A_667 = arith.constant 0 : i32
          %lt3A_668 = arith.cmpi slt, %rem3A_664, %lt3A_667 : i32
          %lt3A_669 = arith.constant 0 : i32
          %lt3A_670 = arith.cmpi slt, %select_n3A_663, %lt3A_669 : i32
          %ne3A_671 = arith.xori %lt3A_668, %lt3A_670 : i1
          %and3A_672 = arith.andi %ne3A_671, %ne3A_666 : i1
          %add3A_673 = arith.addi %rem3A_664, %select_n3A_663 : i32
          %select_n3A_674 = arith.select %and3A_672, %add3A_673, %rem3A_664 : i32
          %mul3A_675 = arith.constant 1 : i32
          %mul3A_676 = arith.muli %mul3A_675, %select_n3A_658 : i32
          %mul3A_677 = arith.constant 128 : i32
          %mul3A_678 = arith.muli %mul3A_677, %select_n3A_674 : i32
          %dma_wait3A_679 = arith.constant 0 : i32
          %dma_wait3A_680 = arith.constant 0 : i32
          %dma_wait3A_681 = arith.constant 0 : i32
          %dma_wait3A_682 = tpu.memref_slice %run_scoped3A_8[%rem3A_634, %dma_wait3A_679, %dma_wait3A_680, %dma_wait3A_681] : memref<2x1x128x128xi32, #tpu.memory_space<vmem>> -> memref<1x1x128x128xi32, #tpu.memory_space<vmem>>
          %dma_wait3A_683 = tpu.memref_squeeze %dma_wait3A_682 : memref<1x1x128x128xi32, #tpu.memory_space<vmem>> -> memref<1x128x128xi32, #tpu.memory_space<vmem>>
          %dma_wait3A_684 = arith.constant 0 : i32
          %dma_wait3A_685 = tpu.memref_slice %arg4[%mul3A_676, %mul3A_678, %dma_wait3A_684] : memref<9x4096x128xi32, #tpu.memory_space<hbm>> -> memref<1x128x128xi32, #tpu.memory_space<hbm>>
          %dma_wait3A_686 = tpu.memref_slice %run_scoped3A_9[%rem3A_634] : memref<2x!tpu.dma_semaphore, #tpu.memory_space<semaphore_mem>> -> memref<1x!tpu.dma_semaphore, #tpu.memory_space<semaphore_mem>>
          %dma_wait3A_687 = tpu.memref_squeeze %dma_wait3A_686 : memref<1x!tpu.dma_semaphore, #tpu.memory_space<semaphore_mem>> -> memref<!tpu.dma_semaphore, #tpu.memory_space<semaphore_mem>>
          %dma_wait3A_688 = arith.constant 0 : i32
          %dma_wait3A_689 = tpu.memref_slice %arg4[%mul3A_676, %mul3A_678, %dma_wait3A_688] : memref<9x4096x128xi32, #tpu.memory_space<hbm>> -> memref<1x128x128xi32, #tpu.memory_space<hbm>>
          %dma_wait3A_690 = arith.constant 0 : i32
          %dma_wait3A_691 = arith.constant 0 : i32
          %dma_wait3A_692 = arith.constant 0 : i32
          %dma_wait3A_693 = tpu.memref_slice %run_scoped3A_8[%rem3A_634, %dma_wait3A_690, %dma_wait3A_691, %dma_wait3A_692] : memref<2x1x128x128xi32, #tpu.memory_space<vmem>> -> memref<1x1x128x128xi32, #tpu.memory_space<vmem>>
          %dma_wait3A_694 = tpu.memref_squeeze %dma_wait3A_693 : memref<1x1x128x128xi32, #tpu.memory_space<vmem>> -> memref<1x128x128xi32, #tpu.memory_space<vmem>>
          tpu.wait_dma2 semaphore(%dma_wait3A_687 : memref<!tpu.dma_semaphore, #tpu.memory_space<semaphore_mem>>) src(%dma_wait3A_694 : memref<1x128x128xi32, #tpu.memory_space<vmem>>) dst(%dma_wait3A_689 : memref<1x128x128xi32, #tpu.memory_space<hbm>>)
          "tpu.trace_stop"() : () -> ()
        } else {
        }
        %and3A_613 = arith.constant true
        %and3A_614 = arith.andi %and3A_609, %and3A_613 : i1
        %add3A_615 = arith.constant 1 : i32
        %add3A_616 = arith.addi %scan3A_163, %add3A_615 : i32
        %select_n3A_617 = arith.select %and3A_614, %add3A_616, %scan3A_163 : i32
        %ne3A_618 = arith.cmpi ne, %add3A_169, %add3A_187 : i32
        %or3A_619 = arith.constant false
        %or3A_620 = arith.ori %or3A_619, %ne3A_618 : i1
        %or3A_621 = arith.ori %or3A_620, %eq3A_168 : i1
        %add3A_622 = arith.constant 1 : i32
        %add3A_623 = arith.addi %scan3A_161, %add3A_622 : i32
        %select_n3A_624 = arith.select %or3A_621, %add3A_623, %scan3A_161 : i32
        %add3A_625 = arith.constant 1 : i32
        %add3A_626 = arith.addi %scan3A_164, %add3A_625 : i32
        %select_n3A_627 = arith.constant true
        %select_n3A_628 = arith.select %select_n3A_627, %add3A_626, %scan3A_164 : i32
        %eq3A_629 = arith.constant 9 : i32
        %eq3A_630 = arith.cmpi eq, %select_n3A_628, %eq3A_629 : i32
        %select_n3A_631 = arith.constant 0 : i32
        %select_n3A_632 = arith.select %eq3A_630, %select_n3A_631, %select_n3A_628 : i32
        scf.yield %select_n3A_207, %select_n3A_624, %select_n3A_508, %select_n3A_617, %select_n3A_632 : i32, i32, i32, i32, i32
      }
      %scan3A_68 = arith.constant 9 : i32
      %sub3A = arith.constant 1 : i32
      %sub3A_69 = arith.subi %scan3A_67#4, %sub3A : i32
      %select_n3A_70 = arith.constant true
      %select_n3A_71 = arith.select %select_n3A_70, %sub3A_69, %scan3A_67#4 : i32
      %eq3A_72 = arith.constant -1 : i32
      %eq3A_73 = arith.cmpi eq, %select_n3A_71, %eq3A_72 : i32
      %select_n3A_74 = arith.constant 8 : i32
      %select_n3A_75 = arith.select %eq3A_73, %select_n3A_74, %select_n3A_71 : i32
      %add3A_76 = arith.addi %select_n3A_75, %mul3A_6 : i32
      %sub3A_77 = arith.constant 1 : i32
      %sub3A_78 = arith.subi %select_n3A_75, %sub3A_77 : i32
      %select_n3A_79 = arith.constant true
      %select_n3A_80 = arith.select %select_n3A_79, %sub3A_78, %select_n3A_75 : i32
      %eq3A_81 = arith.constant -1 : i32
      %eq3A_82 = arith.cmpi eq, %select_n3A_80, %eq3A_81 : i32
      %select_n3A_83 = arith.constant 8 : i32
      %select_n3A_84 = arith.select %eq3A_82, %select_n3A_83, %select_n3A_80 : i32
      %add3A_85 = arith.addi %select_n3A_84, %mul3A_6 : i32
      %add3A_86 = arith.constant 1 : i32
      %add3A_87 = arith.addi %select_n3A_75, %add3A_86 : i32
      %select_n3A_88 = arith.constant true
      %select_n3A_89 = arith.select %select_n3A_88, %add3A_87, %select_n3A_75 : i32
      %eq3A_90 = arith.constant 9 : i32
      %eq3A_91 = arith.cmpi eq, %select_n3A_89, %eq3A_90 : i32
      %select_n3A_92 = arith.constant 0 : i32
      %select_n3A_93 = arith.select %eq3A_91, %select_n3A_92, %select_n3A_89 : i32
      %add3A_94 = arith.addi %select_n3A_93, %mul3A_6 : i32
      %add3A_95 = arith.constant 1 : i32
      %add3A_96 = arith.addi %select_n3A_93, %add3A_95 : i32
      %select_n3A_97 = arith.constant true
      %select_n3A_98 = arith.select %select_n3A_97, %add3A_96, %select_n3A_93 : i32
      %eq3A_99 = arith.constant 9 : i32
      %eq3A_100 = arith.cmpi eq, %select_n3A_98, %eq3A_99 : i32
      %select_n3A_101 = arith.constant 0 : i32
      %select_n3A_102 = arith.select %eq3A_100, %select_n3A_101, %select_n3A_98 : i32
      %add3A_103 = arith.addi %select_n3A_102, %mul3A_6 : i32
      "tpu.trace_start"() <{level = 10 : i32, message = "ep_finalize"}> : () -> ()
      %rem3A_104 = arith.constant 2 : i32
      %rem3A_105 = arith.remui %scan3A_67#3, %rem3A_104 : i32
      %jit3A = arith.constant 32 : i32
      %div3A = arith.divsi %add3A_76, %jit3A : i32
      %sign3A = arith.constant 0 : i32
      %sign3A_106 = arith.cmpi sgt, %add3A_76, %sign3A : i32
      %sign3A_107 = arith.extui %sign3A_106 : i1 to i32
      %sign3A_108 = arith.constant 0 : i32
      %sign3A_109 = arith.cmpi slt, %add3A_76, %sign3A_108 : i32
      %sign3A_110 = arith.extui %sign3A_109 : i1 to i32
      %sign3A_111 = arith.subi %sign3A_107, %sign3A_110 : i32
      %sign3A_112 = arith.constant 0 : i32
      %sign3A_113 = arith.cmpi sgt, %jit3A, %sign3A_112 : i32
      %sign3A_114 = arith.extui %sign3A_113 : i1 to i32
      %sign3A_115 = arith.constant 0 : i32
      %sign3A_116 = arith.cmpi slt, %jit3A, %sign3A_115 : i32
      %sign3A_117 = arith.extui %sign3A_116 : i1 to i32
      %sign3A_118 = arith.subi %sign3A_114, %sign3A_117 : i32
      %ne3A = arith.cmpi ne, %sign3A_111, %sign3A_118 : i32
      %rem3A_119 = arith.remsi %add3A_76, %jit3A : i32
      %ne3A_120 = arith.constant 0 : i32
      %ne3A_121 = arith.cmpi ne, %rem3A_119, %ne3A_120 : i32
      %and3A = arith.andi %ne3A, %ne3A_121 : i1
      %sub3A_122 = arith.constant 1 : i32
      %sub3A_123 = arith.subi %div3A, %sub3A_122 : i32
      %select_n3A_124 = arith.select %and3A, %sub3A_123, %div3A : i32
      %jit3A_125 = arith.constant 32 : i32
      %eq3A_126 = arith.constant 0 : i32
      %eq3A_127 = arith.cmpi eq, %jit3A_125, %eq3A_126 : i32
      %jit3A_128 = arith.constant 1 : i32
      %select_n3A_129 = arith.select %eq3A_127, %jit3A_128, %jit3A_125 : i32
      %rem3A_130 = arith.remsi %add3A_76, %select_n3A_129 : i32
      %ne3A_131 = arith.constant 0 : i32
      %ne3A_132 = arith.cmpi ne, %rem3A_130, %ne3A_131 : i32
      %lt3A = arith.constant 0 : i32
      %lt3A_133 = arith.cmpi slt, %rem3A_130, %lt3A : i32
      %lt3A_134 = arith.constant 0 : i32
      %lt3A_135 = arith.cmpi slt, %select_n3A_129, %lt3A_134 : i32
      %ne3A_136 = arith.xori %lt3A_133, %lt3A_135 : i1
      %and3A_137 = arith.andi %ne3A_136, %ne3A_132 : i1
      %add3A_138 = arith.addi %rem3A_130, %select_n3A_129 : i32
      %select_n3A_139 = arith.select %and3A_137, %add3A_138, %rem3A_130 : i32
      %mul3A_140 = arith.constant 1 : i32
      %mul3A_141 = arith.muli %mul3A_140, %select_n3A_124 : i32
      %mul3A_142 = arith.constant 128 : i32
      %mul3A_143 = arith.muli %mul3A_142, %select_n3A_139 : i32
      %dma_wait3A = arith.constant 0 : i32
      %dma_wait3A_144 = arith.constant 0 : i32
      %dma_wait3A_145 = arith.constant 0 : i32
      %dma_wait3A_146 = tpu.memref_slice %run_scoped3A_8[%rem3A_105, %dma_wait3A, %dma_wait3A_144, %dma_wait3A_145] : memref<2x1x128x128xi32, #tpu.memory_space<vmem>> -> memref<1x1x128x128xi32, #tpu.memory_space<vmem>>
      %dma_wait3A_147 = tpu.memref_squeeze %dma_wait3A_146 : memref<1x1x128x128xi32, #tpu.memory_space<vmem>> -> memref<1x128x128xi32, #tpu.memory_space<vmem>>
      %dma_wait3A_148 = arith.constant 0 : i32
      %dma_wait3A_149 = tpu.memref_slice %arg4[%mul3A_141, %mul3A_143, %dma_wait3A_148] : memref<9x4096x128xi32, #tpu.memory_space<hbm>> -> memref<1x128x128xi32, #tpu.memory_space<hbm>>
      %dma_wait3A_150 = tpu.memref_slice %run_scoped3A_9[%rem3A_105] : memref<2x!tpu.dma_semaphore, #tpu.memory_space<semaphore_mem>> -> memref<1x!tpu.dma_semaphore, #tpu.memory_space<semaphore_mem>>
      %dma_wait3A_151 = tpu.memref_squeeze %dma_wait3A_150 : memref<1x!tpu.dma_semaphore, #tpu.memory_space<semaphore_mem>> -> memref<!tpu.dma_semaphore, #tpu.memory_space<semaphore_mem>>
      %dma_wait3A_152 = arith.constant 0 : i32
      %dma_wait3A_153 = tpu.memref_slice %arg4[%mul3A_141, %mul3A_143, %dma_wait3A_152] : memref<9x4096x128xi32, #tpu.memory_space<hbm>> -> memref<1x128x128xi32, #tpu.memory_space<hbm>>
      %dma_wait3A_154 = arith.constant 0 : i32
      %dma_wait3A_155 = arith.constant 0 : i32
      %dma_wait3A_156 = arith.constant 0 : i32
      %dma_wait3A_157 = tpu.memref_slice %run_scoped3A_8[%rem3A_105, %dma_wait3A_154, %dma_wait3A_155, %dma_wait3A_156] : memref<2x1x128x128xi32, #tpu.memory_space<vmem>> -> memref<1x1x128x128xi32, #tpu.memory_space<vmem>>
      %dma_wait3A_158 = tpu.memref_squeeze %dma_wait3A_157 : memref<1x1x128x128xi32, #tpu.memory_space<vmem>> -> memref<1x128x128xi32, #tpu.memory_space<vmem>>
      tpu.wait_dma2 semaphore(%dma_wait3A_151 : memref<!tpu.dma_semaphore, #tpu.memory_space<semaphore_mem>>) src(%dma_wait3A_158 : memref<1x128x128xi32, #tpu.memory_space<vmem>>) dst(%dma_wait3A_153 : memref<1x128x128xi32, #tpu.memory_space<hbm>>)
      "tpu.trace_stop"() : () -> ()
      tpu.yield
    }) : () -> ()
    return
  }
}

#map = affine_map<(d0, d1) -> (0, 0)>
#map1 = affine_map<(d0, d1) -> (0, 0, 0)>
module attributes {stable_mosaic.version = 14 : i64} {
  func.func @gather_kernel(%arg0: i32, %arg1: i32, %arg2: memref<102400x128xi32, #tpu.memory_space<hbm>>, %arg3: memref<1x32768xi32, #tpu.memory_space<hbm>>, %arg4: memref<8x4096x128xi32, #tpu.memory_space<hbm>>) attributes {dimension_semantics = [#tpu.dimension_semantics<core_parallel>, #tpu.dimension_semantics<subcore_parallel>], iteration_bounds = array<i64: 2, 16>, scalar_prefetch = 0 : i64, scratch_operands = 0 : i64, tpu.core_type = #tpu.core_type<sc_vector_subcore>, window_params = [{transform_indices = #map}, {transform_indices = #map}, {transform_indices = #map1}]} {
    %mul3A = arith.constant 1 : i32
    %mul3A_0 = arith.muli %arg1, %mul3A : i32
    %add3A = arith.constant 0 : i32
    %add3A_1 = arith.addi %add3A, %mul3A_0 : i32
    %mul3A_2 = arith.constant 16 : i32
    %mul3A_3 = arith.muli %arg0, %mul3A_2 : i32
    %add3A_4 = arith.addi %add3A_1, %mul3A_3 : i32
    %mul3A_5 = arith.constant 8 : i32
    %mul3A_6 = arith.muli %add3A_4, %mul3A_5 : i32
    "tpu.region"() ({
      %run_scoped3A = memref.alloca() : memref<2x1x128xi32, #tpu.memory_space<vmem>>
      %run_scoped3A_7 = tpu.sem_alloc : memref<2x!tpu.dma_semaphore, #tpu.memory_space<semaphore_mem>>
      %run_scoped3A_8 = memref.alloca() : memref<2x1x128x128xi32, #tpu.memory_space<vmem>>
      %run_scoped3A_9 = tpu.sem_alloc : memref<2x!tpu.dma_semaphore, #tpu.memory_space<semaphore_mem>>
      %add3A_10 = arith.constant 0 : i32
      %add3A_11 = arith.addi %add3A_10, %mul3A_6 : i32
      %select_n3A = arith.constant true
      %select_n3A_12 = arith.constant 0 : i32
      %select_n3A_13 = arith.constant -1 : i32
      %select_n3A_14 = arith.select %select_n3A, %select_n3A_13, %select_n3A_12 : i32
      %eq3A = arith.constant -1 : i32
      %eq3A_15 = arith.cmpi eq, %select_n3A_14, %eq3A : i32
      %select_n3A_16 = arith.constant 7 : i32
      %select_n3A_17 = arith.select %eq3A_15, %select_n3A_16, %select_n3A_14 : i32
      %add3A_18 = arith.addi %select_n3A_17, %mul3A_6 : i32
      %select_n3A_19 = arith.constant true
      %select_n3A_20 = arith.constant 0 : i32
      %select_n3A_21 = arith.constant 1 : i32
      %select_n3A_22 = arith.select %select_n3A_19, %select_n3A_21, %select_n3A_20 : i32
      %eq3A_23 = arith.constant 8 : i32
      %eq3A_24 = arith.cmpi eq, %select_n3A_22, %eq3A_23 : i32
      %select_n3A_25 = arith.constant 0 : i32
      %select_n3A_26 = arith.select %eq3A_24, %select_n3A_25, %select_n3A_22 : i32
      %add3A_27 = arith.addi %select_n3A_26, %mul3A_6 : i32
      %add3A_28 = arith.constant 1 : i32
      %add3A_29 = arith.addi %select_n3A_26, %add3A_28 : i32
      %select_n3A_30 = arith.constant true
      %select_n3A_31 = arith.select %select_n3A_30, %add3A_29, %select_n3A_26 : i32
      %eq3A_32 = arith.constant 8 : i32
      %eq3A_33 = arith.cmpi eq, %select_n3A_31, %eq3A_32 : i32
      %select_n3A_34 = arith.constant 0 : i32
      %select_n3A_35 = arith.select %eq3A_33, %select_n3A_34, %select_n3A_31 : i32
      %add3A_36 = arith.addi %select_n3A_35, %mul3A_6 : i32
      "tpu.trace_start"() <{level = 10 : i32, message = "ep_initialize_0"}> : () -> ()
      %rem3A = arith.constant 0 : i32
      %rem3A_37 = arith.constant 2 : i32
      %rem3A_38 = arith.remui %rem3A, %rem3A_37 : i32
      %mul3A_39 = arith.constant 128 : i32
      %mul3A_40 = arith.muli %mul3A_39, %add3A_11 : i32
      %dma_start3A = arith.constant 0 : i32
      %dma_start3A_41 = arith.constant 0 : i32
      %dma_start3A_42 = tpu.memref_slice %run_scoped3A[%rem3A_38, %dma_start3A, %dma_start3A_41] : memref<2x1x128xi32, #tpu.memory_space<vmem>> -> memref<1x1x128xi32, #tpu.memory_space<vmem>>
      %dma_start3A_43 = tpu.memref_squeeze %dma_start3A_42 : memref<1x1x128xi32, #tpu.memory_space<vmem>> -> memref<1x128xi32, #tpu.memory_space<vmem>>
      %dma_start3A_44 = arith.constant 0 : i32
      %dma_start3A_45 = tpu.memref_slice %arg3[%dma_start3A_44, %mul3A_40] : memref<1x32768xi32, #tpu.memory_space<hbm>> -> memref<1x128xi32, #tpu.memory_space<hbm>>
      %dma_start3A_46 = tpu.memref_slice %run_scoped3A_7[%rem3A_38] : memref<2x!tpu.dma_semaphore, #tpu.memory_space<semaphore_mem>> -> memref<1x!tpu.dma_semaphore, #tpu.memory_space<semaphore_mem>>
      %dma_start3A_47 = tpu.memref_squeeze %dma_start3A_46 : memref<1x!tpu.dma_semaphore, #tpu.memory_space<semaphore_mem>> -> memref<!tpu.dma_semaphore, #tpu.memory_space<semaphore_mem>>
      %dma_start3A_48 = arith.constant 0 : i32
      %dma_start3A_49 = arith.constant 0 : i32
      %dma_start3A_50 = tpu.memref_slice %run_scoped3A[%rem3A_38, %dma_start3A_48, %dma_start3A_49] : memref<2x1x128xi32, #tpu.memory_space<vmem>> -> memref<1x1x128xi32, #tpu.memory_space<vmem>>
      %dma_start3A_51 = tpu.memref_squeeze %dma_start3A_50 : memref<1x1x128xi32, #tpu.memory_space<vmem>> -> memref<1x128xi32, #tpu.memory_space<vmem>>
      %dma_start3A_52 = arith.constant 0 : i32
      %dma_start3A_53 = tpu.memref_slice %arg3[%dma_start3A_52, %mul3A_40] : memref<1x32768xi32, #tpu.memory_space<hbm>> -> memref<1x128xi32, #tpu.memory_space<hbm>>
      tpu.enqueue_dma source(%dma_start3A_53 : memref<1x128xi32, #tpu.memory_space<hbm>>) target(%dma_start3A_51 : memref<1x128xi32, #tpu.memory_space<vmem>>) target_semaphore(%dma_start3A_47 : memref<!tpu.dma_semaphore, #tpu.memory_space<semaphore_mem>>)
      %add3A_54 = arith.constant 0 : i32
      %add3A_55 = arith.constant 1 : i32
      %add3A_56 = arith.addi %add3A_54, %add3A_55 : i32
      %select_n3A_57 = arith.constant true
      %select_n3A_58 = arith.constant 0 : i32
      %select_n3A_59 = arith.select %select_n3A_57, %add3A_56, %select_n3A_58 : i32
      "tpu.trace_stop"() : () -> ()
      %scan3A = arith.constant 0 : i32
      %scan3A_60 = arith.constant 0 : i32
      %scan3A_61 = arith.constant 0 : i32
      %scan3A_62 = arith.constant 0 : i32
      %scan3A_63 = arith.constant 0 : i32
      %scan3A_64 = arith.constant 8 : i32
      %scan3A_65 = arith.addi %scan3A_63, %scan3A_64 : i32
      %scan3A_66 = arith.constant 1 : i32
      %scan3A_67:5 = scf.for %scan3A_159 = %scan3A_63 to %scan3A_65 step %scan3A_66 iter_args(%scan3A_160 = %select_n3A_59, %scan3A_161 = %scan3A, %scan3A_162 = %scan3A_60, %scan3A_163 = %scan3A_61, %scan3A_164 = %scan3A_62) -> (i32, i32, i32, i32, i32)  : i32 {
        %eq3A_165 = arith.constant 0 : i32
        %eq3A_166 = arith.cmpi eq, %scan3A_159, %eq3A_165 : i32
        %eq3A_167 = arith.constant 7 : i32
        %eq3A_168 = arith.cmpi eq, %scan3A_159, %eq3A_167 : i32
        %add3A_169 = arith.addi %scan3A_164, %mul3A_6 : i32
        %sub3A_170 = arith.constant 1 : i32
        %sub3A_171 = arith.subi %scan3A_164, %sub3A_170 : i32
        %select_n3A_172 = arith.constant true
        %select_n3A_173 = arith.select %select_n3A_172, %sub3A_171, %scan3A_164 : i32
        %eq3A_174 = arith.constant -1 : i32
        %eq3A_175 = arith.cmpi eq, %select_n3A_173, %eq3A_174 : i32
        %select_n3A_176 = arith.constant 7 : i32
        %select_n3A_177 = arith.select %eq3A_175, %select_n3A_176, %select_n3A_173 : i32
        %add3A_178 = arith.addi %select_n3A_177, %mul3A_6 : i32
        %add3A_179 = arith.constant 1 : i32
        %add3A_180 = arith.addi %scan3A_164, %add3A_179 : i32
        %select_n3A_181 = arith.constant true
        %select_n3A_182 = arith.select %select_n3A_181, %add3A_180, %scan3A_164 : i32
        %eq3A_183 = arith.constant 8 : i32
        %eq3A_184 = arith.cmpi eq, %select_n3A_182, %eq3A_183 : i32
        %select_n3A_185 = arith.constant 0 : i32
        %select_n3A_186 = arith.select %eq3A_184, %select_n3A_185, %select_n3A_182 : i32
        %add3A_187 = arith.addi %select_n3A_186, %mul3A_6 : i32
        %add3A_188 = arith.constant 1 : i32
        %add3A_189 = arith.addi %select_n3A_186, %add3A_188 : i32
        %select_n3A_190 = arith.constant true
        %select_n3A_191 = arith.select %select_n3A_190, %add3A_189, %select_n3A_186 : i32
        %eq3A_192 = arith.constant 8 : i32
        %eq3A_193 = arith.cmpi eq, %select_n3A_191, %eq3A_192 : i32
        %select_n3A_194 = arith.constant 0 : i32
        %select_n3A_195 = arith.select %eq3A_193, %select_n3A_194, %select_n3A_191 : i32
        %add3A_196 = arith.addi %select_n3A_195, %mul3A_6 : i32
        %ne3A_197 = arith.cmpi ne, %add3A_169, %add3A_187 : i32
        %or3A = arith.constant false
        %or3A_198 = arith.ori %or3A, %ne3A_197 : i1
        %ge3A = arith.constant 7 : i32
        %ge3A_199 = arith.cmpi sge, %scan3A_159, %ge3A : i32
        %not3A = arith.constant true
        %not3A_200 = arith.xori %ge3A_199, %not3A : i1
        %and3A_201 = arith.andi %or3A_198, %not3A_200 : i1
        %convert_element_type3A = arith.extui %and3A_201 : i1 to i32
        %cond3A = arith.constant 0 : i32
        %cond3A_202 = arith.cmpi ne, %convert_element_type3A, %cond3A : i32
        scf.if %cond3A_202 {
          "tpu.trace_start"() <{level = 10 : i32, message = "ep_copy_in"}> : () -> ()
          %rem3A_633 = arith.constant 2 : i32
          %rem3A_634 = arith.remui %scan3A_160, %rem3A_633 : i32
          %mul3A_635 = arith.constant 128 : i32
          %mul3A_636 = arith.muli %mul3A_635, %add3A_187 : i32
          %dma_start3A_637 = arith.constant 0 : i32
          %dma_start3A_638 = arith.constant 0 : i32
          %dma_start3A_639 = tpu.memref_slice %run_scoped3A[%rem3A_634, %dma_start3A_637, %dma_start3A_638] : memref<2x1x128xi32, #tpu.memory_space<vmem>> -> memref<1x1x128xi32, #tpu.memory_space<vmem>>
          %dma_start3A_640 = tpu.memref_squeeze %dma_start3A_639 : memref<1x1x128xi32, #tpu.memory_space<vmem>> -> memref<1x128xi32, #tpu.memory_space<vmem>>
          %dma_start3A_641 = arith.constant 0 : i32
          %dma_start3A_642 = tpu.memref_slice %arg3[%dma_start3A_641, %mul3A_636] : memref<1x32768xi32, #tpu.memory_space<hbm>> -> memref<1x128xi32, #tpu.memory_space<hbm>>
          %dma_start3A_643 = tpu.memref_slice %run_scoped3A_7[%rem3A_634] : memref<2x!tpu.dma_semaphore, #tpu.memory_space<semaphore_mem>> -> memref<1x!tpu.dma_semaphore, #tpu.memory_space<semaphore_mem>>
          %dma_start3A_644 = tpu.memref_squeeze %dma_start3A_643 : memref<1x!tpu.dma_semaphore, #tpu.memory_space<semaphore_mem>> -> memref<!tpu.dma_semaphore, #tpu.memory_space<semaphore_mem>>
          %dma_start3A_645 = arith.constant 0 : i32
          %dma_start3A_646 = arith.constant 0 : i32
          %dma_start3A_647 = tpu.memref_slice %run_scoped3A[%rem3A_634, %dma_start3A_645, %dma_start3A_646] : memref<2x1x128xi32, #tpu.memory_space<vmem>> -> memref<1x1x128xi32, #tpu.memory_space<vmem>>
          %dma_start3A_648 = tpu.memref_squeeze %dma_start3A_647 : memref<1x1x128xi32, #tpu.memory_space<vmem>> -> memref<1x128xi32, #tpu.memory_space<vmem>>
          %dma_start3A_649 = arith.constant 0 : i32
          %dma_start3A_650 = tpu.memref_slice %arg3[%dma_start3A_649, %mul3A_636] : memref<1x32768xi32, #tpu.memory_space<hbm>> -> memref<1x128xi32, #tpu.memory_space<hbm>>
          tpu.enqueue_dma source(%dma_start3A_650 : memref<1x128xi32, #tpu.memory_space<hbm>>) target(%dma_start3A_648 : memref<1x128xi32, #tpu.memory_space<vmem>>) target_semaphore(%dma_start3A_644 : memref<!tpu.dma_semaphore, #tpu.memory_space<semaphore_mem>>)
          "tpu.trace_stop"() : () -> ()
        } else {
        }
        %and3A_203 = arith.constant true
        %and3A_204 = arith.andi %and3A_201, %and3A_203 : i1
        %add3A_205 = arith.constant 1 : i32
        %add3A_206 = arith.addi %scan3A_160, %add3A_205 : i32
        %select_n3A_207 = arith.select %and3A_204, %add3A_206, %scan3A_160 : i32
        %jit3A_208 = arith.constant 32 : i32
        %div3A_209 = arith.divsi %add3A_169, %jit3A_208 : i32
        %sign3A_210 = arith.constant 0 : i32
        %sign3A_211 = arith.cmpi sgt, %add3A_169, %sign3A_210 : i32
        %sign3A_212 = arith.extui %sign3A_211 : i1 to i32
        %sign3A_213 = arith.constant 0 : i32
        %sign3A_214 = arith.cmpi slt, %add3A_169, %sign3A_213 : i32
        %sign3A_215 = arith.extui %sign3A_214 : i1 to i32
        %sign3A_216 = arith.subi %sign3A_212, %sign3A_215 : i32
        %sign3A_217 = arith.constant 0 : i32
        %sign3A_218 = arith.cmpi sgt, %jit3A_208, %sign3A_217 : i32
        %sign3A_219 = arith.extui %sign3A_218 : i1 to i32
        %sign3A_220 = arith.constant 0 : i32
        %sign3A_221 = arith.cmpi slt, %jit3A_208, %sign3A_220 : i32
        %sign3A_222 = arith.extui %sign3A_221 : i1 to i32
        %sign3A_223 = arith.subi %sign3A_219, %sign3A_222 : i32
        %ne3A_224 = arith.cmpi ne, %sign3A_216, %sign3A_223 : i32
        %rem3A_225 = arith.remsi %add3A_169, %jit3A_208 : i32
        %ne3A_226 = arith.constant 0 : i32
        %ne3A_227 = arith.cmpi ne, %rem3A_225, %ne3A_226 : i32
        %and3A_228 = arith.andi %ne3A_224, %ne3A_227 : i1
        %sub3A_229 = arith.constant 1 : i32
        %sub3A_230 = arith.subi %div3A_209, %sub3A_229 : i32
        %select_n3A_231 = arith.select %and3A_228, %sub3A_230, %div3A_209 : i32
        %jit3A_232 = arith.constant 32 : i32
        %eq3A_233 = arith.constant 0 : i32
        %eq3A_234 = arith.cmpi eq, %jit3A_232, %eq3A_233 : i32
        %jit3A_235 = arith.constant 1 : i32
        %select_n3A_236 = arith.select %eq3A_234, %jit3A_235, %jit3A_232 : i32
        %rem3A_237 = arith.remsi %add3A_169, %select_n3A_236 : i32
        %ne3A_238 = arith.constant 0 : i32
        %ne3A_239 = arith.cmpi ne, %rem3A_237, %ne3A_238 : i32
        %lt3A_240 = arith.constant 0 : i32
        %lt3A_241 = arith.cmpi slt, %rem3A_237, %lt3A_240 : i32
        %lt3A_242 = arith.constant 0 : i32
        %lt3A_243 = arith.cmpi slt, %select_n3A_236, %lt3A_242 : i32
        %ne3A_244 = arith.xori %lt3A_241, %lt3A_243 : i1
        %and3A_245 = arith.andi %ne3A_244, %ne3A_239 : i1
        %add3A_246 = arith.addi %rem3A_237, %select_n3A_236 : i32
        %select_n3A_247 = arith.select %and3A_245, %add3A_246, %rem3A_237 : i32
        %jit3A_248 = arith.constant 32 : i32
        %div3A_249 = arith.divsi %add3A_187, %jit3A_248 : i32
        %sign3A_250 = arith.constant 0 : i32
        %sign3A_251 = arith.cmpi sgt, %add3A_187, %sign3A_250 : i32
        %sign3A_252 = arith.extui %sign3A_251 : i1 to i32
        %sign3A_253 = arith.constant 0 : i32
        %sign3A_254 = arith.cmpi slt, %add3A_187, %sign3A_253 : i32
        %sign3A_255 = arith.extui %sign3A_254 : i1 to i32
        %sign3A_256 = arith.subi %sign3A_252, %sign3A_255 : i32
        %sign3A_257 = arith.constant 0 : i32
        %sign3A_258 = arith.cmpi sgt, %jit3A_248, %sign3A_257 : i32
        %sign3A_259 = arith.extui %sign3A_258 : i1 to i32
        %sign3A_260 = arith.constant 0 : i32
        %sign3A_261 = arith.cmpi slt, %jit3A_248, %sign3A_260 : i32
        %sign3A_262 = arith.extui %sign3A_261 : i1 to i32
        %sign3A_263 = arith.subi %sign3A_259, %sign3A_262 : i32
        %ne3A_264 = arith.cmpi ne, %sign3A_256, %sign3A_263 : i32
        %rem3A_265 = arith.remsi %add3A_187, %jit3A_248 : i32
        %ne3A_266 = arith.constant 0 : i32
        %ne3A_267 = arith.cmpi ne, %rem3A_265, %ne3A_266 : i32
        %and3A_268 = arith.andi %ne3A_264, %ne3A_267 : i1
        %sub3A_269 = arith.constant 1 : i32
        %sub3A_270 = arith.subi %div3A_249, %sub3A_269 : i32
        %select_n3A_271 = arith.select %and3A_268, %sub3A_270, %div3A_249 : i32
        %jit3A_272 = arith.constant 32 : i32
        %eq3A_273 = arith.constant 0 : i32
        %eq3A_274 = arith.cmpi eq, %jit3A_272, %eq3A_273 : i32
        %jit3A_275 = arith.constant 1 : i32
        %select_n3A_276 = arith.select %eq3A_274, %jit3A_275, %jit3A_272 : i32
        %rem3A_277 = arith.remsi %add3A_187, %select_n3A_276 : i32
        %ne3A_278 = arith.constant 0 : i32
        %ne3A_279 = arith.cmpi ne, %rem3A_277, %ne3A_278 : i32
        %lt3A_280 = arith.constant 0 : i32
        %lt3A_281 = arith.cmpi slt, %rem3A_277, %lt3A_280 : i32
        %lt3A_282 = arith.constant 0 : i32
        %lt3A_283 = arith.cmpi slt, %select_n3A_276, %lt3A_282 : i32
        %ne3A_284 = arith.xori %lt3A_281, %lt3A_283 : i1
        %and3A_285 = arith.andi %ne3A_284, %ne3A_279 : i1
        %add3A_286 = arith.addi %rem3A_277, %select_n3A_276 : i32
        %select_n3A_287 = arith.select %and3A_285, %add3A_286, %rem3A_277 : i32
        %ne3A_288 = arith.cmpi ne, %select_n3A_231, %select_n3A_271 : i32
        %ne3A_289 = arith.cmpi ne, %select_n3A_247, %select_n3A_287 : i32
        %or3A_290 = arith.constant false
        %or3A_291 = arith.ori %or3A_290, %ne3A_288 : i1
        %or3A_292 = arith.ori %or3A_291, %ne3A_289 : i1
        %or3A_293 = arith.constant false
        %or3A_294 = arith.ori %or3A_292, %or3A_293 : i1
        %ge3A_295 = arith.constant 7 : i32
        %ge3A_296 = arith.cmpi sge, %scan3A_159, %ge3A_295 : i32
        %not3A_297 = arith.constant true
        %not3A_298 = arith.xori %ge3A_296, %not3A_297 : i1
        %and3A_299 = arith.andi %or3A_294, %not3A_298 : i1
        %ne3A_300 = arith.cmpi ne, %add3A_169, %add3A_178 : i32
        %or3A_301 = arith.constant false
        %or3A_302 = arith.ori %or3A_301, %ne3A_300 : i1
        %or3A_303 = arith.ori %or3A_302, %eq3A_166 : i1
        %convert_element_type3A_304 = arith.extui %or3A_303 : i1 to i32
        %cond3A_305 = arith.constant 0 : i32
        %cond3A_306 = arith.cmpi ne, %convert_element_type3A_304, %cond3A_305 : i32
        scf.if %cond3A_306 {
          "tpu.trace_start"() <{level = 10 : i32, message = "ep_wait_in"}> : () -> ()
          %mul3A_633 = arith.constant 128 : i32
          %mul3A_634 = arith.muli %mul3A_633, %add3A_169 : i32
          %rem3A_635 = arith.constant 2 : i32
          %rem3A_636 = arith.remui %scan3A_161, %rem3A_635 : i32
          %dma_wait3A_637 = arith.constant 0 : i32
          %dma_wait3A_638 = arith.constant 0 : i32
          %dma_wait3A_639 = tpu.memref_slice %run_scoped3A[%rem3A_636, %dma_wait3A_637, %dma_wait3A_638] : memref<2x1x128xi32, #tpu.memory_space<vmem>> -> memref<1x1x128xi32, #tpu.memory_space<vmem>>
          %dma_wait3A_640 = tpu.memref_squeeze %dma_wait3A_639 : memref<1x1x128xi32, #tpu.memory_space<vmem>> -> memref<1x128xi32, #tpu.memory_space<vmem>>
          %dma_wait3A_641 = arith.constant 0 : i32
          %dma_wait3A_642 = tpu.memref_slice %arg3[%dma_wait3A_641, %mul3A_634] : memref<1x32768xi32, #tpu.memory_space<hbm>> -> memref<1x128xi32, #tpu.memory_space<hbm>>
          %dma_wait3A_643 = tpu.memref_slice %run_scoped3A_7[%rem3A_636] : memref<2x!tpu.dma_semaphore, #tpu.memory_space<semaphore_mem>> -> memref<1x!tpu.dma_semaphore, #tpu.memory_space<semaphore_mem>>
          %dma_wait3A_644 = tpu.memref_squeeze %dma_wait3A_643 : memref<1x!tpu.dma_semaphore, #tpu.memory_space<semaphore_mem>> -> memref<!tpu.dma_semaphore, #tpu.memory_space<semaphore_mem>>
          %dma_wait3A_645 = arith.constant 0 : i32
          %dma_wait3A_646 = arith.constant 0 : i32
          %dma_wait3A_647 = tpu.memref_slice %run_scoped3A[%rem3A_636, %dma_wait3A_645, %dma_wait3A_646] : memref<2x1x128xi32, #tpu.memory_space<vmem>> -> memref<1x1x128xi32, #tpu.memory_space<vmem>>
          %dma_wait3A_648 = tpu.memref_squeeze %dma_wait3A_647 : memref<1x1x128xi32, #tpu.memory_space<vmem>> -> memref<1x128xi32, #tpu.memory_space<vmem>>
          %dma_wait3A_649 = arith.constant 0 : i32
          %dma_wait3A_650 = tpu.memref_slice %arg3[%dma_wait3A_649, %mul3A_634] : memref<1x32768xi32, #tpu.memory_space<hbm>> -> memref<1x128xi32, #tpu.memory_space<hbm>>
          tpu.wait_dma2 semaphore(%dma_wait3A_644 : memref<!tpu.dma_semaphore, #tpu.memory_space<semaphore_mem>>) src(%dma_wait3A_650 : memref<1x128xi32, #tpu.memory_space<hbm>>) dst(%dma_wait3A_648 : memref<1x128xi32, #tpu.memory_space<vmem>>)
          "tpu.trace_stop"() : () -> ()
        } else {
        }
        %jit3A_307 = arith.constant 32 : i32
        %div3A_308 = arith.divsi %add3A_169, %jit3A_307 : i32
        %sign3A_309 = arith.constant 0 : i32
        %sign3A_310 = arith.cmpi sgt, %add3A_169, %sign3A_309 : i32
        %sign3A_311 = arith.extui %sign3A_310 : i1 to i32
        %sign3A_312 = arith.constant 0 : i32
        %sign3A_313 = arith.cmpi slt, %add3A_169, %sign3A_312 : i32
        %sign3A_314 = arith.extui %sign3A_313 : i1 to i32
        %sign3A_315 = arith.subi %sign3A_311, %sign3A_314 : i32
        %sign3A_316 = arith.constant 0 : i32
        %sign3A_317 = arith.cmpi sgt, %jit3A_307, %sign3A_316 : i32
        %sign3A_318 = arith.extui %sign3A_317 : i1 to i32
        %sign3A_319 = arith.constant 0 : i32
        %sign3A_320 = arith.cmpi slt, %jit3A_307, %sign3A_319 : i32
        %sign3A_321 = arith.extui %sign3A_320 : i1 to i32
        %sign3A_322 = arith.subi %sign3A_318, %sign3A_321 : i32
        %ne3A_323 = arith.cmpi ne, %sign3A_315, %sign3A_322 : i32
        %rem3A_324 = arith.remsi %add3A_169, %jit3A_307 : i32
        %ne3A_325 = arith.constant 0 : i32
        %ne3A_326 = arith.cmpi ne, %rem3A_324, %ne3A_325 : i32
        %and3A_327 = arith.andi %ne3A_323, %ne3A_326 : i1
        %sub3A_328 = arith.constant 1 : i32
        %sub3A_329 = arith.subi %div3A_308, %sub3A_328 : i32
        %select_n3A_330 = arith.select %and3A_327, %sub3A_329, %div3A_308 : i32
        %jit3A_331 = arith.constant 32 : i32
        %eq3A_332 = arith.constant 0 : i32
        %eq3A_333 = arith.cmpi eq, %jit3A_331, %eq3A_332 : i32
        %jit3A_334 = arith.constant 1 : i32
        %select_n3A_335 = arith.select %eq3A_333, %jit3A_334, %jit3A_331 : i32
        %rem3A_336 = arith.remsi %add3A_169, %select_n3A_335 : i32
        %ne3A_337 = arith.constant 0 : i32
        %ne3A_338 = arith.cmpi ne, %rem3A_336, %ne3A_337 : i32
        %lt3A_339 = arith.constant 0 : i32
        %lt3A_340 = arith.cmpi slt, %rem3A_336, %lt3A_339 : i32
        %lt3A_341 = arith.constant 0 : i32
        %lt3A_342 = arith.cmpi slt, %select_n3A_335, %lt3A_341 : i32
        %ne3A_343 = arith.xori %lt3A_340, %lt3A_342 : i1
        %and3A_344 = arith.andi %ne3A_343, %ne3A_338 : i1
        %add3A_345 = arith.addi %rem3A_336, %select_n3A_335 : i32
        %select_n3A_346 = arith.select %and3A_344, %add3A_345, %rem3A_336 : i32
        %jit3A_347 = arith.constant 32 : i32
        %div3A_348 = arith.divsi %add3A_178, %jit3A_347 : i32
        %sign3A_349 = arith.constant 0 : i32
        %sign3A_350 = arith.cmpi sgt, %add3A_178, %sign3A_349 : i32
        %sign3A_351 = arith.extui %sign3A_350 : i1 to i32
        %sign3A_352 = arith.constant 0 : i32
        %sign3A_353 = arith.cmpi slt, %add3A_178, %sign3A_352 : i32
        %sign3A_354 = arith.extui %sign3A_353 : i1 to i32
        %sign3A_355 = arith.subi %sign3A_351, %sign3A_354 : i32
        %sign3A_356 = arith.constant 0 : i32
        %sign3A_357 = arith.cmpi sgt, %jit3A_347, %sign3A_356 : i32
        %sign3A_358 = arith.extui %sign3A_357 : i1 to i32
        %sign3A_359 = arith.constant 0 : i32
        %sign3A_360 = arith.cmpi slt, %jit3A_347, %sign3A_359 : i32
        %sign3A_361 = arith.extui %sign3A_360 : i1 to i32
        %sign3A_362 = arith.subi %sign3A_358, %sign3A_361 : i32
        %ne3A_363 = arith.cmpi ne, %sign3A_355, %sign3A_362 : i32
        %rem3A_364 = arith.remsi %add3A_178, %jit3A_347 : i32
        %ne3A_365 = arith.constant 0 : i32
        %ne3A_366 = arith.cmpi ne, %rem3A_364, %ne3A_365 : i32
        %and3A_367 = arith.andi %ne3A_363, %ne3A_366 : i1
        %sub3A_368 = arith.constant 1 : i32
        %sub3A_369 = arith.subi %div3A_348, %sub3A_368 : i32
        %select_n3A_370 = arith.select %and3A_367, %sub3A_369, %div3A_348 : i32
        %jit3A_371 = arith.constant 32 : i32
        %eq3A_372 = arith.constant 0 : i32
        %eq3A_373 = arith.cmpi eq, %jit3A_371, %eq3A_372 : i32
        %jit3A_374 = arith.constant 1 : i32
        %select_n3A_375 = arith.select %eq3A_373, %jit3A_374, %jit3A_371 : i32
        %rem3A_376 = arith.remsi %add3A_178, %select_n3A_375 : i32
        %ne3A_377 = arith.constant 0 : i32
        %ne3A_378 = arith.cmpi ne, %rem3A_376, %ne3A_377 : i32
        %lt3A_379 = arith.constant 0 : i32
        %lt3A_380 = arith.cmpi slt, %rem3A_376, %lt3A_379 : i32
        %lt3A_381 = arith.constant 0 : i32
        %lt3A_382 = arith.cmpi slt, %select_n3A_375, %lt3A_381 : i32
        %ne3A_383 = arith.xori %lt3A_380, %lt3A_382 : i1
        %and3A_384 = arith.andi %ne3A_383, %ne3A_378 : i1
        %add3A_385 = arith.addi %rem3A_376, %select_n3A_375 : i32
        %select_n3A_386 = arith.select %and3A_384, %add3A_385, %rem3A_376 : i32
        %ne3A_387 = arith.cmpi ne, %select_n3A_330, %select_n3A_370 : i32
        %ne3A_388 = arith.cmpi ne, %select_n3A_346, %select_n3A_386 : i32
        %or3A_389 = arith.constant false
        %or3A_390 = arith.ori %or3A_389, %ne3A_387 : i1
        %or3A_391 = arith.ori %or3A_390, %ne3A_388 : i1
        %or3A_392 = arith.constant false
        %or3A_393 = arith.ori %or3A_391, %or3A_392 : i1
        %or3A_394 = arith.ori %or3A_393, %eq3A_166 : i1
        %convert_element_type3A_395 = arith.extui %or3A_394 : i1 to i32
        %cond3A_396 = arith.constant 0 : i32
        %cond3A_397 = arith.cmpi ne, %convert_element_type3A_395, %cond3A_396 : i32
        scf.if %cond3A_397 {
        } else {
        }
        %rem3A_398 = arith.constant 2 : i32
        %rem3A_399 = arith.remui %scan3A_161, %rem3A_398 : i32
        %rem3A_400 = arith.constant 2 : i32
        %rem3A_401 = arith.remui %scan3A_162, %rem3A_400 : i32
        %run_scoped3A_402 = arith.constant 0 : i32
        %run_scoped3A_403 = arith.constant 0 : i32
        "tpu.trace_start"() <{level = 10 : i32, message = "ep_run_kernel"}> : () -> ()
        "tpu.region"() ({
          %run_scoped3A_633 = tpu.sem_alloc : memref<!tpu.dma_semaphore, #tpu.memory_space<semaphore_mem>>
          %dma_start3A_634 = arith.constant 0 : i32
          %dma_start3A_635 = arith.constant 0 : i32
          %dma_start3A_636 = arith.constant 0 : i32
          %dma_start3A_637 = tpu.memref_slice %run_scoped3A_8[%rem3A_401, %dma_start3A_634, %dma_start3A_635, %dma_start3A_636] : memref<2x1x128x128xi32, #tpu.memory_space<vmem>> -> memref<1x1x128x128xi32, #tpu.memory_space<vmem>>
          %dma_start3A_638 = tpu.memref_squeeze %dma_start3A_637 : memref<1x1x128x128xi32, #tpu.memory_space<vmem>> -> memref<1x128x128xi32, #tpu.memory_space<vmem>>
          %dma_start3A_639 = arith.constant 0 : i32
          %dma_start3A_640 = arith.constant 0 : i32
          %dma_start3A_641 = tpu.memref_slice %dma_start3A_638[%run_scoped3A_403, %dma_start3A_639, %dma_start3A_640] : memref<1x128x128xi32, #tpu.memory_space<vmem>> -> memref<1x128x128xi32, #tpu.memory_space<vmem>>
          %dma_start3A_642 = tpu.memref_squeeze %dma_start3A_641 : memref<1x128x128xi32, #tpu.memory_space<vmem>> -> memref<128x128xi32, #tpu.memory_space<vmem>>
          %dma_start3A_643 = arith.constant 0 : i32
          %dma_start3A_644 = arith.constant 0 : i32
          %dma_start3A_645 = tpu.memref_slice %run_scoped3A[%rem3A_399, %dma_start3A_643, %dma_start3A_644] : memref<2x1x128xi32, #tpu.memory_space<vmem>> -> memref<1x1x128xi32, #tpu.memory_space<vmem>>
          %dma_start3A_646 = tpu.memref_squeeze %dma_start3A_645 : memref<1x1x128xi32, #tpu.memory_space<vmem>> -> memref<1x128xi32, #tpu.memory_space<vmem>>
          %dma_start3A_647 = arith.constant 0 : i32
          %dma_start3A_648 = tpu.memref_slice %dma_start3A_646[%run_scoped3A_402, %dma_start3A_647] : memref<1x128xi32, #tpu.memory_space<vmem>> -> memref<1x128xi32, #tpu.memory_space<vmem>>
          %dma_start3A_649 = tpu.memref_squeeze %dma_start3A_648 : memref<1x128xi32, #tpu.memory_space<vmem>> -> memref<128xi32, #tpu.memory_space<vmem>>
          %dma_start3A_650 = arith.constant 0 : i32
          %dma_start3A_651 = arith.constant 0 : i32
          %dma_start3A_652 = tpu.memref_slice %arg2[%dma_start3A_650, %dma_start3A_651] : memref<102400x128xi32, #tpu.memory_space<hbm>> -> memref<102400x128xi32, #tpu.memory_space<hbm>>
          tpu.enqueue_indirect_dma source(%dma_start3A_652 : memref<102400x128xi32, #tpu.memory_space<hbm>>) target(%dma_start3A_642 : memref<128x128xi32, #tpu.memory_space<vmem>>) offsets(%dma_start3A_649 : memref<128xi32, #tpu.memory_space<vmem>>) semaphore(%run_scoped3A_633 : memref<!tpu.dma_semaphore, #tpu.memory_space<semaphore_mem>>)
          %dma_wait3A_653 = arith.constant 0 : i32
          %dma_wait3A_654 = arith.constant 0 : i32
          %dma_wait3A_655 = arith.constant 0 : i32
          %dma_wait3A_656 = tpu.memref_slice %run_scoped3A_8[%rem3A_401, %dma_wait3A_653, %dma_wait3A_654, %dma_wait3A_655] : memref<2x1x128x128xi32, #tpu.memory_space<vmem>> -> memref<1x1x128x128xi32, #tpu.memory_space<vmem>>
          %dma_wait3A_657 = tpu.memref_squeeze %dma_wait3A_656 : memref<1x1x128x128xi32, #tpu.memory_space<vmem>> -> memref<1x128x128xi32, #tpu.memory_space<vmem>>
          %dma_wait3A_658 = arith.constant 0 : i32
          %dma_wait3A_659 = arith.constant 0 : i32
          %dma_wait3A_660 = tpu.memref_slice %dma_wait3A_657[%run_scoped3A_403, %dma_wait3A_658, %dma_wait3A_659] : memref<1x128x128xi32, #tpu.memory_space<vmem>> -> memref<1x128x128xi32, #tpu.memory_space<vmem>>
          %dma_wait3A_661 = tpu.memref_squeeze %dma_wait3A_660 : memref<1x128x128xi32, #tpu.memory_space<vmem>> -> memref<128x128xi32, #tpu.memory_space<vmem>>
          %dma_wait3A_662 = arith.constant 0 : i32
          %dma_wait3A_663 = arith.constant 0 : i32
          %dma_wait3A_664 = tpu.memref_slice %run_scoped3A[%rem3A_399, %dma_wait3A_662, %dma_wait3A_663] : memref<2x1x128xi32, #tpu.memory_space<vmem>> -> memref<1x1x128xi32, #tpu.memory_space<vmem>>
          %dma_wait3A_665 = tpu.memref_squeeze %dma_wait3A_664 : memref<1x1x128xi32, #tpu.memory_space<vmem>> -> memref<1x128xi32, #tpu.memory_space<vmem>>
          %dma_wait3A_666 = arith.constant 0 : i32
          %dma_wait3A_667 = tpu.memref_slice %dma_wait3A_665[%run_scoped3A_402, %dma_wait3A_666] : memref<1x128xi32, #tpu.memory_space<vmem>> -> memref<1x128xi32, #tpu.memory_space<vmem>>
          %dma_wait3A_668 = tpu.memref_squeeze %dma_wait3A_667 : memref<1x128xi32, #tpu.memory_space<vmem>> -> memref<128xi32, #tpu.memory_space<vmem>>
          %dma_wait3A_669 = arith.constant 0 : i32
          %dma_wait3A_670 = arith.constant 0 : i32
          %dma_wait3A_671 = tpu.memref_slice %arg2[%dma_wait3A_669, %dma_wait3A_670] : memref<102400x128xi32, #tpu.memory_space<hbm>> -> memref<102400x128xi32, #tpu.memory_space<hbm>>
          tpu.wait_indirect_dma semaphore(%run_scoped3A_633 : memref<!tpu.dma_semaphore, #tpu.memory_space<semaphore_mem>>) src(%dma_wait3A_671 : memref<102400x128xi32, #tpu.memory_space<hbm>>) dst(%dma_wait3A_661 : memref<128x128xi32, #tpu.memory_space<vmem>>)
          tpu.yield
        }) : () -> ()
        "tpu.trace_stop"() : () -> ()
        %ne3A_404 = arith.cmpi ne, %add3A_169, %add3A_187 : i32
        %or3A_405 = arith.constant false
        %or3A_406 = arith.ori %or3A_405, %ne3A_404 : i1
        %or3A_407 = arith.ori %or3A_406, %eq3A_168 : i1
        %convert_element_type3A_408 = arith.extui %or3A_407 : i1 to i32
        %cond3A_409 = arith.constant 0 : i32
        %cond3A_410 = arith.cmpi ne, %convert_element_type3A_408, %cond3A_409 : i32
        scf.if %cond3A_410 {
        } else {
        }
        %and3A_411 = arith.constant false
        %and3A_412 = arith.andi %or3A_407, %and3A_411 : i1
        %jit3A_413 = arith.constant 32 : i32
        %div3A_414 = arith.divsi %add3A_169, %jit3A_413 : i32
        %sign3A_415 = arith.constant 0 : i32
        %sign3A_416 = arith.cmpi sgt, %add3A_169, %sign3A_415 : i32
        %sign3A_417 = arith.extui %sign3A_416 : i1 to i32
        %sign3A_418 = arith.constant 0 : i32
        %sign3A_419 = arith.cmpi slt, %add3A_169, %sign3A_418 : i32
        %sign3A_420 = arith.extui %sign3A_419 : i1 to i32
        %sign3A_421 = arith.subi %sign3A_417, %sign3A_420 : i32
        %sign3A_422 = arith.constant 0 : i32
        %sign3A_423 = arith.cmpi sgt, %jit3A_413, %sign3A_422 : i32
        %sign3A_424 = arith.extui %sign3A_423 : i1 to i32
        %sign3A_425 = arith.constant 0 : i32
        %sign3A_426 = arith.cmpi slt, %jit3A_413, %sign3A_425 : i32
        %sign3A_427 = arith.extui %sign3A_426 : i1 to i32
        %sign3A_428 = arith.subi %sign3A_424, %sign3A_427 : i32
        %ne3A_429 = arith.cmpi ne, %sign3A_421, %sign3A_428 : i32
        %rem3A_430 = arith.remsi %add3A_169, %jit3A_413 : i32
        %ne3A_431 = arith.constant 0 : i32
        %ne3A_432 = arith.cmpi ne, %rem3A_430, %ne3A_431 : i32
        %and3A_433 = arith.andi %ne3A_429, %ne3A_432 : i1
        %sub3A_434 = arith.constant 1 : i32
        %sub3A_435 = arith.subi %div3A_414, %sub3A_434 : i32
        %select_n3A_436 = arith.select %and3A_433, %sub3A_435, %div3A_414 : i32
        %jit3A_437 = arith.constant 32 : i32
        %eq3A_438 = arith.constant 0 : i32
        %eq3A_439 = arith.cmpi eq, %jit3A_437, %eq3A_438 : i32
        %jit3A_440 = arith.constant 1 : i32
        %select_n3A_441 = arith.select %eq3A_439, %jit3A_440, %jit3A_437 : i32
        %rem3A_442 = arith.remsi %add3A_169, %select_n3A_441 : i32
        %ne3A_443 = arith.constant 0 : i32
        %ne3A_444 = arith.cmpi ne, %rem3A_442, %ne3A_443 : i32
        %lt3A_445 = arith.constant 0 : i32
        %lt3A_446 = arith.cmpi slt, %rem3A_442, %lt3A_445 : i32
        %lt3A_447 = arith.constant 0 : i32
        %lt3A_448 = arith.cmpi slt, %select_n3A_441, %lt3A_447 : i32
        %ne3A_449 = arith.xori %lt3A_446, %lt3A_448 : i1
        %and3A_450 = arith.andi %ne3A_449, %ne3A_444 : i1
        %add3A_451 = arith.addi %rem3A_442, %select_n3A_441 : i32
        %select_n3A_452 = arith.select %and3A_450, %add3A_451, %rem3A_442 : i32
        %jit3A_453 = arith.constant 32 : i32
        %div3A_454 = arith.divsi %add3A_187, %jit3A_453 : i32
        %sign3A_455 = arith.constant 0 : i32
        %sign3A_456 = arith.cmpi sgt, %add3A_187, %sign3A_455 : i32
        %sign3A_457 = arith.extui %sign3A_456 : i1 to i32
        %sign3A_458 = arith.constant 0 : i32
        %sign3A_459 = arith.cmpi slt, %add3A_187, %sign3A_458 : i32
        %sign3A_460 = arith.extui %sign3A_459 : i1 to i32
        %sign3A_461 = arith.subi %sign3A_457, %sign3A_460 : i32
        %sign3A_462 = arith.constant 0 : i32
        %sign3A_463 = arith.cmpi sgt, %jit3A_453, %sign3A_462 : i32
        %sign3A_464 = arith.extui %sign3A_463 : i1 to i32
        %sign3A_465 = arith.constant 0 : i32
        %sign3A_466 = arith.cmpi slt, %jit3A_453, %sign3A_465 : i32
        %sign3A_467 = arith.extui %sign3A_466 : i1 to i32
        %sign3A_468 = arith.subi %sign3A_464, %sign3A_467 : i32
        %ne3A_469 = arith.cmpi ne, %sign3A_461, %sign3A_468 : i32
        %rem3A_470 = arith.remsi %add3A_187, %jit3A_453 : i32
        %ne3A_471 = arith.constant 0 : i32
        %ne3A_472 = arith.cmpi ne, %rem3A_470, %ne3A_471 : i32
        %and3A_473 = arith.andi %ne3A_469, %ne3A_472 : i1
        %sub3A_474 = arith.constant 1 : i32
        %sub3A_475 = arith.subi %div3A_454, %sub3A_474 : i32
        %select_n3A_476 = arith.select %and3A_473, %sub3A_475, %div3A_454 : i32
        %jit3A_477 = arith.constant 32 : i32
        %eq3A_478 = arith.constant 0 : i32
        %eq3A_479 = arith.cmpi eq, %jit3A_477, %eq3A_478 : i32
        %jit3A_480 = arith.constant 1 : i32
        %select_n3A_481 = arith.select %eq3A_479, %jit3A_480, %jit3A_477 : i32
        %rem3A_482 = arith.remsi %add3A_187, %select_n3A_481 : i32
        %ne3A_483 = arith.constant 0 : i32
        %ne3A_484 = arith.cmpi ne, %rem3A_482, %ne3A_483 : i32
        %lt3A_485 = arith.constant 0 : i32
        %lt3A_486 = arith.cmpi slt, %rem3A_482, %lt3A_485 : i32
        %lt3A_487 = arith.constant 0 : i32
        %lt3A_488 = arith.cmpi slt, %select_n3A_481, %lt3A_487 : i32
        %ne3A_489 = arith.xori %lt3A_486, %lt3A_488 : i1
        %and3A_490 = arith.andi %ne3A_489, %ne3A_484 : i1
        %add3A_491 = arith.addi %rem3A_482, %select_n3A_481 : i32
        %select_n3A_492 = arith.select %and3A_490, %add3A_491, %rem3A_482 : i32
        %ne3A_493 = arith.cmpi ne, %select_n3A_436, %select_n3A_476 : i32
        %ne3A_494 = arith.cmpi ne, %select_n3A_452, %select_n3A_492 : i32
        %or3A_495 = arith.constant false
        %or3A_496 = arith.ori %or3A_495, %ne3A_493 : i1
        %or3A_497 = arith.ori %or3A_496, %ne3A_494 : i1
        %or3A_498 = arith.constant false
        %or3A_499 = arith.ori %or3A_497, %or3A_498 : i1
        %or3A_500 = arith.ori %or3A_499, %eq3A_168 : i1
        %convert_element_type3A_501 = arith.extui %or3A_500 : i1 to i32
        %cond3A_502 = arith.constant 0 : i32
        %cond3A_503 = arith.cmpi ne, %convert_element_type3A_501, %cond3A_502 : i32
        scf.if %cond3A_503 {
          "tpu.trace_start"() <{level = 10 : i32, message = "ep_copy_out"}> : () -> ()
          %rem3A_633 = arith.constant 2 : i32
          %rem3A_634 = arith.remui %scan3A_162, %rem3A_633 : i32
          %jit3A_635 = arith.constant 32 : i32
          %div3A_636 = arith.divsi %add3A_169, %jit3A_635 : i32
          %sign3A_637 = arith.constant 0 : i32
          %sign3A_638 = arith.cmpi sgt, %add3A_169, %sign3A_637 : i32
          %sign3A_639 = arith.extui %sign3A_638 : i1 to i32
          %sign3A_640 = arith.constant 0 : i32
          %sign3A_641 = arith.cmpi slt, %add3A_169, %sign3A_640 : i32
          %sign3A_642 = arith.extui %sign3A_641 : i1 to i32
          %sign3A_643 = arith.subi %sign3A_639, %sign3A_642 : i32
          %sign3A_644 = arith.constant 0 : i32
          %sign3A_645 = arith.cmpi sgt, %jit3A_635, %sign3A_644 : i32
          %sign3A_646 = arith.extui %sign3A_645 : i1 to i32
          %sign3A_647 = arith.constant 0 : i32
          %sign3A_648 = arith.cmpi slt, %jit3A_635, %sign3A_647 : i32
          %sign3A_649 = arith.extui %sign3A_648 : i1 to i32
          %sign3A_650 = arith.subi %sign3A_646, %sign3A_649 : i32
          %ne3A_651 = arith.cmpi ne, %sign3A_643, %sign3A_650 : i32
          %rem3A_652 = arith.remsi %add3A_169, %jit3A_635 : i32
          %ne3A_653 = arith.constant 0 : i32
          %ne3A_654 = arith.cmpi ne, %rem3A_652, %ne3A_653 : i32
          %and3A_655 = arith.andi %ne3A_651, %ne3A_654 : i1
          %sub3A_656 = arith.constant 1 : i32
          %sub3A_657 = arith.subi %div3A_636, %sub3A_656 : i32
          %select_n3A_658 = arith.select %and3A_655, %sub3A_657, %div3A_636 : i32
          %jit3A_659 = arith.constant 32 : i32
          %eq3A_660 = arith.constant 0 : i32
          %eq3A_661 = arith.cmpi eq, %jit3A_659, %eq3A_660 : i32
          %jit3A_662 = arith.constant 1 : i32
          %select_n3A_663 = arith.select %eq3A_661, %jit3A_662, %jit3A_659 : i32
          %rem3A_664 = arith.remsi %add3A_169, %select_n3A_663 : i32
          %ne3A_665 = arith.constant 0 : i32
          %ne3A_666 = arith.cmpi ne, %rem3A_664, %ne3A_665 : i32
          %lt3A_667 = arith.constant 0 : i32
          %lt3A_668 = arith.cmpi slt, %rem3A_664, %lt3A_667 : i32
          %lt3A_669 = arith.constant 0 : i32
          %lt3A_670 = arith.cmpi slt, %select_n3A_663, %lt3A_669 : i32
          %ne3A_671 = arith.xori %lt3A_668, %lt3A_670 : i1
          %and3A_672 = arith.andi %ne3A_671, %ne3A_666 : i1
          %add3A_673 = arith.addi %rem3A_664, %select_n3A_663 : i32
          %select_n3A_674 = arith.select %and3A_672, %add3A_673, %rem3A_664 : i32
          %mul3A_675 = arith.constant 1 : i32
          %mul3A_676 = arith.muli %mul3A_675, %select_n3A_658 : i32
          %mul3A_677 = arith.constant 128 : i32
          %mul3A_678 = arith.muli %mul3A_677, %select_n3A_674 : i32
          %dma_start3A_679 = arith.constant 0 : i32
          %dma_start3A_680 = arith.constant 0 : i32
          %dma_start3A_681 = arith.constant 0 : i32
          %dma_start3A_682 = tpu.memref_slice %run_scoped3A_8[%rem3A_634, %dma_start3A_679, %dma_start3A_680, %dma_start3A_681] : memref<2x1x128x128xi32, #tpu.memory_space<vmem>> -> memref<1x1x128x128xi32, #tpu.memory_space<vmem>>
          %dma_start3A_683 = tpu.memref_squeeze %dma_start3A_682 : memref<1x1x128x128xi32, #tpu.memory_space<vmem>> -> memref<1x128x128xi32, #tpu.memory_space<vmem>>
          %dma_start3A_684 = arith.constant 0 : i32
          %dma_start3A_685 = tpu.memref_slice %arg4[%mul3A_676, %mul3A_678, %dma_start3A_684] : memref<8x4096x128xi32, #tpu.memory_space<hbm>> -> memref<1x128x128xi32, #tpu.memory_space<hbm>>
          %dma_start3A_686 = tpu.memref_slice %run_scoped3A_9[%rem3A_634] : memref<2x!tpu.dma_semaphore, #tpu.memory_space<semaphore_mem>> -> memref<1x!tpu.dma_semaphore, #tpu.memory_space<semaphore_mem>>
          %dma_start3A_687 = tpu.memref_squeeze %dma_start3A_686 : memref<1x!tpu.dma_semaphore, #tpu.memory_space<semaphore_mem>> -> memref<!tpu.dma_semaphore, #tpu.memory_space<semaphore_mem>>
          %dma_start3A_688 = arith.constant 0 : i32
          %dma_start3A_689 = tpu.memref_slice %arg4[%mul3A_676, %mul3A_678, %dma_start3A_688] : memref<8x4096x128xi32, #tpu.memory_space<hbm>> -> memref<1x128x128xi32, #tpu.memory_space<hbm>>
          %dma_start3A_690 = arith.constant 0 : i32
          %dma_start3A_691 = arith.constant 0 : i32
          %dma_start3A_692 = arith.constant 0 : i32
          %dma_start3A_693 = tpu.memref_slice %run_scoped3A_8[%rem3A_634, %dma_start3A_690, %dma_start3A_691, %dma_start3A_692] : memref<2x1x128x128xi32, #tpu.memory_space<vmem>> -> memref<1x1x128x128xi32, #tpu.memory_space<vmem>>
          %dma_start3A_694 = tpu.memref_squeeze %dma_start3A_693 : memref<1x1x128x128xi32, #tpu.memory_space<vmem>> -> memref<1x128x128xi32, #tpu.memory_space<vmem>>
          tpu.enqueue_dma source(%dma_start3A_694 : memref<1x128x128xi32, #tpu.memory_space<vmem>>) target(%dma_start3A_689 : memref<1x128x128xi32, #tpu.memory_space<hbm>>) target_semaphore(%dma_start3A_687 : memref<!tpu.dma_semaphore, #tpu.memory_space<semaphore_mem>>)
          "tpu.trace_stop"() : () -> ()
        } else {
        }
        %and3A_504 = arith.constant true
        %and3A_505 = arith.andi %or3A_500, %and3A_504 : i1
        %add3A_506 = arith.constant 1 : i32
        %add3A_507 = arith.addi %scan3A_162, %add3A_506 : i32
        %select_n3A_508 = arith.select %and3A_505, %add3A_507, %scan3A_162 : i32
        %ne3A_509 = arith.cmpi ne, %add3A_169, %add3A_178 : i32
        %or3A_510 = arith.constant false
        %or3A_511 = arith.ori %or3A_510, %ne3A_509 : i1
        %not3A_512 = arith.constant true
        %not3A_513 = arith.xori %eq3A_166, %not3A_512 : i1
        %and3A_514 = arith.andi %or3A_511, %not3A_513 : i1
        %convert_element_type3A_515 = arith.extui %and3A_514 : i1 to i32
        %cond3A_516 = arith.constant 0 : i32
        %cond3A_517 = arith.cmpi ne, %convert_element_type3A_515, %cond3A_516 : i32
        scf.if %cond3A_517 {
        } else {
        }
        %and3A_518 = arith.constant false
        %and3A_519 = arith.andi %and3A_514, %and3A_518 : i1
        %jit3A_520 = arith.constant 32 : i32
        %div3A_521 = arith.divsi %add3A_169, %jit3A_520 : i32
        %sign3A_522 = arith.constant 0 : i32
        %sign3A_523 = arith.cmpi sgt, %add3A_169, %sign3A_522 : i32
        %sign3A_524 = arith.extui %sign3A_523 : i1 to i32
        %sign3A_525 = arith.constant 0 : i32
        %sign3A_526 = arith.cmpi slt, %add3A_169, %sign3A_525 : i32
        %sign3A_527 = arith.extui %sign3A_526 : i1 to i32
        %sign3A_528 = arith.subi %sign3A_524, %sign3A_527 : i32
        %sign3A_529 = arith.constant 0 : i32
        %sign3A_530 = arith.cmpi sgt, %jit3A_520, %sign3A_529 : i32
        %sign3A_531 = arith.extui %sign3A_530 : i1 to i32
        %sign3A_532 = arith.constant 0 : i32
        %sign3A_533 = arith.cmpi slt, %jit3A_520, %sign3A_532 : i32
        %sign3A_534 = arith.extui %sign3A_533 : i1 to i32
        %sign3A_535 = arith.subi %sign3A_531, %sign3A_534 : i32
        %ne3A_536 = arith.cmpi ne, %sign3A_528, %sign3A_535 : i32
        %rem3A_537 = arith.remsi %add3A_169, %jit3A_520 : i32
        %ne3A_538 = arith.constant 0 : i32
        %ne3A_539 = arith.cmpi ne, %rem3A_537, %ne3A_538 : i32
        %and3A_540 = arith.andi %ne3A_536, %ne3A_539 : i1
        %sub3A_541 = arith.constant 1 : i32
        %sub3A_542 = arith.subi %div3A_521, %sub3A_541 : i32
        %select_n3A_543 = arith.select %and3A_540, %sub3A_542, %div3A_521 : i32
        %jit3A_544 = arith.constant 32 : i32
        %eq3A_545 = arith.constant 0 : i32
        %eq3A_546 = arith.cmpi eq, %jit3A_544, %eq3A_545 : i32
        %jit3A_547 = arith.constant 1 : i32
        %select_n3A_548 = arith.select %eq3A_546, %jit3A_547, %jit3A_544 : i32
        %rem3A_549 = arith.remsi %add3A_169, %select_n3A_548 : i32
        %ne3A_550 = arith.constant 0 : i32
        %ne3A_551 = arith.cmpi ne, %rem3A_549, %ne3A_550 : i32
        %lt3A_552 = arith.constant 0 : i32
        %lt3A_553 = arith.cmpi slt, %rem3A_549, %lt3A_552 : i32
        %lt3A_554 = arith.constant 0 : i32
        %lt3A_555 = arith.cmpi slt, %select_n3A_548, %lt3A_554 : i32
        %ne3A_556 = arith.xori %lt3A_553, %lt3A_555 : i1
        %and3A_557 = arith.andi %ne3A_556, %ne3A_551 : i1
        %add3A_558 = arith.addi %rem3A_549, %select_n3A_548 : i32
        %select_n3A_559 = arith.select %and3A_557, %add3A_558, %rem3A_549 : i32
        %jit3A_560 = arith.constant 32 : i32
        %div3A_561 = arith.divsi %add3A_178, %jit3A_560 : i32
        %sign3A_562 = arith.constant 0 : i32
        %sign3A_563 = arith.cmpi sgt, %add3A_178, %sign3A_562 : i32
        %sign3A_564 = arith.extui %sign3A_563 : i1 to i32
        %sign3A_565 = arith.constant 0 : i32
        %sign3A_566 = arith.cmpi slt, %add3A_178, %sign3A_565 : i32
        %sign3A_567 = arith.extui %sign3A_566 : i1 to i32
        %sign3A_568 = arith.subi %sign3A_564, %sign3A_567 : i32
        %sign3A_569 = arith.constant 0 : i32
        %sign3A_570 = arith.cmpi sgt, %jit3A_560, %sign3A_569 : i32
        %sign3A_571 = arith.extui %sign3A_570 : i1 to i32
        %sign3A_572 = arith.constant 0 : i32
        %sign3A_573 = arith.cmpi slt, %jit3A_560, %sign3A_572 : i32
        %sign3A_574 = arith.extui %sign3A_573 : i1 to i32
        %sign3A_575 = arith.subi %sign3A_571, %sign3A_574 : i32
        %ne3A_576 = arith.cmpi ne, %sign3A_568, %sign3A_575 : i32
        %rem3A_577 = arith.remsi %add3A_178, %jit3A_560 : i32
        %ne3A_578 = arith.constant 0 : i32
        %ne3A_579 = arith.cmpi ne, %rem3A_577, %ne3A_578 : i32
        %and3A_580 = arith.andi %ne3A_576, %ne3A_579 : i1
        %sub3A_581 = arith.constant 1 : i32
        %sub3A_582 = arith.subi %div3A_561, %sub3A_581 : i32
        %select_n3A_583 = arith.select %and3A_580, %sub3A_582, %div3A_561 : i32
        %jit3A_584 = arith.constant 32 : i32
        %eq3A_585 = arith.constant 0 : i32
        %eq3A_586 = arith.cmpi eq, %jit3A_584, %eq3A_585 : i32
        %jit3A_587 = arith.constant 1 : i32
        %select_n3A_588 = arith.select %eq3A_586, %jit3A_587, %jit3A_584 : i32
        %rem3A_589 = arith.remsi %add3A_178, %select_n3A_588 : i32
        %ne3A_590 = arith.constant 0 : i32
        %ne3A_591 = arith.cmpi ne, %rem3A_589, %ne3A_590 : i32
        %lt3A_592 = arith.constant 0 : i32
        %lt3A_593 = arith.cmpi slt, %rem3A_589, %lt3A_592 : i32
        %lt3A_594 = arith.constant 0 : i32
        %lt3A_595 = arith.cmpi slt, %select_n3A_588, %lt3A_594 : i32
        %ne3A_596 = arith.xori %lt3A_593, %lt3A_595 : i1
        %and3A_597 = arith.andi %ne3A_596, %ne3A_591 : i1
        %add3A_598 = arith.addi %rem3A_589, %select_n3A_588 : i32
        %select_n3A_599 = arith.select %and3A_597, %add3A_598, %rem3A_589 : i32
        %ne3A_600 = arith.cmpi ne, %select_n3A_543, %select_n3A_583 : i32
        %ne3A_601 = arith.cmpi ne, %select_n3A_559, %select_n3A_599 : i32
        %or3A_602 = arith.constant false
        %or3A_603 = arith.ori %or3A_602, %ne3A_600 : i1
        %or3A_604 = arith.ori %or3A_603, %ne3A_601 : i1
        %or3A_605 = arith.constant false
        %or3A_606 = arith.ori %or3A_604, %or3A_605 : i1
        %not3A_607 = arith.constant true
        %not3A_608 = arith.xori %eq3A_166, %not3A_607 : i1
        %and3A_609 = arith.andi %or3A_606, %not3A_608 : i1
        %convert_element_type3A_610 = arith.extui %and3A_609 : i1 to i32
        %cond3A_611 = arith.constant 0 : i32
        %cond3A_612 = arith.cmpi ne, %convert_element_type3A_610, %cond3A_611 : i32
        scf.if %cond3A_612 {
          "tpu.trace_start"() <{level = 10 : i32, message = "ep_wait_out"}> : () -> ()
          %rem3A_633 = arith.constant 2 : i32
          %rem3A_634 = arith.remui %scan3A_163, %rem3A_633 : i32
          %jit3A_635 = arith.constant 32 : i32
          %div3A_636 = arith.divsi %add3A_178, %jit3A_635 : i32
          %sign3A_637 = arith.constant 0 : i32
          %sign3A_638 = arith.cmpi sgt, %add3A_178, %sign3A_637 : i32
          %sign3A_639 = arith.extui %sign3A_638 : i1 to i32
          %sign3A_640 = arith.constant 0 : i32
          %sign3A_641 = arith.cmpi slt, %add3A_178, %sign3A_640 : i32
          %sign3A_642 = arith.extui %sign3A_641 : i1 to i32
          %sign3A_643 = arith.subi %sign3A_639, %sign3A_642 : i32
          %sign3A_644 = arith.constant 0 : i32
          %sign3A_645 = arith.cmpi sgt, %jit3A_635, %sign3A_644 : i32
          %sign3A_646 = arith.extui %sign3A_645 : i1 to i32
          %sign3A_647 = arith.constant 0 : i32
          %sign3A_648 = arith.cmpi slt, %jit3A_635, %sign3A_647 : i32
          %sign3A_649 = arith.extui %sign3A_648 : i1 to i32
          %sign3A_650 = arith.subi %sign3A_646, %sign3A_649 : i32
          %ne3A_651 = arith.cmpi ne, %sign3A_643, %sign3A_650 : i32
          %rem3A_652 = arith.remsi %add3A_178, %jit3A_635 : i32
          %ne3A_653 = arith.constant 0 : i32
          %ne3A_654 = arith.cmpi ne, %rem3A_652, %ne3A_653 : i32
          %and3A_655 = arith.andi %ne3A_651, %ne3A_654 : i1
          %sub3A_656 = arith.constant 1 : i32
          %sub3A_657 = arith.subi %div3A_636, %sub3A_656 : i32
          %select_n3A_658 = arith.select %and3A_655, %sub3A_657, %div3A_636 : i32
          %jit3A_659 = arith.constant 32 : i32
          %eq3A_660 = arith.constant 0 : i32
          %eq3A_661 = arith.cmpi eq, %jit3A_659, %eq3A_660 : i32
          %jit3A_662 = arith.constant 1 : i32
          %select_n3A_663 = arith.select %eq3A_661, %jit3A_662, %jit3A_659 : i32
          %rem3A_664 = arith.remsi %add3A_178, %select_n3A_663 : i32
          %ne3A_665 = arith.constant 0 : i32
          %ne3A_666 = arith.cmpi ne, %rem3A_664, %ne3A_665 : i32
          %lt3A_667 = arith.constant 0 : i32
          %lt3A_668 = arith.cmpi slt, %rem3A_664, %lt3A_667 : i32
          %lt3A_669 = arith.constant 0 : i32
          %lt3A_670 = arith.cmpi slt, %select_n3A_663, %lt3A_669 : i32
          %ne3A_671 = arith.xori %lt3A_668, %lt3A_670 : i1
          %and3A_672 = arith.andi %ne3A_671, %ne3A_666 : i1
          %add3A_673 = arith.addi %rem3A_664, %select_n3A_663 : i32
          %select_n3A_674 = arith.select %and3A_672, %add3A_673, %rem3A_664 : i32
          %mul3A_675 = arith.constant 1 : i32
          %mul3A_676 = arith.muli %mul3A_675, %select_n3A_658 : i32
          %mul3A_677 = arith.constant 128 : i32
          %mul3A_678 = arith.muli %mul3A_677, %select_n3A_674 : i32
          %dma_wait3A_679 = arith.constant 0 : i32
          %dma_wait3A_680 = arith.constant 0 : i32
          %dma_wait3A_681 = arith.constant 0 : i32
          %dma_wait3A_682 = tpu.memref_slice %run_scoped3A_8[%rem3A_634, %dma_wait3A_679, %dma_wait3A_680, %dma_wait3A_681] : memref<2x1x128x128xi32, #tpu.memory_space<vmem>> -> memref<1x1x128x128xi32, #tpu.memory_space<vmem>>
          %dma_wait3A_683 = tpu.memref_squeeze %dma_wait3A_682 : memref<1x1x128x128xi32, #tpu.memory_space<vmem>> -> memref<1x128x128xi32, #tpu.memory_space<vmem>>
          %dma_wait3A_684 = arith.constant 0 : i32
          %dma_wait3A_685 = tpu.memref_slice %arg4[%mul3A_676, %mul3A_678, %dma_wait3A_684] : memref<8x4096x128xi32, #tpu.memory_space<hbm>> -> memref<1x128x128xi32, #tpu.memory_space<hbm>>
          %dma_wait3A_686 = tpu.memref_slice %run_scoped3A_9[%rem3A_634] : memref<2x!tpu.dma_semaphore, #tpu.memory_space<semaphore_mem>> -> memref<1x!tpu.dma_semaphore, #tpu.memory_space<semaphore_mem>>
          %dma_wait3A_687 = tpu.memref_squeeze %dma_wait3A_686 : memref<1x!tpu.dma_semaphore, #tpu.memory_space<semaphore_mem>> -> memref<!tpu.dma_semaphore, #tpu.memory_space<semaphore_mem>>
          %dma_wait3A_688 = arith.constant 0 : i32
          %dma_wait3A_689 = tpu.memref_slice %arg4[%mul3A_676, %mul3A_678, %dma_wait3A_688] : memref<8x4096x128xi32, #tpu.memory_space<hbm>> -> memref<1x128x128xi32, #tpu.memory_space<hbm>>
          %dma_wait3A_690 = arith.constant 0 : i32
          %dma_wait3A_691 = arith.constant 0 : i32
          %dma_wait3A_692 = arith.constant 0 : i32
          %dma_wait3A_693 = tpu.memref_slice %run_scoped3A_8[%rem3A_634, %dma_wait3A_690, %dma_wait3A_691, %dma_wait3A_692] : memref<2x1x128x128xi32, #tpu.memory_space<vmem>> -> memref<1x1x128x128xi32, #tpu.memory_space<vmem>>
          %dma_wait3A_694 = tpu.memref_squeeze %dma_wait3A_693 : memref<1x1x128x128xi32, #tpu.memory_space<vmem>> -> memref<1x128x128xi32, #tpu.memory_space<vmem>>
          tpu.wait_dma2 semaphore(%dma_wait3A_687 : memref<!tpu.dma_semaphore, #tpu.memory_space<semaphore_mem>>) src(%dma_wait3A_694 : memref<1x128x128xi32, #tpu.memory_space<vmem>>) dst(%dma_wait3A_689 : memref<1x128x128xi32, #tpu.memory_space<hbm>>)
          "tpu.trace_stop"() : () -> ()
        } else {
        }
        %and3A_613 = arith.constant true
        %and3A_614 = arith.andi %and3A_609, %and3A_613 : i1
        %add3A_615 = arith.constant 1 : i32
        %add3A_616 = arith.addi %scan3A_163, %add3A_615 : i32
        %select_n3A_617 = arith.select %and3A_614, %add3A_616, %scan3A_163 : i32
        %ne3A_618 = arith.cmpi ne, %add3A_169, %add3A_187 : i32
        %or3A_619 = arith.constant false
        %or3A_620 = arith.ori %or3A_619, %ne3A_618 : i1
        %or3A_621 = arith.ori %or3A_620, %eq3A_168 : i1
        %add3A_622 = arith.constant 1 : i32
        %add3A_623 = arith.addi %scan3A_161, %add3A_622 : i32
        %select_n3A_624 = arith.select %or3A_621, %add3A_623, %scan3A_161 : i32
        %add3A_625 = arith.constant 1 : i32
        %add3A_626 = arith.addi %scan3A_164, %add3A_625 : i32
        %select_n3A_627 = arith.constant true
        %select_n3A_628 = arith.select %select_n3A_627, %add3A_626, %scan3A_164 : i32
        %eq3A_629 = arith.constant 8 : i32
        %eq3A_630 = arith.cmpi eq, %select_n3A_628, %eq3A_629 : i32
        %select_n3A_631 = arith.constant 0 : i32
        %select_n3A_632 = arith.select %eq3A_630, %select_n3A_631, %select_n3A_628 : i32
        scf.yield %select_n3A_207, %select_n3A_624, %select_n3A_508, %select_n3A_617, %select_n3A_632 : i32, i32, i32, i32, i32
      }
      %scan3A_68 = arith.constant 8 : i32
      %sub3A = arith.constant 1 : i32
      %sub3A_69 = arith.subi %scan3A_67#4, %sub3A : i32
      %select_n3A_70 = arith.constant true
      %select_n3A_71 = arith.select %select_n3A_70, %sub3A_69, %scan3A_67#4 : i32
      %eq3A_72 = arith.constant -1 : i32
      %eq3A_73 = arith.cmpi eq, %select_n3A_71, %eq3A_72 : i32
      %select_n3A_74 = arith.constant 7 : i32
      %select_n3A_75 = arith.select %eq3A_73, %select_n3A_74, %select_n3A_71 : i32
      %add3A_76 = arith.addi %select_n3A_75, %mul3A_6 : i32
      %sub3A_77 = arith.constant 1 : i32
      %sub3A_78 = arith.subi %select_n3A_75, %sub3A_77 : i32
      %select_n3A_79 = arith.constant true
      %select_n3A_80 = arith.select %select_n3A_79, %sub3A_78, %select_n3A_75 : i32
      %eq3A_81 = arith.constant -1 : i32
      %eq3A_82 = arith.cmpi eq, %select_n3A_80, %eq3A_81 : i32
      %select_n3A_83 = arith.constant 7 : i32
      %select_n3A_84 = arith.select %eq3A_82, %select_n3A_83, %select_n3A_80 : i32
      %add3A_85 = arith.addi %select_n3A_84, %mul3A_6 : i32
      %add3A_86 = arith.constant 1 : i32
      %add3A_87 = arith.addi %select_n3A_75, %add3A_86 : i32
      %select_n3A_88 = arith.constant true
      %select_n3A_89 = arith.select %select_n3A_88, %add3A_87, %select_n3A_75 : i32
      %eq3A_90 = arith.constant 8 : i32
      %eq3A_91 = arith.cmpi eq, %select_n3A_89, %eq3A_90 : i32
      %select_n3A_92 = arith.constant 0 : i32
      %select_n3A_93 = arith.select %eq3A_91, %select_n3A_92, %select_n3A_89 : i32
      %add3A_94 = arith.addi %select_n3A_93, %mul3A_6 : i32
      %add3A_95 = arith.constant 1 : i32
      %add3A_96 = arith.addi %select_n3A_93, %add3A_95 : i32
      %select_n3A_97 = arith.constant true
      %select_n3A_98 = arith.select %select_n3A_97, %add3A_96, %select_n3A_93 : i32
      %eq3A_99 = arith.constant 8 : i32
      %eq3A_100 = arith.cmpi eq, %select_n3A_98, %eq3A_99 : i32
      %select_n3A_101 = arith.constant 0 : i32
      %select_n3A_102 = arith.select %eq3A_100, %select_n3A_101, %select_n3A_98 : i32
      %add3A_103 = arith.addi %select_n3A_102, %mul3A_6 : i32
      "tpu.trace_start"() <{level = 10 : i32, message = "ep_finalize"}> : () -> ()
      %rem3A_104 = arith.constant 2 : i32
      %rem3A_105 = arith.remui %scan3A_67#3, %rem3A_104 : i32
      %jit3A = arith.constant 32 : i32
      %div3A = arith.divsi %add3A_76, %jit3A : i32
      %sign3A = arith.constant 0 : i32
      %sign3A_106 = arith.cmpi sgt, %add3A_76, %sign3A : i32
      %sign3A_107 = arith.extui %sign3A_106 : i1 to i32
      %sign3A_108 = arith.constant 0 : i32
      %sign3A_109 = arith.cmpi slt, %add3A_76, %sign3A_108 : i32
      %sign3A_110 = arith.extui %sign3A_109 : i1 to i32
      %sign3A_111 = arith.subi %sign3A_107, %sign3A_110 : i32
      %sign3A_112 = arith.constant 0 : i32
      %sign3A_113 = arith.cmpi sgt, %jit3A, %sign3A_112 : i32
      %sign3A_114 = arith.extui %sign3A_113 : i1 to i32
      %sign3A_115 = arith.constant 0 : i32
      %sign3A_116 = arith.cmpi slt, %jit3A, %sign3A_115 : i32
      %sign3A_117 = arith.extui %sign3A_116 : i1 to i32
      %sign3A_118 = arith.subi %sign3A_114, %sign3A_117 : i32
      %ne3A = arith.cmpi ne, %sign3A_111, %sign3A_118 : i32
      %rem3A_119 = arith.remsi %add3A_76, %jit3A : i32
      %ne3A_120 = arith.constant 0 : i32
      %ne3A_121 = arith.cmpi ne, %rem3A_119, %ne3A_120 : i32
      %and3A = arith.andi %ne3A, %ne3A_121 : i1
      %sub3A_122 = arith.constant 1 : i32
      %sub3A_123 = arith.subi %div3A, %sub3A_122 : i32
      %select_n3A_124 = arith.select %and3A, %sub3A_123, %div3A : i32
      %jit3A_125 = arith.constant 32 : i32
      %eq3A_126 = arith.constant 0 : i32
      %eq3A_127 = arith.cmpi eq, %jit3A_125, %eq3A_126 : i32
      %jit3A_128 = arith.constant 1 : i32
      %select_n3A_129 = arith.select %eq3A_127, %jit3A_128, %jit3A_125 : i32
      %rem3A_130 = arith.remsi %add3A_76, %select_n3A_129 : i32
      %ne3A_131 = arith.constant 0 : i32
      %ne3A_132 = arith.cmpi ne, %rem3A_130, %ne3A_131 : i32
      %lt3A = arith.constant 0 : i32
      %lt3A_133 = arith.cmpi slt, %rem3A_130, %lt3A : i32
      %lt3A_134 = arith.constant 0 : i32
      %lt3A_135 = arith.cmpi slt, %select_n3A_129, %lt3A_134 : i32
      %ne3A_136 = arith.xori %lt3A_133, %lt3A_135 : i1
      %and3A_137 = arith.andi %ne3A_136, %ne3A_132 : i1
      %add3A_138 = arith.addi %rem3A_130, %select_n3A_129 : i32
      %select_n3A_139 = arith.select %and3A_137, %add3A_138, %rem3A_130 : i32
      %mul3A_140 = arith.constant 1 : i32
      %mul3A_141 = arith.muli %mul3A_140, %select_n3A_124 : i32
      %mul3A_142 = arith.constant 128 : i32
      %mul3A_143 = arith.muli %mul3A_142, %select_n3A_139 : i32
      %dma_wait3A = arith.constant 0 : i32
      %dma_wait3A_144 = arith.constant 0 : i32
      %dma_wait3A_145 = arith.constant 0 : i32
      %dma_wait3A_146 = tpu.memref_slice %run_scoped3A_8[%rem3A_105, %dma_wait3A, %dma_wait3A_144, %dma_wait3A_145] : memref<2x1x128x128xi32, #tpu.memory_space<vmem>> -> memref<1x1x128x128xi32, #tpu.memory_space<vmem>>
      %dma_wait3A_147 = tpu.memref_squeeze %dma_wait3A_146 : memref<1x1x128x128xi32, #tpu.memory_space<vmem>> -> memref<1x128x128xi32, #tpu.memory_space<vmem>>
      %dma_wait3A_148 = arith.constant 0 : i32
      %dma_wait3A_149 = tpu.memref_slice %arg4[%mul3A_141, %mul3A_143, %dma_wait3A_148] : memref<8x4096x128xi32, #tpu.memory_space<hbm>> -> memref<1x128x128xi32, #tpu.memory_space<hbm>>
      %dma_wait3A_150 = tpu.memref_slice %run_scoped3A_9[%rem3A_105] : memref<2x!tpu.dma_semaphore, #tpu.memory_space<semaphore_mem>> -> memref<1x!tpu.dma_semaphore, #tpu.memory_space<semaphore_mem>>
      %dma_wait3A_151 = tpu.memref_squeeze %dma_wait3A_150 : memref<1x!tpu.dma_semaphore, #tpu.memory_space<semaphore_mem>> -> memref<!tpu.dma_semaphore, #tpu.memory_space<semaphore_mem>>
      %dma_wait3A_152 = arith.constant 0 : i32
      %dma_wait3A_153 = tpu.memref_slice %arg4[%mul3A_141, %mul3A_143, %dma_wait3A_152] : memref<8x4096x128xi32, #tpu.memory_space<hbm>> -> memref<1x128x128xi32, #tpu.memory_space<hbm>>
      %dma_wait3A_154 = arith.constant 0 : i32
      %dma_wait3A_155 = arith.constant 0 : i32
      %dma_wait3A_156 = arith.constant 0 : i32
      %dma_wait3A_157 = tpu.memref_slice %run_scoped3A_8[%rem3A_105, %dma_wait3A_154, %dma_wait3A_155, %dma_wait3A_156] : memref<2x1x128x128xi32, #tpu.memory_space<vmem>> -> memref<1x1x128x128xi32, #tpu.memory_space<vmem>>
      %dma_wait3A_158 = tpu.memref_squeeze %dma_wait3A_157 : memref<1x1x128x128xi32, #tpu.memory_space<vmem>> -> memref<1x128x128xi32, #tpu.memory_space<vmem>>
      tpu.wait_dma2 semaphore(%dma_wait3A_151 : memref<!tpu.dma_semaphore, #tpu.memory_space<semaphore_mem>>) src(%dma_wait3A_158 : memref<1x128x128xi32, #tpu.memory_space<vmem>>) dst(%dma_wait3A_153 : memref<1x128x128xi32, #tpu.memory_space<hbm>>)
      "tpu.trace_stop"() : () -> ()
      tpu.yield
    }) : () -> ()
    return
  }
}

module attributes {stable_mosaic.version = 14 : i64} {
  func.func @_repack_body(%arg0: i32, %arg1: i32, %arg2: memref<1x32x12800xf32, #tpu.memory_space<vmem>>, %arg3: memref<1x32x12800xf32, #tpu.memory_space<vmem>>, %arg4: memref<1x32x12800xf32, #tpu.memory_space<vmem>>, %arg5: memref<1x32x12800xf32, #tpu.memory_space<vmem>>, %arg6: memref<6400x128xi32, #tpu.memory_space<vmem>>) attributes {dimension_semantics = [#tpu.dimension_semantics<arbitrary>, #tpu.dimension_semantics<arbitrary>], iteration_bounds = array<i64: 9, 2>, scalar_prefetch = 0 : i64, scratch_operands = 0 : i64, tpu.core_type = #tpu.core_type<tc>, window_params = [{transform_indices = @transform_0, window_bounds = array<i64: 1, 32, 12800>}, {transform_indices = @transform_1, window_bounds = array<i64: 1, 32, 12800>}, {transform_indices = @transform_2, window_bounds = array<i64: 1, 32, 12800>}, {transform_indices = @transform_3, window_bounds = array<i64: 1, 32, 12800>}, {transform_indices = @transform_4, window_bounds = array<i64: 6400, 128>}]} {
    %get3A = arith.constant 0 : index
    %get3A_0 = arith.constant 0 : index
    %get3A_1 = arith.constant 0 : index
    %get3A_2 = vector.load %arg2[%get3A, %get3A_0, %get3A_1] : memref<1x32x12800xf32, #tpu.memory_space<vmem>>, vector<1x32x12800xf32>
    %get3A_3 = vector.shape_cast %get3A_2 : vector<1x32x12800xf32> to vector<32x12800xf32>
    %get3A_4 = arith.constant 0 : index
    %get3A_5 = arith.constant 0 : index
    %get3A_6 = arith.constant 0 : index
    %get3A_7 = vector.load %arg3[%get3A_4, %get3A_5, %get3A_6] : memref<1x32x12800xf32, #tpu.memory_space<vmem>>, vector<1x32x12800xf32>
    %get3A_8 = vector.shape_cast %get3A_7 : vector<1x32x12800xf32> to vector<32x12800xf32>
    %get3A_9 = arith.constant 0 : index
    %get3A_10 = arith.constant 0 : index
    %get3A_11 = arith.constant 0 : index
    %get3A_12 = vector.load %arg4[%get3A_9, %get3A_10, %get3A_11] : memref<1x32x12800xf32, #tpu.memory_space<vmem>>, vector<1x32x12800xf32>
    %get3A_13 = vector.shape_cast %get3A_12 : vector<1x32x12800xf32> to vector<32x12800xf32>
    %get3A_14 = arith.constant 0 : index
    %get3A_15 = arith.constant 0 : index
    %get3A_16 = arith.constant 0 : index
    %get3A_17 = vector.load %arg5[%get3A_14, %get3A_15, %get3A_16] : memref<1x32x12800xf32, #tpu.memory_space<vmem>>, vector<1x32x12800xf32>
    %get3A_18 = vector.shape_cast %get3A_17 : vector<1x32x12800xf32> to vector<32x12800xf32>
    %concatenate3A = tpu.concatenate %get3A_3, %get3A_8, %get3A_13, %get3A_18 in 0 : vector<32x12800xf32>, vector<32x12800xf32>, vector<32x12800xf32>, vector<32x12800xf32> -> vector<128x12800xf32>
    %transpose3A = tpu.transpose %concatenate3A, [1, 0] : vector<128x12800xf32> -> vector<12800x128xf32>
    %bitcast_convert_type3A = tpu.bitcast %transpose3A : vector<12800x128xf32> -> vector<12800x128xi32>
    %add3A = arith.constant 32767 : i32
    %add3A_19 = vector.broadcast %add3A : i32 to vector<12800x128xi32>
    %add3A_20 = arith.addi %bitcast_convert_type3A, %add3A_19 : vector<12800x128xi32>
    %shift_right_logical3A = arith.constant 16 : i32
    %shift_right_logical3A_21 = vector.broadcast %shift_right_logical3A : i32 to vector<12800x128xi32>
    %shift_right_logical3A_22 = arith.shrui %bitcast_convert_type3A, %shift_right_logical3A_21 : vector<12800x128xi32>
    %and3A = arith.constant 1 : i32
    %and3A_23 = vector.broadcast %and3A : i32 to vector<12800x128xi32>
    %and3A_24 = arith.andi %shift_right_logical3A_22, %and3A_23 : vector<12800x128xi32>
    %add3A_25 = arith.addi %add3A_20, %and3A_24 : vector<12800x128xi32>
    %shift_right_logical3A_26 = arith.constant 16 : i32
    %shift_right_logical3A_27 = vector.broadcast %shift_right_logical3A_26 : i32 to vector<12800x128xi32>
    %shift_right_logical3A_28 = arith.shrui %add3A_25, %shift_right_logical3A_27 : vector<12800x128xi32>
    %slice3A = vector.extract_strided_slice %shift_right_logical3A_28 {offsets = [0, 0], sizes = [6400, 128], strides = [1, 1]} : vector<12800x128xi32> to vector<6400x128xi32>
    %shift_left3A = arith.constant 16 : i32
    %shift_left3A_29 = vector.broadcast %shift_left3A : i32 to vector<6400x128xi32>
    %shift_left3A_30 = arith.shli %slice3A, %shift_left3A_29 : vector<6400x128xi32>
    %slice3A_31 = vector.extract_strided_slice %shift_right_logical3A_28 {offsets = [6400, 0], sizes = [6400, 128], strides = [1, 1]} : vector<12800x128xi32> to vector<6400x128xi32>
    %or3A = arith.ori %shift_left3A_30, %slice3A_31 : vector<6400x128xi32>
    %swap3A = arith.constant 0 : index
    %swap3A_32 = arith.constant 0 : index
    %swap3A_33 = vector.load %arg6[%swap3A, %swap3A_32] : memref<6400x128xi32, #tpu.memory_space<vmem>>, vector<6400x128xi32>
    tpu.vector_store %arg6[%swap3A, %swap3A_32], %or3A {strides = array<i32>} : memref<6400x128xi32, #tpu.memory_space<vmem>>, vector<6400x128xi32>,
    return
  }
  func.func @transform_0(%arg0: i32, %arg1: i32) -> (i32, i32, i32) {
    %add3A = arith.constant 9 : i32
    %add3A_0 = arith.addi %add3A, %arg0 : i32
    %add3A_1 = arith.constant 0 : i32
    %add3A_2 = arith.addi %add3A_1, %arg1 : i32
    %min3A = arith.constant 7 : i32
    %min3A_3 = arith.minsi %add3A_2, %min3A : i32
    %c0_i32 = arith.constant 0 : i32
    %c0_i32_4 = arith.constant 0 : i32
    return %add3A_0, %c0_i32, %min3A_3 : i32, i32, i32
  }
  func.func @transform_1(%arg0: i32, %arg1: i32) -> (i32, i32, i32) {
    %add3A = arith.constant 9 : i32
    %add3A_0 = arith.addi %add3A, %arg0 : i32
    %add3A_1 = arith.constant 2 : i32
    %add3A_2 = arith.addi %add3A_1, %arg1 : i32
    %min3A = arith.constant 7 : i32
    %min3A_3 = arith.minsi %add3A_2, %min3A : i32
    %c0_i32 = arith.constant 0 : i32
    %c0_i32_4 = arith.constant 0 : i32
    return %add3A_0, %c0_i32, %min3A_3 : i32, i32, i32
  }
  func.func @transform_2(%arg0: i32, %arg1: i32) -> (i32, i32, i32) {
    %add3A = arith.constant 9 : i32
    %add3A_0 = arith.addi %add3A, %arg0 : i32
    %add3A_1 = arith.constant 4 : i32
    %add3A_2 = arith.addi %add3A_1, %arg1 : i32
    %min3A = arith.constant 7 : i32
    %min3A_3 = arith.minsi %add3A_2, %min3A : i32
    %c0_i32 = arith.constant 0 : i32
    %c0_i32_4 = arith.constant 0 : i32
    return %add3A_0, %c0_i32, %min3A_3 : i32, i32, i32
  }
  func.func @transform_3(%arg0: i32, %arg1: i32) -> (i32, i32, i32) {
    %add3A = arith.constant 9 : i32
    %add3A_0 = arith.addi %add3A, %arg0 : i32
    %add3A_1 = arith.constant 6 : i32
    %add3A_2 = arith.addi %add3A_1, %arg1 : i32
    %min3A = arith.constant 7 : i32
    %min3A_3 = arith.minsi %add3A_2, %min3A : i32
    %c0_i32 = arith.constant 0 : i32
    %c0_i32_4 = arith.constant 0 : i32
    return %add3A_0, %c0_i32, %min3A_3 : i32, i32, i32
  }
  func.func @transform_4(%arg0: i32, %arg1: i32) -> (i32, i32) {
    %mul3A = arith.constant 2 : i32
    %mul3A_0 = arith.muli %arg0, %mul3A : i32
    %add3A = arith.addi %mul3A_0, %arg1 : i32
    %c0_i32 = arith.constant 0 : i32
    %c0_i32_1 = arith.constant 0 : i32
    return %add3A, %c0_i32 : i32, i32
  }
}

module attributes {stable_mosaic.version = 14 : i64} {
  func.func @_repack_body(%arg0: i32, %arg1: i32, %arg2: memref<1x32x12800xf32, #tpu.memory_space<vmem>>, %arg3: memref<1x32x12800xf32, #tpu.memory_space<vmem>>, %arg4: memref<1x32x12800xf32, #tpu.memory_space<vmem>>, %arg5: memref<1x32x12800xf32, #tpu.memory_space<vmem>>, %arg6: memref<6400x128xi32, #tpu.memory_space<vmem>>) attributes {dimension_semantics = [#tpu.dimension_semantics<arbitrary>, #tpu.dimension_semantics<arbitrary>], iteration_bounds = array<i64: 9, 2>, scalar_prefetch = 0 : i64, scratch_operands = 0 : i64, tpu.core_type = #tpu.core_type<tc>, window_params = [{transform_indices = @transform_0, window_bounds = array<i64: 1, 32, 12800>}, {transform_indices = @transform_1, window_bounds = array<i64: 1, 32, 12800>}, {transform_indices = @transform_2, window_bounds = array<i64: 1, 32, 12800>}, {transform_indices = @transform_3, window_bounds = array<i64: 1, 32, 12800>}, {transform_indices = @transform_4, window_bounds = array<i64: 6400, 128>}]} {
    %get3A = arith.constant 0 : index
    %get3A_0 = arith.constant 0 : index
    %get3A_1 = arith.constant 0 : index
    %get3A_2 = vector.load %arg2[%get3A, %get3A_0, %get3A_1] : memref<1x32x12800xf32, #tpu.memory_space<vmem>>, vector<1x32x12800xf32>
    %get3A_3 = vector.shape_cast %get3A_2 : vector<1x32x12800xf32> to vector<32x12800xf32>
    %get3A_4 = arith.constant 0 : index
    %get3A_5 = arith.constant 0 : index
    %get3A_6 = arith.constant 0 : index
    %get3A_7 = vector.load %arg3[%get3A_4, %get3A_5, %get3A_6] : memref<1x32x12800xf32, #tpu.memory_space<vmem>>, vector<1x32x12800xf32>
    %get3A_8 = vector.shape_cast %get3A_7 : vector<1x32x12800xf32> to vector<32x12800xf32>
    %get3A_9 = arith.constant 0 : index
    %get3A_10 = arith.constant 0 : index
    %get3A_11 = arith.constant 0 : index
    %get3A_12 = vector.load %arg4[%get3A_9, %get3A_10, %get3A_11] : memref<1x32x12800xf32, #tpu.memory_space<vmem>>, vector<1x32x12800xf32>
    %get3A_13 = vector.shape_cast %get3A_12 : vector<1x32x12800xf32> to vector<32x12800xf32>
    %get3A_14 = arith.constant 0 : index
    %get3A_15 = arith.constant 0 : index
    %get3A_16 = arith.constant 0 : index
    %get3A_17 = vector.load %arg5[%get3A_14, %get3A_15, %get3A_16] : memref<1x32x12800xf32, #tpu.memory_space<vmem>>, vector<1x32x12800xf32>
    %get3A_18 = vector.shape_cast %get3A_17 : vector<1x32x12800xf32> to vector<32x12800xf32>
    %concatenate3A = tpu.concatenate %get3A_3, %get3A_8, %get3A_13, %get3A_18 in 0 : vector<32x12800xf32>, vector<32x12800xf32>, vector<32x12800xf32>, vector<32x12800xf32> -> vector<128x12800xf32>
    %transpose3A = tpu.transpose %concatenate3A, [1, 0] : vector<128x12800xf32> -> vector<12800x128xf32>
    %bitcast_convert_type3A = tpu.bitcast %transpose3A : vector<12800x128xf32> -> vector<12800x128xi32>
    %add3A = arith.constant 32767 : i32
    %add3A_19 = vector.broadcast %add3A : i32 to vector<12800x128xi32>
    %add3A_20 = arith.addi %bitcast_convert_type3A, %add3A_19 : vector<12800x128xi32>
    %shift_right_logical3A = arith.constant 16 : i32
    %shift_right_logical3A_21 = vector.broadcast %shift_right_logical3A : i32 to vector<12800x128xi32>
    %shift_right_logical3A_22 = arith.shrui %bitcast_convert_type3A, %shift_right_logical3A_21 : vector<12800x128xi32>
    %and3A = arith.constant 1 : i32
    %and3A_23 = vector.broadcast %and3A : i32 to vector<12800x128xi32>
    %and3A_24 = arith.andi %shift_right_logical3A_22, %and3A_23 : vector<12800x128xi32>
    %add3A_25 = arith.addi %add3A_20, %and3A_24 : vector<12800x128xi32>
    %shift_right_logical3A_26 = arith.constant 16 : i32
    %shift_right_logical3A_27 = vector.broadcast %shift_right_logical3A_26 : i32 to vector<12800x128xi32>
    %shift_right_logical3A_28 = arith.shrui %add3A_25, %shift_right_logical3A_27 : vector<12800x128xi32>
    %slice3A = vector.extract_strided_slice %shift_right_logical3A_28 {offsets = [0, 0], sizes = [6400, 128], strides = [1, 1]} : vector<12800x128xi32> to vector<6400x128xi32>
    %shift_left3A = arith.constant 16 : i32
    %shift_left3A_29 = vector.broadcast %shift_left3A : i32 to vector<6400x128xi32>
    %shift_left3A_30 = arith.shli %slice3A, %shift_left3A_29 : vector<6400x128xi32>
    %slice3A_31 = vector.extract_strided_slice %shift_right_logical3A_28 {offsets = [6400, 0], sizes = [6400, 128], strides = [1, 1]} : vector<12800x128xi32> to vector<6400x128xi32>
    %or3A = arith.ori %shift_left3A_30, %slice3A_31 : vector<6400x128xi32>
    %swap3A = arith.constant 0 : index
    %swap3A_32 = arith.constant 0 : index
    %swap3A_33 = vector.load %arg6[%swap3A, %swap3A_32] : memref<6400x128xi32, #tpu.memory_space<vmem>>, vector<6400x128xi32>
    tpu.vector_store %arg6[%swap3A, %swap3A_32], %or3A {strides = array<i32>} : memref<6400x128xi32, #tpu.memory_space<vmem>>, vector<6400x128xi32>,
    return
  }
  func.func @transform_0(%arg0: i32, %arg1: i32) -> (i32, i32, i32) {
    %add3A = arith.constant 0 : i32
    %add3A_0 = arith.addi %add3A, %arg0 : i32
    %add3A_1 = arith.constant 0 : i32
    %add3A_2 = arith.addi %add3A_1, %arg1 : i32
    %min3A = arith.constant 7 : i32
    %min3A_3 = arith.minsi %add3A_2, %min3A : i32
    %c0_i32 = arith.constant 0 : i32
    %c0_i32_4 = arith.constant 0 : i32
    return %add3A_0, %c0_i32, %min3A_3 : i32, i32, i32
  }
  func.func @transform_1(%arg0: i32, %arg1: i32) -> (i32, i32, i32) {
    %add3A = arith.constant 0 : i32
    %add3A_0 = arith.addi %add3A, %arg0 : i32
    %add3A_1 = arith.constant 2 : i32
    %add3A_2 = arith.addi %add3A_1, %arg1 : i32
    %min3A = arith.constant 7 : i32
    %min3A_3 = arith.minsi %add3A_2, %min3A : i32
    %c0_i32 = arith.constant 0 : i32
    %c0_i32_4 = arith.constant 0 : i32
    return %add3A_0, %c0_i32, %min3A_3 : i32, i32, i32
  }
  func.func @transform_2(%arg0: i32, %arg1: i32) -> (i32, i32, i32) {
    %add3A = arith.constant 0 : i32
    %add3A_0 = arith.addi %add3A, %arg0 : i32
    %add3A_1 = arith.constant 4 : i32
    %add3A_2 = arith.addi %add3A_1, %arg1 : i32
    %min3A = arith.constant 7 : i32
    %min3A_3 = arith.minsi %add3A_2, %min3A : i32
    %c0_i32 = arith.constant 0 : i32
    %c0_i32_4 = arith.constant 0 : i32
    return %add3A_0, %c0_i32, %min3A_3 : i32, i32, i32
  }
  func.func @transform_3(%arg0: i32, %arg1: i32) -> (i32, i32, i32) {
    %add3A = arith.constant 0 : i32
    %add3A_0 = arith.addi %add3A, %arg0 : i32
    %add3A_1 = arith.constant 6 : i32
    %add3A_2 = arith.addi %add3A_1, %arg1 : i32
    %min3A = arith.constant 7 : i32
    %min3A_3 = arith.minsi %add3A_2, %min3A : i32
    %c0_i32 = arith.constant 0 : i32
    %c0_i32_4 = arith.constant 0 : i32
    return %add3A_0, %c0_i32, %min3A_3 : i32, i32, i32
  }
  func.func @transform_4(%arg0: i32, %arg1: i32) -> (i32, i32) {
    %mul3A = arith.constant 2 : i32
    %mul3A_0 = arith.muli %arg0, %mul3A : i32
    %add3A = arith.addi %mul3A_0, %arg1 : i32
    %c0_i32 = arith.constant 0 : i32
    %c0_i32_1 = arith.constant 0 : i32
    return %add3A, %c0_i32 : i32, i32
  }
}

module attributes {stable_mosaic.version = 14 : i64} {
  func.func @_repack_body(%arg0: i32, %arg1: i32, %arg2: memref<1x32x12800xf32, #tpu.memory_space<vmem>>, %arg3: memref<1x32x12800xf32, #tpu.memory_space<vmem>>, %arg4: memref<1x32x12800xf32, #tpu.memory_space<vmem>>, %arg5: memref<1x32x12800xf32, #tpu.memory_space<vmem>>, %arg6: memref<6400x128xi32, #tpu.memory_space<vmem>>) attributes {dimension_semantics = [#tpu.dimension_semantics<arbitrary>, #tpu.dimension_semantics<arbitrary>], iteration_bounds = array<i64: 8, 2>, scalar_prefetch = 0 : i64, scratch_operands = 0 : i64, tpu.core_type = #tpu.core_type<tc>, window_params = [{transform_indices = @transform_0, window_bounds = array<i64: 1, 32, 12800>}, {transform_indices = @transform_1, window_bounds = array<i64: 1, 32, 12800>}, {transform_indices = @transform_2, window_bounds = array<i64: 1, 32, 12800>}, {transform_indices = @transform_3, window_bounds = array<i64: 1, 32, 12800>}, {transform_indices = @transform_4, window_bounds = array<i64: 6400, 128>}]} {
    %get3A = arith.constant 0 : index
    %get3A_0 = arith.constant 0 : index
    %get3A_1 = arith.constant 0 : index
    %get3A_2 = vector.load %arg2[%get3A, %get3A_0, %get3A_1] : memref<1x32x12800xf32, #tpu.memory_space<vmem>>, vector<1x32x12800xf32>
    %get3A_3 = vector.shape_cast %get3A_2 : vector<1x32x12800xf32> to vector<32x12800xf32>
    %get3A_4 = arith.constant 0 : index
    %get3A_5 = arith.constant 0 : index
    %get3A_6 = arith.constant 0 : index
    %get3A_7 = vector.load %arg3[%get3A_4, %get3A_5, %get3A_6] : memref<1x32x12800xf32, #tpu.memory_space<vmem>>, vector<1x32x12800xf32>
    %get3A_8 = vector.shape_cast %get3A_7 : vector<1x32x12800xf32> to vector<32x12800xf32>
    %get3A_9 = arith.constant 0 : index
    %get3A_10 = arith.constant 0 : index
    %get3A_11 = arith.constant 0 : index
    %get3A_12 = vector.load %arg4[%get3A_9, %get3A_10, %get3A_11] : memref<1x32x12800xf32, #tpu.memory_space<vmem>>, vector<1x32x12800xf32>
    %get3A_13 = vector.shape_cast %get3A_12 : vector<1x32x12800xf32> to vector<32x12800xf32>
    %get3A_14 = arith.constant 0 : index
    %get3A_15 = arith.constant 0 : index
    %get3A_16 = arith.constant 0 : index
    %get3A_17 = vector.load %arg5[%get3A_14, %get3A_15, %get3A_16] : memref<1x32x12800xf32, #tpu.memory_space<vmem>>, vector<1x32x12800xf32>
    %get3A_18 = vector.shape_cast %get3A_17 : vector<1x32x12800xf32> to vector<32x12800xf32>
    %concatenate3A = tpu.concatenate %get3A_3, %get3A_8, %get3A_13, %get3A_18 in 0 : vector<32x12800xf32>, vector<32x12800xf32>, vector<32x12800xf32>, vector<32x12800xf32> -> vector<128x12800xf32>
    %transpose3A = tpu.transpose %concatenate3A, [1, 0] : vector<128x12800xf32> -> vector<12800x128xf32>
    %bitcast_convert_type3A = tpu.bitcast %transpose3A : vector<12800x128xf32> -> vector<12800x128xi32>
    %add3A = arith.constant 32767 : i32
    %add3A_19 = vector.broadcast %add3A : i32 to vector<12800x128xi32>
    %add3A_20 = arith.addi %bitcast_convert_type3A, %add3A_19 : vector<12800x128xi32>
    %shift_right_logical3A = arith.constant 16 : i32
    %shift_right_logical3A_21 = vector.broadcast %shift_right_logical3A : i32 to vector<12800x128xi32>
    %shift_right_logical3A_22 = arith.shrui %bitcast_convert_type3A, %shift_right_logical3A_21 : vector<12800x128xi32>
    %and3A = arith.constant 1 : i32
    %and3A_23 = vector.broadcast %and3A : i32 to vector<12800x128xi32>
    %and3A_24 = arith.andi %shift_right_logical3A_22, %and3A_23 : vector<12800x128xi32>
    %add3A_25 = arith.addi %add3A_20, %and3A_24 : vector<12800x128xi32>
    %shift_right_logical3A_26 = arith.constant 16 : i32
    %shift_right_logical3A_27 = vector.broadcast %shift_right_logical3A_26 : i32 to vector<12800x128xi32>
    %shift_right_logical3A_28 = arith.shrui %add3A_25, %shift_right_logical3A_27 : vector<12800x128xi32>
    %slice3A = vector.extract_strided_slice %shift_right_logical3A_28 {offsets = [0, 0], sizes = [6400, 128], strides = [1, 1]} : vector<12800x128xi32> to vector<6400x128xi32>
    %shift_left3A = arith.constant 16 : i32
    %shift_left3A_29 = vector.broadcast %shift_left3A : i32 to vector<6400x128xi32>
    %shift_left3A_30 = arith.shli %slice3A, %shift_left3A_29 : vector<6400x128xi32>
    %slice3A_31 = vector.extract_strided_slice %shift_right_logical3A_28 {offsets = [6400, 0], sizes = [6400, 128], strides = [1, 1]} : vector<12800x128xi32> to vector<6400x128xi32>
    %or3A = arith.ori %shift_left3A_30, %slice3A_31 : vector<6400x128xi32>
    %swap3A = arith.constant 0 : index
    %swap3A_32 = arith.constant 0 : index
    %swap3A_33 = vector.load %arg6[%swap3A, %swap3A_32] : memref<6400x128xi32, #tpu.memory_space<vmem>>, vector<6400x128xi32>
    tpu.vector_store %arg6[%swap3A, %swap3A_32], %or3A {strides = array<i32>} : memref<6400x128xi32, #tpu.memory_space<vmem>>, vector<6400x128xi32>,
    return
  }
  func.func @transform_0(%arg0: i32, %arg1: i32) -> (i32, i32, i32) {
    %add3A = arith.constant 18 : i32
    %add3A_0 = arith.addi %add3A, %arg0 : i32
    %add3A_1 = arith.constant 0 : i32
    %add3A_2 = arith.addi %add3A_1, %arg1 : i32
    %min3A = arith.constant 7 : i32
    %min3A_3 = arith.minsi %add3A_2, %min3A : i32
    %c0_i32 = arith.constant 0 : i32
    %c0_i32_4 = arith.constant 0 : i32
    return %add3A_0, %c0_i32, %min3A_3 : i32, i32, i32
  }
  func.func @transform_1(%arg0: i32, %arg1: i32) -> (i32, i32, i32) {
    %add3A = arith.constant 18 : i32
    %add3A_0 = arith.addi %add3A, %arg0 : i32
    %add3A_1 = arith.constant 2 : i32
    %add3A_2 = arith.addi %add3A_1, %arg1 : i32
    %min3A = arith.constant 7 : i32
    %min3A_3 = arith.minsi %add3A_2, %min3A : i32
    %c0_i32 = arith.constant 0 : i32
    %c0_i32_4 = arith.constant 0 : i32
    return %add3A_0, %c0_i32, %min3A_3 : i32, i32, i32
  }
  func.func @transform_2(%arg0: i32, %arg1: i32) -> (i32, i32, i32) {
    %add3A = arith.constant 18 : i32
    %add3A_0 = arith.addi %add3A, %arg0 : i32
    %add3A_1 = arith.constant 4 : i32
    %add3A_2 = arith.addi %add3A_1, %arg1 : i32
    %min3A = arith.constant 7 : i32
    %min3A_3 = arith.minsi %add3A_2, %min3A : i32
    %c0_i32 = arith.constant 0 : i32
    %c0_i32_4 = arith.constant 0 : i32
    return %add3A_0, %c0_i32, %min3A_3 : i32, i32, i32
  }
  func.func @transform_3(%arg0: i32, %arg1: i32) -> (i32, i32, i32) {
    %add3A = arith.constant 18 : i32
    %add3A_0 = arith.addi %add3A, %arg0 : i32
    %add3A_1 = arith.constant 6 : i32
    %add3A_2 = arith.addi %add3A_1, %arg1 : i32
    %min3A = arith.constant 7 : i32
    %min3A_3 = arith.minsi %add3A_2, %min3A : i32
    %c0_i32 = arith.constant 0 : i32
    %c0_i32_4 = arith.constant 0 : i32
    return %add3A_0, %c0_i32, %min3A_3 : i32, i32, i32
  }
  func.func @transform_4(%arg0: i32, %arg1: i32) -> (i32, i32) {
    %mul3A = arith.constant 2 : i32
    %mul3A_0 = arith.muli %arg0, %mul3A : i32
    %add3A = arith.addi %mul3A_0, %arg1 : i32
    %c0_i32 = arith.constant 0 : i32
    %c0_i32_1 = arith.constant 0 : i32
    return %add3A, %c0_i32 : i32, i32
  }
}

module attributes {stable_mosaic.version = 14 : i64} {
  func.func @_mlp_body(%arg0: i32, %arg1: memref<9x512x128xi32, #tpu.memory_space<vmem>>, %arg2: memref<9x512x128xi32, #tpu.memory_space<vmem>>, %arg3: memref<8x512x128xi32, #tpu.memory_space<vmem>>, %arg4: memref<512x26xi32, #tpu.memory_space<vmem>>, %arg5: memref<512x13xf32, #tpu.memory_space<vmem>>, %arg6: memref<6656x512xbf16, #tpu.memory_space<vmem>>, %arg7: memref<1x512xf32, #tpu.memory_space<vmem>>, %arg8: memref<512x256xf32, #tpu.memory_space<vmem>>, %arg9: memref<1x256xf32, #tpu.memory_space<vmem>>, %arg10: memref<256x128xf32, #tpu.memory_space<vmem>>, %arg11: memref<1x128xf32, #tpu.memory_space<vmem>>, %arg12: memref<1x128xf32, #tpu.memory_space<vmem>>, %arg13: memref<1x13xf32, #tpu.memory_space<vmem>>, %arg14: memref<1x1xf32, #tpu.memory_space<vmem>>, %arg15: memref<1x1x512xf32, #tpu.memory_space<vmem>>) attributes {dimension_semantics = [#tpu.dimension_semantics<arbitrary>], iteration_bounds = array<i64: 8>, scalar_prefetch = 0 : i64, scratch_operands = 0 : i64, tpu.core_type = #tpu.core_type<tc>, window_params = [{transform_indices = @transform_0, window_bounds = array<i64: 9, 512, 128>}, {transform_indices = @transform_1, window_bounds = array<i64: 9, 512, 128>}, {transform_indices = @transform_2, window_bounds = array<i64: 8, 512, 128>}, {transform_indices = @transform_3, window_bounds = array<i64: 512, 26>}, {transform_indices = @transform_4, window_bounds = array<i64: 512, 13>}, {pipeline_mode = #tpu.pipeline_mode<synchronous>, transform_indices = @transform_5, window_bounds = array<i64: 6656, 512>}, {pipeline_mode = #tpu.pipeline_mode<synchronous>, transform_indices = @transform_6, window_bounds = array<i64: 1, 512>}, {pipeline_mode = #tpu.pipeline_mode<synchronous>, transform_indices = @transform_7, window_bounds = array<i64: 512, 256>}, {pipeline_mode = #tpu.pipeline_mode<synchronous>, transform_indices = @transform_8, window_bounds = array<i64: 1, 256>}, {pipeline_mode = #tpu.pipeline_mode<synchronous>, transform_indices = @transform_9, window_bounds = array<i64: 256, 128>}, {pipeline_mode = #tpu.pipeline_mode<synchronous>, transform_indices = @transform_10, window_bounds = array<i64: 1, 128>}, {pipeline_mode = #tpu.pipeline_mode<synchronous>, transform_indices = @transform_11, window_bounds = array<i64: 1, 128>}, {pipeline_mode = #tpu.pipeline_mode<synchronous>, transform_indices = @transform_12, window_bounds = array<i64: 1, 13>}, {pipeline_mode = #tpu.pipeline_mode<synchronous>, transform_indices = @transform_13, window_bounds = array<i64: 1, 1>}, {transform_indices = @transform_14, window_bounds = array<i64: 1, 1, 512>}]} {
    %get3A = arith.constant 0 : index
    %get3A_0 = arith.constant 0 : index
    %get3A_1 = vector.load %arg4[%get3A, %get3A_0] : memref<512x26xi32, #tpu.memory_space<vmem>>, vector<512x26xi32>
    %iota3A = tpu.iota {dimensions = array<i32: 1>} : vector<512x256xi32>
    %jit3A = arith.constant 32 : i32
    %div3A = vector.broadcast %jit3A : i32 to vector<512x256xi32>
    %div3A_2 = arith.divsi %iota3A, %div3A : vector<512x256xi32>
    %sign3A = arith.constant 0 : i32
    %sign3A_3 = vector.broadcast %sign3A : i32 to vector<512x256xi32>
    %sign3A_4 = arith.cmpi sgt, %iota3A, %sign3A_3 : vector<512x256xi32>
    %sign3A_5 = arith.extui %sign3A_4 : vector<512x256xi1> to vector<512x256xi32>
    %sign3A_6 = arith.constant 0 : i32
    %sign3A_7 = vector.broadcast %sign3A_6 : i32 to vector<512x256xi32>
    %sign3A_8 = arith.cmpi slt, %iota3A, %sign3A_7 : vector<512x256xi32>
    %sign3A_9 = arith.extui %sign3A_8 : vector<512x256xi1> to vector<512x256xi32>
    %sign3A_10 = arith.subi %sign3A_5, %sign3A_9 : vector<512x256xi32>
    %sign3A_11 = arith.constant 0 : i32
    %sign3A_12 = arith.cmpi sgt, %jit3A, %sign3A_11 : i32
    %sign3A_13 = arith.extui %sign3A_12 : i1 to i32
    %sign3A_14 = arith.constant 0 : i32
    %sign3A_15 = arith.cmpi slt, %jit3A, %sign3A_14 : i32
    %sign3A_16 = arith.extui %sign3A_15 : i1 to i32
    %sign3A_17 = arith.subi %sign3A_13, %sign3A_16 : i32
    %ne3A = vector.broadcast %sign3A_17 : i32 to vector<512x256xi32>
    %ne3A_18 = arith.cmpi ne, %sign3A_10, %ne3A : vector<512x256xi32>
    %rem3A = vector.broadcast %jit3A : i32 to vector<512x256xi32>
    %rem3A_19 = arith.remsi %iota3A, %rem3A : vector<512x256xi32>
    %ne3A_20 = arith.constant 0 : i32
    %ne3A_21 = vector.broadcast %ne3A_20 : i32 to vector<512x256xi32>
    %ne3A_22 = arith.cmpi ne, %rem3A_19, %ne3A_21 : vector<512x256xi32>
    %and3A = arith.andi %ne3A_18, %ne3A_22 : vector<512x256xi1>
    %sub3A = arith.constant 1 : i32
    %sub3A_23 = vector.broadcast %sub3A : i32 to vector<512x256xi32>
    %sub3A_24 = arith.subi %div3A_2, %sub3A_23 : vector<512x256xi32>
    %select_n3A = arith.select %and3A, %sub3A_24, %div3A_2 : vector<512x256xi1>, vector<512x256xi32>
    %broadcast_in_dim3A = arith.constant 0.000000e+00 : f32
    %broadcast_in_dim3A_25 = vector.broadcast %broadcast_in_dim3A : f32 to vector<512x512xf32>
    %get3A_26 = arith.constant 0 : index
    %get3A_27 = arith.constant 0 : index
    %get3A_28 = arith.constant 0 : index
    %get3A_29 = vector.load %arg1[%get3A_26, %get3A_27, %get3A_28] : memref<9x512x128xi32, #tpu.memory_space<vmem>>, vector<1x512x128xi32>
    %get3A_30 = vector.shape_cast %get3A_29 : vector<1x512x128xi32> to vector<512x128xi32>
    %and3A_31 = arith.constant -65536 : i32
    %and3A_32 = vector.broadcast %and3A_31 : i32 to vector<512x128xi32>
    %and3A_33 = arith.andi %get3A_30, %and3A_32 : vector<512x128xi32>
    %bitcast_convert_type3A = tpu.bitcast %and3A_33 : vector<512x128xi32> -> vector<512x128xf32>
    %shift_left3A = arith.constant 16 : i32
    %shift_left3A_34 = vector.broadcast %shift_left3A : i32 to vector<512x128xi32>
    %shift_left3A_35 = arith.shli %get3A_30, %shift_left3A_34 : vector<512x128xi32>
    %bitcast_convert_type3A_36 = tpu.bitcast %shift_left3A_35 : vector<512x128xi32> -> vector<512x128xf32>
    %concatenate3A = tpu.concatenate %bitcast_convert_type3A, %bitcast_convert_type3A_36 in 1 : vector<512x128xf32>, vector<512x128xf32> -> vector<512x256xf32>
    %convert_element_type3A = arith.truncf %concatenate3A : vector<512x256xf32> to vector<512x256xbf16>
    %slice3A = vector.extract_strided_slice %get3A_1 {offsets = [0, 0], sizes = [512, 1], strides = [1, 1]} : vector<512x26xi32> to vector<512x1xi32>
    %squeeze3A = vector.shape_cast %slice3A : vector<512x1xi32> to vector<512xi32>
    %broadcast_in_dim3A_37 = vector.shape_cast %squeeze3A : vector<512xi32> to vector<512x1xi32>
    %eq3A = vector.broadcast %broadcast_in_dim3A_37 : vector<512x1xi32> to vector<512x256xi32>
    %eq3A_38 = arith.cmpi eq, %eq3A, %select_n3A : vector<512x256xi32>
    %jit3A_39 = arith.constant 0.000000e+00 : bf16
    %broadcast_in_dim3A_40 = vector.broadcast %jit3A_39 : bf16 to vector<512x256xbf16>
    %select_n3A_41 = arith.select %eq3A_38, %convert_element_type3A, %broadcast_in_dim3A_40 : vector<512x256xi1>, vector<512x256xbf16>
    %get3A_42 = arith.constant 0 : index
    %get3A_43 = arith.constant 0 : index
    %get3A_44 = vector.load %arg6[%get3A_42, %get3A_43] : memref<6656x512xbf16, #tpu.memory_space<vmem>>, vector<256x512xbf16>
    %dot_general3A = arith.constant dense<0.000000e+00> : vector<512x512xf32>
    %dot_general3A_45 = tpu.matmul %select_n3A_41, %get3A_44, %dot_general3A {dimension_numbers = #tpu.dot_dimension_numbers<[1], [0], [0], [1], [0, 0, 1, 1], [], []>, transpose_lhs_hint = false} : vector<512x256xbf16>, vector<256x512xbf16>, vector<512x512xf32> -> vector<512x512xf32>
    %add3A = arith.addf %broadcast_in_dim3A_25, %dot_general3A_45 : vector<512x512xf32>
    %get3A_46 = arith.constant 1 : index
    %get3A_47 = arith.constant 0 : index
    %get3A_48 = arith.constant 0 : index
    %get3A_49 = vector.load %arg1[%get3A_46, %get3A_47, %get3A_48] : memref<9x512x128xi32, #tpu.memory_space<vmem>>, vector<1x512x128xi32>
    %get3A_50 = vector.shape_cast %get3A_49 : vector<1x512x128xi32> to vector<512x128xi32>
    %and3A_51 = arith.constant -65536 : i32
    %and3A_52 = vector.broadcast %and3A_51 : i32 to vector<512x128xi32>
    %and3A_53 = arith.andi %get3A_50, %and3A_52 : vector<512x128xi32>
    %bitcast_convert_type3A_54 = tpu.bitcast %and3A_53 : vector<512x128xi32> -> vector<512x128xf32>
    %shift_left3A_55 = arith.constant 16 : i32
    %shift_left3A_56 = vector.broadcast %shift_left3A_55 : i32 to vector<512x128xi32>
    %shift_left3A_57 = arith.shli %get3A_50, %shift_left3A_56 : vector<512x128xi32>
    %bitcast_convert_type3A_58 = tpu.bitcast %shift_left3A_57 : vector<512x128xi32> -> vector<512x128xf32>
    %concatenate3A_59 = tpu.concatenate %bitcast_convert_type3A_54, %bitcast_convert_type3A_58 in 1 : vector<512x128xf32>, vector<512x128xf32> -> vector<512x256xf32>
    %convert_element_type3A_60 = arith.truncf %concatenate3A_59 : vector<512x256xf32> to vector<512x256xbf16>
    %slice3A_61 = vector.extract_strided_slice %get3A_1 {offsets = [0, 1], sizes = [512, 1], strides = [1, 1]} : vector<512x26xi32> to vector<512x1xi32>
    %squeeze3A_62 = vector.shape_cast %slice3A_61 : vector<512x1xi32> to vector<512xi32>
    %broadcast_in_dim3A_63 = vector.shape_cast %squeeze3A_62 : vector<512xi32> to vector<512x1xi32>
    %eq3A_64 = vector.broadcast %broadcast_in_dim3A_63 : vector<512x1xi32> to vector<512x256xi32>
    %eq3A_65 = arith.cmpi eq, %eq3A_64, %select_n3A : vector<512x256xi32>
    %jit3A_66 = arith.constant 0.000000e+00 : bf16
    %broadcast_in_dim3A_67 = vector.broadcast %jit3A_66 : bf16 to vector<512x256xbf16>
    %select_n3A_68 = arith.select %eq3A_65, %convert_element_type3A_60, %broadcast_in_dim3A_67 : vector<512x256xi1>, vector<512x256xbf16>
    %get3A_69 = arith.constant 256 : index
    %get3A_70 = arith.constant 0 : index
    %get3A_71 = vector.load %arg6[%get3A_69, %get3A_70] : memref<6656x512xbf16, #tpu.memory_space<vmem>>, vector<256x512xbf16>
    %dot_general3A_72 = arith.constant dense<0.000000e+00> : vector<512x512xf32>
    %dot_general3A_73 = tpu.matmul %select_n3A_68, %get3A_71, %dot_general3A_72 {dimension_numbers = #tpu.dot_dimension_numbers<[1], [0], [0], [1], [0, 0, 1, 1], [], []>, transpose_lhs_hint = false} : vector<512x256xbf16>, vector<256x512xbf16>, vector<512x512xf32> -> vector<512x512xf32>
    %add3A_74 = arith.addf %add3A, %dot_general3A_73 : vector<512x512xf32>
    %get3A_75 = arith.constant 2 : index
    %get3A_76 = arith.constant 0 : index
    %get3A_77 = arith.constant 0 : index
    %get3A_78 = vector.load %arg1[%get3A_75, %get3A_76, %get3A_77] : memref<9x512x128xi32, #tpu.memory_space<vmem>>, vector<1x512x128xi32>
    %get3A_79 = vector.shape_cast %get3A_78 : vector<1x512x128xi32> to vector<512x128xi32>
    %and3A_80 = arith.constant -65536 : i32
    %and3A_81 = vector.broadcast %and3A_80 : i32 to vector<512x128xi32>
    %and3A_82 = arith.andi %get3A_79, %and3A_81 : vector<512x128xi32>
    %bitcast_convert_type3A_83 = tpu.bitcast %and3A_82 : vector<512x128xi32> -> vector<512x128xf32>
    %shift_left3A_84 = arith.constant 16 : i32
    %shift_left3A_85 = vector.broadcast %shift_left3A_84 : i32 to vector<512x128xi32>
    %shift_left3A_86 = arith.shli %get3A_79, %shift_left3A_85 : vector<512x128xi32>
    %bitcast_convert_type3A_87 = tpu.bitcast %shift_left3A_86 : vector<512x128xi32> -> vector<512x128xf32>
    %concatenate3A_88 = tpu.concatenate %bitcast_convert_type3A_83, %bitcast_convert_type3A_87 in 1 : vector<512x128xf32>, vector<512x128xf32> -> vector<512x256xf32>
    %convert_element_type3A_89 = arith.truncf %concatenate3A_88 : vector<512x256xf32> to vector<512x256xbf16>
    %slice3A_90 = vector.extract_strided_slice %get3A_1 {offsets = [0, 2], sizes = [512, 1], strides = [1, 1]} : vector<512x26xi32> to vector<512x1xi32>
    %squeeze3A_91 = vector.shape_cast %slice3A_90 : vector<512x1xi32> to vector<512xi32>
    %broadcast_in_dim3A_92 = vector.shape_cast %squeeze3A_91 : vector<512xi32> to vector<512x1xi32>
    %eq3A_93 = vector.broadcast %broadcast_in_dim3A_92 : vector<512x1xi32> to vector<512x256xi32>
    %eq3A_94 = arith.cmpi eq, %eq3A_93, %select_n3A : vector<512x256xi32>
    %jit3A_95 = arith.constant 0.000000e+00 : bf16
    %broadcast_in_dim3A_96 = vector.broadcast %jit3A_95 : bf16 to vector<512x256xbf16>
    %select_n3A_97 = arith.select %eq3A_94, %convert_element_type3A_89, %broadcast_in_dim3A_96 : vector<512x256xi1>, vector<512x256xbf16>
    %get3A_98 = arith.constant 512 : index
    %get3A_99 = arith.constant 0 : index
    %get3A_100 = vector.load %arg6[%get3A_98, %get3A_99] : memref<6656x512xbf16, #tpu.memory_space<vmem>>, vector<256x512xbf16>
    %dot_general3A_101 = arith.constant dense<0.000000e+00> : vector<512x512xf32>
    %dot_general3A_102 = tpu.matmul %select_n3A_97, %get3A_100, %dot_general3A_101 {dimension_numbers = #tpu.dot_dimension_numbers<[1], [0], [0], [1], [0, 0, 1, 1], [], []>, transpose_lhs_hint = false} : vector<512x256xbf16>, vector<256x512xbf16>, vector<512x512xf32> -> vector<512x512xf32>
    %add3A_103 = arith.addf %add3A_74, %dot_general3A_102 : vector<512x512xf32>
    %get3A_104 = arith.constant 3 : index
    %get3A_105 = arith.constant 0 : index
    %get3A_106 = arith.constant 0 : index
    %get3A_107 = vector.load %arg1[%get3A_104, %get3A_105, %get3A_106] : memref<9x512x128xi32, #tpu.memory_space<vmem>>, vector<1x512x128xi32>
    %get3A_108 = vector.shape_cast %get3A_107 : vector<1x512x128xi32> to vector<512x128xi32>
    %and3A_109 = arith.constant -65536 : i32
    %and3A_110 = vector.broadcast %and3A_109 : i32 to vector<512x128xi32>
    %and3A_111 = arith.andi %get3A_108, %and3A_110 : vector<512x128xi32>
    %bitcast_convert_type3A_112 = tpu.bitcast %and3A_111 : vector<512x128xi32> -> vector<512x128xf32>
    %shift_left3A_113 = arith.constant 16 : i32
    %shift_left3A_114 = vector.broadcast %shift_left3A_113 : i32 to vector<512x128xi32>
    %shift_left3A_115 = arith.shli %get3A_108, %shift_left3A_114 : vector<512x128xi32>
    %bitcast_convert_type3A_116 = tpu.bitcast %shift_left3A_115 : vector<512x128xi32> -> vector<512x128xf32>
    %concatenate3A_117 = tpu.concatenate %bitcast_convert_type3A_112, %bitcast_convert_type3A_116 in 1 : vector<512x128xf32>, vector<512x128xf32> -> vector<512x256xf32>
    %convert_element_type3A_118 = arith.truncf %concatenate3A_117 : vector<512x256xf32> to vector<512x256xbf16>
    %slice3A_119 = vector.extract_strided_slice %get3A_1 {offsets = [0, 3], sizes = [512, 1], strides = [1, 1]} : vector<512x26xi32> to vector<512x1xi32>
    %squeeze3A_120 = vector.shape_cast %slice3A_119 : vector<512x1xi32> to vector<512xi32>
    %broadcast_in_dim3A_121 = vector.shape_cast %squeeze3A_120 : vector<512xi32> to vector<512x1xi32>
    %eq3A_122 = vector.broadcast %broadcast_in_dim3A_121 : vector<512x1xi32> to vector<512x256xi32>
    %eq3A_123 = arith.cmpi eq, %eq3A_122, %select_n3A : vector<512x256xi32>
    %jit3A_124 = arith.constant 0.000000e+00 : bf16
    %broadcast_in_dim3A_125 = vector.broadcast %jit3A_124 : bf16 to vector<512x256xbf16>
    %select_n3A_126 = arith.select %eq3A_123, %convert_element_type3A_118, %broadcast_in_dim3A_125 : vector<512x256xi1>, vector<512x256xbf16>
    %get3A_127 = arith.constant 768 : index
    %get3A_128 = arith.constant 0 : index
    %get3A_129 = vector.load %arg6[%get3A_127, %get3A_128] : memref<6656x512xbf16, #tpu.memory_space<vmem>>, vector<256x512xbf16>
    %dot_general3A_130 = arith.constant dense<0.000000e+00> : vector<512x512xf32>
    %dot_general3A_131 = tpu.matmul %select_n3A_126, %get3A_129, %dot_general3A_130 {dimension_numbers = #tpu.dot_dimension_numbers<[1], [0], [0], [1], [0, 0, 1, 1], [], []>, transpose_lhs_hint = false} : vector<512x256xbf16>, vector<256x512xbf16>, vector<512x512xf32> -> vector<512x512xf32>
    %add3A_132 = arith.addf %add3A_103, %dot_general3A_131 : vector<512x512xf32>
    %get3A_133 = arith.constant 4 : index
    %get3A_134 = arith.constant 0 : index
    %get3A_135 = arith.constant 0 : index
    %get3A_136 = vector.load %arg1[%get3A_133, %get3A_134, %get3A_135] : memref<9x512x128xi32, #tpu.memory_space<vmem>>, vector<1x512x128xi32>
    %get3A_137 = vector.shape_cast %get3A_136 : vector<1x512x128xi32> to vector<512x128xi32>
    %and3A_138 = arith.constant -65536 : i32
    %and3A_139 = vector.broadcast %and3A_138 : i32 to vector<512x128xi32>
    %and3A_140 = arith.andi %get3A_137, %and3A_139 : vector<512x128xi32>
    %bitcast_convert_type3A_141 = tpu.bitcast %and3A_140 : vector<512x128xi32> -> vector<512x128xf32>
    %shift_left3A_142 = arith.constant 16 : i32
    %shift_left3A_143 = vector.broadcast %shift_left3A_142 : i32 to vector<512x128xi32>
    %shift_left3A_144 = arith.shli %get3A_137, %shift_left3A_143 : vector<512x128xi32>
    %bitcast_convert_type3A_145 = tpu.bitcast %shift_left3A_144 : vector<512x128xi32> -> vector<512x128xf32>
    %concatenate3A_146 = tpu.concatenate %bitcast_convert_type3A_141, %bitcast_convert_type3A_145 in 1 : vector<512x128xf32>, vector<512x128xf32> -> vector<512x256xf32>
    %convert_element_type3A_147 = arith.truncf %concatenate3A_146 : vector<512x256xf32> to vector<512x256xbf16>
    %slice3A_148 = vector.extract_strided_slice %get3A_1 {offsets = [0, 4], sizes = [512, 1], strides = [1, 1]} : vector<512x26xi32> to vector<512x1xi32>
    %squeeze3A_149 = vector.shape_cast %slice3A_148 : vector<512x1xi32> to vector<512xi32>
    %broadcast_in_dim3A_150 = vector.shape_cast %squeeze3A_149 : vector<512xi32> to vector<512x1xi32>
    %eq3A_151 = vector.broadcast %broadcast_in_dim3A_150 : vector<512x1xi32> to vector<512x256xi32>
    %eq3A_152 = arith.cmpi eq, %eq3A_151, %select_n3A : vector<512x256xi32>
    %jit3A_153 = arith.constant 0.000000e+00 : bf16
    %broadcast_in_dim3A_154 = vector.broadcast %jit3A_153 : bf16 to vector<512x256xbf16>
    %select_n3A_155 = arith.select %eq3A_152, %convert_element_type3A_147, %broadcast_in_dim3A_154 : vector<512x256xi1>, vector<512x256xbf16>
    %get3A_156 = arith.constant 1024 : index
    %get3A_157 = arith.constant 0 : index
    %get3A_158 = vector.load %arg6[%get3A_156, %get3A_157] : memref<6656x512xbf16, #tpu.memory_space<vmem>>, vector<256x512xbf16>
    %dot_general3A_159 = arith.constant dense<0.000000e+00> : vector<512x512xf32>
    %dot_general3A_160 = tpu.matmul %select_n3A_155, %get3A_158, %dot_general3A_159 {dimension_numbers = #tpu.dot_dimension_numbers<[1], [0], [0], [1], [0, 0, 1, 1], [], []>, transpose_lhs_hint = false} : vector<512x256xbf16>, vector<256x512xbf16>, vector<512x512xf32> -> vector<512x512xf32>
    %add3A_161 = arith.addf %add3A_132, %dot_general3A_160 : vector<512x512xf32>
    %get3A_162 = arith.constant 5 : index
    %get3A_163 = arith.constant 0 : index
    %get3A_164 = arith.constant 0 : index
    %get3A_165 = vector.load %arg1[%get3A_162, %get3A_163, %get3A_164] : memref<9x512x128xi32, #tpu.memory_space<vmem>>, vector<1x512x128xi32>
    %get3A_166 = vector.shape_cast %get3A_165 : vector<1x512x128xi32> to vector<512x128xi32>
    %and3A_167 = arith.constant -65536 : i32
    %and3A_168 = vector.broadcast %and3A_167 : i32 to vector<512x128xi32>
    %and3A_169 = arith.andi %get3A_166, %and3A_168 : vector<512x128xi32>
    %bitcast_convert_type3A_170 = tpu.bitcast %and3A_169 : vector<512x128xi32> -> vector<512x128xf32>
    %shift_left3A_171 = arith.constant 16 : i32
    %shift_left3A_172 = vector.broadcast %shift_left3A_171 : i32 to vector<512x128xi32>
    %shift_left3A_173 = arith.shli %get3A_166, %shift_left3A_172 : vector<512x128xi32>
    %bitcast_convert_type3A_174 = tpu.bitcast %shift_left3A_173 : vector<512x128xi32> -> vector<512x128xf32>
    %concatenate3A_175 = tpu.concatenate %bitcast_convert_type3A_170, %bitcast_convert_type3A_174 in 1 : vector<512x128xf32>, vector<512x128xf32> -> vector<512x256xf32>
    %convert_element_type3A_176 = arith.truncf %concatenate3A_175 : vector<512x256xf32> to vector<512x256xbf16>
    %slice3A_177 = vector.extract_strided_slice %get3A_1 {offsets = [0, 5], sizes = [512, 1], strides = [1, 1]} : vector<512x26xi32> to vector<512x1xi32>
    %squeeze3A_178 = vector.shape_cast %slice3A_177 : vector<512x1xi32> to vector<512xi32>
    %broadcast_in_dim3A_179 = vector.shape_cast %squeeze3A_178 : vector<512xi32> to vector<512x1xi32>
    %eq3A_180 = vector.broadcast %broadcast_in_dim3A_179 : vector<512x1xi32> to vector<512x256xi32>
    %eq3A_181 = arith.cmpi eq, %eq3A_180, %select_n3A : vector<512x256xi32>
    %jit3A_182 = arith.constant 0.000000e+00 : bf16
    %broadcast_in_dim3A_183 = vector.broadcast %jit3A_182 : bf16 to vector<512x256xbf16>
    %select_n3A_184 = arith.select %eq3A_181, %convert_element_type3A_176, %broadcast_in_dim3A_183 : vector<512x256xi1>, vector<512x256xbf16>
    %get3A_185 = arith.constant 1280 : index
    %get3A_186 = arith.constant 0 : index
    %get3A_187 = vector.load %arg6[%get3A_185, %get3A_186] : memref<6656x512xbf16, #tpu.memory_space<vmem>>, vector<256x512xbf16>
    %dot_general3A_188 = arith.constant dense<0.000000e+00> : vector<512x512xf32>
    %dot_general3A_189 = tpu.matmul %select_n3A_184, %get3A_187, %dot_general3A_188 {dimension_numbers = #tpu.dot_dimension_numbers<[1], [0], [0], [1], [0, 0, 1, 1], [], []>, transpose_lhs_hint = false} : vector<512x256xbf16>, vector<256x512xbf16>, vector<512x512xf32> -> vector<512x512xf32>
    %add3A_190 = arith.addf %add3A_161, %dot_general3A_189 : vector<512x512xf32>
    %get3A_191 = arith.constant 6 : index
    %get3A_192 = arith.constant 0 : index
    %get3A_193 = arith.constant 0 : index
    %get3A_194 = vector.load %arg1[%get3A_191, %get3A_192, %get3A_193] : memref<9x512x128xi32, #tpu.memory_space<vmem>>, vector<1x512x128xi32>
    %get3A_195 = vector.shape_cast %get3A_194 : vector<1x512x128xi32> to vector<512x128xi32>
    %and3A_196 = arith.constant -65536 : i32
    %and3A_197 = vector.broadcast %and3A_196 : i32 to vector<512x128xi32>
    %and3A_198 = arith.andi %get3A_195, %and3A_197 : vector<512x128xi32>
    %bitcast_convert_type3A_199 = tpu.bitcast %and3A_198 : vector<512x128xi32> -> vector<512x128xf32>
    %shift_left3A_200 = arith.constant 16 : i32
    %shift_left3A_201 = vector.broadcast %shift_left3A_200 : i32 to vector<512x128xi32>
    %shift_left3A_202 = arith.shli %get3A_195, %shift_left3A_201 : vector<512x128xi32>
    %bitcast_convert_type3A_203 = tpu.bitcast %shift_left3A_202 : vector<512x128xi32> -> vector<512x128xf32>
    %concatenate3A_204 = tpu.concatenate %bitcast_convert_type3A_199, %bitcast_convert_type3A_203 in 1 : vector<512x128xf32>, vector<512x128xf32> -> vector<512x256xf32>
    %convert_element_type3A_205 = arith.truncf %concatenate3A_204 : vector<512x256xf32> to vector<512x256xbf16>
    %slice3A_206 = vector.extract_strided_slice %get3A_1 {offsets = [0, 6], sizes = [512, 1], strides = [1, 1]} : vector<512x26xi32> to vector<512x1xi32>
    %squeeze3A_207 = vector.shape_cast %slice3A_206 : vector<512x1xi32> to vector<512xi32>
    %broadcast_in_dim3A_208 = vector.shape_cast %squeeze3A_207 : vector<512xi32> to vector<512x1xi32>
    %eq3A_209 = vector.broadcast %broadcast_in_dim3A_208 : vector<512x1xi32> to vector<512x256xi32>
    %eq3A_210 = arith.cmpi eq, %eq3A_209, %select_n3A : vector<512x256xi32>
    %jit3A_211 = arith.constant 0.000000e+00 : bf16
    %broadcast_in_dim3A_212 = vector.broadcast %jit3A_211 : bf16 to vector<512x256xbf16>
    %select_n3A_213 = arith.select %eq3A_210, %convert_element_type3A_205, %broadcast_in_dim3A_212 : vector<512x256xi1>, vector<512x256xbf16>
    %get3A_214 = arith.constant 1536 : index
    %get3A_215 = arith.constant 0 : index
    %get3A_216 = vector.load %arg6[%get3A_214, %get3A_215] : memref<6656x512xbf16, #tpu.memory_space<vmem>>, vector<256x512xbf16>
    %dot_general3A_217 = arith.constant dense<0.000000e+00> : vector<512x512xf32>
    %dot_general3A_218 = tpu.matmul %select_n3A_213, %get3A_216, %dot_general3A_217 {dimension_numbers = #tpu.dot_dimension_numbers<[1], [0], [0], [1], [0, 0, 1, 1], [], []>, transpose_lhs_hint = false} : vector<512x256xbf16>, vector<256x512xbf16>, vector<512x512xf32> -> vector<512x512xf32>
    %add3A_219 = arith.addf %add3A_190, %dot_general3A_218 : vector<512x512xf32>
    %get3A_220 = arith.constant 7 : index
    %get3A_221 = arith.constant 0 : index
    %get3A_222 = arith.constant 0 : index
    %get3A_223 = vector.load %arg1[%get3A_220, %get3A_221, %get3A_222] : memref<9x512x128xi32, #tpu.memory_space<vmem>>, vector<1x512x128xi32>
    %get3A_224 = vector.shape_cast %get3A_223 : vector<1x512x128xi32> to vector<512x128xi32>
    %and3A_225 = arith.constant -65536 : i32
    %and3A_226 = vector.broadcast %and3A_225 : i32 to vector<512x128xi32>
    %and3A_227 = arith.andi %get3A_224, %and3A_226 : vector<512x128xi32>
    %bitcast_convert_type3A_228 = tpu.bitcast %and3A_227 : vector<512x128xi32> -> vector<512x128xf32>
    %shift_left3A_229 = arith.constant 16 : i32
    %shift_left3A_230 = vector.broadcast %shift_left3A_229 : i32 to vector<512x128xi32>
    %shift_left3A_231 = arith.shli %get3A_224, %shift_left3A_230 : vector<512x128xi32>
    %bitcast_convert_type3A_232 = tpu.bitcast %shift_left3A_231 : vector<512x128xi32> -> vector<512x128xf32>
    %concatenate3A_233 = tpu.concatenate %bitcast_convert_type3A_228, %bitcast_convert_type3A_232 in 1 : vector<512x128xf32>, vector<512x128xf32> -> vector<512x256xf32>
    %convert_element_type3A_234 = arith.truncf %concatenate3A_233 : vector<512x256xf32> to vector<512x256xbf16>
    %slice3A_235 = vector.extract_strided_slice %get3A_1 {offsets = [0, 7], sizes = [512, 1], strides = [1, 1]} : vector<512x26xi32> to vector<512x1xi32>
    %squeeze3A_236 = vector.shape_cast %slice3A_235 : vector<512x1xi32> to vector<512xi32>
    %broadcast_in_dim3A_237 = vector.shape_cast %squeeze3A_236 : vector<512xi32> to vector<512x1xi32>
    %eq3A_238 = vector.broadcast %broadcast_in_dim3A_237 : vector<512x1xi32> to vector<512x256xi32>
    %eq3A_239 = arith.cmpi eq, %eq3A_238, %select_n3A : vector<512x256xi32>
    %jit3A_240 = arith.constant 0.000000e+00 : bf16
    %broadcast_in_dim3A_241 = vector.broadcast %jit3A_240 : bf16 to vector<512x256xbf16>
    %select_n3A_242 = arith.select %eq3A_239, %convert_element_type3A_234, %broadcast_in_dim3A_241 : vector<512x256xi1>, vector<512x256xbf16>
    %get3A_243 = arith.constant 1792 : index
    %get3A_244 = arith.constant 0 : index
    %get3A_245 = vector.load %arg6[%get3A_243, %get3A_244] : memref<6656x512xbf16, #tpu.memory_space<vmem>>, vector<256x512xbf16>
    %dot_general3A_246 = arith.constant dense<0.000000e+00> : vector<512x512xf32>
    %dot_general3A_247 = tpu.matmul %select_n3A_242, %get3A_245, %dot_general3A_246 {dimension_numbers = #tpu.dot_dimension_numbers<[1], [0], [0], [1], [0, 0, 1, 1], [], []>, transpose_lhs_hint = false} : vector<512x256xbf16>, vector<256x512xbf16>, vector<512x512xf32> -> vector<512x512xf32>
    %add3A_248 = arith.addf %add3A_219, %dot_general3A_247 : vector<512x512xf32>
    %get3A_249 = arith.constant 8 : index
    %get3A_250 = arith.constant 0 : index
    %get3A_251 = arith.constant 0 : index
    %get3A_252 = vector.load %arg1[%get3A_249, %get3A_250, %get3A_251] : memref<9x512x128xi32, #tpu.memory_space<vmem>>, vector<1x512x128xi32>
    %get3A_253 = vector.shape_cast %get3A_252 : vector<1x512x128xi32> to vector<512x128xi32>
    %and3A_254 = arith.constant -65536 : i32
    %and3A_255 = vector.broadcast %and3A_254 : i32 to vector<512x128xi32>
    %and3A_256 = arith.andi %get3A_253, %and3A_255 : vector<512x128xi32>
    %bitcast_convert_type3A_257 = tpu.bitcast %and3A_256 : vector<512x128xi32> -> vector<512x128xf32>
    %shift_left3A_258 = arith.constant 16 : i32
    %shift_left3A_259 = vector.broadcast %shift_left3A_258 : i32 to vector<512x128xi32>
    %shift_left3A_260 = arith.shli %get3A_253, %shift_left3A_259 : vector<512x128xi32>
    %bitcast_convert_type3A_261 = tpu.bitcast %shift_left3A_260 : vector<512x128xi32> -> vector<512x128xf32>
    %concatenate3A_262 = tpu.concatenate %bitcast_convert_type3A_257, %bitcast_convert_type3A_261 in 1 : vector<512x128xf32>, vector<512x128xf32> -> vector<512x256xf32>
    %convert_element_type3A_263 = arith.truncf %concatenate3A_262 : vector<512x256xf32> to vector<512x256xbf16>
    %slice3A_264 = vector.extract_strided_slice %get3A_1 {offsets = [0, 8], sizes = [512, 1], strides = [1, 1]} : vector<512x26xi32> to vector<512x1xi32>
    %squeeze3A_265 = vector.shape_cast %slice3A_264 : vector<512x1xi32> to vector<512xi32>
    %broadcast_in_dim3A_266 = vector.shape_cast %squeeze3A_265 : vector<512xi32> to vector<512x1xi32>
    %eq3A_267 = vector.broadcast %broadcast_in_dim3A_266 : vector<512x1xi32> to vector<512x256xi32>
    %eq3A_268 = arith.cmpi eq, %eq3A_267, %select_n3A : vector<512x256xi32>
    %jit3A_269 = arith.constant 0.000000e+00 : bf16
    %broadcast_in_dim3A_270 = vector.broadcast %jit3A_269 : bf16 to vector<512x256xbf16>
    %select_n3A_271 = arith.select %eq3A_268, %convert_element_type3A_263, %broadcast_in_dim3A_270 : vector<512x256xi1>, vector<512x256xbf16>
    %get3A_272 = arith.constant 2048 : index
    %get3A_273 = arith.constant 0 : index
    %get3A_274 = vector.load %arg6[%get3A_272, %get3A_273] : memref<6656x512xbf16, #tpu.memory_space<vmem>>, vector<256x512xbf16>
    %dot_general3A_275 = arith.constant dense<0.000000e+00> : vector<512x512xf32>
    %dot_general3A_276 = tpu.matmul %select_n3A_271, %get3A_274, %dot_general3A_275 {dimension_numbers = #tpu.dot_dimension_numbers<[1], [0], [0], [1], [0, 0, 1, 1], [], []>, transpose_lhs_hint = false} : vector<512x256xbf16>, vector<256x512xbf16>, vector<512x512xf32> -> vector<512x512xf32>
    %add3A_277 = arith.addf %add3A_248, %dot_general3A_276 : vector<512x512xf32>
    %get3A_278 = arith.constant 0 : index
    %get3A_279 = arith.constant 0 : index
    %get3A_280 = arith.constant 0 : index
    %get3A_281 = vector.load %arg2[%get3A_278, %get3A_279, %get3A_280] : memref<9x512x128xi32, #tpu.memory_space<vmem>>, vector<1x512x128xi32>
    %get3A_282 = vector.shape_cast %get3A_281 : vector<1x512x128xi32> to vector<512x128xi32>
    %and3A_283 = arith.constant -65536 : i32
    %and3A_284 = vector.broadcast %and3A_283 : i32 to vector<512x128xi32>
    %and3A_285 = arith.andi %get3A_282, %and3A_284 : vector<512x128xi32>
    %bitcast_convert_type3A_286 = tpu.bitcast %and3A_285 : vector<512x128xi32> -> vector<512x128xf32>
    %shift_left3A_287 = arith.constant 16 : i32
    %shift_left3A_288 = vector.broadcast %shift_left3A_287 : i32 to vector<512x128xi32>
    %shift_left3A_289 = arith.shli %get3A_282, %shift_left3A_288 : vector<512x128xi32>
    %bitcast_convert_type3A_290 = tpu.bitcast %shift_left3A_289 : vector<512x128xi32> -> vector<512x128xf32>
    %concatenate3A_291 = tpu.concatenate %bitcast_convert_type3A_286, %bitcast_convert_type3A_290 in 1 : vector<512x128xf32>, vector<512x128xf32> -> vector<512x256xf32>
    %convert_element_type3A_292 = arith.truncf %concatenate3A_291 : vector<512x256xf32> to vector<512x256xbf16>
    %slice3A_293 = vector.extract_strided_slice %get3A_1 {offsets = [0, 9], sizes = [512, 1], strides = [1, 1]} : vector<512x26xi32> to vector<512x1xi32>
    %squeeze3A_294 = vector.shape_cast %slice3A_293 : vector<512x1xi32> to vector<512xi32>
    %broadcast_in_dim3A_295 = vector.shape_cast %squeeze3A_294 : vector<512xi32> to vector<512x1xi32>
    %eq3A_296 = vector.broadcast %broadcast_in_dim3A_295 : vector<512x1xi32> to vector<512x256xi32>
    %eq3A_297 = arith.cmpi eq, %eq3A_296, %select_n3A : vector<512x256xi32>
    %jit3A_298 = arith.constant 0.000000e+00 : bf16
    %broadcast_in_dim3A_299 = vector.broadcast %jit3A_298 : bf16 to vector<512x256xbf16>
    %select_n3A_300 = arith.select %eq3A_297, %convert_element_type3A_292, %broadcast_in_dim3A_299 : vector<512x256xi1>, vector<512x256xbf16>
    %get3A_301 = arith.constant 2304 : index
    %get3A_302 = arith.constant 0 : index
    %get3A_303 = vector.load %arg6[%get3A_301, %get3A_302] : memref<6656x512xbf16, #tpu.memory_space<vmem>>, vector<256x512xbf16>
    %dot_general3A_304 = arith.constant dense<0.000000e+00> : vector<512x512xf32>
    %dot_general3A_305 = tpu.matmul %select_n3A_300, %get3A_303, %dot_general3A_304 {dimension_numbers = #tpu.dot_dimension_numbers<[1], [0], [0], [1], [0, 0, 1, 1], [], []>, transpose_lhs_hint = false} : vector<512x256xbf16>, vector<256x512xbf16>, vector<512x512xf32> -> vector<512x512xf32>
    %add3A_306 = arith.addf %add3A_277, %dot_general3A_305 : vector<512x512xf32>
    %get3A_307 = arith.constant 1 : index
    %get3A_308 = arith.constant 0 : index
    %get3A_309 = arith.constant 0 : index
    %get3A_310 = vector.load %arg2[%get3A_307, %get3A_308, %get3A_309] : memref<9x512x128xi32, #tpu.memory_space<vmem>>, vector<1x512x128xi32>
    %get3A_311 = vector.shape_cast %get3A_310 : vector<1x512x128xi32> to vector<512x128xi32>
    %and3A_312 = arith.constant -65536 : i32
    %and3A_313 = vector.broadcast %and3A_312 : i32 to vector<512x128xi32>
    %and3A_314 = arith.andi %get3A_311, %and3A_313 : vector<512x128xi32>
    %bitcast_convert_type3A_315 = tpu.bitcast %and3A_314 : vector<512x128xi32> -> vector<512x128xf32>
    %shift_left3A_316 = arith.constant 16 : i32
    %shift_left3A_317 = vector.broadcast %shift_left3A_316 : i32 to vector<512x128xi32>
    %shift_left3A_318 = arith.shli %get3A_311, %shift_left3A_317 : vector<512x128xi32>
    %bitcast_convert_type3A_319 = tpu.bitcast %shift_left3A_318 : vector<512x128xi32> -> vector<512x128xf32>
    %concatenate3A_320 = tpu.concatenate %bitcast_convert_type3A_315, %bitcast_convert_type3A_319 in 1 : vector<512x128xf32>, vector<512x128xf32> -> vector<512x256xf32>
    %convert_element_type3A_321 = arith.truncf %concatenate3A_320 : vector<512x256xf32> to vector<512x256xbf16>
    %slice3A_322 = vector.extract_strided_slice %get3A_1 {offsets = [0, 10], sizes = [512, 1], strides = [1, 1]} : vector<512x26xi32> to vector<512x1xi32>
    %squeeze3A_323 = vector.shape_cast %slice3A_322 : vector<512x1xi32> to vector<512xi32>
    %broadcast_in_dim3A_324 = vector.shape_cast %squeeze3A_323 : vector<512xi32> to vector<512x1xi32>
    %eq3A_325 = vector.broadcast %broadcast_in_dim3A_324 : vector<512x1xi32> to vector<512x256xi32>
    %eq3A_326 = arith.cmpi eq, %eq3A_325, %select_n3A : vector<512x256xi32>
    %jit3A_327 = arith.constant 0.000000e+00 : bf16
    %broadcast_in_dim3A_328 = vector.broadcast %jit3A_327 : bf16 to vector<512x256xbf16>
    %select_n3A_329 = arith.select %eq3A_326, %convert_element_type3A_321, %broadcast_in_dim3A_328 : vector<512x256xi1>, vector<512x256xbf16>
    %get3A_330 = arith.constant 2560 : index
    %get3A_331 = arith.constant 0 : index
    %get3A_332 = vector.load %arg6[%get3A_330, %get3A_331] : memref<6656x512xbf16, #tpu.memory_space<vmem>>, vector<256x512xbf16>
    %dot_general3A_333 = arith.constant dense<0.000000e+00> : vector<512x512xf32>
    %dot_general3A_334 = tpu.matmul %select_n3A_329, %get3A_332, %dot_general3A_333 {dimension_numbers = #tpu.dot_dimension_numbers<[1], [0], [0], [1], [0, 0, 1, 1], [], []>, transpose_lhs_hint = false} : vector<512x256xbf16>, vector<256x512xbf16>, vector<512x512xf32> -> vector<512x512xf32>
    %add3A_335 = arith.addf %add3A_306, %dot_general3A_334 : vector<512x512xf32>
    %get3A_336 = arith.constant 2 : index
    %get3A_337 = arith.constant 0 : index
    %get3A_338 = arith.constant 0 : index
    %get3A_339 = vector.load %arg2[%get3A_336, %get3A_337, %get3A_338] : memref<9x512x128xi32, #tpu.memory_space<vmem>>, vector<1x512x128xi32>
    %get3A_340 = vector.shape_cast %get3A_339 : vector<1x512x128xi32> to vector<512x128xi32>
    %and3A_341 = arith.constant -65536 : i32
    %and3A_342 = vector.broadcast %and3A_341 : i32 to vector<512x128xi32>
    %and3A_343 = arith.andi %get3A_340, %and3A_342 : vector<512x128xi32>
    %bitcast_convert_type3A_344 = tpu.bitcast %and3A_343 : vector<512x128xi32> -> vector<512x128xf32>
    %shift_left3A_345 = arith.constant 16 : i32
    %shift_left3A_346 = vector.broadcast %shift_left3A_345 : i32 to vector<512x128xi32>
    %shift_left3A_347 = arith.shli %get3A_340, %shift_left3A_346 : vector<512x128xi32>
    %bitcast_convert_type3A_348 = tpu.bitcast %shift_left3A_347 : vector<512x128xi32> -> vector<512x128xf32>
    %concatenate3A_349 = tpu.concatenate %bitcast_convert_type3A_344, %bitcast_convert_type3A_348 in 1 : vector<512x128xf32>, vector<512x128xf32> -> vector<512x256xf32>
    %convert_element_type3A_350 = arith.truncf %concatenate3A_349 : vector<512x256xf32> to vector<512x256xbf16>
    %slice3A_351 = vector.extract_strided_slice %get3A_1 {offsets = [0, 11], sizes = [512, 1], strides = [1, 1]} : vector<512x26xi32> to vector<512x1xi32>
    %squeeze3A_352 = vector.shape_cast %slice3A_351 : vector<512x1xi32> to vector<512xi32>
    %broadcast_in_dim3A_353 = vector.shape_cast %squeeze3A_352 : vector<512xi32> to vector<512x1xi32>
    %eq3A_354 = vector.broadcast %broadcast_in_dim3A_353 : vector<512x1xi32> to vector<512x256xi32>
    %eq3A_355 = arith.cmpi eq, %eq3A_354, %select_n3A : vector<512x256xi32>
    %jit3A_356 = arith.constant 0.000000e+00 : bf16
    %broadcast_in_dim3A_357 = vector.broadcast %jit3A_356 : bf16 to vector<512x256xbf16>
    %select_n3A_358 = arith.select %eq3A_355, %convert_element_type3A_350, %broadcast_in_dim3A_357 : vector<512x256xi1>, vector<512x256xbf16>
    %get3A_359 = arith.constant 2816 : index
    %get3A_360 = arith.constant 0 : index
    %get3A_361 = vector.load %arg6[%get3A_359, %get3A_360] : memref<6656x512xbf16, #tpu.memory_space<vmem>>, vector<256x512xbf16>
    %dot_general3A_362 = arith.constant dense<0.000000e+00> : vector<512x512xf32>
    %dot_general3A_363 = tpu.matmul %select_n3A_358, %get3A_361, %dot_general3A_362 {dimension_numbers = #tpu.dot_dimension_numbers<[1], [0], [0], [1], [0, 0, 1, 1], [], []>, transpose_lhs_hint = false} : vector<512x256xbf16>, vector<256x512xbf16>, vector<512x512xf32> -> vector<512x512xf32>
    %add3A_364 = arith.addf %add3A_335, %dot_general3A_363 : vector<512x512xf32>
    %get3A_365 = arith.constant 3 : index
    %get3A_366 = arith.constant 0 : index
    %get3A_367 = arith.constant 0 : index
    %get3A_368 = vector.load %arg2[%get3A_365, %get3A_366, %get3A_367] : memref<9x512x128xi32, #tpu.memory_space<vmem>>, vector<1x512x128xi32>
    %get3A_369 = vector.shape_cast %get3A_368 : vector<1x512x128xi32> to vector<512x128xi32>
    %and3A_370 = arith.constant -65536 : i32
    %and3A_371 = vector.broadcast %and3A_370 : i32 to vector<512x128xi32>
    %and3A_372 = arith.andi %get3A_369, %and3A_371 : vector<512x128xi32>
    %bitcast_convert_type3A_373 = tpu.bitcast %and3A_372 : vector<512x128xi32> -> vector<512x128xf32>
    %shift_left3A_374 = arith.constant 16 : i32
    %shift_left3A_375 = vector.broadcast %shift_left3A_374 : i32 to vector<512x128xi32>
    %shift_left3A_376 = arith.shli %get3A_369, %shift_left3A_375 : vector<512x128xi32>
    %bitcast_convert_type3A_377 = tpu.bitcast %shift_left3A_376 : vector<512x128xi32> -> vector<512x128xf32>
    %concatenate3A_378 = tpu.concatenate %bitcast_convert_type3A_373, %bitcast_convert_type3A_377 in 1 : vector<512x128xf32>, vector<512x128xf32> -> vector<512x256xf32>
    %convert_element_type3A_379 = arith.truncf %concatenate3A_378 : vector<512x256xf32> to vector<512x256xbf16>
    %slice3A_380 = vector.extract_strided_slice %get3A_1 {offsets = [0, 12], sizes = [512, 1], strides = [1, 1]} : vector<512x26xi32> to vector<512x1xi32>
    %squeeze3A_381 = vector.shape_cast %slice3A_380 : vector<512x1xi32> to vector<512xi32>
    %broadcast_in_dim3A_382 = vector.shape_cast %squeeze3A_381 : vector<512xi32> to vector<512x1xi32>
    %eq3A_383 = vector.broadcast %broadcast_in_dim3A_382 : vector<512x1xi32> to vector<512x256xi32>
    %eq3A_384 = arith.cmpi eq, %eq3A_383, %select_n3A : vector<512x256xi32>
    %jit3A_385 = arith.constant 0.000000e+00 : bf16
    %broadcast_in_dim3A_386 = vector.broadcast %jit3A_385 : bf16 to vector<512x256xbf16>
    %select_n3A_387 = arith.select %eq3A_384, %convert_element_type3A_379, %broadcast_in_dim3A_386 : vector<512x256xi1>, vector<512x256xbf16>
    %get3A_388 = arith.constant 3072 : index
    %get3A_389 = arith.constant 0 : index
    %get3A_390 = vector.load %arg6[%get3A_388, %get3A_389] : memref<6656x512xbf16, #tpu.memory_space<vmem>>, vector<256x512xbf16>
    %dot_general3A_391 = arith.constant dense<0.000000e+00> : vector<512x512xf32>
    %dot_general3A_392 = tpu.matmul %select_n3A_387, %get3A_390, %dot_general3A_391 {dimension_numbers = #tpu.dot_dimension_numbers<[1], [0], [0], [1], [0, 0, 1, 1], [], []>, transpose_lhs_hint = false} : vector<512x256xbf16>, vector<256x512xbf16>, vector<512x512xf32> -> vector<512x512xf32>
    %add3A_393 = arith.addf %add3A_364, %dot_general3A_392 : vector<512x512xf32>
    %get3A_394 = arith.constant 4 : index
    %get3A_395 = arith.constant 0 : index
    %get3A_396 = arith.constant 0 : index
    %get3A_397 = vector.load %arg2[%get3A_394, %get3A_395, %get3A_396] : memref<9x512x128xi32, #tpu.memory_space<vmem>>, vector<1x512x128xi32>
    %get3A_398 = vector.shape_cast %get3A_397 : vector<1x512x128xi32> to vector<512x128xi32>
    %and3A_399 = arith.constant -65536 : i32
    %and3A_400 = vector.broadcast %and3A_399 : i32 to vector<512x128xi32>
    %and3A_401 = arith.andi %get3A_398, %and3A_400 : vector<512x128xi32>
    %bitcast_convert_type3A_402 = tpu.bitcast %and3A_401 : vector<512x128xi32> -> vector<512x128xf32>
    %shift_left3A_403 = arith.constant 16 : i32
    %shift_left3A_404 = vector.broadcast %shift_left3A_403 : i32 to vector<512x128xi32>
    %shift_left3A_405 = arith.shli %get3A_398, %shift_left3A_404 : vector<512x128xi32>
    %bitcast_convert_type3A_406 = tpu.bitcast %shift_left3A_405 : vector<512x128xi32> -> vector<512x128xf32>
    %concatenate3A_407 = tpu.concatenate %bitcast_convert_type3A_402, %bitcast_convert_type3A_406 in 1 : vector<512x128xf32>, vector<512x128xf32> -> vector<512x256xf32>
    %convert_element_type3A_408 = arith.truncf %concatenate3A_407 : vector<512x256xf32> to vector<512x256xbf16>
    %slice3A_409 = vector.extract_strided_slice %get3A_1 {offsets = [0, 13], sizes = [512, 1], strides = [1, 1]} : vector<512x26xi32> to vector<512x1xi32>
    %squeeze3A_410 = vector.shape_cast %slice3A_409 : vector<512x1xi32> to vector<512xi32>
    %broadcast_in_dim3A_411 = vector.shape_cast %squeeze3A_410 : vector<512xi32> to vector<512x1xi32>
    %eq3A_412 = vector.broadcast %broadcast_in_dim3A_411 : vector<512x1xi32> to vector<512x256xi32>
    %eq3A_413 = arith.cmpi eq, %eq3A_412, %select_n3A : vector<512x256xi32>
    %jit3A_414 = arith.constant 0.000000e+00 : bf16
    %broadcast_in_dim3A_415 = vector.broadcast %jit3A_414 : bf16 to vector<512x256xbf16>
    %select_n3A_416 = arith.select %eq3A_413, %convert_element_type3A_408, %broadcast_in_dim3A_415 : vector<512x256xi1>, vector<512x256xbf16>
    %get3A_417 = arith.constant 3328 : index
    %get3A_418 = arith.constant 0 : index
    %get3A_419 = vector.load %arg6[%get3A_417, %get3A_418] : memref<6656x512xbf16, #tpu.memory_space<vmem>>, vector<256x512xbf16>
    %dot_general3A_420 = arith.constant dense<0.000000e+00> : vector<512x512xf32>
    %dot_general3A_421 = tpu.matmul %select_n3A_416, %get3A_419, %dot_general3A_420 {dimension_numbers = #tpu.dot_dimension_numbers<[1], [0], [0], [1], [0, 0, 1, 1], [], []>, transpose_lhs_hint = false} : vector<512x256xbf16>, vector<256x512xbf16>, vector<512x512xf32> -> vector<512x512xf32>
    %add3A_422 = arith.addf %add3A_393, %dot_general3A_421 : vector<512x512xf32>
    %get3A_423 = arith.constant 5 : index
    %get3A_424 = arith.constant 0 : index
    %get3A_425 = arith.constant 0 : index
    %get3A_426 = vector.load %arg2[%get3A_423, %get3A_424, %get3A_425] : memref<9x512x128xi32, #tpu.memory_space<vmem>>, vector<1x512x128xi32>
    %get3A_427 = vector.shape_cast %get3A_426 : vector<1x512x128xi32> to vector<512x128xi32>
    %and3A_428 = arith.constant -65536 : i32
    %and3A_429 = vector.broadcast %and3A_428 : i32 to vector<512x128xi32>
    %and3A_430 = arith.andi %get3A_427, %and3A_429 : vector<512x128xi32>
    %bitcast_convert_type3A_431 = tpu.bitcast %and3A_430 : vector<512x128xi32> -> vector<512x128xf32>
    %shift_left3A_432 = arith.constant 16 : i32
    %shift_left3A_433 = vector.broadcast %shift_left3A_432 : i32 to vector<512x128xi32>
    %shift_left3A_434 = arith.shli %get3A_427, %shift_left3A_433 : vector<512x128xi32>
    %bitcast_convert_type3A_435 = tpu.bitcast %shift_left3A_434 : vector<512x128xi32> -> vector<512x128xf32>
    %concatenate3A_436 = tpu.concatenate %bitcast_convert_type3A_431, %bitcast_convert_type3A_435 in 1 : vector<512x128xf32>, vector<512x128xf32> -> vector<512x256xf32>
    %convert_element_type3A_437 = arith.truncf %concatenate3A_436 : vector<512x256xf32> to vector<512x256xbf16>
    %slice3A_438 = vector.extract_strided_slice %get3A_1 {offsets = [0, 14], sizes = [512, 1], strides = [1, 1]} : vector<512x26xi32> to vector<512x1xi32>
    %squeeze3A_439 = vector.shape_cast %slice3A_438 : vector<512x1xi32> to vector<512xi32>
    %broadcast_in_dim3A_440 = vector.shape_cast %squeeze3A_439 : vector<512xi32> to vector<512x1xi32>
    %eq3A_441 = vector.broadcast %broadcast_in_dim3A_440 : vector<512x1xi32> to vector<512x256xi32>
    %eq3A_442 = arith.cmpi eq, %eq3A_441, %select_n3A : vector<512x256xi32>
    %jit3A_443 = arith.constant 0.000000e+00 : bf16
    %broadcast_in_dim3A_444 = vector.broadcast %jit3A_443 : bf16 to vector<512x256xbf16>
    %select_n3A_445 = arith.select %eq3A_442, %convert_element_type3A_437, %broadcast_in_dim3A_444 : vector<512x256xi1>, vector<512x256xbf16>
    %get3A_446 = arith.constant 3584 : index
    %get3A_447 = arith.constant 0 : index
    %get3A_448 = vector.load %arg6[%get3A_446, %get3A_447] : memref<6656x512xbf16, #tpu.memory_space<vmem>>, vector<256x512xbf16>
    %dot_general3A_449 = arith.constant dense<0.000000e+00> : vector<512x512xf32>
    %dot_general3A_450 = tpu.matmul %select_n3A_445, %get3A_448, %dot_general3A_449 {dimension_numbers = #tpu.dot_dimension_numbers<[1], [0], [0], [1], [0, 0, 1, 1], [], []>, transpose_lhs_hint = false} : vector<512x256xbf16>, vector<256x512xbf16>, vector<512x512xf32> -> vector<512x512xf32>
    %add3A_451 = arith.addf %add3A_422, %dot_general3A_450 : vector<512x512xf32>
    %get3A_452 = arith.constant 6 : index
    %get3A_453 = arith.constant 0 : index
    %get3A_454 = arith.constant 0 : index
    %get3A_455 = vector.load %arg2[%get3A_452, %get3A_453, %get3A_454] : memref<9x512x128xi32, #tpu.memory_space<vmem>>, vector<1x512x128xi32>
    %get3A_456 = vector.shape_cast %get3A_455 : vector<1x512x128xi32> to vector<512x128xi32>
    %and3A_457 = arith.constant -65536 : i32
    %and3A_458 = vector.broadcast %and3A_457 : i32 to vector<512x128xi32>
    %and3A_459 = arith.andi %get3A_456, %and3A_458 : vector<512x128xi32>
    %bitcast_convert_type3A_460 = tpu.bitcast %and3A_459 : vector<512x128xi32> -> vector<512x128xf32>
    %shift_left3A_461 = arith.constant 16 : i32
    %shift_left3A_462 = vector.broadcast %shift_left3A_461 : i32 to vector<512x128xi32>
    %shift_left3A_463 = arith.shli %get3A_456, %shift_left3A_462 : vector<512x128xi32>
    %bitcast_convert_type3A_464 = tpu.bitcast %shift_left3A_463 : vector<512x128xi32> -> vector<512x128xf32>
    %concatenate3A_465 = tpu.concatenate %bitcast_convert_type3A_460, %bitcast_convert_type3A_464 in 1 : vector<512x128xf32>, vector<512x128xf32> -> vector<512x256xf32>
    %convert_element_type3A_466 = arith.truncf %concatenate3A_465 : vector<512x256xf32> to vector<512x256xbf16>
    %slice3A_467 = vector.extract_strided_slice %get3A_1 {offsets = [0, 15], sizes = [512, 1], strides = [1, 1]} : vector<512x26xi32> to vector<512x1xi32>
    %squeeze3A_468 = vector.shape_cast %slice3A_467 : vector<512x1xi32> to vector<512xi32>
    %broadcast_in_dim3A_469 = vector.shape_cast %squeeze3A_468 : vector<512xi32> to vector<512x1xi32>
    %eq3A_470 = vector.broadcast %broadcast_in_dim3A_469 : vector<512x1xi32> to vector<512x256xi32>
    %eq3A_471 = arith.cmpi eq, %eq3A_470, %select_n3A : vector<512x256xi32>
    %jit3A_472 = arith.constant 0.000000e+00 : bf16
    %broadcast_in_dim3A_473 = vector.broadcast %jit3A_472 : bf16 to vector<512x256xbf16>
    %select_n3A_474 = arith.select %eq3A_471, %convert_element_type3A_466, %broadcast_in_dim3A_473 : vector<512x256xi1>, vector<512x256xbf16>
    %get3A_475 = arith.constant 3840 : index
    %get3A_476 = arith.constant 0 : index
    %get3A_477 = vector.load %arg6[%get3A_475, %get3A_476] : memref<6656x512xbf16, #tpu.memory_space<vmem>>, vector<256x512xbf16>
    %dot_general3A_478 = arith.constant dense<0.000000e+00> : vector<512x512xf32>
    %dot_general3A_479 = tpu.matmul %select_n3A_474, %get3A_477, %dot_general3A_478 {dimension_numbers = #tpu.dot_dimension_numbers<[1], [0], [0], [1], [0, 0, 1, 1], [], []>, transpose_lhs_hint = false} : vector<512x256xbf16>, vector<256x512xbf16>, vector<512x512xf32> -> vector<512x512xf32>
    %add3A_480 = arith.addf %add3A_451, %dot_general3A_479 : vector<512x512xf32>
    %get3A_481 = arith.constant 7 : index
    %get3A_482 = arith.constant 0 : index
    %get3A_483 = arith.constant 0 : index
    %get3A_484 = vector.load %arg2[%get3A_481, %get3A_482, %get3A_483] : memref<9x512x128xi32, #tpu.memory_space<vmem>>, vector<1x512x128xi32>
    %get3A_485 = vector.shape_cast %get3A_484 : vector<1x512x128xi32> to vector<512x128xi32>
    %and3A_486 = arith.constant -65536 : i32
    %and3A_487 = vector.broadcast %and3A_486 : i32 to vector<512x128xi32>
    %and3A_488 = arith.andi %get3A_485, %and3A_487 : vector<512x128xi32>
    %bitcast_convert_type3A_489 = tpu.bitcast %and3A_488 : vector<512x128xi32> -> vector<512x128xf32>
    %shift_left3A_490 = arith.constant 16 : i32
    %shift_left3A_491 = vector.broadcast %shift_left3A_490 : i32 to vector<512x128xi32>
    %shift_left3A_492 = arith.shli %get3A_485, %shift_left3A_491 : vector<512x128xi32>
    %bitcast_convert_type3A_493 = tpu.bitcast %shift_left3A_492 : vector<512x128xi32> -> vector<512x128xf32>
    %concatenate3A_494 = tpu.concatenate %bitcast_convert_type3A_489, %bitcast_convert_type3A_493 in 1 : vector<512x128xf32>, vector<512x128xf32> -> vector<512x256xf32>
    %convert_element_type3A_495 = arith.truncf %concatenate3A_494 : vector<512x256xf32> to vector<512x256xbf16>
    %slice3A_496 = vector.extract_strided_slice %get3A_1 {offsets = [0, 16], sizes = [512, 1], strides = [1, 1]} : vector<512x26xi32> to vector<512x1xi32>
    %squeeze3A_497 = vector.shape_cast %slice3A_496 : vector<512x1xi32> to vector<512xi32>
    %broadcast_in_dim3A_498 = vector.shape_cast %squeeze3A_497 : vector<512xi32> to vector<512x1xi32>
    %eq3A_499 = vector.broadcast %broadcast_in_dim3A_498 : vector<512x1xi32> to vector<512x256xi32>
    %eq3A_500 = arith.cmpi eq, %eq3A_499, %select_n3A : vector<512x256xi32>
    %jit3A_501 = arith.constant 0.000000e+00 : bf16
    %broadcast_in_dim3A_502 = vector.broadcast %jit3A_501 : bf16 to vector<512x256xbf16>
    %select_n3A_503 = arith.select %eq3A_500, %convert_element_type3A_495, %broadcast_in_dim3A_502 : vector<512x256xi1>, vector<512x256xbf16>
    %get3A_504 = arith.constant 4096 : index
    %get3A_505 = arith.constant 0 : index
    %get3A_506 = vector.load %arg6[%get3A_504, %get3A_505] : memref<6656x512xbf16, #tpu.memory_space<vmem>>, vector<256x512xbf16>
    %dot_general3A_507 = arith.constant dense<0.000000e+00> : vector<512x512xf32>
    %dot_general3A_508 = tpu.matmul %select_n3A_503, %get3A_506, %dot_general3A_507 {dimension_numbers = #tpu.dot_dimension_numbers<[1], [0], [0], [1], [0, 0, 1, 1], [], []>, transpose_lhs_hint = false} : vector<512x256xbf16>, vector<256x512xbf16>, vector<512x512xf32> -> vector<512x512xf32>
    %add3A_509 = arith.addf %add3A_480, %dot_general3A_508 : vector<512x512xf32>
    %get3A_510 = arith.constant 8 : index
    %get3A_511 = arith.constant 0 : index
    %get3A_512 = arith.constant 0 : index
    %get3A_513 = vector.load %arg2[%get3A_510, %get3A_511, %get3A_512] : memref<9x512x128xi32, #tpu.memory_space<vmem>>, vector<1x512x128xi32>
    %get3A_514 = vector.shape_cast %get3A_513 : vector<1x512x128xi32> to vector<512x128xi32>
    %and3A_515 = arith.constant -65536 : i32
    %and3A_516 = vector.broadcast %and3A_515 : i32 to vector<512x128xi32>
    %and3A_517 = arith.andi %get3A_514, %and3A_516 : vector<512x128xi32>
    %bitcast_convert_type3A_518 = tpu.bitcast %and3A_517 : vector<512x128xi32> -> vector<512x128xf32>
    %shift_left3A_519 = arith.constant 16 : i32
    %shift_left3A_520 = vector.broadcast %shift_left3A_519 : i32 to vector<512x128xi32>
    %shift_left3A_521 = arith.shli %get3A_514, %shift_left3A_520 : vector<512x128xi32>
    %bitcast_convert_type3A_522 = tpu.bitcast %shift_left3A_521 : vector<512x128xi32> -> vector<512x128xf32>
    %concatenate3A_523 = tpu.concatenate %bitcast_convert_type3A_518, %bitcast_convert_type3A_522 in 1 : vector<512x128xf32>, vector<512x128xf32> -> vector<512x256xf32>
    %convert_element_type3A_524 = arith.truncf %concatenate3A_523 : vector<512x256xf32> to vector<512x256xbf16>
    %slice3A_525 = vector.extract_strided_slice %get3A_1 {offsets = [0, 17], sizes = [512, 1], strides = [1, 1]} : vector<512x26xi32> to vector<512x1xi32>
    %squeeze3A_526 = vector.shape_cast %slice3A_525 : vector<512x1xi32> to vector<512xi32>
    %broadcast_in_dim3A_527 = vector.shape_cast %squeeze3A_526 : vector<512xi32> to vector<512x1xi32>
    %eq3A_528 = vector.broadcast %broadcast_in_dim3A_527 : vector<512x1xi32> to vector<512x256xi32>
    %eq3A_529 = arith.cmpi eq, %eq3A_528, %select_n3A : vector<512x256xi32>
    %jit3A_530 = arith.constant 0.000000e+00 : bf16
    %broadcast_in_dim3A_531 = vector.broadcast %jit3A_530 : bf16 to vector<512x256xbf16>
    %select_n3A_532 = arith.select %eq3A_529, %convert_element_type3A_524, %broadcast_in_dim3A_531 : vector<512x256xi1>, vector<512x256xbf16>
    %get3A_533 = arith.constant 4352 : index
    %get3A_534 = arith.constant 0 : index
    %get3A_535 = vector.load %arg6[%get3A_533, %get3A_534] : memref<6656x512xbf16, #tpu.memory_space<vmem>>, vector<256x512xbf16>
    %dot_general3A_536 = arith.constant dense<0.000000e+00> : vector<512x512xf32>
    %dot_general3A_537 = tpu.matmul %select_n3A_532, %get3A_535, %dot_general3A_536 {dimension_numbers = #tpu.dot_dimension_numbers<[1], [0], [0], [1], [0, 0, 1, 1], [], []>, transpose_lhs_hint = false} : vector<512x256xbf16>, vector<256x512xbf16>, vector<512x512xf32> -> vector<512x512xf32>
    %add3A_538 = arith.addf %add3A_509, %dot_general3A_537 : vector<512x512xf32>
    %get3A_539 = arith.constant 0 : index
    %get3A_540 = arith.constant 0 : index
    %get3A_541 = arith.constant 0 : index
    %get3A_542 = vector.load %arg3[%get3A_539, %get3A_540, %get3A_541] : memref<8x512x128xi32, #tpu.memory_space<vmem>>, vector<1x512x128xi32>
    %get3A_543 = vector.shape_cast %get3A_542 : vector<1x512x128xi32> to vector<512x128xi32>
    %and3A_544 = arith.constant -65536 : i32
    %and3A_545 = vector.broadcast %and3A_544 : i32 to vector<512x128xi32>
    %and3A_546 = arith.andi %get3A_543, %and3A_545 : vector<512x128xi32>
    %bitcast_convert_type3A_547 = tpu.bitcast %and3A_546 : vector<512x128xi32> -> vector<512x128xf32>
    %shift_left3A_548 = arith.constant 16 : i32
    %shift_left3A_549 = vector.broadcast %shift_left3A_548 : i32 to vector<512x128xi32>
    %shift_left3A_550 = arith.shli %get3A_543, %shift_left3A_549 : vector<512x128xi32>
    %bitcast_convert_type3A_551 = tpu.bitcast %shift_left3A_550 : vector<512x128xi32> -> vector<512x128xf32>
    %concatenate3A_552 = tpu.concatenate %bitcast_convert_type3A_547, %bitcast_convert_type3A_551 in 1 : vector<512x128xf32>, vector<512x128xf32> -> vector<512x256xf32>
    %convert_element_type3A_553 = arith.truncf %concatenate3A_552 : vector<512x256xf32> to vector<512x256xbf16>
    %slice3A_554 = vector.extract_strided_slice %get3A_1 {offsets = [0, 18], sizes = [512, 1], strides = [1, 1]} : vector<512x26xi32> to vector<512x1xi32>
    %squeeze3A_555 = vector.shape_cast %slice3A_554 : vector<512x1xi32> to vector<512xi32>
    %broadcast_in_dim3A_556 = vector.shape_cast %squeeze3A_555 : vector<512xi32> to vector<512x1xi32>
    %eq3A_557 = vector.broadcast %broadcast_in_dim3A_556 : vector<512x1xi32> to vector<512x256xi32>
    %eq3A_558 = arith.cmpi eq, %eq3A_557, %select_n3A : vector<512x256xi32>
    %jit3A_559 = arith.constant 0.000000e+00 : bf16
    %broadcast_in_dim3A_560 = vector.broadcast %jit3A_559 : bf16 to vector<512x256xbf16>
    %select_n3A_561 = arith.select %eq3A_558, %convert_element_type3A_553, %broadcast_in_dim3A_560 : vector<512x256xi1>, vector<512x256xbf16>
    %get3A_562 = arith.constant 4608 : index
    %get3A_563 = arith.constant 0 : index
    %get3A_564 = vector.load %arg6[%get3A_562, %get3A_563] : memref<6656x512xbf16, #tpu.memory_space<vmem>>, vector<256x512xbf16>
    %dot_general3A_565 = arith.constant dense<0.000000e+00> : vector<512x512xf32>
    %dot_general3A_566 = tpu.matmul %select_n3A_561, %get3A_564, %dot_general3A_565 {dimension_numbers = #tpu.dot_dimension_numbers<[1], [0], [0], [1], [0, 0, 1, 1], [], []>, transpose_lhs_hint = false} : vector<512x256xbf16>, vector<256x512xbf16>, vector<512x512xf32> -> vector<512x512xf32>
    %add3A_567 = arith.addf %add3A_538, %dot_general3A_566 : vector<512x512xf32>
    %get3A_568 = arith.constant 1 : index
    %get3A_569 = arith.constant 0 : index
    %get3A_570 = arith.constant 0 : index
    %get3A_571 = vector.load %arg3[%get3A_568, %get3A_569, %get3A_570] : memref<8x512x128xi32, #tpu.memory_space<vmem>>, vector<1x512x128xi32>
    %get3A_572 = vector.shape_cast %get3A_571 : vector<1x512x128xi32> to vector<512x128xi32>
    %and3A_573 = arith.constant -65536 : i32
    %and3A_574 = vector.broadcast %and3A_573 : i32 to vector<512x128xi32>
    %and3A_575 = arith.andi %get3A_572, %and3A_574 : vector<512x128xi32>
    %bitcast_convert_type3A_576 = tpu.bitcast %and3A_575 : vector<512x128xi32> -> vector<512x128xf32>
    %shift_left3A_577 = arith.constant 16 : i32
    %shift_left3A_578 = vector.broadcast %shift_left3A_577 : i32 to vector<512x128xi32>
    %shift_left3A_579 = arith.shli %get3A_572, %shift_left3A_578 : vector<512x128xi32>
    %bitcast_convert_type3A_580 = tpu.bitcast %shift_left3A_579 : vector<512x128xi32> -> vector<512x128xf32>
    %concatenate3A_581 = tpu.concatenate %bitcast_convert_type3A_576, %bitcast_convert_type3A_580 in 1 : vector<512x128xf32>, vector<512x128xf32> -> vector<512x256xf32>
    %convert_element_type3A_582 = arith.truncf %concatenate3A_581 : vector<512x256xf32> to vector<512x256xbf16>
    %slice3A_583 = vector.extract_strided_slice %get3A_1 {offsets = [0, 19], sizes = [512, 1], strides = [1, 1]} : vector<512x26xi32> to vector<512x1xi32>
    %squeeze3A_584 = vector.shape_cast %slice3A_583 : vector<512x1xi32> to vector<512xi32>
    %broadcast_in_dim3A_585 = vector.shape_cast %squeeze3A_584 : vector<512xi32> to vector<512x1xi32>
    %eq3A_586 = vector.broadcast %broadcast_in_dim3A_585 : vector<512x1xi32> to vector<512x256xi32>
    %eq3A_587 = arith.cmpi eq, %eq3A_586, %select_n3A : vector<512x256xi32>
    %jit3A_588 = arith.constant 0.000000e+00 : bf16
    %broadcast_in_dim3A_589 = vector.broadcast %jit3A_588 : bf16 to vector<512x256xbf16>
    %select_n3A_590 = arith.select %eq3A_587, %convert_element_type3A_582, %broadcast_in_dim3A_589 : vector<512x256xi1>, vector<512x256xbf16>
    %get3A_591 = arith.constant 4864 : index
    %get3A_592 = arith.constant 0 : index
    %get3A_593 = vector.load %arg6[%get3A_591, %get3A_592] : memref<6656x512xbf16, #tpu.memory_space<vmem>>, vector<256x512xbf16>
    %dot_general3A_594 = arith.constant dense<0.000000e+00> : vector<512x512xf32>
    %dot_general3A_595 = tpu.matmul %select_n3A_590, %get3A_593, %dot_general3A_594 {dimension_numbers = #tpu.dot_dimension_numbers<[1], [0], [0], [1], [0, 0, 1, 1], [], []>, transpose_lhs_hint = false} : vector<512x256xbf16>, vector<256x512xbf16>, vector<512x512xf32> -> vector<512x512xf32>
    %add3A_596 = arith.addf %add3A_567, %dot_general3A_595 : vector<512x512xf32>
    %get3A_597 = arith.constant 2 : index
    %get3A_598 = arith.constant 0 : index
    %get3A_599 = arith.constant 0 : index
    %get3A_600 = vector.load %arg3[%get3A_597, %get3A_598, %get3A_599] : memref<8x512x128xi32, #tpu.memory_space<vmem>>, vector<1x512x128xi32>
    %get3A_601 = vector.shape_cast %get3A_600 : vector<1x512x128xi32> to vector<512x128xi32>
    %and3A_602 = arith.constant -65536 : i32
    %and3A_603 = vector.broadcast %and3A_602 : i32 to vector<512x128xi32>
    %and3A_604 = arith.andi %get3A_601, %and3A_603 : vector<512x128xi32>
    %bitcast_convert_type3A_605 = tpu.bitcast %and3A_604 : vector<512x128xi32> -> vector<512x128xf32>
    %shift_left3A_606 = arith.constant 16 : i32
    %shift_left3A_607 = vector.broadcast %shift_left3A_606 : i32 to vector<512x128xi32>
    %shift_left3A_608 = arith.shli %get3A_601, %shift_left3A_607 : vector<512x128xi32>
    %bitcast_convert_type3A_609 = tpu.bitcast %shift_left3A_608 : vector<512x128xi32> -> vector<512x128xf32>
    %concatenate3A_610 = tpu.concatenate %bitcast_convert_type3A_605, %bitcast_convert_type3A_609 in 1 : vector<512x128xf32>, vector<512x128xf32> -> vector<512x256xf32>
    %convert_element_type3A_611 = arith.truncf %concatenate3A_610 : vector<512x256xf32> to vector<512x256xbf16>
    %slice3A_612 = vector.extract_strided_slice %get3A_1 {offsets = [0, 20], sizes = [512, 1], strides = [1, 1]} : vector<512x26xi32> to vector<512x1xi32>
    %squeeze3A_613 = vector.shape_cast %slice3A_612 : vector<512x1xi32> to vector<512xi32>
    %broadcast_in_dim3A_614 = vector.shape_cast %squeeze3A_613 : vector<512xi32> to vector<512x1xi32>
    %eq3A_615 = vector.broadcast %broadcast_in_dim3A_614 : vector<512x1xi32> to vector<512x256xi32>
    %eq3A_616 = arith.cmpi eq, %eq3A_615, %select_n3A : vector<512x256xi32>
    %jit3A_617 = arith.constant 0.000000e+00 : bf16
    %broadcast_in_dim3A_618 = vector.broadcast %jit3A_617 : bf16 to vector<512x256xbf16>
    %select_n3A_619 = arith.select %eq3A_616, %convert_element_type3A_611, %broadcast_in_dim3A_618 : vector<512x256xi1>, vector<512x256xbf16>
    %get3A_620 = arith.constant 5120 : index
    %get3A_621 = arith.constant 0 : index
    %get3A_622 = vector.load %arg6[%get3A_620, %get3A_621] : memref<6656x512xbf16, #tpu.memory_space<vmem>>, vector<256x512xbf16>
    %dot_general3A_623 = arith.constant dense<0.000000e+00> : vector<512x512xf32>
    %dot_general3A_624 = tpu.matmul %select_n3A_619, %get3A_622, %dot_general3A_623 {dimension_numbers = #tpu.dot_dimension_numbers<[1], [0], [0], [1], [0, 0, 1, 1], [], []>, transpose_lhs_hint = false} : vector<512x256xbf16>, vector<256x512xbf16>, vector<512x512xf32> -> vector<512x512xf32>
    %add3A_625 = arith.addf %add3A_596, %dot_general3A_624 : vector<512x512xf32>
    %get3A_626 = arith.constant 3 : index
    %get3A_627 = arith.constant 0 : index
    %get3A_628 = arith.constant 0 : index
    %get3A_629 = vector.load %arg3[%get3A_626, %get3A_627, %get3A_628] : memref<8x512x128xi32, #tpu.memory_space<vmem>>, vector<1x512x128xi32>
    %get3A_630 = vector.shape_cast %get3A_629 : vector<1x512x128xi32> to vector<512x128xi32>
    %and3A_631 = arith.constant -65536 : i32
    %and3A_632 = vector.broadcast %and3A_631 : i32 to vector<512x128xi32>
    %and3A_633 = arith.andi %get3A_630, %and3A_632 : vector<512x128xi32>
    %bitcast_convert_type3A_634 = tpu.bitcast %and3A_633 : vector<512x128xi32> -> vector<512x128xf32>
    %shift_left3A_635 = arith.constant 16 : i32
    %shift_left3A_636 = vector.broadcast %shift_left3A_635 : i32 to vector<512x128xi32>
    %shift_left3A_637 = arith.shli %get3A_630, %shift_left3A_636 : vector<512x128xi32>
    %bitcast_convert_type3A_638 = tpu.bitcast %shift_left3A_637 : vector<512x128xi32> -> vector<512x128xf32>
    %concatenate3A_639 = tpu.concatenate %bitcast_convert_type3A_634, %bitcast_convert_type3A_638 in 1 : vector<512x128xf32>, vector<512x128xf32> -> vector<512x256xf32>
    %convert_element_type3A_640 = arith.truncf %concatenate3A_639 : vector<512x256xf32> to vector<512x256xbf16>
    %slice3A_641 = vector.extract_strided_slice %get3A_1 {offsets = [0, 21], sizes = [512, 1], strides = [1, 1]} : vector<512x26xi32> to vector<512x1xi32>
    %squeeze3A_642 = vector.shape_cast %slice3A_641 : vector<512x1xi32> to vector<512xi32>
    %broadcast_in_dim3A_643 = vector.shape_cast %squeeze3A_642 : vector<512xi32> to vector<512x1xi32>
    %eq3A_644 = vector.broadcast %broadcast_in_dim3A_643 : vector<512x1xi32> to vector<512x256xi32>
    %eq3A_645 = arith.cmpi eq, %eq3A_644, %select_n3A : vector<512x256xi32>
    %jit3A_646 = arith.constant 0.000000e+00 : bf16
    %broadcast_in_dim3A_647 = vector.broadcast %jit3A_646 : bf16 to vector<512x256xbf16>
    %select_n3A_648 = arith.select %eq3A_645, %convert_element_type3A_640, %broadcast_in_dim3A_647 : vector<512x256xi1>, vector<512x256xbf16>
    %get3A_649 = arith.constant 5376 : index
    %get3A_650 = arith.constant 0 : index
    %get3A_651 = vector.load %arg6[%get3A_649, %get3A_650] : memref<6656x512xbf16, #tpu.memory_space<vmem>>, vector<256x512xbf16>
    %dot_general3A_652 = arith.constant dense<0.000000e+00> : vector<512x512xf32>
    %dot_general3A_653 = tpu.matmul %select_n3A_648, %get3A_651, %dot_general3A_652 {dimension_numbers = #tpu.dot_dimension_numbers<[1], [0], [0], [1], [0, 0, 1, 1], [], []>, transpose_lhs_hint = false} : vector<512x256xbf16>, vector<256x512xbf16>, vector<512x512xf32> -> vector<512x512xf32>
    %add3A_654 = arith.addf %add3A_625, %dot_general3A_653 : vector<512x512xf32>
    %get3A_655 = arith.constant 4 : index
    %get3A_656 = arith.constant 0 : index
    %get3A_657 = arith.constant 0 : index
    %get3A_658 = vector.load %arg3[%get3A_655, %get3A_656, %get3A_657] : memref<8x512x128xi32, #tpu.memory_space<vmem>>, vector<1x512x128xi32>
    %get3A_659 = vector.shape_cast %get3A_658 : vector<1x512x128xi32> to vector<512x128xi32>
    %and3A_660 = arith.constant -65536 : i32
    %and3A_661 = vector.broadcast %and3A_660 : i32 to vector<512x128xi32>
    %and3A_662 = arith.andi %get3A_659, %and3A_661 : vector<512x128xi32>
    %bitcast_convert_type3A_663 = tpu.bitcast %and3A_662 : vector<512x128xi32> -> vector<512x128xf32>
    %shift_left3A_664 = arith.constant 16 : i32
    %shift_left3A_665 = vector.broadcast %shift_left3A_664 : i32 to vector<512x128xi32>
    %shift_left3A_666 = arith.shli %get3A_659, %shift_left3A_665 : vector<512x128xi32>
    %bitcast_convert_type3A_667 = tpu.bitcast %shift_left3A_666 : vector<512x128xi32> -> vector<512x128xf32>
    %concatenate3A_668 = tpu.concatenate %bitcast_convert_type3A_663, %bitcast_convert_type3A_667 in 1 : vector<512x128xf32>, vector<512x128xf32> -> vector<512x256xf32>
    %convert_element_type3A_669 = arith.truncf %concatenate3A_668 : vector<512x256xf32> to vector<512x256xbf16>
    %slice3A_670 = vector.extract_strided_slice %get3A_1 {offsets = [0, 22], sizes = [512, 1], strides = [1, 1]} : vector<512x26xi32> to vector<512x1xi32>
    %squeeze3A_671 = vector.shape_cast %slice3A_670 : vector<512x1xi32> to vector<512xi32>
    %broadcast_in_dim3A_672 = vector.shape_cast %squeeze3A_671 : vector<512xi32> to vector<512x1xi32>
    %eq3A_673 = vector.broadcast %broadcast_in_dim3A_672 : vector<512x1xi32> to vector<512x256xi32>
    %eq3A_674 = arith.cmpi eq, %eq3A_673, %select_n3A : vector<512x256xi32>
    %jit3A_675 = arith.constant 0.000000e+00 : bf16
    %broadcast_in_dim3A_676 = vector.broadcast %jit3A_675 : bf16 to vector<512x256xbf16>
    %select_n3A_677 = arith.select %eq3A_674, %convert_element_type3A_669, %broadcast_in_dim3A_676 : vector<512x256xi1>, vector<512x256xbf16>
    %get3A_678 = arith.constant 5632 : index
    %get3A_679 = arith.constant 0 : index
    %get3A_680 = vector.load %arg6[%get3A_678, %get3A_679] : memref<6656x512xbf16, #tpu.memory_space<vmem>>, vector<256x512xbf16>
    %dot_general3A_681 = arith.constant dense<0.000000e+00> : vector<512x512xf32>
    %dot_general3A_682 = tpu.matmul %select_n3A_677, %get3A_680, %dot_general3A_681 {dimension_numbers = #tpu.dot_dimension_numbers<[1], [0], [0], [1], [0, 0, 1, 1], [], []>, transpose_lhs_hint = false} : vector<512x256xbf16>, vector<256x512xbf16>, vector<512x512xf32> -> vector<512x512xf32>
    %add3A_683 = arith.addf %add3A_654, %dot_general3A_682 : vector<512x512xf32>
    %get3A_684 = arith.constant 5 : index
    %get3A_685 = arith.constant 0 : index
    %get3A_686 = arith.constant 0 : index
    %get3A_687 = vector.load %arg3[%get3A_684, %get3A_685, %get3A_686] : memref<8x512x128xi32, #tpu.memory_space<vmem>>, vector<1x512x128xi32>
    %get3A_688 = vector.shape_cast %get3A_687 : vector<1x512x128xi32> to vector<512x128xi32>
    %and3A_689 = arith.constant -65536 : i32
    %and3A_690 = vector.broadcast %and3A_689 : i32 to vector<512x128xi32>
    %and3A_691 = arith.andi %get3A_688, %and3A_690 : vector<512x128xi32>
    %bitcast_convert_type3A_692 = tpu.bitcast %and3A_691 : vector<512x128xi32> -> vector<512x128xf32>
    %shift_left3A_693 = arith.constant 16 : i32
    %shift_left3A_694 = vector.broadcast %shift_left3A_693 : i32 to vector<512x128xi32>
    %shift_left3A_695 = arith.shli %get3A_688, %shift_left3A_694 : vector<512x128xi32>
    %bitcast_convert_type3A_696 = tpu.bitcast %shift_left3A_695 : vector<512x128xi32> -> vector<512x128xf32>
    %concatenate3A_697 = tpu.concatenate %bitcast_convert_type3A_692, %bitcast_convert_type3A_696 in 1 : vector<512x128xf32>, vector<512x128xf32> -> vector<512x256xf32>
    %convert_element_type3A_698 = arith.truncf %concatenate3A_697 : vector<512x256xf32> to vector<512x256xbf16>
    %slice3A_699 = vector.extract_strided_slice %get3A_1 {offsets = [0, 23], sizes = [512, 1], strides = [1, 1]} : vector<512x26xi32> to vector<512x1xi32>
    %squeeze3A_700 = vector.shape_cast %slice3A_699 : vector<512x1xi32> to vector<512xi32>
    %broadcast_in_dim3A_701 = vector.shape_cast %squeeze3A_700 : vector<512xi32> to vector<512x1xi32>
    %eq3A_702 = vector.broadcast %broadcast_in_dim3A_701 : vector<512x1xi32> to vector<512x256xi32>
    %eq3A_703 = arith.cmpi eq, %eq3A_702, %select_n3A : vector<512x256xi32>
    %jit3A_704 = arith.constant 0.000000e+00 : bf16
    %broadcast_in_dim3A_705 = vector.broadcast %jit3A_704 : bf16 to vector<512x256xbf16>
    %select_n3A_706 = arith.select %eq3A_703, %convert_element_type3A_698, %broadcast_in_dim3A_705 : vector<512x256xi1>, vector<512x256xbf16>
    %get3A_707 = arith.constant 5888 : index
    %get3A_708 = arith.constant 0 : index
    %get3A_709 = vector.load %arg6[%get3A_707, %get3A_708] : memref<6656x512xbf16, #tpu.memory_space<vmem>>, vector<256x512xbf16>
    %dot_general3A_710 = arith.constant dense<0.000000e+00> : vector<512x512xf32>
    %dot_general3A_711 = tpu.matmul %select_n3A_706, %get3A_709, %dot_general3A_710 {dimension_numbers = #tpu.dot_dimension_numbers<[1], [0], [0], [1], [0, 0, 1, 1], [], []>, transpose_lhs_hint = false} : vector<512x256xbf16>, vector<256x512xbf16>, vector<512x512xf32> -> vector<512x512xf32>
    %add3A_712 = arith.addf %add3A_683, %dot_general3A_711 : vector<512x512xf32>
    %get3A_713 = arith.constant 6 : index
    %get3A_714 = arith.constant 0 : index
    %get3A_715 = arith.constant 0 : index
    %get3A_716 = vector.load %arg3[%get3A_713, %get3A_714, %get3A_715] : memref<8x512x128xi32, #tpu.memory_space<vmem>>, vector<1x512x128xi32>
    %get3A_717 = vector.shape_cast %get3A_716 : vector<1x512x128xi32> to vector<512x128xi32>
    %and3A_718 = arith.constant -65536 : i32
    %and3A_719 = vector.broadcast %and3A_718 : i32 to vector<512x128xi32>
    %and3A_720 = arith.andi %get3A_717, %and3A_719 : vector<512x128xi32>
    %bitcast_convert_type3A_721 = tpu.bitcast %and3A_720 : vector<512x128xi32> -> vector<512x128xf32>
    %shift_left3A_722 = arith.constant 16 : i32
    %shift_left3A_723 = vector.broadcast %shift_left3A_722 : i32 to vector<512x128xi32>
    %shift_left3A_724 = arith.shli %get3A_717, %shift_left3A_723 : vector<512x128xi32>
    %bitcast_convert_type3A_725 = tpu.bitcast %shift_left3A_724 : vector<512x128xi32> -> vector<512x128xf32>
    %concatenate3A_726 = tpu.concatenate %bitcast_convert_type3A_721, %bitcast_convert_type3A_725 in 1 : vector<512x128xf32>, vector<512x128xf32> -> vector<512x256xf32>
    %convert_element_type3A_727 = arith.truncf %concatenate3A_726 : vector<512x256xf32> to vector<512x256xbf16>
    %slice3A_728 = vector.extract_strided_slice %get3A_1 {offsets = [0, 24], sizes = [512, 1], strides = [1, 1]} : vector<512x26xi32> to vector<512x1xi32>
    %squeeze3A_729 = vector.shape_cast %slice3A_728 : vector<512x1xi32> to vector<512xi32>
    %broadcast_in_dim3A_730 = vector.shape_cast %squeeze3A_729 : vector<512xi32> to vector<512x1xi32>
    %eq3A_731 = vector.broadcast %broadcast_in_dim3A_730 : vector<512x1xi32> to vector<512x256xi32>
    %eq3A_732 = arith.cmpi eq, %eq3A_731, %select_n3A : vector<512x256xi32>
    %jit3A_733 = arith.constant 0.000000e+00 : bf16
    %broadcast_in_dim3A_734 = vector.broadcast %jit3A_733 : bf16 to vector<512x256xbf16>
    %select_n3A_735 = arith.select %eq3A_732, %convert_element_type3A_727, %broadcast_in_dim3A_734 : vector<512x256xi1>, vector<512x256xbf16>
    %get3A_736 = arith.constant 6144 : index
    %get3A_737 = arith.constant 0 : index
    %get3A_738 = vector.load %arg6[%get3A_736, %get3A_737] : memref<6656x512xbf16, #tpu.memory_space<vmem>>, vector<256x512xbf16>
    %dot_general3A_739 = arith.constant dense<0.000000e+00> : vector<512x512xf32>
    %dot_general3A_740 = tpu.matmul %select_n3A_735, %get3A_738, %dot_general3A_739 {dimension_numbers = #tpu.dot_dimension_numbers<[1], [0], [0], [1], [0, 0, 1, 1], [], []>, transpose_lhs_hint = false} : vector<512x256xbf16>, vector<256x512xbf16>, vector<512x512xf32> -> vector<512x512xf32>
    %add3A_741 = arith.addf %add3A_712, %dot_general3A_740 : vector<512x512xf32>
    %get3A_742 = arith.constant 7 : index
    %get3A_743 = arith.constant 0 : index
    %get3A_744 = arith.constant 0 : index
    %get3A_745 = vector.load %arg3[%get3A_742, %get3A_743, %get3A_744] : memref<8x512x128xi32, #tpu.memory_space<vmem>>, vector<1x512x128xi32>
    %get3A_746 = vector.shape_cast %get3A_745 : vector<1x512x128xi32> to vector<512x128xi32>
    %and3A_747 = arith.constant -65536 : i32
    %and3A_748 = vector.broadcast %and3A_747 : i32 to vector<512x128xi32>
    %and3A_749 = arith.andi %get3A_746, %and3A_748 : vector<512x128xi32>
    %bitcast_convert_type3A_750 = tpu.bitcast %and3A_749 : vector<512x128xi32> -> vector<512x128xf32>
    %shift_left3A_751 = arith.constant 16 : i32
    %shift_left3A_752 = vector.broadcast %shift_left3A_751 : i32 to vector<512x128xi32>
    %shift_left3A_753 = arith.shli %get3A_746, %shift_left3A_752 : vector<512x128xi32>
    %bitcast_convert_type3A_754 = tpu.bitcast %shift_left3A_753 : vector<512x128xi32> -> vector<512x128xf32>
    %concatenate3A_755 = tpu.concatenate %bitcast_convert_type3A_750, %bitcast_convert_type3A_754 in 1 : vector<512x128xf32>, vector<512x128xf32> -> vector<512x256xf32>
    %convert_element_type3A_756 = arith.truncf %concatenate3A_755 : vector<512x256xf32> to vector<512x256xbf16>
    %slice3A_757 = vector.extract_strided_slice %get3A_1 {offsets = [0, 25], sizes = [512, 1], strides = [1, 1]} : vector<512x26xi32> to vector<512x1xi32>
    %squeeze3A_758 = vector.shape_cast %slice3A_757 : vector<512x1xi32> to vector<512xi32>
    %broadcast_in_dim3A_759 = vector.shape_cast %squeeze3A_758 : vector<512xi32> to vector<512x1xi32>
    %eq3A_760 = vector.broadcast %broadcast_in_dim3A_759 : vector<512x1xi32> to vector<512x256xi32>
    %eq3A_761 = arith.cmpi eq, %eq3A_760, %select_n3A : vector<512x256xi32>
    %jit3A_762 = arith.constant 0.000000e+00 : bf16
    %broadcast_in_dim3A_763 = vector.broadcast %jit3A_762 : bf16 to vector<512x256xbf16>
    %select_n3A_764 = arith.select %eq3A_761, %convert_element_type3A_756, %broadcast_in_dim3A_763 : vector<512x256xi1>, vector<512x256xbf16>
    %get3A_765 = arith.constant 6400 : index
    %get3A_766 = arith.constant 0 : index
    %get3A_767 = vector.load %arg6[%get3A_765, %get3A_766] : memref<6656x512xbf16, #tpu.memory_space<vmem>>, vector<256x512xbf16>
    %dot_general3A_768 = arith.constant dense<0.000000e+00> : vector<512x512xf32>
    %dot_general3A_769 = tpu.matmul %select_n3A_764, %get3A_767, %dot_general3A_768 {dimension_numbers = #tpu.dot_dimension_numbers<[1], [0], [0], [1], [0, 0, 1, 1], [], []>, transpose_lhs_hint = false} : vector<512x256xbf16>, vector<256x512xbf16>, vector<512x512xf32> -> vector<512x512xf32>
    %add3A_770 = arith.addf %add3A_741, %dot_general3A_769 : vector<512x512xf32>
    %get3A_771 = arith.constant 0 : index
    %get3A_772 = arith.constant 0 : index
    %get3A_773 = vector.load %arg7[%get3A_771, %get3A_772] : memref<1x512xf32, #tpu.memory_space<vmem>>, vector<1x512xf32>
    %add3A_774 = vector.broadcast %get3A_773 : vector<1x512xf32> to vector<512x512xf32>
    %add3A_775 = arith.addf %add3A_770, %add3A_774 : vector<512x512xf32>
    %max3A = arith.constant 0.000000e+00 : f32
    %max3A_776 = vector.broadcast %max3A : f32 to vector<512x512xf32>
    %max3A_777 = arith.maximumf %add3A_775, %max3A_776 : vector<512x512xf32>
    %get3A_778 = arith.constant 0 : index
    %get3A_779 = arith.constant 0 : index
    %get3A_780 = vector.load %arg8[%get3A_778, %get3A_779] : memref<512x256xf32, #tpu.memory_space<vmem>>, vector<512x256xf32>
    %dot_general3A_781 = arith.constant dense<0.000000e+00> : vector<512x256xf32>
    %dot_general3A_782 = tpu.matmul %max3A_777, %get3A_780, %dot_general3A_781 {dimension_numbers = #tpu.dot_dimension_numbers<[1], [0], [0], [1], [0, 0, 1, 1], [], []>, transpose_lhs_hint = false} : vector<512x512xf32>, vector<512x256xf32>, vector<512x256xf32> -> vector<512x256xf32>
    %get3A_783 = arith.constant 0 : index
    %get3A_784 = arith.constant 0 : index
    %get3A_785 = vector.load %arg9[%get3A_783, %get3A_784] : memref<1x256xf32, #tpu.memory_space<vmem>>, vector<1x256xf32>
    %add3A_786 = vector.broadcast %get3A_785 : vector<1x256xf32> to vector<512x256xf32>
    %add3A_787 = arith.addf %dot_general3A_782, %add3A_786 : vector<512x256xf32>
    %max3A_788 = arith.constant 0.000000e+00 : f32
    %max3A_789 = vector.broadcast %max3A_788 : f32 to vector<512x256xf32>
    %max3A_790 = arith.maximumf %add3A_787, %max3A_789 : vector<512x256xf32>
    %get3A_791 = arith.constant 0 : index
    %get3A_792 = arith.constant 0 : index
    %get3A_793 = vector.load %arg10[%get3A_791, %get3A_792] : memref<256x128xf32, #tpu.memory_space<vmem>>, vector<256x128xf32>
    %dot_general3A_794 = arith.constant dense<0.000000e+00> : vector<512x128xf32>
    %dot_general3A_795 = tpu.matmul %max3A_790, %get3A_793, %dot_general3A_794 {dimension_numbers = #tpu.dot_dimension_numbers<[1], [0], [0], [1], [0, 0, 1, 1], [], []>, transpose_lhs_hint = false} : vector<512x256xf32>, vector<256x128xf32>, vector<512x128xf32> -> vector<512x128xf32>
    %get3A_796 = arith.constant 0 : index
    %get3A_797 = arith.constant 0 : index
    %get3A_798 = vector.load %arg11[%get3A_796, %get3A_797] : memref<1x128xf32, #tpu.memory_space<vmem>>, vector<1x128xf32>
    %add3A_799 = vector.broadcast %get3A_798 : vector<1x128xf32> to vector<512x128xf32>
    %add3A_800 = arith.addf %dot_general3A_795, %add3A_799 : vector<512x128xf32>
    %max3A_801 = arith.constant 0.000000e+00 : f32
    %max3A_802 = vector.broadcast %max3A_801 : f32 to vector<512x128xf32>
    %max3A_803 = arith.maximumf %add3A_800, %max3A_802 : vector<512x128xf32>
    %get3A_804 = arith.constant 0 : index
    %get3A_805 = arith.constant 0 : index
    %get3A_806 = vector.load %arg12[%get3A_804, %get3A_805] : memref<1x128xf32, #tpu.memory_space<vmem>>, vector<1x128xf32>
    %mul3A = vector.broadcast %get3A_806 : vector<1x128xf32> to vector<512x128xf32>
    %mul3A_807 = arith.mulf %max3A_803, %mul3A : vector<512x128xf32>
    %reduce_sum3A = arith.constant dense<0.000000e+00> : vector<512xf32>
    %reduce_sum3A_808 = vector.multi_reduction <add>, %mul3A_807, %reduce_sum3A [1] : vector<512x128xf32> to vector<512xf32>
    %get3A_809 = arith.constant 0 : index
    %get3A_810 = arith.constant 0 : index
    %get3A_811 = vector.load %arg5[%get3A_809, %get3A_810] : memref<512x13xf32, #tpu.memory_space<vmem>>, vector<512x13xf32>
    %get3A_812 = arith.constant 0 : index
    %get3A_813 = arith.constant 0 : index
    %get3A_814 = vector.load %arg13[%get3A_812, %get3A_813] : memref<1x13xf32, #tpu.memory_space<vmem>>, vector<1x13xf32>
    %mul3A_815 = vector.broadcast %get3A_814 : vector<1x13xf32> to vector<512x13xf32>
    %mul3A_816 = arith.mulf %get3A_811, %mul3A_815 : vector<512x13xf32>
    %reduce_sum3A_817 = arith.constant dense<0.000000e+00> : vector<512xf32>
    %reduce_sum3A_818 = vector.multi_reduction <add>, %mul3A_816, %reduce_sum3A_817 [1] : vector<512x13xf32> to vector<512xf32>
    %add3A_819 = arith.addf %reduce_sum3A_808, %reduce_sum3A_818 : vector<512xf32>
    %get3A_820 = arith.constant 0 : index
    %get3A_821 = arith.constant 0 : index
    %get3A_822 = vector.load %arg14[%get3A_820, %get3A_821] : memref<1x1xf32, #tpu.memory_space<vmem>>, vector<1x1xf32>
    %get3A_823 = vector.extract %get3A_822[0, 0] : f32 from vector<1x1xf32>
    %add3A_824 = vector.broadcast %get3A_823 : f32 to vector<512xf32>
    %add3A_825 = arith.addf %add3A_819, %add3A_824 : vector<512xf32>
    %mul3A_826 = arith.constant 5.000000e-01 : f32
    %mul3A_827 = vector.broadcast %mul3A_826 : f32 to vector<512xf32>
    %mul3A_828 = arith.mulf %mul3A_827, %add3A_825 : vector<512xf32>
    %logistic3A = arith.negf %mul3A_828 : vector<512xf32>
    %logistic3A_829 = math.exp %logistic3A : vector<512xf32>
    %logistic3A_830 = arith.constant 1.000000e+00 : f32
    %logistic3A_831 = vector.broadcast %logistic3A_830 : f32 to vector<512xf32>
    %logistic3A_832 = arith.addf %logistic3A_831, %logistic3A_829 : vector<512xf32>
    %logistic3A_833 = arith.divf %logistic3A_831, %logistic3A_832 : vector<512xf32>
    %swap3A = arith.constant 0 : index
    %swap3A_834 = arith.constant 0 : index
    %swap3A_835 = arith.constant 0 : index
    %swap3A_836 = vector.load %arg15[%swap3A, %swap3A_834, %swap3A_835] : memref<1x1x512xf32, #tpu.memory_space<vmem>>, vector<1x1x512xf32>
    %swap3A_837 = vector.shape_cast %swap3A_836 : vector<1x1x512xf32> to vector<512xf32>
    %swap3A_838 = vector.shape_cast %logistic3A_833 : vector<512xf32> to vector<1x1x512xf32>
    tpu.vector_store %arg15[%swap3A, %swap3A_834, %swap3A_835], %swap3A_838 {strides = array<i32>} : memref<1x1x512xf32, #tpu.memory_space<vmem>>, vector<1x1x512xf32>,
    return
  }
  func.func @transform_0(%arg0: i32) -> (i32, i32, i32) {
    %c0_i32 = arith.constant 0 : i32
    %c0_i32_0 = arith.constant 0 : i32
    %c0_i32_1 = arith.constant 0 : i32
    return %c0_i32, %arg0, %c0_i32_0 : i32, i32, i32
  }
  func.func @transform_1(%arg0: i32) -> (i32, i32, i32) {
    %c0_i32 = arith.constant 0 : i32
    %c0_i32_0 = arith.constant 0 : i32
    %c0_i32_1 = arith.constant 0 : i32
    return %c0_i32, %arg0, %c0_i32_0 : i32, i32, i32
  }
  func.func @transform_2(%arg0: i32) -> (i32, i32, i32) {
    %c0_i32 = arith.constant 0 : i32
    %c0_i32_0 = arith.constant 0 : i32
    %c0_i32_1 = arith.constant 0 : i32
    return %c0_i32, %arg0, %c0_i32_0 : i32, i32, i32
  }
  func.func @transform_3(%arg0: i32) -> (i32, i32) {
    %c0_i32 = arith.constant 0 : i32
    %c0_i32_0 = arith.constant 0 : i32
    return %arg0, %c0_i32 : i32, i32
  }
  func.func @transform_4(%arg0: i32) -> (i32, i32) {
    %c0_i32 = arith.constant 0 : i32
    %c0_i32_0 = arith.constant 0 : i32
    return %arg0, %c0_i32 : i32, i32
  }
  func.func @transform_5(%arg0: i32) -> (i32, i32) {
    %c0_i32 = arith.constant 0 : i32
    %c0_i32_0 = arith.constant 0 : i32
    %c0_i32_1 = arith.constant 0 : i32
    return %c0_i32, %c0_i32_0 : i32, i32
  }
  func.func @transform_6(%arg0: i32) -> (i32, i32) {
    %c0_i32 = arith.constant 0 : i32
    %c0_i32_0 = arith.constant 0 : i32
    %c0_i32_1 = arith.constant 0 : i32
    return %c0_i32, %c0_i32_0 : i32, i32
  }
  func.func @transform_7(%arg0: i32) -> (i32, i32) {
    %c0_i32 = arith.constant 0 : i32
    %c0_i32_0 = arith.constant 0 : i32
    %c0_i32_1 = arith.constant 0 : i32
    return %c0_i32, %c0_i32_0 : i32, i32
  }
  func.func @transform_8(%arg0: i32) -> (i32, i32) {
    %c0_i32 = arith.constant 0 : i32
    %c0_i32_0 = arith.constant 0 : i32
    %c0_i32_1 = arith.constant 0 : i32
    return %c0_i32, %c0_i32_0 : i32, i32
  }
  func.func @transform_9(%arg0: i32) -> (i32, i32) {
    %c0_i32 = arith.constant 0 : i32
    %c0_i32_0 = arith.constant 0 : i32
    %c0_i32_1 = arith.constant 0 : i32
    return %c0_i32, %c0_i32_0 : i32, i32
  }
  func.func @transform_10(%arg0: i32) -> (i32, i32) {
    %c0_i32 = arith.constant 0 : i32
    %c0_i32_0 = arith.constant 0 : i32
    %c0_i32_1 = arith.constant 0 : i32
    return %c0_i32, %c0_i32_0 : i32, i32
  }
  func.func @transform_11(%arg0: i32) -> (i32, i32) {
    %c0_i32 = arith.constant 0 : i32
    %c0_i32_0 = arith.constant 0 : i32
    %c0_i32_1 = arith.constant 0 : i32
    return %c0_i32, %c0_i32_0 : i32, i32
  }
  func.func @transform_12(%arg0: i32) -> (i32, i32) {
    %c0_i32 = arith.constant 0 : i32
    %c0_i32_0 = arith.constant 0 : i32
    %c0_i32_1 = arith.constant 0 : i32
    return %c0_i32, %c0_i32_0 : i32, i32
  }
  func.func @transform_13(%arg0: i32) -> (i32, i32) {
    %c0_i32 = arith.constant 0 : i32
    %c0_i32_0 = arith.constant 0 : i32
    %c0_i32_1 = arith.constant 0 : i32
    return %c0_i32, %c0_i32_0 : i32, i32
  }
  func.func @transform_14(%arg0: i32) -> (i32, i32, i32) {
    %c0_i32 = arith.constant 0 : i32
    %c0_i32_0 = arith.constant 0 : i32
    %c0_i32_1 = arith.constant 0 : i32
    return %arg0, %c0_i32, %c0_i32_0 : i32, i32, i32
  }
}

</mosaic_0001>

<sc_bundles>
// kernel: kernel.12.cloned.1.call-start
scs
__scs_entry_jumppad:
0x0: {  	(pc) =	sbr.rel $0x88, $3  }
0x1: {  	(tag) =	ssettag $0x0;
	lr =	simm.s32 $0x1  }
0x2: {  	[smem:$0x3F94] =	sst lr;
	_ =	strace $0xD0000000  }
0x3: {  	_ = 	snop  }
0x4: {  	_ = 	snop  }
0x5: {  	_ = 	snop  }
0x6: {  	_ = 	snop  }
0x7: {  	_ = 	snop  }
__scs_overlays_trampoline_lowered:
0x8: {  	[smem:$0x3FA3] =	sst s0  }
0x9: {  	[smem:$0x3FA4] =	sst s1  }
0xa: {  	[smem:$0x3FA5] =	sst s2  }
0xb: {  	[smem:$0x3FA6] =	sst s3  }
0xc: {  	[smem:$0x3FA7] =	sst s4  }
0xd: {  	[smem:$0x3FA8] =	sst s5  }
0xe: {  	[smem:$0x3FA9] =	sst s6  }
0xf: {  	[smem:$0x3FAA] =	sst s7  }
0x10: {  	[smem:$0x3FAB] =	sst s8  }
0x11: {  	[smem:$0x3FAC] =	sst s9;
	s0 =	simm.s32 @!p0 $0x0  }
0x12: {  	s1 =	sld [smem:$0x3F92];
	s0 =	simm.s32 @p0 $0x1  }
0x13: {  	[smem:$0x3FAD] =	sst s0;
	s0 =	simm.s32 @!p1 $0x0  }
0x14: {  	s2 =	sld [smem:$0x3F91];
	s0 =	simm.s32 @p1 $0x1  }
0x15: {  	[smem:$0x3FAE] =	sst s0;
	s0 =	simm.s32 @!p2 $0x0  }
0x16: {  	s3 =	sld [smem:$0x3FDB];
	s0 =	simm.s32 @p2 $0x1  }
0x17: {  	s4 =	simm.s32 $0x1BF5;
	[smem:$0x3FB0] =	sst s0  }
0x18: {  	s0 =	sld [smem:$0x3F93];
	_ =	swait.ge [sflag:s4], $0x0  }
0x19: {  	s7 =	sld [smem:$0x3F94]  }
0x1a: {  	s8 =	sadd.s32 $0xFFFFE003, lr  }
0x1b: {  	s9 =	sadd.s32 $0xFFFFFEF7, lr;
	s5 =	simm.s32 $0xFFFFFFFF;
	p2 =	slt.u32 s8, $0xFFFFF086  }
0x1c: {  	p1 =	slt.u32 s9, $0xF7A;
	s5 =	simm.s32 @!p2 $0x0  }
0x1d: {  	s5 =	simm.s32 @p1 $0x1;
	p0 =	seq.s32 s7, s2  }
0x1e: {  	s7 =	smul.u32 @!p0 $0xF7A, s2;
	p2 =	seq.s32 @!p0 s5, $0x0  }
0x1f: {  	s9 =	smul.u32 $0xF7A, s1;
	s8 =	simm.s32 @!p0 $0x1BF5;
	p2 =	por !p2, p0  }
0x20: {  	[sflag:s8] =	ssyncset.s32 @!p0 $0xFFFFF086;
	s6 =	sadd.s32 @!p0 s3, s7;
	s7 =	simm.s32 @!p0 $0x108  }
0x21: {  	s3 =	sadd.s32 s3, s9;
	s6 =	sadd.s32 @!p0 $0x88, s6;
	s7 =	simm.s32 @p2 $0x1082  }
0x22: {  	[simem:s7], [sflag:s8] =	dma.local @!p0 [hbm:s6], $0xF7A  }
0x23: {  	s9 =	sor.u32 $0xD0000000, s2;
	s6 =	simm.s32 $0x108;
	_ =	swait.ge @!p0 [sflag:s8], $0x0  }
0x24: {  	s3 =	sadd.s32 $0x88, s3;
	s6 =	simm.s32 @!p1 $0x1082;
	[sflag:s4] =	ssyncset.s32 $0xFFFFF086  }
0x25: {  	[simem:s6], [sflag:s4] =	dma.local [hbm:s3], $0xF7A  }
0x26: {  	[smem:$0x3F94] =	sst s1;
	(tag) =	ssettag s2;
	_ =	strace s9  }
0x27: {  	s1 =	sld [smem:$0x3FA4]  }
0x28: {  	s2 =	sld [smem:$0x3FA5]  }
0x29: {  	s4 =	sld [smem:$0x3FA7]  }
0x2a: {  	p0 =	seq.s32 s5, $0x0;
	s5 =	sld [smem:$0x3FA8]  }
0x2b: {  	s6 =	sld [smem:$0x3FA9]  }
0x2c: {  	s7 =	sld [smem:$0x3FAA]  }
0x2d: {  	s3 =	simm.s32 $0x108;
	s8 =	sld [smem:$0x3FAB]  }
0x2e: {  	s3 =	simm.s32 @!p0 $0x1082;
	s9 =	sld [smem:$0x3FAC]  }
0x2f: {  	lr =	sadd.s32 s0, s3;
	s0 =	sld [smem:$0x3FA3]  }
0x30: {  	s3 =	sld [smem:$0x3FA6]  }
0x31: {  	[smem:$0x3FAF] =	sst s10  }
0x32: {  	s10 =	sld [smem:$0x3FAD];
	_ =	sdelay $0x3  }
0x33: {  	p0 =	seq.s32 s10, $0x1;
	s10 =	sld [smem:$0x3FAF];
	_ =	sdelay $0x3  }
0x34: {  	[smem:$0x3FAF] =	sst s10  }
0x35: {  	s10 =	sld [smem:$0x3FAE];
	_ =	sdelay $0x3  }
0x36: {  	p1 =	seq.s32 s10, $0x1;
	s10 =	sld [smem:$0x3FAF];
	_ =	sdelay $0x3  }
0x37: {  	[smem:$0x3FAF] =	sst s10  }
0x38: {  	s10 =	sld [smem:$0x3FB0]  }
0x39: {  	_ = 	snop;
	(pc) =	sbr.ind lr, $3  }
0x3a: {  	_ = 	snop  }
0x3b: {  	_ = 	snop  }
0x3c: {  	p2 =	seq.s32 s10, $0x1;
	s10 =	sld [smem:$0x3FAF]  }
0x3d: {  	_ =	shalt  }
0x3e: {  	_ =	shalt  }
0x3f: {  	_ =	shalt  }
0x40: {  	_ =	shalt  }
0x41: {  	_ =	shalt  }
0x42: {  	_ =	shalt  }
0x43: {  	_ =	shalt  }
0x44: {  	_ =	shalt  }
0x45: {  	_ =	shalt  }
0x46: {  	_ =	shalt  }
0x47: {  	_ =	shalt  }
0x48: {  	_ =	shalt  }
0x49: {  	_ =	shalt  }
0x4a: {  	_ =	shalt  }
0x4b: {  	_ =	shalt  }
0x4c: {  	_ =	shalt  }
0x4d: {  	_ =	shalt  }
0x4e: {  	_ =	shalt  }
0x4f: {  	_ =	shalt  }
0x50: {  	_ =	shalt  }
0x51: {  	_ =	shalt  }
0x52: {  	_ =	shalt  }
0x53: {  	_ =	shalt  }
0x54: {  	_ =	shalt  }
0x55: {  	_ =	shalt  }
0x56: {  	_ =	shalt  }
0x57: {  	_ =	shalt  }
0x58: {  	_ =	shalt  }
0x59: {  	_ =	shalt  }
0x5a: {  	_ =	shalt  }
0x5b: {  	_ =	shalt  }
0x5c: {  	_ =	shalt  }
0x5d: {  	_ =	shalt  }
0x5e: {  	_ =	shalt  }
0x5f: {  	_ =	shalt  }
0x60: {  	_ =	shalt  }
0x61: {  	_ =	shalt  }
0x62: {  	_ =	shalt  }
0x63: {  	_ =	shalt  }
0x64: {  	_ =	shalt  }
0x65: {  	_ =	shalt  }
0x66: {  	_ =	shalt  }
0x67: {  	_ =	shalt  }
0x68: {  	_ =	shalt  }
0x69: {  	_ =	shalt  }
0x6a: {  	_ =	shalt  }
0x6b: {  	_ =	shalt  }
0x6c: {  	_ =	shalt  }
0x6d: {  	_ =	shalt  }
0x6e: {  	_ =	shalt  }
0x6f: {  	_ =	shalt  }
0x70: {  	_ =	shalt  }
0x71: {  	_ =	shalt  }
0x72: {  	_ =	shalt  }
0x73: {  	_ =	shalt  }
0x74: {  	_ =	shalt  }
0x75: {  	_ =	shalt  }
0x76: {  	_ =	shalt  }
0x77: {  	_ =	shalt  }
0x78: {  	_ =	shalt  }
0x79: {  	_ =	shalt  }
0x7a: {  	_ =	shalt  }
0x7b: {  	_ =	shalt  }
0x7c: {  	_ =	shalt  }
0x7d: {  	_ =	shalt  }
0x7e: {  	_ =	shalt  }
0x7f: {  	_ =	shalt  }
0x80: {  	_ =	shalt  }
0x81: {  	_ =	shalt  }
0x82: {  	_ =	shalt  }
0x83: {  	_ =	shalt  }
0x84: {  	_ =	shalt  }
0x85: {  	_ =	shalt  }
0x86: {  	_ =	shalt  }
0x87: {  	_ =	shalt  }
.Lfunc_end0:
.L_simem_size_0:
called_computation.1_lowered:
.L_overlay_start_0:
0x88: {  	s2 =	sld [smem:$0x3FD9]  }
0x89: {  	s3 =	sld [smem:$0x3FFE];
	_ =	sdelay $0x1  }
0x8a: {  	s1 =	srdreg.scid  }
0x8b: {  	s0 =	sand.u32 $0x1, s1  }
0x8c: {  	s16 =	sshll.u32 s0, $0xA;
	s2 =	sadd.s32 s3, s2  }
0x8d: {  	s2 =	sadd.s32 s2, s16  }
0x8e: {  	[smem:$0x3FBB] =	sst s2  }
0x8f: {  	_ = 	snop  }
0x90: {  	(tm) =	ssettm $0x1  }
0x91: {  	s17 =	sld [smem:$0x3FFB];
	_ =	sdelay $0x3  }
0x92: {  	_ =	strace s17  }
0x93: {  	s2 =	sld [smem:$0x3FFC];
	_ =	sdelay $0x3  }
0x94: {  	_ =	strace s2  }
0x95: {  	s2 =	sld [smem:$0x3FFD];
	_ =	sdelay $0x3  }
0x96: {  	_ =	strace s2  }
0x97: {  	_ =	strace $0x8FFFFFFF  }
0x98: {  	s18 =	sld [smem:$0x3FDB];
	_ =	sdelay $0x1  }
0x99: {  	s19 =	simm.s32 $_scs_section_size  }
0x9a: {  	s4 =	simm.s32 $_size__tile_overlayer_lowered;
	s5 =	simm.s32 $_tile_overlayer_lowered  }
0x9b: {  	s22 =	simm.s32 $0x1BFF;
	s21 =	sshll.u32 s5, $0x1;
	s2 =	sadd.s32 s19, s18  }
0x9c: {  	s6 =	simm.s32 $0x0;
	s20 =	sshll.u32 s4, $0x1;
	s4 =	sadd.s32 s21, s2  }
0x9d: {  	[timem:s6], [sflag:s22] =	dma.local [hbm:s4], s20  }
0x9e: {  	_ =	swait.ge [sflag:s22], s20  }
0x9f: {  	s3 =	ssub.s32 $0x0, s20;
	[sflag:s22] =	ssyncset.done $0x0  }
0xa0: {  	[sflag:s22] =	ssyncadd.s32 s3;
	_ =	sdelay $0x1  }
0xa1: {  	s23 =	simm.s32 $0x1B8B  }
0xa2: {  	_ =	swait.ge [sflag:s23], $0x1  }
0xa3: {  	[sflag:s23] =	ssyncset.done $0x0  }
0xa4: {  	s25 =	simm.s32 $0x1B8E;
	s24 =	sld [smem:$0x3FFE];
	[sflag:s23] =	ssyncadd.s32 $0xFFFFFFFF  }
0xa5: {  	s26 =	simm.s32 $execute0_lowered;
	[smem:$0x3FD2] =	sst s25  }
0xa6: {  	s4 =	sshll.u32 s26, $0x1;
	_ =	strace $0x80000046;
	[dreg:$0x1] =	wrdreg $0xFFFFFFFF  }
0xa7: {  	s28 =	simm.s32 $_size_execute0_lowered;
	s2 =	sadd.s32 s2, s4;
	[dreg:$0x0] =	wrdreg $0x0  }
0xa8: {  	s4 =	sshll.u32 s28, $0x1;
	[dreg:$0x2] =	wrdreg s2  }
0xa9: {  	[dreg:$0x3] =	wrdreg s4  }
0xaa: {  	[dreg:$0x4] =	wrdreg $0xC0  }
0xab: {  	_ =	task [dreg:s6], $0x5FFFF  }
0xac: {  	[dreg:$0x1] =	wrdreg $0xFFFFFFFF  }
0xad: {  	[dreg:$0x0] =	wrdreg $0x60  }
0xae: {  	[dreg:$0x2] =	wrdreg s24  }
0xaf: {  	[dreg:$0x3] =	wrdreg $0xA  }
0xb0: {  	_ =	task.clear_ibuf [dreg:s6], $0x4FFFF;
	_ =	strace $0x90000046  }
0xb1: {  	s29 =	simm.s32 $0xA;
	_ =	strace $0x8000004F  }
0xb2: {  	_ =	swait.ge [sflag:s29], $0x1  }
0xb3: {  	[sflag:s29] =	ssyncadd.s32 $0xFFFFFFFF  }
0xb4: {  	_ =	strace $0x9000004F  }
0xb5: {  	_ =	sfence  }
0xb6: {  	s30 =	sld [smem:$0x0];
	_ =	sdelay $0x2  }
0xb7: {  	s31 =	sshll.u32 s1, $0xD;
	s1 =	sshrl.u32 s1, $0x2  }
0xb8: {  	s3 =	sand.u32 $0x4000, s31;
	s1 =	sadd.s32 s1, s30  }
0xb9: {  	s0 =	sor.u32 s3, s0;
	s1 =	sshll.u32 s1, $0x11  }
0xba: {  	s0 =	sor.u32 s1, s0  }
0xbb: {  	s0 =	sadd.s32 $0x8F2B, s0  }
0xbc: {  	[sflag:s0] =	ssyncadd.remote.s32 $0x1  }
0xbd: {  	_ =	sfence.sel $0xFFFF  }
0xbe: {  	[dreg:$0x0] =	wrdreg $0xFFFFFFFF;
	(pc) =	sbr.abs _section_cstart, $3  }
0xbf: {  	[dreg:$0x1] =	wrdreg $0xFFFFFFFF  }
0xc0: {  	_ =	task.clear_ibuf [dreg:s6], $0x2FFFF;
	_ =	strace $0x9FFFFFFF  }
0xc1: {  	(tm) =	ssettm $0x7FFFFFFF  }
tec
execute0_lowered:
.L_overlay_start_1:
0x0: {  	(tag) =	ssettag $0x1  }
0x1: {  	s3 =	rddreg [dreg:$0x0]  }
0x2: {  	s0 =	rddreg [dreg:$0x1];
	s1 =	simm.s32 $0x0  }
0x3: {  	s2 =	srdreg.scid;
	s8 =	simm.s32 $0x80;
	s9 =	simm.s32 $0x0  }
0x4: {  	[smem:$0x7FF] =	sst s1;
	s4 =	sand.u32 $0x1, s2;
	s5 =	sadd.s32 $0x33C00, s3  }
0x5: {  	s2 =	stileid.u32;
	s30 =	sadd.s32 $0x1F5C00, s3;
	s3 =	sadd.s32 $0x32A00, s3  }
0x6: {  	_ =	strace $0x80000047;
	s6 =	sshll.u32 s4, $0x4;
	[dreg:$0x2] =	wrdreg s5  }
0x7: {  	s4 =	ssub.s32 $0x2, s4;
	[dreg:$0x4] =	wrdreg s30;
	s29 =	sor.u32 s2, s6  }
0x8: {  	[dreg:$0x3] =	wrdreg s8;
	s31 =	sshrl.u32 s4, $0x1;
	s7 =	smul.u32 $0x90, s29  }
0x9: {  	s8 =	simm.s32 $0x5;
	s6 =	ssub.s32 s4, s31;
	s4 =	smul.u32 $0x9, s29  }
0xa: {  	s6 =	smax.u32 s6, $0x1;
	s5 =	sadd.s32 s3, s7;
	s7 =	simm.s32 $0x1  }
.LBB2_1:
0xb: {  	_ =	strace $0x80000048;
	s11 =	sadd.s32 $0x0, s4  }
0xc: {  	[tilespmem:s1], [sflag:$0x1] =	stream.linear.gather [hbm4b:s5+s1], $0x80, $0x200038;
	[tilespmem:$0x8100] =	vst v63  }
0xd: {  	s10 =	sshra.s32 s11, $0x1F  }
0xe: {  	s14 =	simm.s32 $0x1;
	s10 =	sshrl.u32 s10, $0x1B  }
0xf: {  	p3 =	por $0x1, $0x1;
	s13 =	sand.u32 $0x1, s1;
	s12 =	sadd.s32 s10, s11  }
0x10: {  	s15 =	simm.s32 $0x0;
	p2 =	por $0x1, $0x1;
	s10 =	sand.u32 $0xFFFFFFE0, s12  }
0x11: {  	p0 =	slt.s32 s11, $0x1;
	s15 =	sand.u32 $0x80, s15;
	p1 =	sne.s32 s11, s10  }
0x12: {  	s10 =	simm.s32 $0x1;
	p0 =	por !p0, !p1;
	p1 =	por $0x0, $0x0  }
0x13: {  	s22 =	sadd.s32 $0x1, s13;
	p0 =	por !p0, !p0;
	s10 =	simm.s32 @p1 $0x0  }
0x14: {  	_ =	strace $0x90000048;
	s14 =	simm.s32 @!p0 $0x0;
	p0 =	sne.s32 s10, $0x0  }
0x15: {  	s12 =	sshra.s32 s12, $0x5;
	s16 =	sadd.s32 s4, s10;
	p1 =	por !p3, !p0  }
0x16: {  	s11 =	sand.u32 $0x1F, s11;
	s23 =	sshra.s32 s16, $0x1F;
	p1 =	por !p1, !p1  }
0x17: {  	p4 =	slt.s32 s16, $0x1;
	s17 =	sand.u32 @p1 $0x1, s7;
	s18 =	sshll.u32 @p1 s16, $0x4  }
0x18: {  	s20 =	simm.s32 @p1 $0x0;
	_ =	strace @p1 $0x80000049;
	s18 =	sand.u32 @p1 $0x1FFFFFF0, s18  }
0x19: {  	s19 =	sshll.u32 @p1 s17, $0x7;
	s17 =	sadd.s32 @p1 $0x1, s17;
	s18 =	sadd.s32 @p1 s3, s18  }
0x1a: {  	[tilespmem:s19], [sflag:s17] =	stream.linear.gather @p1 [hbm4b:s18+s20], $0x80, $0x200038;
	[tilespmem:$0x8100] =	vst v63  }
0x1b: {  	s12 =	ssub.s32 s12, s14;
	s14 =	simm.s32 $0x1;
	s17 =	sand.u32 $0x1F, s16  }
0x1c: {  	s20 =	simm.s32 $0xFFFFFFFF;
	s19 =	sshrl.u32 s23, $0x1B;
	s23 =	sshll.u32 s13, $0xE  }
0x1d: {  	_ =	strace @p1 $0x90000049;
	s20 =	simm.s32 @p2 $0x8;
	s24 =	sadd.s32 s19, s16  }
0x1e: {  	s23 =	sor.u32 $0x100, s23;
	_ =	strace $0x8000004A;
	s20 =	sadd.s32 s4, s20  }
0x1f: {  	s21 =	sand.u32 $0xFFFFFFE0, s24;
	s29 =	sshra.s32 s24, $0x5;
	_ =	swait.ge [sflag:s22], $0x80  }
0x20: {  	s25 =	sshra.s32 s20, $0x1F;
	p3 =	sne.s32 s16, s21;
	s31 =	sand.u32 $0x1F, s20  }
0x21: {  	s16 =	simm.s32 $0x1;
	[sflag:s22] =	ssyncset.done $0x0;
	s19 =	sshrl.u32 s25, $0x1B  }
0x22: {  	p2 =	por !p4, !p3;
	p4 =	slt.s32 s20, $0x1;
	[sflag:s22] =	ssyncadd.s32 $0xFFFFFF80  }
0x23: {  	s19 =	sadd.s32 s19, s20;
	p2 =	por !p2, !p2;
	_ =	strace $0x9000004A  }
0x24: {  	s22 =	sand.u32 $0xFFFFFFE0, s19;
	s30 =	sshra.s32 s19, $0x5;
	_ =	strace $0x8000004B  }
0x25: {  	p5 =	sne.s32 s20, s22;
	s22 =	simm.s32 $0x1;
	s26 =	rddreg [dreg:$0x2]  }
0x26: {  	s28 =	rddreg [dreg:$0x3];
	s22 =	simm.s32 @!p2 $0x0;
	p6 =	por !p4, !p5  }
0x27: {  	[tilespmem:s23], [sflag:$0x5] =	stream.indirect.gather [hbm4b:s26+s28], $0x80, s15, s28, $0x2000b8;
	[tilespmem:$0x8100] =	vst v63  }
0x28: {  	p4 =	sne.s32 s11, s17;
	p2 =	por !p6, !p6;
	s15 =	ssub.s32 s29, s22  }
0x29: {  	p6 =	sne.s32 s11, s31;
	s14 =	simm.s32 @!p2 $0x0;
	p3 =	sne.s32 s12, s15  }
0x2a: {  	_ =	swait.ge [sflag:s8], $0x4000;
	s15 =	simm.s32 $0x1;
	s14 =	ssub.s32 s30, s14  }
0x2b: {  	p2 =	por p4, p3;
	[sflag:s8] =	ssyncset.done $0x0;
	p5 =	sne.s32 s12, s14  }
0x2c: {  	s14 =	simm.s32 $0x1;
	[sflag:s8] =	ssyncadd.s32 $0xFFFFC000;
	p4 =	por p6, p5  }
0x2d: {  	p5 =	por $0x0, $0x0;
	s14 =	simm.s32 @!p1 $0x0;
	p6 =	por $0x0, $0x0  }
0x2e: {  	p4 =	por !p5, !p4;
	p5 =	por p6, p2;
	p0 =	por p6, p0  }
0x2f: {  	_ =	strace $0x9000004B;
	s15 =	simm.s32 @!p0 $0x0;
	s12 =	sshll.u32 @p5 s12, $0x13  }
0x30: {  	_ =	strace @p5 $0x8000004C;
	s17 =	sshll.u32 @p5 s11, $0xE;
	s11 =	simm.s32 $0x7  }
0x31: {  	s16 =	simm.s32 @!p5 $0x0;
	s19 =	simm.s32 @p5 $0x0;
	s17 =	sor.u32 @p5 s17, s12  }
0x32: {  	s18 =	rddreg [dreg:$0x4];
	s12 =	sadd.s32 $0x0, s16;
	s17 =	sshrl.u32 @p5 s17, $0x3  }
0x33: {  	s16 =	sadd.s32 @p5 $0x3, s13;
	s13 =	sadd.s32 $0x1, s14;
	s14 =	sadd.s32 @p5 s18, s17  }
0x34: {  	[hbm4b:s14+s19] =	stream.linear.scatter @p5 [tilespmem:s23], [sflag:s16], $0x4000, $0x200038;
	[tilespmem:$0x8100] =	vst v63  }
0x35: {  	p1 =	por !p4, !p4;
	s15 =	sadd.s32 $0x0, s15;
	s16 =	simm.s32 $0x1  }
0x36: {  	s17 =	sand.u32 @p1 $0x1, s1;
	s14 =	simm.s32 $0x0;
	s16 =	simm.s32 @!p1 $0x0  }
.LBB2_2:
0x37: {  	s18 =	sadd.s32 s4, s10;
	_ =	strace @p5 $0x9000004C;
	s17 =	sadd.s32 @p1 $0x3, s17  }
0x38: {  	s21 =	smov.u32 s11;
	s19 =	smov.u32 s10;
	s14 =	sadd.s32 s16, s14  }
0x39: {  	s11 =	sadd.s32 $0xFFFFFFFF, s11;
	s10 =	sadd.s32 $0x1, s10;
	s28 =	sshll.u32 s15, $0x7  }
0x3a: {  	s23 =	sand.u32 $0x1, s15;
	s20 =	sshra.s32 s18, $0x1F;
	_ =	strace @p1 $0x8000004D  }
0x3b: {  	p0 =	sne.s32 s11, $0xFFFFFFFF;
	p2 =	slt.s32 s18, $0x1;
	p4 =	seq.s32 s10, $0x9  }
0x3c: {  	p5 =	seq.s32 s19, $0x0;
	s23 =	sadd.s32 $0x1, s23;
	s25 =	sshrl.u32 s20, $0x1B  }
0x3d: {  	_ =	swait.ge @p1 [sflag:s17], $0x4000;
	s16 =	simm.s32 @!p0 $0x0;
	s20 =	simm.s32 $0x1  }
0x3e: {  	s10 =	simm.s32 @p4 $0x0;
	s22 =	sadd.s32 s25, s18;
	s16 =	simm.s32 @p0 $0x1  }
0x3f: {  	[sflag:s17] =	ssyncset.done @p1 $0x0;
	p0 =	sne.s32 s21, $0x8;
	[smem:$0x7FD] =	sst s16  }
0x40: {  	s26 =	sand.u32 $0xFFFFFFE0, s22;
	[sflag:s17] =	ssyncadd.s32 @p1 $0xFFFFC000;
	s16 =	simm.s32 @!p0 $0x0  }
0x41: {  	s17 =	sand.u32 $0x1F, s18;
	p3 =	sne.s32 s18, s26;
	_ =	strace @p1 $0x9000004D  }
0x42: {  	s16 =	simm.s32 @p0 $0x1;
	p0 =	sne.s32 s21, $0x0;
	s18 =	sand.u32 $0x80, s28  }
0x43: {  	p3 =	por !p2, !p3;
	[smem:$0x7FC] =	sst s16;
	p2 =	seq.s32 s21, $0x0  }
0x44: {  	s16 =	sand.u32 $0x1, s12;
	s21 =	sshra.s32 s22, $0x5;
	s22 =	sadd.s32 s4, s10  }
0x45: {  	p3 =	por !p3, !p3;
	s26 =	sand.u32 $0x1F, s22;
	s30 =	sshra.s32 s22, $0x1F  }
0x46: {  	p6 =	slt.s32 s22, $0x1;
	s20 =	simm.s32 @!p3 $0x0;
	p3 =	sne.s32 s19, s10  }
0x47: {  	s30 =	sshrl.u32 s30, $0x1B;
	s19 =	sadd.s32 $0xFFFFFFFF, s19;
	p4 =	por !p0, !p3  }
0x48: {  	s19 =	simm.s32 @p5 $0x8;
	s20 =	ssub.s32 s21, s20;
	p4 =	por !p4, !p4  }
0x49: {  	p0 =	sne.s32 s17, s26;
	s19 =	sadd.s32 s4, s19;
	s24 =	sand.u32 @p4 $0x1, s13  }
0x4a: {  	s25 =	sshll.u32 @p4 s22, $0x4;
	s29 =	simm.s32 @p4 $0x0;
	_ =	strace @p4 $0x80000049  }
0x4b: {  	s31 =	sshra.s32 s19, $0x1F;
	s26 =	sand.u32 $0x1F, s19;
	s25 =	sand.u32 @p4 $0x1FFFFFF0, s25  }
0x4c: {  	s28 =	sshll.u32 @p4 s24, $0x7;
	s24 =	sadd.s32 @p4 $0x1, s24;
	s25 =	sadd.s32 @p4 s3, s25  }
0x4d: {  	[tilespmem:s28], [sflag:s24] =	stream.linear.gather @p4 [hbm4b:s25+s29], $0x80, $0x200038;
	[tilespmem:$0x8100] =	vst v63  }
0x4e: {  	s29 =	sadd.s32 s30, s22;
	s24 =	simm.s32 $0x1;
	_ =	strace @p4 $0x90000049  }
0x4f: {  	s30 =	sand.u32 $0xFFFFFFE0, s29;
	s25 =	sshra.s32 s29, $0x5;
	_ =	strace $0x8000004A  }
0x50: {  	p1 =	sne.s32 s22, s30;
	s22 =	sshrl.u32 s31, $0x1B;
	_ =	swait.ge [sflag:s23], $0x80  }
0x51: {  	s31 =	sshll.u32 s16, $0xE;
	p5 =	por !p6, !p1;
	[sflag:s23] =	ssyncset.done $0x0  }
0x52: {  	s22 =	sadd.s32 s22, s19;
	p5 =	por !p5, !p5;
	[sflag:s23] =	ssyncadd.s32 $0xFFFFFF80  }
0x53: {  	p1 =	slt.s32 s19, $0x1;
	s24 =	simm.s32 @!p5 $0x0;
	_ =	strace $0x9000004A  }
0x54: {  	s28 =	ssub.s32 s25, s24;
	s24 =	sor.u32 $0x100, s31;
	_ =	strace $0x8000004B  }
0x55: {  	p6 =	sne.s32 s20, s28;
	s28 =	sand.u32 $0xFFFFFFE0, s22;
	s29 =	rddreg [dreg:$0x2]  }
0x56: {  	s22 =	sshra.s32 s22, $0x5;
	s30 =	rddreg [dreg:$0x3];
	p5 =	por p0, p6  }
0x57: {  	[tilespmem:s24], [sflag:$0x5] =	stream.indirect.gather [hbm4b:s29+s30], $0x80, s18, s30, $0x2000b8;
	[tilespmem:$0x8100] =	vst v63  }
0x58: {  	p6 =	sne.s32 s17, s26;
	p0 =	sne.s32 s19, s28;
	_ =	swait.ge [sflag:s8], $0x4000  }
0x59: {  	s19 =	simm.s32 $0x1;
	p5 =	por p2, p5;
	[sflag:s8] =	ssyncset.done $0x0  }
0x5a: {  	p0 =	por !p1, !p0;
	s18 =	sshll.u32 @p5 s20, $0x13;
	[sflag:s8] =	ssyncadd.s32 $0xFFFFC000  }
0x5b: {  	s19 =	simm.s32 @!p5 $0x0;
	p0 =	por !p0, !p0;
	_ =	strace $0x9000004B  }
0x5c: {  	s12 =	sadd.s32 s19, s12;
	s19 =	simm.s32 $0x1;
	_ =	strace @p5 $0x8000004C  }
0x5d: {  	s17 =	sshll.u32 @p5 s17, $0xE;
	s19 =	simm.s32 @!p0 $0x0;
	s30 =	sld [smem:$0x7FC]  }
0x5e: {  	s17 =	sor.u32 @p5 s17, s18;
	s18 =	simm.s32 $0x1;
	s29 =	ssub.s32 s22, s19  }
0x5f: {  	s18 =	simm.s32 @!p4 $0x0;
	p1 =	sne.s32 s20, s29;
	s31 =	sld [smem:$0x7FD]  }
0x60: {  	s13 =	sadd.s32 s18, s13;
	p0 =	por p6, p1;
	p6 =	seq.s32 s30, $0x1  }
0x61: {  	s18 =	simm.s32 $0x1;
	p1 =	por p2, p3;
	p0 =	por !p6, !p0  }
0x62: {  	s18 =	simm.s32 @!p1 $0x0;
	p1 =	por !p0, !p0;
	p0 =	seq.s32 s31, $0x1  }
.Ltmp0:
0x63: {  	_ = 	snop;
	(pc) =	sbr.rel @p0 .LBB2_2-.Ltmp0, $4  }
0x64: {  	s19 =	sadd.s32 @p5 $0x3, s16;
	s16 =	sshrl.u32 @p5 s17, $0x3;
	s17 =	rddreg [dreg:$0x4]  }
0x65: {  	s21 =	simm.s32 @p5 $0x0;
	s20 =	sadd.s32 @p5 s17, s16;
	s16 =	simm.s32 $0x1  }
0x66: {  	[hbm4b:s20+s21] =	stream.linear.scatter @p5 [tilespmem:s24], [sflag:s19], $0x4000, $0x200038;
	[tilespmem:$0x8100] =	vst v63  }
0x67: {  	s15 =	sadd.s32 s18, s15;
	s17 =	sand.u32 @p1 $0x1, s14;
	s16 =	simm.s32 @!p1 $0x0  }
0x68: {  	_ =	strace @p5 $0x9000004C  }
0x69: {  	s10 =	sadd.s32 @p1 $0x3, s17;
	_ =	strace @p1 $0x8000004D  }
0x6a: {  	_ =	swait.ge @p1 [sflag:s10], $0x4000  }
0x6b: {  	[sflag:s10] =	ssyncset.done @p1 $0x0  }
0x6c: {  	s11 =	sadd.s32 s16, s14;
	s9 =	sadd.s32 $0x1, s9;
	[sflag:s10] =	ssyncadd.s32 @p1 $0xFFFFC000  }
0x6d: {  	s31 =	sand.u32 $0x1, s11;
	p0 =	sne.s32 s9, s6;
	_ =	strace @p1 $0x9000004D  }
.Ltmp1:
0x6e: {  	s10 =	sadd.s32 $0x3, s31;
	_ =	strace $0x8000004E;
	(pc) =	sbr.rel @p0 .LBB2_1-.Ltmp1, $4  }
0x6f: {  	_ =	swait.ge [sflag:s10], $0x4000  }
0x70: {  	[sflag:s10] =	ssyncset.done $0x0  }
0x71: {  	[sflag:s10] =	ssyncadd.s32 $0xFFFFC000  }
0x72: {  	_ =	strace $0x9000004E  }
0x73: {  	_ =	sfence.sel $0x180000  }
0x74: {  	[bflag:$0x0] =	sbarrier.arrive $0xFFFF  }
0x75: {  	p0 =	sne.s32 s2, $0x0;
	_ =	strace $0x90000047  }
0x76: {  	s0 =	sadd.s32 @!p0 $0x100000, s0;
	[bflag:$0x2] =	sbarrier.arrive $0xFFFF  }
0x77: {  	[sflag:s0] =	ssyncadd.tile.s32 @!p0 $0x1;
	_ =	shalt  }
.Lfunc_end2:
_tile_overlayer_lowered:
.L_overlay_start_2:
0x78: {  	(tag) =	ssettag $0x2  }
0x79: {  	s0 =	rddreg [dreg:$0x0];
	s2 =	stileid.u32  }
0x7a: {  	s1 =	rddreg [dreg:$0x1];
	p0 =	sne.s32 s2, $0x0  }
0x7b: {  	s3 =	rddreg [dreg:$0x2];
	[bflag:$0x3] =	sbarrier.arrive $0xFFFF;
	s2 =	simm.s32 @!p0 $0x1C01  }
0x7c: {  	[timem:s3], [sflag:s2] =	dma.local @!p0 [hbm:s0], s1  }
0x7d: {  	s0 =	simm.s32 @!p0 $0x1  }
0x7e: {  	_ =	swait.ge @!p0 [sflag:s0], s1  }
0x7f: {  	s1 =	ssub.s32 @!p0 $0x0, s1;
	[sflag:s0] =	ssyncset.done @!p0 $0x0  }
0x80: {  	[sflag:s0] =	ssyncadd.s32 @!p0 s1  }
0x81: {  	[bflag:$0x3] =	sbarrier.arrive $0xFFFF  }
0x82: {  	_ =	shalt  }

// kernel: kernel.15.cloned.1.call-start
scs
__scs_entry_jumppad:
0x0: {  	(pc) =	sbr.rel $0x88, $3  }
0x1: {  	(tag) =	ssettag $0x0;
	lr =	simm.s32 $0x1  }
0x2: {  	[smem:$0x3F94] =	sst lr;
	_ =	strace $0xD0000000  }
0x3: {  	_ = 	snop  }
0x4: {  	_ = 	snop  }
0x5: {  	_ = 	snop  }
0x6: {  	_ = 	snop  }
0x7: {  	_ = 	snop  }
__scs_overlays_trampoline_lowered:
0x8: {  	[smem:$0x3FA3] =	sst s0  }
0x9: {  	[smem:$0x3FA4] =	sst s1  }
0xa: {  	[smem:$0x3FA5] =	sst s2  }
0xb: {  	[smem:$0x3FA6] =	sst s3  }
0xc: {  	[smem:$0x3FA7] =	sst s4  }
0xd: {  	[smem:$0x3FA8] =	sst s5  }
0xe: {  	[smem:$0x3FA9] =	sst s6  }
0xf: {  	[smem:$0x3FAA] =	sst s7  }
0x10: {  	[smem:$0x3FAB] =	sst s8  }
0x11: {  	[smem:$0x3FAC] =	sst s9;
	s0 =	simm.s32 @!p0 $0x0  }
0x12: {  	s1 =	sld [smem:$0x3F92];
	s0 =	simm.s32 @p0 $0x1  }
0x13: {  	[smem:$0x3FAD] =	sst s0;
	s0 =	simm.s32 @!p1 $0x0  }
0x14: {  	s2 =	sld [smem:$0x3F91];
	s0 =	simm.s32 @p1 $0x1  }
0x15: {  	[smem:$0x3FAE] =	sst s0;
	s0 =	simm.s32 @!p2 $0x0  }
0x16: {  	s3 =	sld [smem:$0x3FDB];
	s0 =	simm.s32 @p2 $0x1  }
0x17: {  	s4 =	simm.s32 $0x1BF5;
	[smem:$0x3FB0] =	sst s0  }
0x18: {  	s0 =	sld [smem:$0x3F93];
	_ =	swait.ge [sflag:s4], $0x0  }
0x19: {  	s7 =	sld [smem:$0x3F94]  }
0x1a: {  	s8 =	sadd.s32 $0xFFFFE003, lr  }
0x1b: {  	s9 =	sadd.s32 $0xFFFFFEF7, lr;
	s5 =	simm.s32 $0xFFFFFFFF;
	p2 =	slt.u32 s8, $0xFFFFF086  }
0x1c: {  	p1 =	slt.u32 s9, $0xF7A;
	s5 =	simm.s32 @!p2 $0x0  }
0x1d: {  	s5 =	simm.s32 @p1 $0x1;
	p0 =	seq.s32 s7, s2  }
0x1e: {  	s7 =	smul.u32 @!p0 $0xF7A, s2;
	p2 =	seq.s32 @!p0 s5, $0x0  }
0x1f: {  	s9 =	smul.u32 $0xF7A, s1;
	s8 =	simm.s32 @!p0 $0x1BF5;
	p2 =	por !p2, p0  }
0x20: {  	[sflag:s8] =	ssyncset.s32 @!p0 $0xFFFFF086;
	s6 =	sadd.s32 @!p0 s3, s7;
	s7 =	simm.s32 @!p0 $0x108  }
0x21: {  	s3 =	sadd.s32 s3, s9;
	s6 =	sadd.s32 @!p0 $0x88, s6;
	s7 =	simm.s32 @p2 $0x1082  }
0x22: {  	[simem:s7], [sflag:s8] =	dma.local @!p0 [hbm:s6], $0xF7A  }
0x23: {  	s9 =	sor.u32 $0xD0000000, s2;
	s6 =	simm.s32 $0x108;
	_ =	swait.ge @!p0 [sflag:s8], $0x0  }
0x24: {  	s3 =	sadd.s32 $0x88, s3;
	s6 =	simm.s32 @!p1 $0x1082;
	[sflag:s4] =	ssyncset.s32 $0xFFFFF086  }
0x25: {  	[simem:s6], [sflag:s4] =	dma.local [hbm:s3], $0xF7A  }
0x26: {  	[smem:$0x3F94] =	sst s1;
	(tag) =	ssettag s2;
	_ =	strace s9  }
0x27: {  	s1 =	sld [smem:$0x3FA4]  }
0x28: {  	s2 =	sld [smem:$0x3FA5]  }
0x29: {  	s4 =	sld [smem:$0x3FA7]  }
0x2a: {  	p0 =	seq.s32 s5, $0x0;
	s5 =	sld [smem:$0x3FA8]  }
0x2b: {  	s6 =	sld [smem:$0x3FA9]  }
0x2c: {  	s7 =	sld [smem:$0x3FAA]  }
0x2d: {  	s3 =	simm.s32 $0x108;
	s8 =	sld [smem:$0x3FAB]  }
0x2e: {  	s3 =	simm.s32 @!p0 $0x1082;
	s9 =	sld [smem:$0x3FAC]  }
0x2f: {  	lr =	sadd.s32 s0, s3;
	s0 =	sld [smem:$0x3FA3]  }
0x30: {  	s3 =	sld [smem:$0x3FA6]  }
0x31: {  	[smem:$0x3FAF] =	sst s10  }
0x32: {  	s10 =	sld [smem:$0x3FAD];
	_ =	sdelay $0x3  }
0x33: {  	p0 =	seq.s32 s10, $0x1;
	s10 =	sld [smem:$0x3FAF];
	_ =	sdelay $0x3  }
0x34: {  	[smem:$0x3FAF] =	sst s10  }
0x35: {  	s10 =	sld [smem:$0x3FAE];
	_ =	sdelay $0x3  }
0x36: {  	p1 =	seq.s32 s10, $0x1;
	s10 =	sld [smem:$0x3FAF];
	_ =	sdelay $0x3  }
0x37: {  	[smem:$0x3FAF] =	sst s10  }
0x38: {  	s10 =	sld [smem:$0x3FB0]  }
0x39: {  	_ = 	snop;
	(pc) =	sbr.ind lr, $3  }
0x3a: {  	_ = 	snop  }
0x3b: {  	_ = 	snop  }
0x3c: {  	p2 =	seq.s32 s10, $0x1;
	s10 =	sld [smem:$0x3FAF]  }
0x3d: {  	_ =	shalt  }
0x3e: {  	_ =	shalt  }
0x3f: {  	_ =	shalt  }
0x40: {  	_ =	shalt  }
0x41: {  	_ =	shalt  }
0x42: {  	_ =	shalt  }
0x43: {  	_ =	shalt  }
0x44: {  	_ =	shalt  }
0x45: {  	_ =	shalt  }
0x46: {  	_ =	shalt  }
0x47: {  	_ =	shalt  }
0x48: {  	_ =	shalt  }
0x49: {  	_ =	shalt  }
0x4a: {  	_ =	shalt  }
0x4b: {  	_ =	shalt  }
0x4c: {  	_ =	shalt  }
0x4d: {  	_ =	shalt  }
0x4e: {  	_ =	shalt  }
0x4f: {  	_ =	shalt  }
0x50: {  	_ =	shalt  }
0x51: {  	_ =	shalt  }
0x52: {  	_ =	shalt  }
0x53: {  	_ =	shalt  }
0x54: {  	_ =	shalt  }
0x55: {  	_ =	shalt  }
0x56: {  	_ =	shalt  }
0x57: {  	_ =	shalt  }
0x58: {  	_ =	shalt  }
0x59: {  	_ =	shalt  }
0x5a: {  	_ =	shalt  }
0x5b: {  	_ =	shalt  }
0x5c: {  	_ =	shalt  }
0x5d: {  	_ =	shalt  }
0x5e: {  	_ =	shalt  }
0x5f: {  	_ =	shalt  }
0x60: {  	_ =	shalt  }
0x61: {  	_ =	shalt  }
0x62: {  	_ =	shalt  }
0x63: {  	_ =	shalt  }
0x64: {  	_ =	shalt  }
0x65: {  	_ =	shalt  }
0x66: {  	_ =	shalt  }
0x67: {  	_ =	shalt  }
0x68: {  	_ =	shalt  }
0x69: {  	_ =	shalt  }
0x6a: {  	_ =	shalt  }
0x6b: {  	_ =	shalt  }
0x6c: {  	_ =	shalt  }
0x6d: {  	_ =	shalt  }
0x6e: {  	_ =	shalt  }
0x6f: {  	_ =	shalt  }
0x70: {  	_ =	shalt  }
0x71: {  	_ =	shalt  }
0x72: {  	_ =	shalt  }
0x73: {  	_ =	shalt  }
0x74: {  	_ =	shalt  }
0x75: {  	_ =	shalt  }
0x76: {  	_ =	shalt  }
0x77: {  	_ =	shalt  }
0x78: {  	_ =	shalt  }
0x79: {  	_ =	shalt  }
0x7a: {  	_ =	shalt  }
0x7b: {  	_ =	shalt  }
0x7c: {  	_ =	shalt  }
0x7d: {  	_ =	shalt  }
0x7e: {  	_ =	shalt  }
0x7f: {  	_ =	shalt  }
0x80: {  	_ =	shalt  }
0x81: {  	_ =	shalt  }
0x82: {  	_ =	shalt  }
0x83: {  	_ =	shalt  }
0x84: {  	_ =	shalt  }
0x85: {  	_ =	shalt  }
0x86: {  	_ =	shalt  }
0x87: {  	_ =	shalt  }
.Lfunc_end0:
.L_simem_size_0:
called_computation.2_lowered:
.L_overlay_start_0:
0x88: {  	s2 =	sld [smem:$0x3FD9]  }
0x89: {  	s3 =	sld [smem:$0x3FFE];
	_ =	sdelay $0x1  }
0x8a: {  	s1 =	srdreg.scid  }
0x8b: {  	s0 =	sand.u32 $0x1, s1  }
0x8c: {  	s17 =	sshll.u32 s0, $0xA;
	s2 =	sadd.s32 s3, s2  }
0x8d: {  	s2 =	sadd.s32 s2, s17  }
0x8e: {  	[smem:$0x3FBB] =	sst s2  }
0x8f: {  	_ = 	snop  }
0x90: {  	(tm) =	ssettm $0x1  }
0x91: {  	s18 =	sld [smem:$0x3FFB];
	_ =	sdelay $0x3  }
0x92: {  	_ =	strace s18  }
0x93: {  	s2 =	sld [smem:$0x3FFC];
	_ =	sdelay $0x3  }
0x94: {  	_ =	strace s2  }
0x95: {  	s2 =	sld [smem:$0x3FFD];
	_ =	sdelay $0x3  }
0x96: {  	_ =	strace s2  }
0x97: {  	_ =	strace $0x8FFFFFFF  }
0x98: {  	s19 =	sld [smem:$0x3FDB];
	_ =	sdelay $0x1  }
0x99: {  	s20 =	simm.s32 $_scs_section_size  }
0x9a: {  	s4 =	simm.s32 $_size__tile_overlayer_lowered;
	s5 =	simm.s32 $_tile_overlayer_lowered  }
0x9b: {  	s6 =	simm.s32 $0x1BFF;
	s21 =	sshll.u32 s5, $0x1;
	s3 =	sadd.s32 s20, s19  }
0x9c: {  	s22 =	simm.s32 $0x0;
	s4 =	sshll.u32 s4, $0x1;
	s5 =	sadd.s32 s21, s3  }
0x9d: {  	[timem:s22], [sflag:s6] =	dma.local [hbm:s5], s4  }
0x9e: {  	_ =	swait.ge [sflag:s6], s4  }
0x9f: {  	s4 =	ssub.s32 $0x0, s4;
	[sflag:s6] =	ssyncset.done $0x0  }
0xa0: {  	[sflag:s6] =	ssyncadd.s32 s4;
	_ =	sdelay $0x1  }
0xa1: {  	s23 =	simm.s32 $0x1B8B  }
0xa2: {  	_ =	swait.ge [sflag:s23], $0x1  }
0xa3: {  	[sflag:s23] =	ssyncset.done $0x0  }
0xa4: {  	[sflag:s23] =	ssyncadd.s32 $0xFFFFFFFF  }
0xa5: {  	s4 =	sld [smem:$0x0]  }
0xa6: {  	s5 =	sand.u32 $0xFFFFFFFE, s1  }
0xa7: {  	p0 =	sne.s32 s1, s5  }
0xa8: {  	s5 =	sshll.u32 @p0 s5, $0xE  }
0xa9: {  	s5 =	sadd.s32 @p0 $0x11B8D, s5;
	s6 =	sshll.u32 @p0 s4, $0x11  }
0xaa: {  	s5 =	sor.u32 @p0 s6, s5  }
0xab: {  	[sflag:s5] =	ssyncadd.remote.s32 @p0 $0x1;
	_ =	sdelay $0x1  }
0xac: {  	s5 =	simm.s32 @p0 $0x1B8D  }
0xad: {  	_ =	swait.eq @p0 [sflag:s5], $0x1  }
0xae: {  	[sflag:s5] =	ssyncadd.s32 @p0 $0xFFFFFFFF  }
0xaf: {  	s6 =	sshll.u32 @!p0 s1, $0xE  }
0xb0: {  	s6 =	sor.u32 @!p0 $0x4000, s6;
	s5 =	simm.s32 @!p0 $0x1B8D  }
0xb1: {  	s4 =	sshll.u32 @!p0 s4, $0x11;
	s6 =	sadd.s32 @!p0 $0x11B8D, s6;
	_ =	swait.eq @!p0 [sflag:s5], $0x1  }
0xb2: {  	s4 =	sor.u32 @!p0 s4, s6;
	[sflag:s5] =	ssyncadd.s32 @!p0 $0xFFFFFFFF  }
0xb3: {  	s25 =	simm.s32 $0x1B8E;
	s24 =	sld [smem:$0x3FFE];
	[sflag:s4] =	ssyncadd.remote.s32 @!p0 $0x1  }
0xb4: {  	s26 =	simm.s32 $execute0_lowered;
	[smem:$0x3FD2] =	sst s25  }
0xb5: {  	s5 =	sshll.u32 s26, $0x1;
	_ =	strace $0x8000005A;
	[dreg:$0x1] =	wrdreg $0xFFFFFFFF  }
0xb6: {  	s28 =	simm.s32 $_size_execute0_lowered;
	s3 =	sadd.s32 s3, s5;
	[dreg:$0x0] =	wrdreg $0x0  }
0xb7: {  	s5 =	sshll.u32 s28, $0x1;
	[dreg:$0x2] =	wrdreg s3  }
0xb8: {  	[dreg:$0x3] =	wrdreg s5  }
0xb9: {  	[dreg:$0x4] =	wrdreg $0xC0  }
0xba: {  	_ =	task [dreg:s22], $0x5FFFF  }
0xbb: {  	[dreg:$0x1] =	wrdreg $0xFFFFFFFF  }
0xbc: {  	[dreg:$0x0] =	wrdreg $0x60  }
0xbd: {  	[dreg:$0x2] =	wrdreg s24  }
0xbe: {  	[dreg:$0x3] =	wrdreg $0xB  }
0xbf: {  	_ =	task.clear_ibuf [dreg:s22], $0x4FFFF;
	_ =	strace $0x9000005A  }
0xc0: {  	s29 =	simm.s32 $0xB;
	_ =	strace $0x80000063  }
0xc1: {  	_ =	swait.ge [sflag:s29], $0x1  }
0xc2: {  	[sflag:s29] =	ssyncadd.s32 $0xFFFFFFFF  }
0xc3: {  	_ =	strace $0x90000063  }
0xc4: {  	_ =	sfence  }
0xc5: {  	s30 =	sld [smem:$0x0];
	_ =	sdelay $0x2  }
0xc6: {  	s31 =	sshll.u32 s1, $0xD;
	s1 =	sshrl.u32 s1, $0x2  }
0xc7: {  	s4 =	sand.u32 $0x4000, s31;
	s1 =	sadd.s32 s1, s30  }
0xc8: {  	s0 =	sor.u32 s4, s0;
	s1 =	sshll.u32 s1, $0x11  }
0xc9: {  	s0 =	sor.u32 s1, s0  }
0xca: {  	s0 =	sadd.s32 $0x8F2B, s0  }
0xcb: {  	[sflag:s0] =	ssyncadd.remote.s32 $0x1  }
0xcc: {  	_ =	sfence.sel $0xFFFF  }
0xcd: {  	[dreg:$0x0] =	wrdreg $0xFFFFFFFF;
	(pc) =	sbr.abs _section_cstart, $3  }
0xce: {  	[dreg:$0x1] =	wrdreg $0xFFFFFFFF  }
0xcf: {  	_ =	task.clear_ibuf [dreg:s22], $0x2FFFF;
	_ =	strace $0x9FFFFFFF  }
0xd0: {  	(tm) =	ssettm $0x7FFFFFFF  }
0xd1: {  	_ =	shalt  }
tec
execute0_lowered:
.L_overlay_start_1:
0x0: {  	(tag) =	ssettag $0x1  }
0x1: {  	s4 =	rddreg [dreg:$0x0]  }
0x2: {  	s0 =	rddreg [dreg:$0x1];
	s1 =	simm.s32 $0x0  }
0x3: {  	s3 =	srdreg.scid;
	s31 =	simm.s32 $0x80;
	[smem:$0x7FF] =	sst s1  }
0x4: {  	s2 =	sadd.s32 $0x4D7C00, s4;
	s5 =	sand.u32 $0x1, s3;
	s3 =	sadd.s32 $0x23C00, s4  }
0x5: {  	s9 =	simm.s32 $0x0;
	s4 =	sadd.s32 $0x667C00, s4;
	_ =	strace $0x8000005B  }
0x6: {  	[dreg:$0x2] =	wrdreg s2;
	s2 =	stileid.u32;
	s6 =	sshll.u32 s5, $0x4  }
0x7: {  	s5 =	ssub.s32 $0x2, s5;
	[dreg:$0x4] =	wrdreg s4;
	s6 =	sor.u32 s2, s6  }
0x8: {  	[dreg:$0x3] =	wrdreg s31;
	s30 =	sshrl.u32 s5, $0x1;
	s7 =	sshll.u32 s6, $0x7  }
0x9: {  	s8 =	ssub.s32 s5, s30;
	s4 =	sshll.u32 s6, $0x3;
	s5 =	sadd.s32 s3, s7  }
0xa: {  	s6 =	smax.u32 s8, $0x1;
	s7 =	simm.s32 $0x1;
	s8 =	simm.s32 $0x5  }
.LBB2_1:
0xb: {  	_ =	strace $0x8000005C;
	s11 =	sadd.s32 $0x0, s4  }
0xc: {  	[tilespmem:s1], [sflag:$0x1] =	stream.linear.gather [hbm4b:s5+s1], $0x80, $0x200038;
	[tilespmem:$0x8100] =	vst v63  }
0xd: {  	s10 =	sshra.s32 s11, $0x1F  }
0xe: {  	s14 =	simm.s32 $0x1;
	s10 =	sshrl.u32 s10, $0x1B  }
0xf: {  	p3 =	por $0x1, $0x1;
	s13 =	sand.u32 $0x1, s1;
	s12 =	sadd.s32 s10, s11  }
0x10: {  	s15 =	simm.s32 $0x0;
	p2 =	por $0x1, $0x1;
	s10 =	sand.u32 $0xFFFFFFE0, s12  }
0x11: {  	p0 =	slt.s32 s11, $0x1;
	s15 =	sand.u32 $0x80, s15;
	p1 =	sne.s32 s11, s10  }
0x12: {  	s10 =	simm.s32 $0x1;
	p0 =	por !p0, !p1;
	p1 =	por $0x0, $0x0  }
0x13: {  	s22 =	sadd.s32 $0x1, s13;
	p0 =	por !p0, !p0;
	s10 =	simm.s32 @p1 $0x0  }
0x14: {  	_ =	strace $0x9000005C;
	s14 =	simm.s32 @!p0 $0x0;
	p0 =	sne.s32 s10, $0x0  }
0x15: {  	s12 =	sshra.s32 s12, $0x5;
	s16 =	sadd.s32 s4, s10;
	p1 =	por !p3, !p0  }
0x16: {  	s11 =	sand.u32 $0x1F, s11;
	s23 =	sshra.s32 s16, $0x1F;
	p1 =	por !p1, !p1  }
0x17: {  	p4 =	slt.s32 s16, $0x1;
	s17 =	sand.u32 @p1 $0x1, s7;
	s18 =	sshll.u32 @p1 s16, $0x4  }
0x18: {  	s20 =	simm.s32 @p1 $0x0;
	_ =	strace @p1 $0x8000005D;
	s18 =	sand.u32 @p1 $0x1FFFFFF0, s18  }
0x19: {  	s19 =	sshll.u32 @p1 s17, $0x7;
	s17 =	sadd.s32 @p1 $0x1, s17;
	s18 =	sadd.s32 @p1 s3, s18  }
0x1a: {  	[tilespmem:s19], [sflag:s17] =	stream.linear.gather @p1 [hbm4b:s18+s20], $0x80, $0x200038;
	[tilespmem:$0x8100] =	vst v63  }
0x1b: {  	s12 =	ssub.s32 s12, s14;
	s14 =	simm.s32 $0x1;
	s17 =	sand.u32 $0x1F, s16  }
0x1c: {  	s20 =	simm.s32 $0xFFFFFFFF;
	s19 =	sshrl.u32 s23, $0x1B;
	s23 =	sshll.u32 s13, $0xE  }
0x1d: {  	_ =	strace @p1 $0x9000005D;
	s20 =	simm.s32 @p2 $0x7;
	s24 =	sadd.s32 s19, s16  }
0x1e: {  	s23 =	sor.u32 $0x100, s23;
	_ =	strace $0x8000005E;
	s20 =	sadd.s32 s4, s20  }
0x1f: {  	s21 =	sand.u32 $0xFFFFFFE0, s24;
	s29 =	sshra.s32 s24, $0x5;
	_ =	swait.ge [sflag:s22], $0x80  }
0x20: {  	s25 =	sshra.s32 s20, $0x1F;
	p3 =	sne.s32 s16, s21;
	s31 =	sand.u32 $0x1F, s20  }
0x21: {  	s16 =	simm.s32 $0x1;
	[sflag:s22] =	ssyncset.done $0x0;
	s19 =	sshrl.u32 s25, $0x1B  }
0x22: {  	p2 =	por !p4, !p3;
	p4 =	slt.s32 s20, $0x1;
	[sflag:s22] =	ssyncadd.s32 $0xFFFFFF80  }
0x23: {  	s19 =	sadd.s32 s19, s20;
	p2 =	por !p2, !p2;
	_ =	strace $0x9000005E  }
0x24: {  	s22 =	sand.u32 $0xFFFFFFE0, s19;
	s30 =	sshra.s32 s19, $0x5;
	_ =	strace $0x8000005F  }
0x25: {  	p5 =	sne.s32 s20, s22;
	s22 =	simm.s32 $0x1;
	s26 =	rddreg [dreg:$0x2]  }
0x26: {  	s28 =	rddreg [dreg:$0x3];
	s22 =	simm.s32 @!p2 $0x0;
	p6 =	por !p4, !p5  }
0x27: {  	[tilespmem:s23], [sflag:$0x5] =	stream.indirect.gather [hbm4b:s26+s28], $0x80, s15, s28, $0x2000b8;
	[tilespmem:$0x8100] =	vst v63  }
0x28: {  	p4 =	sne.s32 s11, s17;
	p2 =	por !p6, !p6;
	s15 =	ssub.s32 s29, s22  }
0x29: {  	p6 =	sne.s32 s11, s31;
	s14 =	simm.s32 @!p2 $0x0;
	p3 =	sne.s32 s12, s15  }
0x2a: {  	_ =	swait.ge [sflag:s8], $0x4000;
	s15 =	simm.s32 $0x1;
	s14 =	ssub.s32 s30, s14  }
0x2b: {  	p2 =	por p4, p3;
	[sflag:s8] =	ssyncset.done $0x0;
	p5 =	sne.s32 s12, s14  }
0x2c: {  	s14 =	simm.s32 $0x1;
	[sflag:s8] =	ssyncadd.s32 $0xFFFFC000;
	p4 =	por p6, p5  }
0x2d: {  	p5 =	por $0x0, $0x0;
	s14 =	simm.s32 @!p1 $0x0;
	p6 =	por $0x0, $0x0  }
0x2e: {  	p4 =	por !p5, !p4;
	p5 =	por p6, p2;
	p0 =	por p6, p0  }
0x2f: {  	_ =	strace $0x9000005F;
	s15 =	simm.s32 @!p0 $0x0;
	s12 =	sshll.u32 @p5 s12, $0x13  }
0x30: {  	_ =	strace @p5 $0x80000060;
	s17 =	sshll.u32 @p5 s11, $0xE;
	s11 =	simm.s32 $0x7  }
0x31: {  	s16 =	simm.s32 @!p5 $0x0;
	s19 =	simm.s32 @p5 $0x0;
	s17 =	sor.u32 @p5 s17, s12  }
0x32: {  	s18 =	rddreg [dreg:$0x4];
	s12 =	sadd.s32 $0x0, s16;
	s17 =	sshrl.u32 @p5 s17, $0x3  }
0x33: {  	s16 =	sadd.s32 @p5 $0x3, s13;
	s13 =	sadd.s32 $0x1, s14;
	s14 =	sadd.s32 @p5 s18, s17  }
0x34: {  	[hbm4b:s14+s19] =	stream.linear.scatter @p5 [tilespmem:s23], [sflag:s16], $0x4000, $0x200038;
	[tilespmem:$0x8100] =	vst v63  }
0x35: {  	p1 =	por !p4, !p4;
	s15 =	sadd.s32 $0x0, s15;
	s16 =	simm.s32 $0x1  }
0x36: {  	s17 =	sand.u32 @p1 $0x1, s1;
	s14 =	simm.s32 $0x0;
	s16 =	simm.s32 @!p1 $0x0  }
.LBB2_2:
0x37: {  	s18 =	sadd.s32 s4, s10;
	_ =	strace @p5 $0x90000060;
	s17 =	sadd.s32 @p1 $0x3, s17  }
0x38: {  	s21 =	smov.u32 s11;
	s19 =	smov.u32 s10;
	s14 =	sadd.s32 s16, s14  }
0x39: {  	s11 =	sadd.s32 $0xFFFFFFFF, s11;
	s10 =	sadd.s32 $0x1, s10;
	s28 =	sshll.u32 s15, $0x7  }
0x3a: {  	s23 =	sand.u32 $0x1, s15;
	s20 =	sshra.s32 s18, $0x1F;
	_ =	strace @p1 $0x80000061  }
0x3b: {  	p0 =	sne.s32 s11, $0x0;
	p2 =	slt.s32 s18, $0x1;
	p4 =	seq.s32 s10, $0x8  }
0x3c: {  	p5 =	seq.s32 s19, $0x0;
	s23 =	sadd.s32 $0x1, s23;
	s25 =	sshrl.u32 s20, $0x1B  }
0x3d: {  	_ =	swait.ge @p1 [sflag:s17], $0x4000;
	s16 =	simm.s32 @!p0 $0x0;
	s20 =	simm.s32 $0x1  }
0x3e: {  	s10 =	simm.s32 @p4 $0x0;
	s22 =	sadd.s32 s25, s18;
	s16 =	simm.s32 @p0 $0x1  }
0x3f: {  	[sflag:s17] =	ssyncset.done @p1 $0x0;
	p0 =	sne.s32 s21, $0x8;
	[smem:$0x7FD] =	sst s16  }
0x40: {  	s26 =	sand.u32 $0xFFFFFFE0, s22;
	[sflag:s17] =	ssyncadd.s32 @p1 $0xFFFFC000;
	s16 =	simm.s32 @!p0 $0x0  }
0x41: {  	s17 =	sand.u32 $0x1F, s18;
	p3 =	sne.s32 s18, s26;
	_ =	strace @p1 $0x90000061  }
0x42: {  	s16 =	simm.s32 @p0 $0x1;
	p0 =	sne.s32 s21, $0x1;
	s18 =	sand.u32 $0x80, s28  }
0x43: {  	p3 =	por !p2, !p3;
	[smem:$0x7FC] =	sst s16;
	p2 =	seq.s32 s21, $0x1  }
0x44: {  	s16 =	sand.u32 $0x1, s12;
	s21 =	sshra.s32 s22, $0x5;
	s22 =	sadd.s32 s4, s10  }
0x45: {  	p3 =	por !p3, !p3;
	s26 =	sand.u32 $0x1F, s22;
	s30 =	sshra.s32 s22, $0x1F  }
0x46: {  	p6 =	slt.s32 s22, $0x1;
	s20 =	simm.s32 @!p3 $0x0;
	p3 =	sne.s32 s19, s10  }
0x47: {  	s30 =	sshrl.u32 s30, $0x1B;
	s19 =	sadd.s32 $0xFFFFFFFF, s19;
	p4 =	por !p0, !p3  }
0x48: {  	s19 =	simm.s32 @p5 $0x7;
	s20 =	ssub.s32 s21, s20;
	p4 =	por !p4, !p4  }
0x49: {  	p0 =	sne.s32 s17, s26;
	s19 =	sadd.s32 s4, s19;
	s24 =	sand.u32 @p4 $0x1, s13  }
0x4a: {  	s25 =	sshll.u32 @p4 s22, $0x4;
	s29 =	simm.s32 @p4 $0x0;
	_ =	strace @p4 $0x8000005D  }
0x4b: {  	s31 =	sshra.s32 s19, $0x1F;
	s26 =	sand.u32 $0x1F, s19;
	s25 =	sand.u32 @p4 $0x1FFFFFF0, s25  }
0x4c: {  	s28 =	sshll.u32 @p4 s24, $0x7;
	s24 =	sadd.s32 @p4 $0x1, s24;
	s25 =	sadd.s32 @p4 s3, s25  }
0x4d: {  	[tilespmem:s28], [sflag:s24] =	stream.linear.gather @p4 [hbm4b:s25+s29], $0x80, $0x200038;
	[tilespmem:$0x8100] =	vst v63  }
0x4e: {  	s29 =	sadd.s32 s30, s22;
	s24 =	simm.s32 $0x1;
	_ =	strace @p4 $0x9000005D  }
0x4f: {  	s30 =	sand.u32 $0xFFFFFFE0, s29;
	s25 =	sshra.s32 s29, $0x5;
	_ =	strace $0x8000005E  }
0x50: {  	p1 =	sne.s32 s22, s30;
	s22 =	sshrl.u32 s31, $0x1B;
	_ =	swait.ge [sflag:s23], $0x80  }
0x51: {  	s31 =	sshll.u32 s16, $0xE;
	p5 =	por !p6, !p1;
	[sflag:s23] =	ssyncset.done $0x0  }
0x52: {  	s22 =	sadd.s32 s22, s19;
	p5 =	por !p5, !p5;
	[sflag:s23] =	ssyncadd.s32 $0xFFFFFF80  }
0x53: {  	p1 =	slt.s32 s19, $0x1;
	s24 =	simm.s32 @!p5 $0x0;
	_ =	strace $0x9000005E  }
0x54: {  	s28 =	ssub.s32 s25, s24;
	s24 =	sor.u32 $0x100, s31;
	_ =	strace $0x8000005F  }
0x55: {  	p6 =	sne.s32 s20, s28;
	s28 =	sand.u32 $0xFFFFFFE0, s22;
	s29 =	rddreg [dreg:$0x2]  }
0x56: {  	s22 =	sshra.s32 s22, $0x5;
	s30 =	rddreg [dreg:$0x3];
	p5 =	por p0, p6  }
0x57: {  	[tilespmem:s24], [sflag:$0x5] =	stream.indirect.gather [hbm4b:s29+s30], $0x80, s18, s30, $0x2000b8;
	[tilespmem:$0x8100] =	vst v63  }
0x58: {  	p6 =	sne.s32 s17, s26;
	p0 =	sne.s32 s19, s28;
	_ =	swait.ge [sflag:s8], $0x4000  }
0x59: {  	s19 =	simm.s32 $0x1;
	p5 =	por p2, p5;
	[sflag:s8] =	ssyncset.done $0x0  }
0x5a: {  	p0 =	por !p1, !p0;
	s18 =	sshll.u32 @p5 s20, $0x13;
	[sflag:s8] =	ssyncadd.s32 $0xFFFFC000  }
0x5b: {  	s19 =	simm.s32 @!p5 $0x0;
	p0 =	por !p0, !p0;
	_ =	strace $0x9000005F  }
0x5c: {  	s12 =	sadd.s32 s19, s12;
	s19 =	simm.s32 $0x1;
	_ =	strace @p5 $0x80000060  }
0x5d: {  	s17 =	sshll.u32 @p5 s17, $0xE;
	s19 =	simm.s32 @!p0 $0x0;
	s30 =	sld [smem:$0x7FC]  }
0x5e: {  	s17 =	sor.u32 @p5 s17, s18;
	s18 =	simm.s32 $0x1;
	s29 =	ssub.s32 s22, s19  }
0x5f: {  	s18 =	simm.s32 @!p4 $0x0;
	p1 =	sne.s32 s20, s29;
	s31 =	sld [smem:$0x7FD]  }
0x60: {  	s13 =	sadd.s32 s18, s13;
	p0 =	por p6, p1;
	p6 =	seq.s32 s30, $0x1  }
0x61: {  	s18 =	simm.s32 $0x1;
	p1 =	por p2, p3;
	p0 =	por !p6, !p0  }
0x62: {  	s18 =	simm.s32 @!p1 $0x0;
	p1 =	por !p0, !p0;
	p0 =	seq.s32 s31, $0x1  }
.Ltmp0:
0x63: {  	_ = 	snop;
	(pc) =	sbr.rel @p0 .LBB2_2-.Ltmp0, $4  }
0x64: {  	s19 =	sadd.s32 @p5 $0x3, s16;
	s16 =	sshrl.u32 @p5 s17, $0x3;
	s17 =	rddreg [dreg:$0x4]  }
0x65: {  	s21 =	simm.s32 @p5 $0x0;
	s20 =	sadd.s32 @p5 s17, s16;
	s16 =	simm.s32 $0x1  }
0x66: {  	[hbm4b:s20+s21] =	stream.linear.scatter @p5 [tilespmem:s24], [sflag:s19], $0x4000, $0x200038;
	[tilespmem:$0x8100] =	vst v63  }
0x67: {  	s15 =	sadd.s32 s18, s15;
	s17 =	sand.u32 @p1 $0x1, s14;
	s16 =	simm.s32 @!p1 $0x0  }
0x68: {  	_ =	strace @p5 $0x90000060  }
0x69: {  	s10 =	sadd.s32 @p1 $0x3, s17;
	_ =	strace @p1 $0x80000061  }
0x6a: {  	_ =	swait.ge @p1 [sflag:s10], $0x4000  }
0x6b: {  	[sflag:s10] =	ssyncset.done @p1 $0x0  }
0x6c: {  	s11 =	sadd.s32 s16, s14;
	s9 =	sadd.s32 $0x1, s9;
	[sflag:s10] =	ssyncadd.s32 @p1 $0xFFFFC000  }
0x6d: {  	s31 =	sand.u32 $0x1, s11;
	p0 =	sne.s32 s9, s6;
	_ =	strace @p1 $0x90000061  }
.Ltmp1:
0x6e: {  	s10 =	sadd.s32 $0x3, s31;
	_ =	strace $0x80000062;
	(pc) =	sbr.rel @p0 .LBB2_1-.Ltmp1, $4  }
0x6f: {  	_ =	swait.ge [sflag:s10], $0x4000  }
0x70: {  	[sflag:s10] =	ssyncset.done $0x0  }
0x71: {  	[sflag:s10] =	ssyncadd.s32 $0xFFFFC000  }
0x72: {  	_ =	strace $0x90000062  }
0x73: {  	_ =	sfence.sel $0x180000  }
0x74: {  	[bflag:$0x0] =	sbarrier.arrive $0xFFFF  }
0x75: {  	p0 =	sne.s32 s2, $0x0;
	_ =	strace $0x9000005B  }
0x76: {  	s0 =	sadd.s32 @!p0 $0x100000, s0;
	[bflag:$0x2] =	sbarrier.arrive $0xFFFF  }
0x77: {  	[sflag:s0] =	ssyncadd.tile.s32 @!p0 $0x1;
	_ =	shalt  }
.Lfunc_end2:
_tile_overlayer_lowered:
.L_overlay_start_2:
0x78: {  	(tag) =	ssettag $0x2  }
0x79: {  	s0 =	rddreg [dreg:$0x0];
	s2 =	stileid.u32  }
0x7a: {  	s1 =	rddreg [dreg:$0x1];
	p0 =	sne.s32 s2, $0x0  }
0x7b: {  	s3 =	rddreg [dreg:$0x2];
	[bflag:$0x3] =	sbarrier.arrive $0xFFFF;
	s2 =	simm.s32 @!p0 $0x1C01  }
0x7c: {  	[timem:s3], [sflag:s2] =	dma.local @!p0 [hbm:s0], s1  }
0x7d: {  	s0 =	simm.s32 @!p0 $0x1  }
0x7e: {  	_ =	swait.ge @!p0 [sflag:s0], s1  }
0x7f: {  	s1 =	ssub.s32 @!p0 $0x0, s1;
	[sflag:s0] =	ssyncset.done @!p0 $0x0  }
0x80: {  	[sflag:s0] =	ssyncadd.s32 @!p0 s1  }
0x81: {  	[bflag:$0x3] =	sbarrier.arrive $0xFFFF  }
0x82: {  	_ =	shalt  }

// kernel: kernel.9.cloned.1.call-start
scs
__scs_entry_jumppad:
0x0: {  	(pc) =	sbr.rel $0x88, $3  }
0x1: {  	(tag) =	ssettag $0x0;
	lr =	simm.s32 $0x1  }
0x2: {  	[smem:$0x3F94] =	sst lr;
	_ =	strace $0xD0000000  }
0x3: {  	_ = 	snop  }
0x4: {  	_ = 	snop  }
0x5: {  	_ = 	snop  }
0x6: {  	_ = 	snop  }
0x7: {  	_ = 	snop  }
__scs_overlays_trampoline_lowered:
0x8: {  	[smem:$0x3FA3] =	sst s0  }
0x9: {  	[smem:$0x3FA4] =	sst s1  }
0xa: {  	[smem:$0x3FA5] =	sst s2  }
0xb: {  	[smem:$0x3FA6] =	sst s3  }
0xc: {  	[smem:$0x3FA7] =	sst s4  }
0xd: {  	[smem:$0x3FA8] =	sst s5  }
0xe: {  	[smem:$0x3FA9] =	sst s6  }
0xf: {  	[smem:$0x3FAA] =	sst s7  }
0x10: {  	[smem:$0x3FAB] =	sst s8  }
0x11: {  	[smem:$0x3FAC] =	sst s9;
	s0 =	simm.s32 @!p0 $0x0  }
0x12: {  	s1 =	sld [smem:$0x3F92];
	s0 =	simm.s32 @p0 $0x1  }
0x13: {  	[smem:$0x3FAD] =	sst s0;
	s0 =	simm.s32 @!p1 $0x0  }
0x14: {  	s2 =	sld [smem:$0x3F91];
	s0 =	simm.s32 @p1 $0x1  }
0x15: {  	[smem:$0x3FAE] =	sst s0;
	s0 =	simm.s32 @!p2 $0x0  }
0x16: {  	s3 =	sld [smem:$0x3FDB];
	s0 =	simm.s32 @p2 $0x1  }
0x17: {  	s4 =	simm.s32 $0x1BF5;
	[smem:$0x3FB0] =	sst s0  }
0x18: {  	s0 =	sld [smem:$0x3F93];
	_ =	swait.ge [sflag:s4], $0x0  }
0x19: {  	s7 =	sld [smem:$0x3F94]  }
0x1a: {  	s8 =	sadd.s32 $0xFFFFE003, lr  }
0x1b: {  	s9 =	sadd.s32 $0xFFFFFEF7, lr;
	s5 =	simm.s32 $0xFFFFFFFF;
	p2 =	slt.u32 s8, $0xFFFFF086  }
0x1c: {  	p1 =	slt.u32 s9, $0xF7A;
	s5 =	simm.s32 @!p2 $0x0  }
0x1d: {  	s5 =	simm.s32 @p1 $0x1;
	p0 =	seq.s32 s7, s2  }
0x1e: {  	s7 =	smul.u32 @!p0 $0xF7A, s2;
	p2 =	seq.s32 @!p0 s5, $0x0  }
0x1f: {  	s9 =	smul.u32 $0xF7A, s1;
	s8 =	simm.s32 @!p0 $0x1BF5;
	p2 =	por !p2, p0  }
0x20: {  	[sflag:s8] =	ssyncset.s32 @!p0 $0xFFFFF086;
	s6 =	sadd.s32 @!p0 s3, s7;
	s7 =	simm.s32 @!p0 $0x108  }
0x21: {  	s3 =	sadd.s32 s3, s9;
	s6 =	sadd.s32 @!p0 $0x88, s6;
	s7 =	simm.s32 @p2 $0x1082  }
0x22: {  	[simem:s7], [sflag:s8] =	dma.local @!p0 [hbm:s6], $0xF7A  }
0x23: {  	s9 =	sor.u32 $0xD0000000, s2;
	s6 =	simm.s32 $0x108;
	_ =	swait.ge @!p0 [sflag:s8], $0x0  }
0x24: {  	s3 =	sadd.s32 $0x88, s3;
	s6 =	simm.s32 @!p1 $0x1082;
	[sflag:s4] =	ssyncset.s32 $0xFFFFF086  }
0x25: {  	[simem:s6], [sflag:s4] =	dma.local [hbm:s3], $0xF7A  }
0x26: {  	[smem:$0x3F94] =	sst s1;
	(tag) =	ssettag s2;
	_ =	strace s9  }
0x27: {  	s1 =	sld [smem:$0x3FA4]  }
0x28: {  	s2 =	sld [smem:$0x3FA5]  }
0x29: {  	s4 =	sld [smem:$0x3FA7]  }
0x2a: {  	p0 =	seq.s32 s5, $0x0;
	s5 =	sld [smem:$0x3FA8]  }
0x2b: {  	s6 =	sld [smem:$0x3FA9]  }
0x2c: {  	s7 =	sld [smem:$0x3FAA]  }
0x2d: {  	s3 =	simm.s32 $0x108;
	s8 =	sld [smem:$0x3FAB]  }
0x2e: {  	s3 =	simm.s32 @!p0 $0x1082;
	s9 =	sld [smem:$0x3FAC]  }
0x2f: {  	lr =	sadd.s32 s0, s3;
	s0 =	sld [smem:$0x3FA3]  }
0x30: {  	s3 =	sld [smem:$0x3FA6]  }
0x31: {  	[smem:$0x3FAF] =	sst s10  }
0x32: {  	s10 =	sld [smem:$0x3FAD];
	_ =	sdelay $0x3  }
0x33: {  	p0 =	seq.s32 s10, $0x1;
	s10 =	sld [smem:$0x3FAF];
	_ =	sdelay $0x3  }
0x34: {  	[smem:$0x3FAF] =	sst s10  }
0x35: {  	s10 =	sld [smem:$0x3FAE];
	_ =	sdelay $0x3  }
0x36: {  	p1 =	seq.s32 s10, $0x1;
	s10 =	sld [smem:$0x3FAF];
	_ =	sdelay $0x3  }
0x37: {  	[smem:$0x3FAF] =	sst s10  }
0x38: {  	s10 =	sld [smem:$0x3FB0]  }
0x39: {  	_ = 	snop;
	(pc) =	sbr.ind lr, $3  }
0x3a: {  	_ = 	snop  }
0x3b: {  	_ = 	snop  }
0x3c: {  	p2 =	seq.s32 s10, $0x1;
	s10 =	sld [smem:$0x3FAF]  }
0x3d: {  	_ =	shalt  }
0x3e: {  	_ =	shalt  }
0x3f: {  	_ =	shalt  }
0x40: {  	_ =	shalt  }
0x41: {  	_ =	shalt  }
0x42: {  	_ =	shalt  }
0x43: {  	_ =	shalt  }
0x44: {  	_ =	shalt  }
0x45: {  	_ =	shalt  }
0x46: {  	_ =	shalt  }
0x47: {  	_ =	shalt  }
0x48: {  	_ =	shalt  }
0x49: {  	_ =	shalt  }
0x4a: {  	_ =	shalt  }
0x4b: {  	_ =	shalt  }
0x4c: {  	_ =	shalt  }
0x4d: {  	_ =	shalt  }
0x4e: {  	_ =	shalt  }
0x4f: {  	_ =	shalt  }
0x50: {  	_ =	shalt  }
0x51: {  	_ =	shalt  }
0x52: {  	_ =	shalt  }
0x53: {  	_ =	shalt  }
0x54: {  	_ =	shalt  }
0x55: {  	_ =	shalt  }
0x56: {  	_ =	shalt  }
0x57: {  	_ =	shalt  }
0x58: {  	_ =	shalt  }
0x59: {  	_ =	shalt  }
0x5a: {  	_ =	shalt  }
0x5b: {  	_ =	shalt  }
0x5c: {  	_ =	shalt  }
0x5d: {  	_ =	shalt  }
0x5e: {  	_ =	shalt  }
0x5f: {  	_ =	shalt  }
0x60: {  	_ =	shalt  }
0x61: {  	_ =	shalt  }
0x62: {  	_ =	shalt  }
0x63: {  	_ =	shalt  }
0x64: {  	_ =	shalt  }
0x65: {  	_ =	shalt  }
0x66: {  	_ =	shalt  }
0x67: {  	_ =	shalt  }
0x68: {  	_ =	shalt  }
0x69: {  	_ =	shalt  }
0x6a: {  	_ =	shalt  }
0x6b: {  	_ =	shalt  }
0x6c: {  	_ =	shalt  }
0x6d: {  	_ =	shalt  }
0x6e: {  	_ =	shalt  }
0x6f: {  	_ =	shalt  }
0x70: {  	_ =	shalt  }
0x71: {  	_ =	shalt  }
0x72: {  	_ =	shalt  }
0x73: {  	_ =	shalt  }
0x74: {  	_ =	shalt  }
0x75: {  	_ =	shalt  }
0x76: {  	_ =	shalt  }
0x77: {  	_ =	shalt  }
0x78: {  	_ =	shalt  }
0x79: {  	_ =	shalt  }
0x7a: {  	_ =	shalt  }
0x7b: {  	_ =	shalt  }
0x7c: {  	_ =	shalt  }
0x7d: {  	_ =	shalt  }
0x7e: {  	_ =	shalt  }
0x7f: {  	_ =	shalt  }
0x80: {  	_ =	shalt  }
0x81: {  	_ =	shalt  }
0x82: {  	_ =	shalt  }
0x83: {  	_ =	shalt  }
0x84: {  	_ =	shalt  }
0x85: {  	_ =	shalt  }
0x86: {  	_ =	shalt  }
0x87: {  	_ =	shalt  }
.Lfunc_end0:
.L_simem_size_0:
called_computation_lowered:
.L_overlay_start_0:
0x88: {  	s2 =	sld [smem:$0x3FD9]  }
0x89: {  	s3 =	sld [smem:$0x3FFE];
	_ =	sdelay $0x1  }
0x8a: {  	s1 =	srdreg.scid  }
0x8b: {  	s0 =	sand.u32 $0x1, s1  }
0x8c: {  	s17 =	sshll.u32 s0, $0xA;
	s2 =	sadd.s32 s3, s2  }
0x8d: {  	s2 =	sadd.s32 s2, s17  }
0x8e: {  	[smem:$0x3FBB] =	sst s2  }
0x8f: {  	_ = 	snop  }
0x90: {  	(tm) =	ssettm $0x1  }
0x91: {  	s18 =	sld [smem:$0x3FFB];
	_ =	sdelay $0x3  }
0x92: {  	_ =	strace s18  }
0x93: {  	s2 =	sld [smem:$0x3FFC];
	_ =	sdelay $0x3  }
0x94: {  	_ =	strace s2  }
0x95: {  	s2 =	sld [smem:$0x3FFD];
	_ =	sdelay $0x3  }
0x96: {  	_ =	strace s2  }
0x97: {  	_ =	strace $0x8FFFFFFF  }
0x98: {  	s19 =	sld [smem:$0x3FDB];
	_ =	sdelay $0x1  }
0x99: {  	s20 =	simm.s32 $_scs_section_size  }
0x9a: {  	s4 =	simm.s32 $_size__tile_overlayer_lowered;
	s5 =	simm.s32 $_tile_overlayer_lowered  }
0x9b: {  	s6 =	simm.s32 $0x1BFF;
	s21 =	sshll.u32 s5, $0x1;
	s3 =	sadd.s32 s20, s19  }
0x9c: {  	s22 =	simm.s32 $0x0;
	s4 =	sshll.u32 s4, $0x1;
	s5 =	sadd.s32 s21, s3  }
0x9d: {  	[timem:s22], [sflag:s6] =	dma.local [hbm:s5], s4  }
0x9e: {  	_ =	swait.ge [sflag:s6], s4  }
0x9f: {  	s4 =	ssub.s32 $0x0, s4;
	[sflag:s6] =	ssyncset.done $0x0  }
0xa0: {  	[sflag:s6] =	ssyncadd.s32 s4;
	_ =	sdelay $0x1  }
0xa1: {  	s23 =	simm.s32 $0x1B8B  }
0xa2: {  	_ =	swait.ge [sflag:s23], $0x1  }
0xa3: {  	[sflag:s23] =	ssyncset.done $0x0  }
0xa4: {  	[sflag:s23] =	ssyncadd.s32 $0xFFFFFFFF  }
0xa5: {  	s4 =	sld [smem:$0x0]  }
0xa6: {  	s5 =	sand.u32 $0xFFFFFFFE, s1  }
0xa7: {  	p0 =	sne.s32 s1, s5  }
0xa8: {  	s5 =	sshll.u32 @p0 s5, $0xE  }
0xa9: {  	s5 =	sadd.s32 @p0 $0x11B8D, s5;
	s6 =	sshll.u32 @p0 s4, $0x11  }
0xaa: {  	s5 =	sor.u32 @p0 s6, s5  }
0xab: {  	[sflag:s5] =	ssyncadd.remote.s32 @p0 $0x1;
	_ =	sdelay $0x1  }
0xac: {  	s5 =	simm.s32 @p0 $0x1B8D  }
0xad: {  	_ =	swait.eq @p0 [sflag:s5], $0x1  }
0xae: {  	[sflag:s5] =	ssyncadd.s32 @p0 $0xFFFFFFFF  }
0xaf: {  	s6 =	sshll.u32 @!p0 s1, $0xE  }
0xb0: {  	s6 =	sor.u32 @!p0 $0x4000, s6;
	s5 =	simm.s32 @!p0 $0x1B8D  }
0xb1: {  	s4 =	sshll.u32 @!p0 s4, $0x11;
	s6 =	sadd.s32 @!p0 $0x11B8D, s6;
	_ =	swait.eq @!p0 [sflag:s5], $0x1  }
0xb2: {  	s4 =	sor.u32 @!p0 s4, s6;
	[sflag:s5] =	ssyncadd.s32 @!p0 $0xFFFFFFFF  }
0xb3: {  	s25 =	simm.s32 $0x1B8E;
	s24 =	sld [smem:$0x3FFE];
	[sflag:s4] =	ssyncadd.remote.s32 @!p0 $0x1  }
0xb4: {  	s26 =	simm.s32 $execute0_lowered;
	[smem:$0x3FD2] =	sst s25  }
0xb5: {  	s5 =	sshll.u32 s26, $0x1;
	_ =	strace $0x80000050;
	[dreg:$0x1] =	wrdreg $0xFFFFFFFF  }
0xb6: {  	s28 =	simm.s32 $_size_execute0_lowered;
	s3 =	sadd.s32 s3, s5;
	[dreg:$0x0] =	wrdreg $0x0  }
0xb7: {  	s5 =	sshll.u32 s28, $0x1;
	[dreg:$0x2] =	wrdreg s3  }
0xb8: {  	[dreg:$0x3] =	wrdreg s5  }
0xb9: {  	[dreg:$0x4] =	wrdreg $0xC0  }
0xba: {  	_ =	task [dreg:s22], $0x5FFFF  }
0xbb: {  	[dreg:$0x1] =	wrdreg $0xFFFFFFFF  }
0xbc: {  	[dreg:$0x0] =	wrdreg $0x60  }
0xbd: {  	[dreg:$0x2] =	wrdreg s24  }
0xbe: {  	[dreg:$0x3] =	wrdreg $0x9  }
0xbf: {  	_ =	task.clear_ibuf [dreg:s22], $0x4FFFF;
	_ =	strace $0x90000050  }
0xc0: {  	s29 =	simm.s32 $0x9;
	_ =	strace $0x80000059  }
0xc1: {  	_ =	swait.ge [sflag:s29], $0x1  }
0xc2: {  	[sflag:s29] =	ssyncadd.s32 $0xFFFFFFFF  }
0xc3: {  	_ =	strace $0x90000059  }
0xc4: {  	_ =	sfence  }
0xc5: {  	s30 =	sld [smem:$0x0];
	_ =	sdelay $0x2  }
0xc6: {  	s31 =	sshll.u32 s1, $0xD;
	s1 =	sshrl.u32 s1, $0x2  }
0xc7: {  	s4 =	sand.u32 $0x4000, s31;
	s1 =	sadd.s32 s1, s30  }
0xc8: {  	s0 =	sor.u32 s4, s0;
	s1 =	sshll.u32 s1, $0x11  }
0xc9: {  	s0 =	sor.u32 s1, s0  }
0xca: {  	s0 =	sadd.s32 $0x8F2B, s0  }
0xcb: {  	[sflag:s0] =	ssyncadd.remote.s32 $0x1  }
0xcc: {  	_ =	sfence.sel $0xFFFF  }
0xcd: {  	[dreg:$0x0] =	wrdreg $0xFFFFFFFF;
	(pc) =	sbr.abs _section_cstart, $3  }
0xce: {  	[dreg:$0x1] =	wrdreg $0xFFFFFFFF  }
0xcf: {  	_ =	task.clear_ibuf [dreg:s22], $0x2FFFF;
	_ =	strace $0x9FFFFFFF  }
0xd0: {  	(tm) =	ssettm $0x7FFFFFFF  }
0xd1: {  	_ =	shalt  }
tec
execute0_lowered:
.L_overlay_start_1:
0x0: {  	(tag) =	ssettag $0x1  }
0x1: {  	s3 =	rddreg [dreg:$0x0]  }
0x2: {  	s0 =	rddreg [dreg:$0x1];
	s1 =	simm.s32 $0x0  }
0x3: {  	s2 =	srdreg.scid;
	s8 =	simm.s32 $0x80;
	s9 =	simm.s32 $0x0  }
0x4: {  	[smem:$0x7FF] =	sst s1;
	s4 =	sand.u32 $0x1, s2;
	s5 =	sadd.s32 $0x285C00, s3  }
0x5: {  	s2 =	stileid.u32;
	s30 =	sadd.s32 $0x447C00, s3;
	s3 =	sadd.s32 $0x22A00, s3  }
0x6: {  	_ =	strace $0x80000051;
	s6 =	sshll.u32 s4, $0x4;
	[dreg:$0x2] =	wrdreg s5  }
0x7: {  	s4 =	ssub.s32 $0x2, s4;
	[dreg:$0x4] =	wrdreg s30;
	s29 =	sor.u32 s2, s6  }
0x8: {  	[dreg:$0x3] =	wrdreg s8;
	s31 =	sshrl.u32 s4, $0x1;
	s7 =	smul.u32 $0x90, s29  }
0x9: {  	s8 =	simm.s32 $0x5;
	s6 =	ssub.s32 s4, s31;
	s4 =	smul.u32 $0x9, s29  }
0xa: {  	s6 =	smax.u32 s6, $0x1;
	s5 =	sadd.s32 s3, s7;
	s7 =	simm.s32 $0x1  }
.LBB2_1:
0xb: {  	_ =	strace $0x80000052;
	s11 =	sadd.s32 $0x0, s4  }
0xc: {  	[tilespmem:s1], [sflag:$0x1] =	stream.linear.gather [hbm4b:s5+s1], $0x80, $0x200038;
	[tilespmem:$0x8100] =	vst v63  }
0xd: {  	s10 =	sshra.s32 s11, $0x1F  }
0xe: {  	s14 =	simm.s32 $0x1;
	s10 =	sshrl.u32 s10, $0x1B  }
0xf: {  	p3 =	por $0x1, $0x1;
	s13 =	sand.u32 $0x1, s1;
	s12 =	sadd.s32 s10, s11  }
0x10: {  	s15 =	simm.s32 $0x0;
	p2 =	por $0x1, $0x1;
	s10 =	sand.u32 $0xFFFFFFE0, s12  }
0x11: {  	p0 =	slt.s32 s11, $0x1;
	s15 =	sand.u32 $0x80, s15;
	p1 =	sne.s32 s11, s10  }
0x12: {  	s10 =	simm.s32 $0x1;
	p0 =	por !p0, !p1;
	p1 =	por $0x0, $0x0  }
0x13: {  	s22 =	sadd.s32 $0x1, s13;
	p0 =	por !p0, !p0;
	s10 =	simm.s32 @p1 $0x0  }
0x14: {  	_ =	strace $0x90000052;
	s14 =	simm.s32 @!p0 $0x0;
	p0 =	sne.s32 s10, $0x0  }
0x15: {  	s12 =	sshra.s32 s12, $0x5;
	s16 =	sadd.s32 s4, s10;
	p1 =	por !p3, !p0  }
0x16: {  	s11 =	sand.u32 $0x1F, s11;
	s23 =	sshra.s32 s16, $0x1F;
	p1 =	por !p1, !p1  }
0x17: {  	p4 =	slt.s32 s16, $0x1;
	s17 =	sand.u32 @p1 $0x1, s7;
	s18 =	sshll.u32 @p1 s16, $0x4  }
0x18: {  	s20 =	simm.s32 @p1 $0x0;
	_ =	strace @p1 $0x80000053;
	s18 =	sand.u32 @p1 $0x1FFFFFF0, s18  }
0x19: {  	s19 =	sshll.u32 @p1 s17, $0x7;
	s17 =	sadd.s32 @p1 $0x1, s17;
	s18 =	sadd.s32 @p1 s3, s18  }
0x1a: {  	[tilespmem:s19], [sflag:s17] =	stream.linear.gather @p1 [hbm4b:s18+s20], $0x80, $0x200038;
	[tilespmem:$0x8100] =	vst v63  }
0x1b: {  	s12 =	ssub.s32 s12, s14;
	s14 =	simm.s32 $0x1;
	s17 =	sand.u32 $0x1F, s16  }
0x1c: {  	s20 =	simm.s32 $0xFFFFFFFF;
	s19 =	sshrl.u32 s23, $0x1B;
	s23 =	sshll.u32 s13, $0xE  }
0x1d: {  	_ =	strace @p1 $0x90000053;
	s20 =	simm.s32 @p2 $0x8;
	s24 =	sadd.s32 s19, s16  }
0x1e: {  	s23 =	sor.u32 $0x100, s23;
	_ =	strace $0x80000054;
	s20 =	sadd.s32 s4, s20  }
0x1f: {  	s21 =	sand.u32 $0xFFFFFFE0, s24;
	s29 =	sshra.s32 s24, $0x5;
	_ =	swait.ge [sflag:s22], $0x80  }
0x20: {  	s25 =	sshra.s32 s20, $0x1F;
	p3 =	sne.s32 s16, s21;
	s31 =	sand.u32 $0x1F, s20  }
0x21: {  	s16 =	simm.s32 $0x1;
	[sflag:s22] =	ssyncset.done $0x0;
	s19 =	sshrl.u32 s25, $0x1B  }
0x22: {  	p2 =	por !p4, !p3;
	p4 =	slt.s32 s20, $0x1;
	[sflag:s22] =	ssyncadd.s32 $0xFFFFFF80  }
0x23: {  	s19 =	sadd.s32 s19, s20;
	p2 =	por !p2, !p2;
	_ =	strace $0x90000054  }
0x24: {  	s22 =	sand.u32 $0xFFFFFFE0, s19;
	s30 =	sshra.s32 s19, $0x5;
	_ =	strace $0x80000055  }
0x25: {  	p5 =	sne.s32 s20, s22;
	s22 =	simm.s32 $0x1;
	s26 =	rddreg [dreg:$0x2]  }
0x26: {  	s28 =	rddreg [dreg:$0x3];
	s22 =	simm.s32 @!p2 $0x0;
	p6 =	por !p4, !p5  }
0x27: {  	[tilespmem:s23], [sflag:$0x5] =	stream.indirect.gather [hbm4b:s26+s28], $0x80, s15, s28, $0x2000b8;
	[tilespmem:$0x8100] =	vst v63  }
0x28: {  	p4 =	sne.s32 s11, s17;
	p2 =	por !p6, !p6;
	s15 =	ssub.s32 s29, s22  }
0x29: {  	p6 =	sne.s32 s11, s31;
	s14 =	simm.s32 @!p2 $0x0;
	p3 =	sne.s32 s12, s15  }
0x2a: {  	_ =	swait.ge [sflag:s8], $0x4000;
	s15 =	simm.s32 $0x1;
	s14 =	ssub.s32 s30, s14  }
0x2b: {  	p2 =	por p4, p3;
	[sflag:s8] =	ssyncset.done $0x0;
	p5 =	sne.s32 s12, s14  }
0x2c: {  	s14 =	simm.s32 $0x1;
	[sflag:s8] =	ssyncadd.s32 $0xFFFFC000;
	p4 =	por p6, p5  }
0x2d: {  	p5 =	por $0x0, $0x0;
	s14 =	simm.s32 @!p1 $0x0;
	p6 =	por $0x0, $0x0  }
0x2e: {  	p4 =	por !p5, !p4;
	p5 =	por p6, p2;
	p0 =	por p6, p0  }
0x2f: {  	_ =	strace $0x90000055;
	s15 =	simm.s32 @!p0 $0x0;
	s12 =	sshll.u32 @p5 s12, $0x13  }
0x30: {  	_ =	strace @p5 $0x80000056;
	s17 =	sshll.u32 @p5 s11, $0xE;
	s11 =	simm.s32 $0x7  }
0x31: {  	s16 =	simm.s32 @!p5 $0x0;
	s19 =	simm.s32 @p5 $0x0;
	s17 =	sor.u32 @p5 s17, s12  }
0x32: {  	s18 =	rddreg [dreg:$0x4];
	s12 =	sadd.s32 $0x0, s16;
	s17 =	sshrl.u32 @p5 s17, $0x3  }
0x33: {  	s16 =	sadd.s32 @p5 $0x3, s13;
	s13 =	sadd.s32 $0x1, s14;
	s14 =	sadd.s32 @p5 s18, s17  }
0x34: {  	[hbm4b:s14+s19] =	stream.linear.scatter @p5 [tilespmem:s23], [sflag:s16], $0x4000, $0x200038;
	[tilespmem:$0x8100] =	vst v63  }
0x35: {  	p1 =	por !p4, !p4;
	s15 =	sadd.s32 $0x0, s15;
	s16 =	simm.s32 $0x1  }
0x36: {  	s17 =	sand.u32 @p1 $0x1, s1;
	s14 =	simm.s32 $0x0;
	s16 =	simm.s32 @!p1 $0x0  }
.LBB2_2:
0x37: {  	s18 =	sadd.s32 s4, s10;
	_ =	strace @p5 $0x90000056;
	s17 =	sadd.s32 @p1 $0x3, s17  }
0x38: {  	s21 =	smov.u32 s11;
	s19 =	smov.u32 s10;
	s14 =	sadd.s32 s16, s14  }
0x39: {  	s11 =	sadd.s32 $0xFFFFFFFF, s11;
	s10 =	sadd.s32 $0x1, s10;
	s28 =	sshll.u32 s15, $0x7  }
0x3a: {  	s23 =	sand.u32 $0x1, s15;
	s20 =	sshra.s32 s18, $0x1F;
	_ =	strace @p1 $0x80000057  }
0x3b: {  	p0 =	sne.s32 s11, $0xFFFFFFFF;
	p2 =	slt.s32 s18, $0x1;
	p4 =	seq.s32 s10, $0x9  }
0x3c: {  	p5 =	seq.s32 s19, $0x0;
	s23 =	sadd.s32 $0x1, s23;
	s25 =	sshrl.u32 s20, $0x1B  }
0x3d: {  	_ =	swait.ge @p1 [sflag:s17], $0x4000;
	s16 =	simm.s32 @!p0 $0x0;
	s20 =	simm.s32 $0x1  }
0x3e: {  	s10 =	simm.s32 @p4 $0x0;
	s22 =	sadd.s32 s25, s18;
	s16 =	simm.s32 @p0 $0x1  }
0x3f: {  	[sflag:s17] =	ssyncset.done @p1 $0x0;
	p0 =	sne.s32 s21, $0x8;
	[smem:$0x7FD] =	sst s16  }
0x40: {  	s26 =	sand.u32 $0xFFFFFFE0, s22;
	[sflag:s17] =	ssyncadd.s32 @p1 $0xFFFFC000;
	s16 =	simm.s32 @!p0 $0x0  }
0x41: {  	s17 =	sand.u32 $0x1F, s18;
	p3 =	sne.s32 s18, s26;
	_ =	strace @p1 $0x90000057  }
0x42: {  	s16 =	simm.s32 @p0 $0x1;
	p0 =	sne.s32 s21, $0x0;
	s18 =	sand.u32 $0x80, s28  }
0x43: {  	p3 =	por !p2, !p3;
	[smem:$0x7FC] =	sst s16;
	p2 =	seq.s32 s21, $0x0  }
0x44: {  	s16 =	sand.u32 $0x1, s12;
	s21 =	sshra.s32 s22, $0x5;
	s22 =	sadd.s32 s4, s10  }
0x45: {  	p3 =	por !p3, !p3;
	s26 =	sand.u32 $0x1F, s22;
	s30 =	sshra.s32 s22, $0x1F  }
0x46: {  	p6 =	slt.s32 s22, $0x1;
	s20 =	simm.s32 @!p3 $0x0;
	p3 =	sne.s32 s19, s10  }
0x47: {  	s30 =	sshrl.u32 s30, $0x1B;
	s19 =	sadd.s32 $0xFFFFFFFF, s19;
	p4 =	por !p0, !p3  }
0x48: {  	s19 =	simm.s32 @p5 $0x8;
	s20 =	ssub.s32 s21, s20;
	p4 =	por !p4, !p4  }
0x49: {  	p0 =	sne.s32 s17, s26;
	s19 =	sadd.s32 s4, s19;
	s24 =	sand.u32 @p4 $0x1, s13  }
0x4a: {  	s25 =	sshll.u32 @p4 s22, $0x4;
	s29 =	simm.s32 @p4 $0x0;
	_ =	strace @p4 $0x80000053  }
0x4b: {  	s31 =	sshra.s32 s19, $0x1F;
	s26 =	sand.u32 $0x1F, s19;
	s25 =	sand.u32 @p4 $0x1FFFFFF0, s25  }
0x4c: {  	s28 =	sshll.u32 @p4 s24, $0x7;
	s24 =	sadd.s32 @p4 $0x1, s24;
	s25 =	sadd.s32 @p4 s3, s25  }
0x4d: {  	[tilespmem:s28], [sflag:s24] =	stream.linear.gather @p4 [hbm4b:s25+s29], $0x80, $0x200038;
	[tilespmem:$0x8100] =	vst v63  }
0x4e: {  	s29 =	sadd.s32 s30, s22;
	s24 =	simm.s32 $0x1;
	_ =	strace @p4 $0x90000053  }
0x4f: {  	s30 =	sand.u32 $0xFFFFFFE0, s29;
	s25 =	sshra.s32 s29, $0x5;
	_ =	strace $0x80000054  }
0x50: {  	p1 =	sne.s32 s22, s30;
	s22 =	sshrl.u32 s31, $0x1B;
	_ =	swait.ge [sflag:s23], $0x80  }
0x51: {  	s31 =	sshll.u32 s16, $0xE;
	p5 =	por !p6, !p1;
	[sflag:s23] =	ssyncset.done $0x0  }
0x52: {  	s22 =	sadd.s32 s22, s19;
	p5 =	por !p5, !p5;
	[sflag:s23] =	ssyncadd.s32 $0xFFFFFF80  }
0x53: {  	p1 =	slt.s32 s19, $0x1;
	s24 =	simm.s32 @!p5 $0x0;
	_ =	strace $0x90000054  }
0x54: {  	s28 =	ssub.s32 s25, s24;
	s24 =	sor.u32 $0x100, s31;
	_ =	strace $0x80000055  }
0x55: {  	p6 =	sne.s32 s20, s28;
	s28 =	sand.u32 $0xFFFFFFE0, s22;
	s29 =	rddreg [dreg:$0x2]  }
0x56: {  	s22 =	sshra.s32 s22, $0x5;
	s30 =	rddreg [dreg:$0x3];
	p5 =	por p0, p6  }
0x57: {  	[tilespmem:s24], [sflag:$0x5] =	stream.indirect.gather [hbm4b:s29+s30], $0x80, s18, s30, $0x2000b8;
	[tilespmem:$0x8100] =	vst v63  }
0x58: {  	p6 =	sne.s32 s17, s26;
	p0 =	sne.s32 s19, s28;
	_ =	swait.ge [sflag:s8], $0x4000  }
0x59: {  	s19 =	simm.s32 $0x1;
	p5 =	por p2, p5;
	[sflag:s8] =	ssyncset.done $0x0  }
0x5a: {  	p0 =	por !p1, !p0;
	s18 =	sshll.u32 @p5 s20, $0x13;
	[sflag:s8] =	ssyncadd.s32 $0xFFFFC000  }
0x5b: {  	s19 =	simm.s32 @!p5 $0x0;
	p0 =	por !p0, !p0;
	_ =	strace $0x90000055  }
0x5c: {  	s12 =	sadd.s32 s19, s12;
	s19 =	simm.s32 $0x1;
	_ =	strace @p5 $0x80000056  }
0x5d: {  	s17 =	sshll.u32 @p5 s17, $0xE;
	s19 =	simm.s32 @!p0 $0x0;
	s30 =	sld [smem:$0x7FC]  }
0x5e: {  	s17 =	sor.u32 @p5 s17, s18;
	s18 =	simm.s32 $0x1;
	s29 =	ssub.s32 s22, s19  }
0x5f: {  	s18 =	simm.s32 @!p4 $0x0;
	p1 =	sne.s32 s20, s29;
	s31 =	sld [smem:$0x7FD]  }
0x60: {  	s13 =	sadd.s32 s18, s13;
	p0 =	por p6, p1;
	p6 =	seq.s32 s30, $0x1  }
0x61: {  	s18 =	simm.s32 $0x1;
	p1 =	por p2, p3;
	p0 =	por !p6, !p0  }
0x62: {  	s18 =	simm.s32 @!p1 $0x0;
	p1 =	por !p0, !p0;
	p0 =	seq.s32 s31, $0x1  }
.Ltmp0:
0x63: {  	_ = 	snop;
	(pc) =	sbr.rel @p0 .LBB2_2-.Ltmp0, $4  }
0x64: {  	s19 =	sadd.s32 @p5 $0x3, s16;
	s16 =	sshrl.u32 @p5 s17, $0x3;
	s17 =	rddreg [dreg:$0x4]  }
0x65: {  	s21 =	simm.s32 @p5 $0x0;
	s20 =	sadd.s32 @p5 s17, s16;
	s16 =	simm.s32 $0x1  }
0x66: {  	[hbm4b:s20+s21] =	stream.linear.scatter @p5 [tilespmem:s24], [sflag:s19], $0x4000, $0x200038;
	[tilespmem:$0x8100] =	vst v63  }
0x67: {  	s15 =	sadd.s32 s18, s15;
	s17 =	sand.u32 @p1 $0x1, s14;
	s16 =	simm.s32 @!p1 $0x0  }
0x68: {  	_ =	strace @p5 $0x90000056  }
0x69: {  	s10 =	sadd.s32 @p1 $0x3, s17;
	_ =	strace @p1 $0x80000057  }
0x6a: {  	_ =	swait.ge @p1 [sflag:s10], $0x4000  }
0x6b: {  	[sflag:s10] =	ssyncset.done @p1 $0x0  }
0x6c: {  	s11 =	sadd.s32 s16, s14;
	s9 =	sadd.s32 $0x1, s9;
	[sflag:s10] =	ssyncadd.s32 @p1 $0xFFFFC000  }
0x6d: {  	s31 =	sand.u32 $0x1, s11;
	p0 =	sne.s32 s9, s6;
	_ =	strace @p1 $0x90000057  }
.Ltmp1:
0x6e: {  	s10 =	sadd.s32 $0x3, s31;
	_ =	strace $0x80000058;
	(pc) =	sbr.rel @p0 .LBB2_1-.Ltmp1, $4  }
0x6f: {  	_ =	swait.ge [sflag:s10], $0x4000  }
0x70: {  	[sflag:s10] =	ssyncset.done $0x0  }
0x71: {  	[sflag:s10] =	ssyncadd.s32 $0xFFFFC000  }
0x72: {  	_ =	strace $0x90000058  }
0x73: {  	_ =	sfence.sel $0x180000  }
0x74: {  	[bflag:$0x0] =	sbarrier.arrive $0xFFFF  }
0x75: {  	p0 =	sne.s32 s2, $0x0;
	_ =	strace $0x90000051  }
0x76: {  	s0 =	sadd.s32 @!p0 $0x100000, s0;
	[bflag:$0x2] =	sbarrier.arrive $0xFFFF  }
0x77: {  	[sflag:s0] =	ssyncadd.tile.s32 @!p0 $0x1;
	_ =	shalt  }
.Lfunc_end2:
_tile_overlayer_lowered:
.L_overlay_start_2:
0x78: {  	(tag) =	ssettag $0x2  }
0x79: {  	s0 =	rddreg [dreg:$0x0];
	s2 =	stileid.u32  }
0x7a: {  	s1 =	rddreg [dreg:$0x1];
	p0 =	sne.s32 s2, $0x0  }
0x7b: {  	s3 =	rddreg [dreg:$0x2];
	[bflag:$0x3] =	sbarrier.arrive $0xFFFF;
	s2 =	simm.s32 @!p0 $0x1C01  }
0x7c: {  	[timem:s3], [sflag:s2] =	dma.local @!p0 [hbm:s0], s1  }
0x7d: {  	s0 =	simm.s32 @!p0 $0x1  }
0x7e: {  	_ =	swait.ge @!p0 [sflag:s0], s1  }
0x7f: {  	s1 =	ssub.s32 @!p0 $0x0, s1;
	[sflag:s0] =	ssyncset.done @!p0 $0x0  }
0x80: {  	[sflag:s0] =	ssyncadd.s32 @!p0 s1  }
0x81: {  	[bflag:$0x3] =	sbarrier.arrive $0xFFFF  }
0x82: {  	_ =	shalt  }

</sc_bundles>
